<compile_context>
chip_gen: v7x
topology: tpu7x:2x2x1
jax: 0.10.2.dev20260603
libtpu: 0.0.44.dev20260713+nightly
codegen_flags: <defaults>
</compile_context>

<pallas_src>
import functools

import jax
import jax.numpy as jnp
from jax import lax
from jax.experimental import pallas as pl
from jax.experimental.pallas import tpu as pltpu
from jax.experimental.pallas import tpu_sc as plsc

N = 10000
E = 320000
DI = 128
DH = 256
HALF = 128
NSUB = 16
NCORE = 2
NP = 10240
RPT = NP // NSUB


def _mesh():
    return plsc.VectorSubcoreMesh(
        core_axis_name="c", subcore_axis_name="s",
        num_cores=NCORE, num_subcores=NSUB)


def _zero_slice(stage_v, shared, base_r):
    for kk in range(5):
        pltpu.sync_copy(stage_v, shared.at[pl.ds(base_r + kk * 128, 128)])


def _write_out(stage_v, shared, base_r, out_hbm, obase):
    for kk in range(5):
        pltpu.sync_copy(shared.at[pl.ds(base_r + kk * 128, 128)],
                        stage_v)
        pltpu.sync_copy(stage_v,
                        out_hbm.at[pl.ds(obase + kk * 128, 128)])


def _deg_partial(dst, ones_hbm, zeros_hbm):
    per_tile = E // (NCORE * NSUB)
    ch = per_tile // 128
    chh = ch // 2

    @functools.partial(
        pl.kernel,
        out_type=jax.ShapeDtypeStruct((2 * NP, 128), jnp.float32),
        mesh=_mesh(),
        scratch_types=[
            pltpu.VMEM((128,), jnp.int32),
            pltpu.VMEM((128,), jnp.int32),
            pltpu.VMEM((128,), jnp.int32),
            pltpu.VMEM((128,), jnp.int32),
            pltpu.VMEM((16,), jnp.int32),
            pltpu.VMEM((128, 128), jnp.float32),
            pltpu.VMEM((128, 128), jnp.float32),
            pltpu.VMEM_SHARED((NP, 128), jnp.float32),
            pltpu.SemaphoreType.DMA,
            pltpu.SemaphoreType.DMA,
            pltpu.SemaphoreType.DMA,
            pltpu.SemaphoreType.DMA,
        ],
    )
    def k(dst_hbm, ones_h, zeros_h, out_hbm,
          pi0, pi1, di0, di1, idx16_v, ones_v, stage_v, deg_s,
          isem0, isem1, ssem0, ssem1):
        cid = lax.axis_index("c")
        sid = lax.axis_index("s")
        t = cid * NSUB + sid
        pltpu.sync_copy(ones_h, ones_v)
        pltpu.sync_copy(zeros_h, stage_v)
        base_r = sid * RPT
        _zero_slice(stage_v, deg_s, base_r)
        plsc.subcore_barrier()
        ebase = t * per_tile
        slots = ((pi0, di0, isem0, ssem0), (pi1, di1, isem1, ssem1))

        def step(g, b, retire, prefetch):
            pi, di, isem, ssem = slots[b]
            bb = ebase + (g * 2 + b) * 128
            if retire:
                pltpu.make_async_copy(ones_v, deg_s.at[di], ssem).wait()
            pltpu.make_async_copy(dst_hbm.at[pl.ds(bb, 128)], pi,
                                  isem).wait()
            for j in range(8):
                di[pl.ds(j * 16, 16)] = pi[pl.ds(j * 16, 16)]
            if prefetch:
                pltpu.async_copy(dst_hbm.at[pl.ds(bb + 256, 128)], pi, isem)
            pltpu.async_copy(ones_v, deg_s.at[di], ssem, add=True)

        for b, (pi, di, isem, ssem) in enumerate(slots):
            pltpu.async_copy(dst_hbm.at[pl.ds(ebase + b * 128, 128)], pi,
                             isem)
        step(0, 0, retire=False, prefetch=True)
        step(0, 1, retire=False, prefetch=True)

        def body(g, carry):
            step(g, 0, retire=True, prefetch=True)
            step(g, 1, retire=True, prefetch=True)
            return carry

        lax.fori_loop(1, chh - 1, body, 0)
        step(chh - 1, 0, retire=True, prefetch=False)
        step(chh - 1, 1, retire=True, prefetch=False)
        for b, (pi, di, isem, ssem) in enumerate(slots):
            pltpu.make_async_copy(ones_v, deg_s.at[di], ssem).wait()

        pltpu.sync_copy(dst_hbm.at[pl.ds(ebase + ch * 128, 16)], idx16_v)
        pltpu.sync_copy(ones_v.at[pl.ds(0, 16)], deg_s.at[idx16_v], add=True)
        plsc.subcore_barrier()
        _write_out(stage_v, deg_s, base_r, out_hbm, cid * NP + base_r)

    return k(dst, ones_hbm, zeros_hbm)


def _edge_accum(xs_flat, src, dst, zeros_hbm):
    per_tile = E // NSUB
    ch = per_tile // 128
    chh = ch // 2

    @functools.partial(
        pl.kernel,
        out_type=jax.ShapeDtypeStruct((2 * NP, HALF), jnp.float32),
        mesh=_mesh(),
        scratch_types=[
            pltpu.VMEM((128,), jnp.int32),
            pltpu.VMEM((128,), jnp.int32),
            pltpu.VMEM((128,), jnp.int32),
            pltpu.VMEM((128,), jnp.int32),
            pltpu.VMEM((128,), jnp.int32),
            pltpu.VMEM((128,), jnp.int32),
            pltpu.VMEM((128,), jnp.int32),
            pltpu.VMEM((128,), jnp.int32),
            pltpu.VMEM((32,), jnp.int32),
            pltpu.VMEM((32,), jnp.int32),
            pltpu.VMEM((128, HALF), jnp.float32),
            pltpu.VMEM((128, HALF), jnp.float32),
            pltpu.VMEM_SHARED((NP, HALF), jnp.float32),
            pltpu.SemaphoreType.DMA,
            pltpu.SemaphoreType.DMA,
            pltpu.SemaphoreType.DMA,
            pltpu.SemaphoreType.DMA,
            pltpu.SemaphoreType.DMA,
            pltpu.SemaphoreType.DMA,
        ],
    )
    def k(xs_hbm, src_hbm, dst_hbm, zeros_h, out_hbm,
          pi0, pi1, qi0, qi1, si0, si1, dx0, dx1, si32_v, di32_v,
          rows0, rows1, acc_s,
          isem0, isem1, gsem0, gsem1, ssem0, ssem1):
        cid = lax.axis_index("c")
        sid = lax.axis_index("s")
        off = cid * N
        pltpu.sync_copy(zeros_h, rows0)
        base_r = sid * RPT
        _zero_slice(rows0, acc_s, base_r)
        plsc.subcore_barrier()
        ebase = sid * per_tile
        slots = ((pi0, qi0, si0, dx0, rows0, isem0, gsem0, ssem0),
                 (pi1, qi1, si1, dx1, rows1, isem1, gsem1, ssem1))

        def front(g, b, retire, prefetch):
            pi, qi, si, dx, rows, isem, gsem, ssem = slots[b]
            bb = ebase + (g * 2 + b) * 128
            if retire:
                pltpu.make_async_copy(rows, acc_s.at[dx], ssem).wait()
            pltpu.make_async_copy(src_hbm.at[pl.ds(bb, 128)], pi,
                                  isem).wait()
            pltpu.make_async_copy(dst_hbm.at[pl.ds(bb, 128)], qi,
                                  isem).wait()
            for j in range(8):
                si[pl.ds(j * 16, 16)] = pi[pl.ds(j * 16, 16)] + off
                dx[pl.ds(j * 16, 16)] = qi[pl.ds(j * 16, 16)]
            if prefetch:
                pltpu.async_copy(src_hbm.at[pl.ds(bb + 256, 128)], pi, isem)
                pltpu.async_copy(dst_hbm.at[pl.ds(bb + 256, 128)], qi, isem)
            pltpu.async_copy(xs_hbm.at[si], rows, gsem)

        def back(b):
            pi, qi, si, dx, rows, isem, gsem, ssem = slots[b]
            pltpu.make_async_copy(xs_hbm.at[si], rows, gsem).wait()
            pltpu.async_copy(rows, acc_s.at[dx], ssem, add=True)

        for b, (pi, qi, si, dx, rows, isem, gsem, ssem) in enumerate(slots):
            bb = ebase + b * 128
            pltpu.async_copy(src_hbm.at[pl.ds(bb, 128)], pi, isem)
            pltpu.async_copy(dst_hbm.at[pl.ds(bb, 128)], qi, isem)
        front(0, 0, retire=False, prefetch=True)
        front(0, 1, retire=False, prefetch=True)
        back(0)

        def body(g, carry):
            front(g, 0, retire=True, prefetch=True)
            back(1)
            front(g, 1, retire=True, prefetch=True)
            back(0)
            return carry

        lax.fori_loop(1, chh - 1, body, 0)
        front(chh - 1, 0, retire=True, prefetch=False)
        back(1)
        front(chh - 1, 1, retire=True, prefetch=False)
        back(0)
        back(1)
        for b, (pi, qi, si, dx, rows, isem, gsem, ssem) in enumerate(slots):
            pltpu.make_async_copy(rows, acc_s.at[dx], ssem).wait()

        b = ebase + ch * 128
        pltpu.sync_copy(src_hbm.at[pl.ds(b, 32)], si32_v)
        for j in range(2):
            v = si32_v[pl.ds(j * 16, 16)]
            si32_v[pl.ds(j * 16, 16)] = v + off
        pltpu.sync_copy(dst_hbm.at[pl.ds(b, 32)], di32_v)
        pltpu.async_copy(xs_hbm.at[si32_v], rows0.at[pl.ds(0, 32)],
                         gsem0).wait()
        pltpu.sync_copy(rows0.at[pl.ds(0, 32)], acc_s.at[di32_v], add=True)
        plsc.subcore_barrier()
        _write_out(rows0, acc_s, base_r, out_hbm, cid * NP + base_r)

    return k(xs_flat, src, dst, zeros_hbm)


R = 1000
GB = N // R


def _dinv_of(dg_ref):
    d = dg_ref[0, :, 0:1] + dg_ref[1, :, 0:1] + 1.0
    return lax.rsqrt(d)


def _tc_matmuls(x, W1, Wr, br2):
    def body(x_ref, w1_ref, wr_ref, br_ref, xw_ref, res_ref):
        xb = x_ref[...]
        xw_ref[...] = jnp.dot(xb, w1_ref[...],
                              preferred_element_type=jnp.float32)
        res_ref[...] = jnp.dot(xb, wr_ref[...],
                               preferred_element_type=jnp.float32) \
            + br_ref[...]

    return pl.pallas_call(
        body,
        grid=(GB,),
        in_specs=[
            pl.BlockSpec((R, DI), lambda i: (i, 0)),
            pl.BlockSpec((DI, DH), lambda i: (0, 0)),
            pl.BlockSpec((DI, DH), lambda i: (0, 0)),
            pl.BlockSpec((1, DH), lambda i: (0, 0)),
        ],
        out_specs=[
            pl.BlockSpec((R, DH), lambda i: (i, 0)),
            pl.BlockSpec((R, DH), lambda i: (i, 0)),
        ],
        out_shape=[
            jax.ShapeDtypeStruct((N, DH), jnp.float32),
            jax.ShapeDtypeStruct((N, DH), jnp.float32),
        ],
    )(x, W1, Wr, br2)


def _tc_scale(xw, degp):
    def body(xw_ref, dg_ref, xs_ref):
        dinv = _dinv_of(dg_ref)
        xs = xw_ref[...] * dinv
        xs_ref[0] = xs[:, :HALF]
        xs_ref[1] = xs[:, HALF:]

    return pl.pallas_call(
        body,
        grid=(GB,),
        in_specs=[
            pl.BlockSpec((R, DH), lambda i: (i, 0)),
            pl.BlockSpec((2, R, 128), lambda i: (0, i, 0)),
        ],
        out_specs=[
            pl.BlockSpec((2, R, HALF), lambda i: (0, i, 0)),
        ],
        out_shape=[
            jax.ShapeDtypeStruct((2, N, HALF), jnp.float32),
        ],
    )(xw, degp)


def _tc_mid(acc, xs, degp, res, b1r, g1r, be1r, W2):
    def body(acc_ref, xs_ref, dg_ref, res_ref, b_ref, g_ref, be_ref,
             w2_ref, xs2_ref, x1_ref, stats, hbuf):
        p = pl.program_id(0)
        i = pl.program_id(1)
        dinv = _dinv_of(dg_ref)

        @pl.when(p == 0)
        def _():
            accf = jnp.concatenate([acc_ref[0], acc_ref[1]], axis=1)
            xsf = jnp.concatenate([xs_ref[0], xs_ref[1]], axis=1)
            h = dinv * (accf + xsf) + b_ref[...] + res_ref[...]
            hbuf[pl.ds(i * R, R), :] = h

            @pl.when(i == 0)
            def _():
                stats[...] = jnp.zeros_like(stats)
            stats[0:1, :] = stats[0:1, :] + jnp.sum(h, axis=0, keepdims=True)
            stats[1:2, :] = stats[1:2, :] + jnp.sum(h * h, axis=0,
                                                    keepdims=True)

        @pl.when(p == 1)
        def _():
            h = hbuf[pl.ds(i * R, R), :]
            mu = stats[0:1, :] * (1.0 / N)
            var = stats[1:2, :] * (1.0 / N) - mu * mu
            xh = (h - mu) * lax.rsqrt(var + 1e-5)
            x1 = jnp.maximum(xh * g_ref[...] + be_ref[...], 0.0)
            xs2 = jnp.dot(x1, w2_ref[...],
                          preferred_element_type=jnp.float32) * dinv
            xs2_ref[0] = xs2[:, :HALF]
            xs2_ref[1] = xs2[:, HALF:]
            x1_ref[...] = x1

    return pl.pallas_call(
        body,
        grid=(2, GB),
        in_specs=[
            pl.BlockSpec((2, R, HALF), lambda p, i: (0, i * (1 - p), 0)),
            pl.BlockSpec((2, R, HALF), lambda p, i: (0, i * (1 - p), 0)),
            pl.BlockSpec((2, R, 128), lambda p, i: (0, i, 0)),
            pl.BlockSpec((R, DH), lambda p, i: (i * (1 - p), 0)),
            pl.BlockSpec((1, DH), lambda p, i: (0, 0)),
            pl.BlockSpec((1, DH), lambda p, i: (0, 0)),
            pl.BlockSpec((1, DH), lambda p, i: (0, 0)),
            pl.BlockSpec((DH, DH), lambda p, i: (0, 0)),
        ],
        out_specs=[
            pl.BlockSpec((2, R, HALF), lambda p, i: (0, i, 0)),
            pl.BlockSpec((R, DH), lambda p, i: (i, 0)),
        ],
        out_shape=[
            jax.ShapeDtypeStruct((2, N, HALF), jnp.float32),
            jax.ShapeDtypeStruct((N, DH), jnp.float32),
        ],
        scratch_shapes=[pltpu.VMEM((8, DH), jnp.float32),
                        pltpu.VMEM((N, DH), jnp.float32)],
    )(acc, xs, degp, res, b1r, g1r, be1r, W2)


def _tc_final(acc2, xs2, degp, x1, b2r, g2r, be2r, Whb, bhb):
    def body(acc_ref, xs_ref, dg_ref, x1_ref, b_ref, g_ref, be_ref,
             wh_ref, bh_ref, o_ref, stats, hbuf):
        p = pl.program_id(0)
        i = pl.program_id(1)

        @pl.when(p == 0)
        def _():
            dinv = _dinv_of(dg_ref)
            accf = jnp.concatenate([acc_ref[0], acc_ref[1]], axis=1)
            xsf = jnp.concatenate([xs_ref[0], xs_ref[1]], axis=1)
            h = dinv * (accf + xsf) + b_ref[...] + x1_ref[...]
            hbuf[pl.ds(i * R, R), :] = h

            @pl.when(i == 0)
            def _():
                stats[...] = jnp.zeros_like(stats)
            stats[0:1, :] = stats[0:1, :] + jnp.sum(h, axis=0, keepdims=True)
            stats[1:2, :] = stats[1:2, :] + jnp.sum(h * h, axis=0,
                                                    keepdims=True)

        @pl.when(p == 1)
        def _():
            h = hbuf[pl.ds(i * R, R), :]
            mu = stats[0:1, :] * (1.0 / N)
            var = stats[1:2, :] * (1.0 / N) - mu * mu
            xh = (h - mu) * lax.rsqrt(var + 1e-5)
            x2 = jnp.maximum(xh * g_ref[...] + be_ref[...], 0.0)
            o_ref[...] = jnp.dot(x2, wh_ref[...],
                                 preferred_element_type=jnp.float32) \
                + bh_ref[...]

    return pl.pallas_call(
        body,
        grid=(2, GB),
        in_specs=[
            pl.BlockSpec((2, R, HALF), lambda p, i: (0, i * (1 - p), 0)),
            pl.BlockSpec((2, R, HALF), lambda p, i: (0, i * (1 - p), 0)),
            pl.BlockSpec((2, R, 128), lambda p, i: (0, i, 0)),
            pl.BlockSpec((R, DH), lambda p, i: (i * (1 - p), 0)),
            pl.BlockSpec((1, DH), lambda p, i: (0, 0)),
            pl.BlockSpec((1, DH), lambda p, i: (0, 0)),
            pl.BlockSpec((1, DH), lambda p, i: (0, 0)),
            pl.BlockSpec((DH, 128), lambda p, i: (0, 0)),
            pl.BlockSpec((1, 128), lambda p, i: (0, 0)),
        ],
        out_specs=[pl.BlockSpec((R, 128), lambda p, i: (i, 0))],
        out_shape=[jax.ShapeDtypeStruct((N, 128), jnp.float32)],
        scratch_shapes=[pltpu.VMEM((8, DH), jnp.float32),
                        pltpu.VMEM((N, DH), jnp.float32)],
    )(acc2, xs2, degp, x1, b2r, g2r, be2r, Whb, bhb)


def kernel(x, edge_index, W1, b1, Wr, br, g1, be1, W2, b2, g2, be2, Wh, bh):
    src = edge_index[0]
    dst = edge_index[1]
    ones128 = jnp.ones((128, 128), jnp.float32)
    zeros128 = jnp.zeros((128, HALF), jnp.float32)

    degp = _deg_partial(dst, ones128, zeros128).reshape(2, NP, 128)
    xw, res = _tc_matmuls(x, W1, Wr, br.reshape(1, DH))
    xs1, = _tc_scale(xw, degp)
    acc1 = _edge_accum(xs1.reshape(2 * N, HALF), src, dst, zeros128)
    acc1 = acc1.reshape(2, NP, HALF)

    xs2, x1 = _tc_mid(acc1, xs1, degp, res, b1.reshape(1, DH),
                      g1.reshape(1, DH), be1.reshape(1, DH), W2)
    acc2 = _edge_accum(xs2.reshape(2 * N, HALF), src, dst, zeros128)
    acc2 = acc2.reshape(2, NP, HALF)

    Whb = jnp.broadcast_to(Wh, (DH, 128))
    bhb = jnp.broadcast_to(bh.reshape(1, 1), (1, 128))
    outp, = _tc_final(acc2, xs2, degp, x1, b2.reshape(1, DH),
                      g2.reshape(1, DH), be2.reshape(1, DH), Whb, bhb)
    return outp[:, 0]

# --- scband reference (transcript-rebuilt; emitter-appended) ---
"""Pipeline reference for scband-static-gnn-41824391529019 (READ-ONLY COPY).

The authoritative reference and input builder live on the scoring server;
editing this copy changes nothing except your own understanding.
"""

import jax, jax.numpy as jnp
import numpy as np

N = 10000
E = 320000
D_IN = 128
D_H = 256


def _lin_init(k, fan_in, shape):
    bound = 1.0 / np.sqrt(fan_in)
    return jax.random.uniform(k, shape, minval=-bound, maxval=bound, dtype=jnp.float32)


def setup_inputs(seed: int = 0) -> dict:
    key = jax.random.key(seed)
    ks = jax.random.split(key, 12)
    x = jax.random.normal(ks[0], (N, D_IN), dtype=jnp.float32)
    edge_index = jax.random.randint(ks[1], (2, E), 0, N, dtype=jnp.int32)
    W1 = _lin_init(ks[2], D_IN, (D_IN, D_H))
    b1 = _lin_init(ks[3], D_IN, (D_H,))
    Wr = _lin_init(ks[4], D_IN, (D_IN, D_H))
    br = _lin_init(ks[5], D_IN, (D_H,))
    g1 = jnp.ones((D_H,), dtype=jnp.float32)
    be1 = jnp.zeros((D_H,), dtype=jnp.float32)
    W2 = _lin_init(ks[6], D_H, (D_H, D_H))
    b2 = _lin_init(ks[7], D_H, (D_H,))
    g2 = jnp.ones((D_H,), dtype=jnp.float32)
    be2 = jnp.zeros((D_H,), dtype=jnp.float32)
    Wh = _lin_init(ks[8], D_H, (D_H, 1))
    bh = _lin_init(ks[9], D_H, (1,))
    return {"x": x, "edge_index": edge_index, "W1": W1, "b1": b1, "Wr": Wr, "br": br,
            "g1": g1, "be1": be1, "W2": W2, "b2": b2, "g2": g2, "be2": be2,
            "Wh": Wh, "bh": bh}


def _gcn_conv(x, src, dst, W, b):
    n = x.shape[0]
    loop = jnp.arange(n, dtype=src.dtype)
    s = jnp.concatenate([src, loop])
    d = jnp.concatenate([dst, loop])
    ew = jnp.ones(s.shape[0], dtype=jnp.float32)
    deg = jnp.zeros((n,), dtype=jnp.float32).at[d].add(ew)
    dinv = jnp.where(deg > 0, jax.lax.rsqrt(deg), 0.0)
    norm = dinv[s] * ew * dinv[d]
    xw = x @ W
    msg = norm[:, None] * jnp.take(xw, s, axis=0)
    out = jnp.zeros((n, xw.shape[1]), dtype=jnp.float32).at[d].add(msg)
    return out + b


def _batchnorm(h, g, b):
    mu = h.mean(axis=0)
    var = h.var(axis=0)  # biased, matches BN train-mode batch stats
    return (h - mu) / jnp.sqrt(var + 1e-5) * g + b


def reference(x, edge_index, W1, b1, Wr, br, g1, be1, W2, b2, g2, be2, Wh, bh):
    src = edge_index[0]
    dst = edge_index[1]
    # layer 1: GCNConv + residual projection + BN + ReLU (dropout p=0 is identity)
    h = _gcn_conv(x, src, dst, W1, b1)
    h = h + (x @ Wr + br)
    h = _batchnorm(h, g1, be1)
    x1 = jax.nn.relu(h)
    # layer 2: GCNConv + identity residual + BN + ReLU
    h2 = _gcn_conv(x1, src, dst, W2, b2)
    h2 = h2 + x1
    h2 = _batchnorm(h2, g2, be2)
    x2 = jax.nn.relu(h2)
    out = (x2 @ Wh + bh).squeeze(-1)
    return out

if __name__ == "__main__":
    import jax
    _d = setup_inputs()
    print(jax.jit(kernel)(*tuple(_d.values())))

</pallas_src>

<mosaic_0001>
#map = affine_map<(d0, d1) -> (0)>
#map1 = affine_map<(d0, d1) -> (0, 0)>
module attributes {stable_mosaic.version = 14 : i64} {
  func.func @k(%arg0: i32, %arg1: i32, %arg2: memref<320000xi32, #tpu.memory_space<hbm>>, %arg3: memref<128x128xf32, #tpu.memory_space<hbm>>, %arg4: memref<128x128xf32, #tpu.memory_space<hbm>>, %arg5: memref<20480x128xf32, #tpu.memory_space<hbm>>, %arg6: memref<128xi32, #tpu.memory_space<vmem>>, %arg7: memref<128xi32, #tpu.memory_space<vmem>>, %arg8: memref<128xi32, #tpu.memory_space<vmem>>, %arg9: memref<128xi32, #tpu.memory_space<vmem>>, %arg10: memref<16xi32, #tpu.memory_space<vmem>>, %arg11: memref<128x128xf32, #tpu.memory_space<vmem>>, %arg12: memref<128x128xf32, #tpu.memory_space<vmem>>, %arg13: memref<10240x128xf32, #tpu.memory_space<vmem_shared>>, %arg14: memref<!tpu.dma_semaphore, #tpu.memory_space<semaphore_mem>>, %arg15: memref<!tpu.dma_semaphore, #tpu.memory_space<semaphore_mem>>, %arg16: memref<!tpu.dma_semaphore, #tpu.memory_space<semaphore_mem>>, %arg17: memref<!tpu.dma_semaphore, #tpu.memory_space<semaphore_mem>>) attributes {dimension_semantics = [#tpu.dimension_semantics<core_parallel>, #tpu.dimension_semantics<subcore_parallel>], iteration_bounds = array<i64: 2, 16>, scalar_prefetch = 0 : i64, scratch_operands = 12 : i64, tpu.core_type = #tpu.core_type<sc_vector_subcore>, window_params = [{transform_indices = #map}, {transform_indices = #map1}, {transform_indices = #map1}, {transform_indices = #map1}]} {
    %mul3A = arith.constant 16 : i32
    %mul3A_0 = arith.muli %arg0, %mul3A : i32
    %add3A = arith.addi %mul3A_0, %arg1 : i32
    "tpu.region"() ({
      %run_scoped3A = tpu.sem_alloc : memref<!tpu.dma_semaphore, #tpu.memory_space<semaphore_mem>>
      tpu.enqueue_dma source(%arg3 : memref<128x128xf32, #tpu.memory_space<hbm>>) target(%arg11 : memref<128x128xf32, #tpu.memory_space<vmem>>) target_semaphore(%run_scoped3A : memref<!tpu.dma_semaphore, #tpu.memory_space<semaphore_mem>>)
      tpu.wait_dma2 semaphore(%run_scoped3A : memref<!tpu.dma_semaphore, #tpu.memory_space<semaphore_mem>>) src(%arg3 : memref<128x128xf32, #tpu.memory_space<hbm>>) dst(%arg11 : memref<128x128xf32, #tpu.memory_space<vmem>>)
      tpu.yield
    }) : () -> ()
    "tpu.region"() ({
      %run_scoped3A = tpu.sem_alloc : memref<!tpu.dma_semaphore, #tpu.memory_space<semaphore_mem>>
      tpu.enqueue_dma source(%arg4 : memref<128x128xf32, #tpu.memory_space<hbm>>) target(%arg12 : memref<128x128xf32, #tpu.memory_space<vmem>>) target_semaphore(%run_scoped3A : memref<!tpu.dma_semaphore, #tpu.memory_space<semaphore_mem>>)
      tpu.wait_dma2 semaphore(%run_scoped3A : memref<!tpu.dma_semaphore, #tpu.memory_space<semaphore_mem>>) src(%arg4 : memref<128x128xf32, #tpu.memory_space<hbm>>) dst(%arg12 : memref<128x128xf32, #tpu.memory_space<vmem>>)
      tpu.yield
    }) : () -> ()
    %mul3A_1 = arith.constant 640 : i32
    %mul3A_2 = arith.muli %arg1, %mul3A_1 : i32
    %add3A_3 = arith.constant 0 : i32
    %add3A_4 = arith.addi %mul3A_2, %add3A_3 : i32
    "tpu.region"() ({
      %run_scoped3A = tpu.sem_alloc : memref<!tpu.dma_semaphore, #tpu.memory_space<semaphore_mem>>
      %dma_start3A_322 = arith.constant 0 : i32
      %dma_start3A_323 = tpu.memref_slice %arg13[%add3A_4, %dma_start3A_322] : memref<10240x128xf32, #tpu.memory_space<vmem_shared>> -> memref<128x128xf32, #tpu.memory_space<vmem_shared>>
      %dma_start3A_324 = arith.constant 0 : i32
      %dma_start3A_325 = tpu.memref_slice %arg13[%add3A_4, %dma_start3A_324] : memref<10240x128xf32, #tpu.memory_space<vmem_shared>> -> memref<128x128xf32, #tpu.memory_space<vmem_shared>>
      tpu.enqueue_dma source(%arg12 : memref<128x128xf32, #tpu.memory_space<vmem>>) target(%dma_start3A_325 : memref<128x128xf32, #tpu.memory_space<vmem_shared>>) target_semaphore(%run_scoped3A : memref<!tpu.dma_semaphore, #tpu.memory_space<semaphore_mem>>)
      %dma_wait3A_326 = arith.constant 0 : i32
      %dma_wait3A_327 = tpu.memref_slice %arg13[%add3A_4, %dma_wait3A_326] : memref<10240x128xf32, #tpu.memory_space<vmem_shared>> -> memref<128x128xf32, #tpu.memory_space<vmem_shared>>
      %dma_wait3A_328 = arith.constant 0 : i32
      %dma_wait3A_329 = tpu.memref_slice %arg13[%add3A_4, %dma_wait3A_328] : memref<10240x128xf32, #tpu.memory_space<vmem_shared>> -> memref<128x128xf32, #tpu.memory_space<vmem_shared>>
      tpu.wait_dma2 semaphore(%run_scoped3A : memref<!tpu.dma_semaphore, #tpu.memory_space<semaphore_mem>>) src(%arg12 : memref<128x128xf32, #tpu.memory_space<vmem>>) dst(%dma_wait3A_329 : memref<128x128xf32, #tpu.memory_space<vmem_shared>>)
      tpu.yield
    }) : () -> ()
    %add3A_5 = arith.constant 128 : i32
    %add3A_6 = arith.addi %mul3A_2, %add3A_5 : i32
    "tpu.region"() ({
      %run_scoped3A = tpu.sem_alloc : memref<!tpu.dma_semaphore, #tpu.memory_space<semaphore_mem>>
      %dma_start3A_322 = arith.constant 0 : i32
      %dma_start3A_323 = tpu.memref_slice %arg13[%add3A_6, %dma_start3A_322] : memref<10240x128xf32, #tpu.memory_space<vmem_shared>> -> memref<128x128xf32, #tpu.memory_space<vmem_shared>>
      %dma_start3A_324 = arith.constant 0 : i32
      %dma_start3A_325 = tpu.memref_slice %arg13[%add3A_6, %dma_start3A_324] : memref<10240x128xf32, #tpu.memory_space<vmem_shared>> -> memref<128x128xf32, #tpu.memory_space<vmem_shared>>
      tpu.enqueue_dma source(%arg12 : memref<128x128xf32, #tpu.memory_space<vmem>>) target(%dma_start3A_325 : memref<128x128xf32, #tpu.memory_space<vmem_shared>>) target_semaphore(%run_scoped3A : memref<!tpu.dma_semaphore, #tpu.memory_space<semaphore_mem>>)
      %dma_wait3A_326 = arith.constant 0 : i32
      %dma_wait3A_327 = tpu.memref_slice %arg13[%add3A_6, %dma_wait3A_326] : memref<10240x128xf32, #tpu.memory_space<vmem_shared>> -> memref<128x128xf32, #tpu.memory_space<vmem_shared>>
      %dma_wait3A_328 = arith.constant 0 : i32
      %dma_wait3A_329 = tpu.memref_slice %arg13[%add3A_6, %dma_wait3A_328] : memref<10240x128xf32, #tpu.memory_space<vmem_shared>> -> memref<128x128xf32, #tpu.memory_space<vmem_shared>>
      tpu.wait_dma2 semaphore(%run_scoped3A : memref<!tpu.dma_semaphore, #tpu.memory_space<semaphore_mem>>) src(%arg12 : memref<128x128xf32, #tpu.memory_space<vmem>>) dst(%dma_wait3A_329 : memref<128x128xf32, #tpu.memory_space<vmem_shared>>)
      tpu.yield
    }) : () -> ()
    %add3A_7 = arith.constant 256 : i32
    %add3A_8 = arith.addi %mul3A_2, %add3A_7 : i32
    "tpu.region"() ({
      %run_scoped3A = tpu.sem_alloc : memref<!tpu.dma_semaphore, #tpu.memory_space<semaphore_mem>>
      %dma_start3A_322 = arith.constant 0 : i32
      %dma_start3A_323 = tpu.memref_slice %arg13[%add3A_8, %dma_start3A_322] : memref<10240x128xf32, #tpu.memory_space<vmem_shared>> -> memref<128x128xf32, #tpu.memory_space<vmem_shared>>
      %dma_start3A_324 = arith.constant 0 : i32
      %dma_start3A_325 = tpu.memref_slice %arg13[%add3A_8, %dma_start3A_324] : memref<10240x128xf32, #tpu.memory_space<vmem_shared>> -> memref<128x128xf32, #tpu.memory_space<vmem_shared>>
      tpu.enqueue_dma source(%arg12 : memref<128x128xf32, #tpu.memory_space<vmem>>) target(%dma_start3A_325 : memref<128x128xf32, #tpu.memory_space<vmem_shared>>) target_semaphore(%run_scoped3A : memref<!tpu.dma_semaphore, #tpu.memory_space<semaphore_mem>>)
      %dma_wait3A_326 = arith.constant 0 : i32
      %dma_wait3A_327 = tpu.memref_slice %arg13[%add3A_8, %dma_wait3A_326] : memref<10240x128xf32, #tpu.memory_space<vmem_shared>> -> memref<128x128xf32, #tpu.memory_space<vmem_shared>>
      %dma_wait3A_328 = arith.constant 0 : i32
      %dma_wait3A_329 = tpu.memref_slice %arg13[%add3A_8, %dma_wait3A_328] : memref<10240x128xf32, #tpu.memory_space<vmem_shared>> -> memref<128x128xf32, #tpu.memory_space<vmem_shared>>
      tpu.wait_dma2 semaphore(%run_scoped3A : memref<!tpu.dma_semaphore, #tpu.memory_space<semaphore_mem>>) src(%arg12 : memref<128x128xf32, #tpu.memory_space<vmem>>) dst(%dma_wait3A_329 : memref<128x128xf32, #tpu.memory_space<vmem_shared>>)
      tpu.yield
    }) : () -> ()
    %add3A_9 = arith.constant 384 : i32
    %add3A_10 = arith.addi %mul3A_2, %add3A_9 : i32
    "tpu.region"() ({
      %run_scoped3A = tpu.sem_alloc : memref<!tpu.dma_semaphore, #tpu.memory_space<semaphore_mem>>
      %dma_start3A_322 = arith.constant 0 : i32
      %dma_start3A_323 = tpu.memref_slice %arg13[%add3A_10, %dma_start3A_322] : memref<10240x128xf32, #tpu.memory_space<vmem_shared>> -> memref<128x128xf32, #tpu.memory_space<vmem_shared>>
      %dma_start3A_324 = arith.constant 0 : i32
      %dma_start3A_325 = tpu.memref_slice %arg13[%add3A_10, %dma_start3A_324] : memref<10240x128xf32, #tpu.memory_space<vmem_shared>> -> memref<128x128xf32, #tpu.memory_space<vmem_shared>>
      tpu.enqueue_dma source(%arg12 : memref<128x128xf32, #tpu.memory_space<vmem>>) target(%dma_start3A_325 : memref<128x128xf32, #tpu.memory_space<vmem_shared>>) target_semaphore(%run_scoped3A : memref<!tpu.dma_semaphore, #tpu.memory_space<semaphore_mem>>)
      %dma_wait3A_326 = arith.constant 0 : i32
      %dma_wait3A_327 = tpu.memref_slice %arg13[%add3A_10, %dma_wait3A_326] : memref<10240x128xf32, #tpu.memory_space<vmem_shared>> -> memref<128x128xf32, #tpu.memory_space<vmem_shared>>
      %dma_wait3A_328 = arith.constant 0 : i32
      %dma_wait3A_329 = tpu.memref_slice %arg13[%add3A_10, %dma_wait3A_328] : memref<10240x128xf32, #tpu.memory_space<vmem_shared>> -> memref<128x128xf32, #tpu.memory_space<vmem_shared>>
      tpu.wait_dma2 semaphore(%run_scoped3A : memref<!tpu.dma_semaphore, #tpu.memory_space<semaphore_mem>>) src(%arg12 : memref<128x128xf32, #tpu.memory_space<vmem>>) dst(%dma_wait3A_329 : memref<128x128xf32, #tpu.memory_space<vmem_shared>>)
      tpu.yield
    }) : () -> ()
    %add3A_11 = arith.constant 512 : i32
    %add3A_12 = arith.addi %mul3A_2, %add3A_11 : i32
    "tpu.region"() ({
      %run_scoped3A = tpu.sem_alloc : memref<!tpu.dma_semaphore, #tpu.memory_space<semaphore_mem>>
      %dma_start3A_322 = arith.constant 0 : i32
      %dma_start3A_323 = tpu.memref_slice %arg13[%add3A_12, %dma_start3A_322] : memref<10240x128xf32, #tpu.memory_space<vmem_shared>> -> memref<128x128xf32, #tpu.memory_space<vmem_shared>>
      %dma_start3A_324 = arith.constant 0 : i32
      %dma_start3A_325 = tpu.memref_slice %arg13[%add3A_12, %dma_start3A_324] : memref<10240x128xf32, #tpu.memory_space<vmem_shared>> -> memref<128x128xf32, #tpu.memory_space<vmem_shared>>
      tpu.enqueue_dma source(%arg12 : memref<128x128xf32, #tpu.memory_space<vmem>>) target(%dma_start3A_325 : memref<128x128xf32, #tpu.memory_space<vmem_shared>>) target_semaphore(%run_scoped3A : memref<!tpu.dma_semaphore, #tpu.memory_space<semaphore_mem>>)
      %dma_wait3A_326 = arith.constant 0 : i32
      %dma_wait3A_327 = tpu.memref_slice %arg13[%add3A_12, %dma_wait3A_326] : memref<10240x128xf32, #tpu.memory_space<vmem_shared>> -> memref<128x128xf32, #tpu.memory_space<vmem_shared>>
      %dma_wait3A_328 = arith.constant 0 : i32
      %dma_wait3A_329 = tpu.memref_slice %arg13[%add3A_12, %dma_wait3A_328] : memref<10240x128xf32, #tpu.memory_space<vmem_shared>> -> memref<128x128xf32, #tpu.memory_space<vmem_shared>>
      tpu.wait_dma2 semaphore(%run_scoped3A : memref<!tpu.dma_semaphore, #tpu.memory_space<semaphore_mem>>) src(%arg12 : memref<128x128xf32, #tpu.memory_space<vmem>>) dst(%dma_wait3A_329 : memref<128x128xf32, #tpu.memory_space<vmem_shared>>)
      tpu.yield
    }) : () -> ()
    %barrier3A = arith.constant 0 : index
    tpu.barrier barrier_id(%barrier3A)
    %mul3A_13 = arith.constant 10000 : i32
    %mul3A_14 = arith.muli %add3A, %mul3A_13 : i32
    %add3A_15 = arith.constant 0 : i32
    %add3A_16 = arith.addi %mul3A_14, %add3A_15 : i32
    %dma_start3A = tpu.memref_slice %arg2[%add3A_16] : memref<320000xi32, #tpu.memory_space<hbm>> -> memref<128xi32, #tpu.memory_space<hbm>>
    %dma_start3A_17 = tpu.memref_slice %arg2[%add3A_16] : memref<320000xi32, #tpu.memory_space<hbm>> -> memref<128xi32, #tpu.memory_space<hbm>>
    tpu.enqueue_dma source(%dma_start3A_17 : memref<128xi32, #tpu.memory_space<hbm>>) target(%arg6 : memref<128xi32, #tpu.memory_space<vmem>>) target_semaphore(%arg14 : memref<!tpu.dma_semaphore, #tpu.memory_space<semaphore_mem>>)
    %add3A_18 = arith.constant 128 : i32
    %add3A_19 = arith.addi %mul3A_14, %add3A_18 : i32
    %dma_start3A_20 = tpu.memref_slice %arg2[%add3A_19] : memref<320000xi32, #tpu.memory_space<hbm>> -> memref<128xi32, #tpu.memory_space<hbm>>
    %dma_start3A_21 = tpu.memref_slice %arg2[%add3A_19] : memref<320000xi32, #tpu.memory_space<hbm>> -> memref<128xi32, #tpu.memory_space<hbm>>
    tpu.enqueue_dma source(%dma_start3A_21 : memref<128xi32, #tpu.memory_space<hbm>>) target(%arg7 : memref<128xi32, #tpu.memory_space<vmem>>) target_semaphore(%arg15 : memref<!tpu.dma_semaphore, #tpu.memory_space<semaphore_mem>>)
    %add3A_22 = arith.constant 0 : i32
    %add3A_23 = arith.addi %mul3A_14, %add3A_22 : i32
    %dma_wait3A = tpu.memref_slice %arg2[%add3A_23] : memref<320000xi32, #tpu.memory_space<hbm>> -> memref<128xi32, #tpu.memory_space<hbm>>
    %dma_wait3A_24 = tpu.memref_slice %arg2[%add3A_23] : memref<320000xi32, #tpu.memory_space<hbm>> -> memref<128xi32, #tpu.memory_space<hbm>>
    tpu.wait_dma2 semaphore(%arg14 : memref<!tpu.dma_semaphore, #tpu.memory_space<semaphore_mem>>) src(%dma_wait3A_24 : memref<128xi32, #tpu.memory_space<hbm>>) dst(%arg6 : memref<128xi32, #tpu.memory_space<vmem>>)
    %get3A = arith.constant 0 : index
    %get3A_25 = tpu.vector_load %arg6[%get3A] {strides = array<i32>} : memref<128xi32, #tpu.memory_space<vmem>>, vector<16xi32>,
    %get3A_26 = vector.shape_cast %get3A_25 : vector<16xi32> to vector<16xi32>
    %swap3A = arith.constant 0 : index
    %swap3A_27 = tpu.vector_load %arg8[%swap3A] {strides = array<i32>} : memref<128xi32, #tpu.memory_space<vmem>>, vector<16xi32>,
    %swap3A_28 = vector.shape_cast %swap3A_27 : vector<16xi32> to vector<16xi32>
    %swap3A_29 = vector.shape_cast %get3A_26 : vector<16xi32> to vector<16xi32>
    tpu.vector_store %arg8[%swap3A], %swap3A_29 {strides = array<i32>} : memref<128xi32, #tpu.memory_space<vmem>>, vector<16xi32>,
    %get3A_30 = arith.constant 16 : index
    %get3A_31 = tpu.vector_load %arg6[%get3A_30] {strides = array<i32>} : memref<128xi32, #tpu.memory_space<vmem>>, vector<16xi32>,
    %get3A_32 = vector.shape_cast %get3A_31 : vector<16xi32> to vector<16xi32>
    %swap3A_33 = arith.constant 16 : index
    %swap3A_34 = tpu.vector_load %arg8[%swap3A_33] {strides = array<i32>} : memref<128xi32, #tpu.memory_space<vmem>>, vector<16xi32>,
    %swap3A_35 = vector.shape_cast %swap3A_34 : vector<16xi32> to vector<16xi32>
    %swap3A_36 = vector.shape_cast %get3A_32 : vector<16xi32> to vector<16xi32>
    tpu.vector_store %arg8[%swap3A_33], %swap3A_36 {strides = array<i32>} : memref<128xi32, #tpu.memory_space<vmem>>, vector<16xi32>,
    %get3A_37 = arith.constant 32 : index
    %get3A_38 = tpu.vector_load %arg6[%get3A_37] {strides = array<i32>} : memref<128xi32, #tpu.memory_space<vmem>>, vector<16xi32>,
    %get3A_39 = vector.shape_cast %get3A_38 : vector<16xi32> to vector<16xi32>
    %swap3A_40 = arith.constant 32 : index
    %swap3A_41 = tpu.vector_load %arg8[%swap3A_40] {strides = array<i32>} : memref<128xi32, #tpu.memory_space<vmem>>, vector<16xi32>,
    %swap3A_42 = vector.shape_cast %swap3A_41 : vector<16xi32> to vector<16xi32>
    %swap3A_43 = vector.shape_cast %get3A_39 : vector<16xi32> to vector<16xi32>
    tpu.vector_store %arg8[%swap3A_40], %swap3A_43 {strides = array<i32>} : memref<128xi32, #tpu.memory_space<vmem>>, vector<16xi32>,
    %get3A_44 = arith.constant 48 : index
    %get3A_45 = tpu.vector_load %arg6[%get3A_44] {strides = array<i32>} : memref<128xi32, #tpu.memory_space<vmem>>, vector<16xi32>,
    %get3A_46 = vector.shape_cast %get3A_45 : vector<16xi32> to vector<16xi32>
    %swap3A_47 = arith.constant 48 : index
    %swap3A_48 = tpu.vector_load %arg8[%swap3A_47] {strides = array<i32>} : memref<128xi32, #tpu.memory_space<vmem>>, vector<16xi32>,
    %swap3A_49 = vector.shape_cast %swap3A_48 : vector<16xi32> to vector<16xi32>
    %swap3A_50 = vector.shape_cast %get3A_46 : vector<16xi32> to vector<16xi32>
    tpu.vector_store %arg8[%swap3A_47], %swap3A_50 {strides = array<i32>} : memref<128xi32, #tpu.memory_space<vmem>>, vector<16xi32>,
    %get3A_51 = arith.constant 64 : index
    %get3A_52 = tpu.vector_load %arg6[%get3A_51] {strides = array<i32>} : memref<128xi32, #tpu.memory_space<vmem>>, vector<16xi32>,
    %get3A_53 = vector.shape_cast %get3A_52 : vector<16xi32> to vector<16xi32>
    %swap3A_54 = arith.constant 64 : index
    %swap3A_55 = tpu.vector_load %arg8[%swap3A_54] {strides = array<i32>} : memref<128xi32, #tpu.memory_space<vmem>>, vector<16xi32>,
    %swap3A_56 = vector.shape_cast %swap3A_55 : vector<16xi32> to vector<16xi32>
    %swap3A_57 = vector.shape_cast %get3A_53 : vector<16xi32> to vector<16xi32>
    tpu.vector_store %arg8[%swap3A_54], %swap3A_57 {strides = array<i32>} : memref<128xi32, #tpu.memory_space<vmem>>, vector<16xi32>,
    %get3A_58 = arith.constant 80 : index
    %get3A_59 = tpu.vector_load %arg6[%get3A_58] {strides = array<i32>} : memref<128xi32, #tpu.memory_space<vmem>>, vector<16xi32>,
    %get3A_60 = vector.shape_cast %get3A_59 : vector<16xi32> to vector<16xi32>
    %swap3A_61 = arith.constant 80 : index
    %swap3A_62 = tpu.vector_load %arg8[%swap3A_61] {strides = array<i32>} : memref<128xi32, #tpu.memory_space<vmem>>, vector<16xi32>,
    %swap3A_63 = vector.shape_cast %swap3A_62 : vector<16xi32> to vector<16xi32>
    %swap3A_64 = vector.shape_cast %get3A_60 : vector<16xi32> to vector<16xi32>
    tpu.vector_store %arg8[%swap3A_61], %swap3A_64 {strides = array<i32>} : memref<128xi32, #tpu.memory_space<vmem>>, vector<16xi32>,
    %get3A_65 = arith.constant 96 : index
    %get3A_66 = tpu.vector_load %arg6[%get3A_65] {strides = array<i32>} : memref<128xi32, #tpu.memory_space<vmem>>, vector<16xi32>,
    %get3A_67 = vector.shape_cast %get3A_66 : vector<16xi32> to vector<16xi32>
    %swap3A_68 = arith.constant 96 : index
    %swap3A_69 = tpu.vector_load %arg8[%swap3A_68] {strides = array<i32>} : memref<128xi32, #tpu.memory_space<vmem>>, vector<16xi32>,
    %swap3A_70 = vector.shape_cast %swap3A_69 : vector<16xi32> to vector<16xi32>
    %swap3A_71 = vector.shape_cast %get3A_67 : vector<16xi32> to vector<16xi32>
    tpu.vector_store %arg8[%swap3A_68], %swap3A_71 {strides = array<i32>} : memref<128xi32, #tpu.memory_space<vmem>>, vector<16xi32>,
    %get3A_72 = arith.constant 112 : index
    %get3A_73 = tpu.vector_load %arg6[%get3A_72] {strides = array<i32>} : memref<128xi32, #tpu.memory_space<vmem>>, vector<16xi32>,
    %get3A_74 = vector.shape_cast %get3A_73 : vector<16xi32> to vector<16xi32>
    %swap3A_75 = arith.constant 112 : index
    %swap3A_76 = tpu.vector_load %arg8[%swap3A_75] {strides = array<i32>} : memref<128xi32, #tpu.memory_space<vmem>>, vector<16xi32>,
    %swap3A_77 = vector.shape_cast %swap3A_76 : vector<16xi32> to vector<16xi32>
    %swap3A_78 = vector.shape_cast %get3A_74 : vector<16xi32> to vector<16xi32>
    tpu.vector_store %arg8[%swap3A_75], %swap3A_78 {strides = array<i32>} : memref<128xi32, #tpu.memory_space<vmem>>, vector<16xi32>,
    %add3A_79 = arith.constant 256 : i32
    %add3A_80 = arith.addi %add3A_23, %add3A_79 : i32
    %dma_start3A_81 = tpu.memref_slice %arg2[%add3A_80] : memref<320000xi32, #tpu.memory_space<hbm>> -> memref<128xi32, #tpu.memory_space<hbm>>
    %dma_start3A_82 = tpu.memref_slice %arg2[%add3A_80] : memref<320000xi32, #tpu.memory_space<hbm>> -> memref<128xi32, #tpu.memory_space<hbm>>
    tpu.enqueue_dma source(%dma_start3A_82 : memref<128xi32, #tpu.memory_space<hbm>>) target(%arg6 : memref<128xi32, #tpu.memory_space<vmem>>) target_semaphore(%arg14 : memref<!tpu.dma_semaphore, #tpu.memory_space<semaphore_mem>>)
    %dma_start3A_83 = arith.constant 0 : i32
    %dma_start3A_84 = arith.constant 0 : i32
    %dma_start3A_85 = tpu.memref_slice %arg13[%dma_start3A_83, %dma_start3A_84] : memref<10240x128xf32, #tpu.memory_space<vmem_shared>> -> memref<10240x128xf32, #tpu.memory_space<vmem_shared>>
    tpu.enqueue_indirect_dma source(%arg11 : memref<128x128xf32, #tpu.memory_space<vmem>>) target(%dma_start3A_85 : memref<10240x128xf32, #tpu.memory_space<vmem_shared>>) offsets(%arg8 : memref<128xi32, #tpu.memory_space<vmem>>) semaphore(%arg16 : memref<!tpu.dma_semaphore, #tpu.memory_space<semaphore_mem>>) {add = true}
    %add3A_86 = arith.constant 128 : i32
    %add3A_87 = arith.addi %mul3A_14, %add3A_86 : i32
    %dma_wait3A_88 = tpu.memref_slice %arg2[%add3A_87] : memref<320000xi32, #tpu.memory_space<hbm>> -> memref<128xi32, #tpu.memory_space<hbm>>
    %dma_wait3A_89 = tpu.memref_slice %arg2[%add3A_87] : memref<320000xi32, #tpu.memory_space<hbm>> -> memref<128xi32, #tpu.memory_space<hbm>>
    tpu.wait_dma2 semaphore(%arg15 : memref<!tpu.dma_semaphore, #tpu.memory_space<semaphore_mem>>) src(%dma_wait3A_89 : memref<128xi32, #tpu.memory_space<hbm>>) dst(%arg7 : memref<128xi32, #tpu.memory_space<vmem>>)
    %get3A_90 = arith.constant 0 : index
    %get3A_91 = tpu.vector_load %arg7[%get3A_90] {strides = array<i32>} : memref<128xi32, #tpu.memory_space<vmem>>, vector<16xi32>,
    %get3A_92 = vector.shape_cast %get3A_91 : vector<16xi32> to vector<16xi32>
    %swap3A_93 = arith.constant 0 : index
    %swap3A_94 = tpu.vector_load %arg9[%swap3A_93] {strides = array<i32>} : memref<128xi32, #tpu.memory_space<vmem>>, vector<16xi32>,
    %swap3A_95 = vector.shape_cast %swap3A_94 : vector<16xi32> to vector<16xi32>
    %swap3A_96 = vector.shape_cast %get3A_92 : vector<16xi32> to vector<16xi32>
    tpu.vector_store %arg9[%swap3A_93], %swap3A_96 {strides = array<i32>} : memref<128xi32, #tpu.memory_space<vmem>>, vector<16xi32>,
    %get3A_97 = arith.constant 16 : index
    %get3A_98 = tpu.vector_load %arg7[%get3A_97] {strides = array<i32>} : memref<128xi32, #tpu.memory_space<vmem>>, vector<16xi32>,
    %get3A_99 = vector.shape_cast %get3A_98 : vector<16xi32> to vector<16xi32>
    %swap3A_100 = arith.constant 16 : index
    %swap3A_101 = tpu.vector_load %arg9[%swap3A_100] {strides = array<i32>} : memref<128xi32, #tpu.memory_space<vmem>>, vector<16xi32>,
    %swap3A_102 = vector.shape_cast %swap3A_101 : vector<16xi32> to vector<16xi32>
    %swap3A_103 = vector.shape_cast %get3A_99 : vector<16xi32> to vector<16xi32>
    tpu.vector_store %arg9[%swap3A_100], %swap3A_103 {strides = array<i32>} : memref<128xi32, #tpu.memory_space<vmem>>, vector<16xi32>,
    %get3A_104 = arith.constant 32 : index
    %get3A_105 = tpu.vector_load %arg7[%get3A_104] {strides = array<i32>} : memref<128xi32, #tpu.memory_space<vmem>>, vector<16xi32>,
    %get3A_106 = vector.shape_cast %get3A_105 : vector<16xi32> to vector<16xi32>
    %swap3A_107 = arith.constant 32 : index
    %swap3A_108 = tpu.vector_load %arg9[%swap3A_107] {strides = array<i32>} : memref<128xi32, #tpu.memory_space<vmem>>, vector<16xi32>,
    %swap3A_109 = vector.shape_cast %swap3A_108 : vector<16xi32> to vector<16xi32>
    %swap3A_110 = vector.shape_cast %get3A_106 : vector<16xi32> to vector<16xi32>
    tpu.vector_store %arg9[%swap3A_107], %swap3A_110 {strides = array<i32>} : memref<128xi32, #tpu.memory_space<vmem>>, vector<16xi32>,
    %get3A_111 = arith.constant 48 : index
    %get3A_112 = tpu.vector_load %arg7[%get3A_111] {strides = array<i32>} : memref<128xi32, #tpu.memory_space<vmem>>, vector<16xi32>,
    %get3A_113 = vector.shape_cast %get3A_112 : vector<16xi32> to vector<16xi32>
    %swap3A_114 = arith.constant 48 : index
    %swap3A_115 = tpu.vector_load %arg9[%swap3A_114] {strides = array<i32>} : memref<128xi32, #tpu.memory_space<vmem>>, vector<16xi32>,
    %swap3A_116 = vector.shape_cast %swap3A_115 : vector<16xi32> to vector<16xi32>
    %swap3A_117 = vector.shape_cast %get3A_113 : vector<16xi32> to vector<16xi32>
    tpu.vector_store %arg9[%swap3A_114], %swap3A_117 {strides = array<i32>} : memref<128xi32, #tpu.memory_space<vmem>>, vector<16xi32>,
    %get3A_118 = arith.constant 64 : index
    %get3A_119 = tpu.vector_load %arg7[%get3A_118] {strides = array<i32>} : memref<128xi32, #tpu.memory_space<vmem>>, vector<16xi32>,
    %get3A_120 = vector.shape_cast %get3A_119 : vector<16xi32> to vector<16xi32>
    %swap3A_121 = arith.constant 64 : index
    %swap3A_122 = tpu.vector_load %arg9[%swap3A_121] {strides = array<i32>} : memref<128xi32, #tpu.memory_space<vmem>>, vector<16xi32>,
    %swap3A_123 = vector.shape_cast %swap3A_122 : vector<16xi32> to vector<16xi32>
    %swap3A_124 = vector.shape_cast %get3A_120 : vector<16xi32> to vector<16xi32>
    tpu.vector_store %arg9[%swap3A_121], %swap3A_124 {strides = array<i32>} : memref<128xi32, #tpu.memory_space<vmem>>, vector<16xi32>,
    %get3A_125 = arith.constant 80 : index
    %get3A_126 = tpu.vector_load %arg7[%get3A_125] {strides = array<i32>} : memref<128xi32, #tpu.memory_space<vmem>>, vector<16xi32>,
    %get3A_127 = vector.shape_cast %get3A_126 : vector<16xi32> to vector<16xi32>
    %swap3A_128 = arith.constant 80 : index
    %swap3A_129 = tpu.vector_load %arg9[%swap3A_128] {strides = array<i32>} : memref<128xi32, #tpu.memory_space<vmem>>, vector<16xi32>,
    %swap3A_130 = vector.shape_cast %swap3A_129 : vector<16xi32> to vector<16xi32>
    %swap3A_131 = vector.shape_cast %get3A_127 : vector<16xi32> to vector<16xi32>
    tpu.vector_store %arg9[%swap3A_128], %swap3A_131 {strides = array<i32>} : memref<128xi32, #tpu.memory_space<vmem>>, vector<16xi32>,
    %get3A_132 = arith.constant 96 : index
    %get3A_133 = tpu.vector_load %arg7[%get3A_132] {strides = array<i32>} : memref<128xi32, #tpu.memory_space<vmem>>, vector<16xi32>,
    %get3A_134 = vector.shape_cast %get3A_133 : vector<16xi32> to vector<16xi32>
    %swap3A_135 = arith.constant 96 : index
    %swap3A_136 = tpu.vector_load %arg9[%swap3A_135] {strides = array<i32>} : memref<128xi32, #tpu.memory_space<vmem>>, vector<16xi32>,
    %swap3A_137 = vector.shape_cast %swap3A_136 : vector<16xi32> to vector<16xi32>
    %swap3A_138 = vector.shape_cast %get3A_134 : vector<16xi32> to vector<16xi32>
    tpu.vector_store %arg9[%swap3A_135], %swap3A_138 {strides = array<i32>} : memref<128xi32, #tpu.memory_space<vmem>>, vector<16xi32>,
    %get3A_139 = arith.constant 112 : index
    %get3A_140 = tpu.vector_load %arg7[%get3A_139] {strides = array<i32>} : memref<128xi32, #tpu.memory_space<vmem>>, vector<16xi32>,
    %get3A_141 = vector.shape_cast %get3A_140 : vector<16xi32> to vector<16xi32>
    %swap3A_142 = arith.constant 112 : index
    %swap3A_143 = tpu.vector_load %arg9[%swap3A_142] {strides = array<i32>} : memref<128xi32, #tpu.memory_space<vmem>>, vector<16xi32>,
    %swap3A_144 = vector.shape_cast %swap3A_143 : vector<16xi32> to vector<16xi32>
    %swap3A_145 = vector.shape_cast %get3A_141 : vector<16xi32> to vector<16xi32>
    tpu.vector_store %arg9[%swap3A_142], %swap3A_145 {strides = array<i32>} : memref<128xi32, #tpu.memory_space<vmem>>, vector<16xi32>,
    %add3A_146 = arith.constant 256 : i32
    %add3A_147 = arith.addi %add3A_87, %add3A_146 : i32
    %dma_start3A_148 = tpu.memref_slice %arg2[%add3A_147] : memref<320000xi32, #tpu.memory_space<hbm>> -> memref<128xi32, #tpu.memory_space<hbm>>
    %dma_start3A_149 = tpu.memref_slice %arg2[%add3A_147] : memref<320000xi32, #tpu.memory_space<hbm>> -> memref<128xi32, #tpu.memory_space<hbm>>
    tpu.enqueue_dma source(%dma_start3A_149 : memref<128xi32, #tpu.memory_space<hbm>>) target(%arg7 : memref<128xi32, #tpu.memory_space<vmem>>) target_semaphore(%arg15 : memref<!tpu.dma_semaphore, #tpu.memory_space<semaphore_mem>>)
    %dma_start3A_150 = arith.constant 0 : i32
    %dma_start3A_151 = arith.constant 0 : i32
    %dma_start3A_152 = tpu.memref_slice %arg13[%dma_start3A_150, %dma_start3A_151] : memref<10240x128xf32, #tpu.memory_space<vmem_shared>> -> memref<10240x128xf32, #tpu.memory_space<vmem_shared>>
    tpu.enqueue_indirect_dma source(%arg11 : memref<128x128xf32, #tpu.memory_space<vmem>>) target(%dma_start3A_152 : memref<10240x128xf32, #tpu.memory_space<vmem_shared>>) offsets(%arg9 : memref<128xi32, #tpu.memory_space<vmem>>) semaphore(%arg17 : memref<!tpu.dma_semaphore, #tpu.memory_space<semaphore_mem>>) {add = true}
    %scan3A = arith.constant 0 : i32
    %scan3A_153 = arith.constant 1 : i32
    %scan3A_154 = arith.constant 37 : i32
    %scan3A_155 = arith.addi %scan3A_153, %scan3A_154 : i32
    %scan3A_156 = arith.constant 1 : i32
    scf.for %scan3A_322 = %scan3A_153 to %scan3A_155 step %scan3A_156  : i32 {
      %mul3A_323 = arith.constant 2 : i32
      %mul3A_324 = arith.muli %scan3A_322, %mul3A_323 : i32
      %add3A_325 = arith.constant 0 : i32
      %add3A_326 = arith.addi %mul3A_324, %add3A_325 : i32
      %mul3A_327 = arith.constant 128 : i32
      %mul3A_328 = arith.muli %add3A_326, %mul3A_327 : i32
      %add3A_329 = arith.addi %mul3A_14, %mul3A_328 : i32
      %dma_wait3A_330 = arith.constant 0 : i32
      %dma_wait3A_331 = arith.constant 0 : i32
      %dma_wait3A_332 = tpu.memref_slice %arg13[%dma_wait3A_330, %dma_wait3A_331] : memref<10240x128xf32, #tpu.memory_space<vmem_shared>> -> memref<10240x128xf32, #tpu.memory_space<vmem_shared>>
      tpu.wait_indirect_dma semaphore(%arg16 : memref<!tpu.dma_semaphore, #tpu.memory_space<semaphore_mem>>) src(%arg11 : memref<128x128xf32, #tpu.memory_space<vmem>>) dst(%dma_wait3A_332 : memref<10240x128xf32, #tpu.memory_space<vmem_shared>>)
      %dma_wait3A_333 = tpu.memref_slice %arg2[%add3A_329] : memref<320000xi32, #tpu.memory_space<hbm>> -> memref<128xi32, #tpu.memory_space<hbm>>
      %dma_wait3A_334 = tpu.memref_slice %arg2[%add3A_329] : memref<320000xi32, #tpu.memory_space<hbm>> -> memref<128xi32, #tpu.memory_space<hbm>>
      tpu.wait_dma2 semaphore(%arg14 : memref<!tpu.dma_semaphore, #tpu.memory_space<semaphore_mem>>) src(%dma_wait3A_334 : memref<128xi32, #tpu.memory_space<hbm>>) dst(%arg6 : memref<128xi32, #tpu.memory_space<vmem>>)
      %get3A_335 = arith.constant 0 : index
      %get3A_336 = tpu.vector_load %arg6[%get3A_335] {strides = array<i32>} : memref<128xi32, #tpu.memory_space<vmem>>, vector<16xi32>,
      %get3A_337 = vector.shape_cast %get3A_336 : vector<16xi32> to vector<16xi32>
      %swap3A_338 = arith.constant 0 : index
      %swap3A_339 = tpu.vector_load %arg8[%swap3A_338] {strides = array<i32>} : memref<128xi32, #tpu.memory_space<vmem>>, vector<16xi32>,
      %swap3A_340 = vector.shape_cast %swap3A_339 : vector<16xi32> to vector<16xi32>
      %swap3A_341 = vector.shape_cast %get3A_337 : vector<16xi32> to vector<16xi32>
      tpu.vector_store %arg8[%swap3A_338], %swap3A_341 {strides = array<i32>} : memref<128xi32, #tpu.memory_space<vmem>>, vector<16xi32>,
      %get3A_342 = arith.constant 16 : index
      %get3A_343 = tpu.vector_load %arg6[%get3A_342] {strides = array<i32>} : memref<128xi32, #tpu.memory_space<vmem>>, vector<16xi32>,
      %get3A_344 = vector.shape_cast %get3A_343 : vector<16xi32> to vector<16xi32>
      %swap3A_345 = arith.constant 16 : index
      %swap3A_346 = tpu.vector_load %arg8[%swap3A_345] {strides = array<i32>} : memref<128xi32, #tpu.memory_space<vmem>>, vector<16xi32>,
      %swap3A_347 = vector.shape_cast %swap3A_346 : vector<16xi32> to vector<16xi32>
      %swap3A_348 = vector.shape_cast %get3A_344 : vector<16xi32> to vector<16xi32>
      tpu.vector_store %arg8[%swap3A_345], %swap3A_348 {strides = array<i32>} : memref<128xi32, #tpu.memory_space<vmem>>, vector<16xi32>,
      %get3A_349 = arith.constant 32 : index
      %get3A_350 = tpu.vector_load %arg6[%get3A_349] {strides = array<i32>} : memref<128xi32, #tpu.memory_space<vmem>>, vector<16xi32>,
      %get3A_351 = vector.shape_cast %get3A_350 : vector<16xi32> to vector<16xi32>
      %swap3A_352 = arith.constant 32 : index
      %swap3A_353 = tpu.vector_load %arg8[%swap3A_352] {strides = array<i32>} : memref<128xi32, #tpu.memory_space<vmem>>, vector<16xi32>,
      %swap3A_354 = vector.shape_cast %swap3A_353 : vector<16xi32> to vector<16xi32>
      %swap3A_355 = vector.shape_cast %get3A_351 : vector<16xi32> to vector<16xi32>
      tpu.vector_store %arg8[%swap3A_352], %swap3A_355 {strides = array<i32>} : memref<128xi32, #tpu.memory_space<vmem>>, vector<16xi32>,
      %get3A_356 = arith.constant 48 : index
      %get3A_357 = tpu.vector_load %arg6[%get3A_356] {strides = array<i32>} : memref<128xi32, #tpu.memory_space<vmem>>, vector<16xi32>,
      %get3A_358 = vector.shape_cast %get3A_357 : vector<16xi32> to vector<16xi32>
      %swap3A_359 = arith.constant 48 : index
      %swap3A_360 = tpu.vector_load %arg8[%swap3A_359] {strides = array<i32>} : memref<128xi32, #tpu.memory_space<vmem>>, vector<16xi32>,
      %swap3A_361 = vector.shape_cast %swap3A_360 : vector<16xi32> to vector<16xi32>
      %swap3A_362 = vector.shape_cast %get3A_358 : vector<16xi32> to vector<16xi32>
      tpu.vector_store %arg8[%swap3A_359], %swap3A_362 {strides = array<i32>} : memref<128xi32, #tpu.memory_space<vmem>>, vector<16xi32>,
      %get3A_363 = arith.constant 64 : index
      %get3A_364 = tpu.vector_load %arg6[%get3A_363] {strides = array<i32>} : memref<128xi32, #tpu.memory_space<vmem>>, vector<16xi32>,
      %get3A_365 = vector.shape_cast %get3A_364 : vector<16xi32> to vector<16xi32>
      %swap3A_366 = arith.constant 64 : index
      %swap3A_367 = tpu.vector_load %arg8[%swap3A_366] {strides = array<i32>} : memref<128xi32, #tpu.memory_space<vmem>>, vector<16xi32>,
      %swap3A_368 = vector.shape_cast %swap3A_367 : vector<16xi32> to vector<16xi32>
      %swap3A_369 = vector.shape_cast %get3A_365 : vector<16xi32> to vector<16xi32>
      tpu.vector_store %arg8[%swap3A_366], %swap3A_369 {strides = array<i32>} : memref<128xi32, #tpu.memory_space<vmem>>, vector<16xi32>,
      %get3A_370 = arith.constant 80 : index
      %get3A_371 = tpu.vector_load %arg6[%get3A_370] {strides = array<i32>} : memref<128xi32, #tpu.memory_space<vmem>>, vector<16xi32>,
      %get3A_372 = vector.shape_cast %get3A_371 : vector<16xi32> to vector<16xi32>
      %swap3A_373 = arith.constant 80 : index
      %swap3A_374 = tpu.vector_load %arg8[%swap3A_373] {strides = array<i32>} : memref<128xi32, #tpu.memory_space<vmem>>, vector<16xi32>,
      %swap3A_375 = vector.shape_cast %swap3A_374 : vector<16xi32> to vector<16xi32>
      %swap3A_376 = vector.shape_cast %get3A_372 : vector<16xi32> to vector<16xi32>
      tpu.vector_store %arg8[%swap3A_373], %swap3A_376 {strides = array<i32>} : memref<128xi32, #tpu.memory_space<vmem>>, vector<16xi32>,
      %get3A_377 = arith.constant 96 : index
      %get3A_378 = tpu.vector_load %arg6[%get3A_377] {strides = array<i32>} : memref<128xi32, #tpu.memory_space<vmem>>, vector<16xi32>,
      %get3A_379 = vector.shape_cast %get3A_378 : vector<16xi32> to vector<16xi32>
      %swap3A_380 = arith.constant 96 : index
      %swap3A_381 = tpu.vector_load %arg8[%swap3A_380] {strides = array<i32>} : memref<128xi32, #tpu.memory_space<vmem>>, vector<16xi32>,
      %swap3A_382 = vector.shape_cast %swap3A_381 : vector<16xi32> to vector<16xi32>
      %swap3A_383 = vector.shape_cast %get3A_379 : vector<16xi32> to vector<16xi32>
      tpu.vector_store %arg8[%swap3A_380], %swap3A_383 {strides = array<i32>} : memref<128xi32, #tpu.memory_space<vmem>>, vector<16xi32>,
      %get3A_384 = arith.constant 112 : index
      %get3A_385 = tpu.vector_load %arg6[%get3A_384] {strides = array<i32>} : memref<128xi32, #tpu.memory_space<vmem>>, vector<16xi32>,
      %get3A_386 = vector.shape_cast %get3A_385 : vector<16xi32> to vector<16xi32>
      %swap3A_387 = arith.constant 112 : index
      %swap3A_388 = tpu.vector_load %arg8[%swap3A_387] {strides = array<i32>} : memref<128xi32, #tpu.memory_space<vmem>>, vector<16xi32>,
      %swap3A_389 = vector.shape_cast %swap3A_388 : vector<16xi32> to vector<16xi32>
      %swap3A_390 = vector.shape_cast %get3A_386 : vector<16xi32> to vector<16xi32>
      tpu.vector_store %arg8[%swap3A_387], %swap3A_390 {strides = array<i32>} : memref<128xi32, #tpu.memory_space<vmem>>, vector<16xi32>,
      %add3A_391 = arith.constant 256 : i32
      %add3A_392 = arith.addi %add3A_329, %add3A_391 : i32
      %dma_start3A_393 = tpu.memref_slice %arg2[%add3A_392] : memref<320000xi32, #tpu.memory_space<hbm>> -> memref<128xi32, #tpu.memory_space<hbm>>
      %dma_start3A_394 = tpu.memref_slice %arg2[%add3A_392] : memref<320000xi32, #tpu.memory_space<hbm>> -> memref<128xi32, #tpu.memory_space<hbm>>
      tpu.enqueue_dma source(%dma_start3A_394 : memref<128xi32, #tpu.memory_space<hbm>>) target(%arg6 : memref<128xi32, #tpu.memory_space<vmem>>) target_semaphore(%arg14 : memref<!tpu.dma_semaphore, #tpu.memory_space<semaphore_mem>>)
      %dma_start3A_395 = arith.constant 0 : i32
      %dma_start3A_396 = arith.constant 0 : i32
      %dma_start3A_397 = tpu.memref_slice %arg13[%dma_start3A_395, %dma_start3A_396] : memref<10240x128xf32, #tpu.memory_space<vmem_shared>> -> memref<10240x128xf32, #tpu.memory_space<vmem_shared>>
      tpu.enqueue_indirect_dma source(%arg11 : memref<128x128xf32, #tpu.memory_space<vmem>>) target(%dma_start3A_397 : memref<10240x128xf32, #tpu.memory_space<vmem_shared>>) offsets(%arg8 : memref<128xi32, #tpu.memory_space<vmem>>) semaphore(%arg16 : memref<!tpu.dma_semaphore, #tpu.memory_space<semaphore_mem>>) {add = true}
      %mul3A_398 = arith.constant 2 : i32
      %mul3A_399 = arith.muli %scan3A_322, %mul3A_398 : i32
      %add3A_400 = arith.constant 1 : i32
      %add3A_401 = arith.addi %mul3A_399, %add3A_400 : i32
      %mul3A_402 = arith.constant 128 : i32
      %mul3A_403 = arith.muli %add3A_401, %mul3A_402 : i32
      %add3A_404 = arith.addi %mul3A_14, %mul3A_403 : i32
      %dma_wait3A_405 = arith.constant 0 : i32
      %dma_wait3A_406 = arith.constant 0 : i32
      %dma_wait3A_407 = tpu.memref_slice %arg13[%dma_wait3A_405, %dma_wait3A_406] : memref<10240x128xf32, #tpu.memory_space<vmem_shared>> -> memref<10240x128xf32, #tpu.memory_space<vmem_shared>>
      tpu.wait_indirect_dma semaphore(%arg17 : memref<!tpu.dma_semaphore, #tpu.memory_space<semaphore_mem>>) src(%arg11 : memref<128x128xf32, #tpu.memory_space<vmem>>) dst(%dma_wait3A_407 : memref<10240x128xf32, #tpu.memory_space<vmem_shared>>)
      %dma_wait3A_408 = tpu.memref_slice %arg2[%add3A_404] : memref<320000xi32, #tpu.memory_space<hbm>> -> memref<128xi32, #tpu.memory_space<hbm>>
      %dma_wait3A_409 = tpu.memref_slice %arg2[%add3A_404] : memref<320000xi32, #tpu.memory_space<hbm>> -> memref<128xi32, #tpu.memory_space<hbm>>
      tpu.wait_dma2 semaphore(%arg15 : memref<!tpu.dma_semaphore, #tpu.memory_space<semaphore_mem>>) src(%dma_wait3A_409 : memref<128xi32, #tpu.memory_space<hbm>>) dst(%arg7 : memref<128xi32, #tpu.memory_space<vmem>>)
      %get3A_410 = arith.constant 0 : index
      %get3A_411 = tpu.vector_load %arg7[%get3A_410] {strides = array<i32>} : memref<128xi32, #tpu.memory_space<vmem>>, vector<16xi32>,
      %get3A_412 = vector.shape_cast %get3A_411 : vector<16xi32> to vector<16xi32>
      %swap3A_413 = arith.constant 0 : index
      %swap3A_414 = tpu.vector_load %arg9[%swap3A_413] {strides = array<i32>} : memref<128xi32, #tpu.memory_space<vmem>>, vector<16xi32>,
      %swap3A_415 = vector.shape_cast %swap3A_414 : vector<16xi32> to vector<16xi32>
      %swap3A_416 = vector.shape_cast %get3A_412 : vector<16xi32> to vector<16xi32>
      tpu.vector_store %arg9[%swap3A_413], %swap3A_416 {strides = array<i32>} : memref<128xi32, #tpu.memory_space<vmem>>, vector<16xi32>,
      %get3A_417 = arith.constant 16 : index
      %get3A_418 = tpu.vector_load %arg7[%get3A_417] {strides = array<i32>} : memref<128xi32, #tpu.memory_space<vmem>>, vector<16xi32>,
      %get3A_419 = vector.shape_cast %get3A_418 : vector<16xi32> to vector<16xi32>
      %swap3A_420 = arith.constant 16 : index
      %swap3A_421 = tpu.vector_load %arg9[%swap3A_420] {strides = array<i32>} : memref<128xi32, #tpu.memory_space<vmem>>, vector<16xi32>,
      %swap3A_422 = vector.shape_cast %swap3A_421 : vector<16xi32> to vector<16xi32>
      %swap3A_423 = vector.shape_cast %get3A_419 : vector<16xi32> to vector<16xi32>
      tpu.vector_store %arg9[%swap3A_420], %swap3A_423 {strides = array<i32>} : memref<128xi32, #tpu.memory_space<vmem>>, vector<16xi32>,
      %get3A_424 = arith.constant 32 : index
      %get3A_425 = tpu.vector_load %arg7[%get3A_424] {strides = array<i32>} : memref<128xi32, #tpu.memory_space<vmem>>, vector<16xi32>,
      %get3A_426 = vector.shape_cast %get3A_425 : vector<16xi32> to vector<16xi32>
      %swap3A_427 = arith.constant 32 : index
      %swap3A_428 = tpu.vector_load %arg9[%swap3A_427] {strides = array<i32>} : memref<128xi32, #tpu.memory_space<vmem>>, vector<16xi32>,
      %swap3A_429 = vector.shape_cast %swap3A_428 : vector<16xi32> to vector<16xi32>
      %swap3A_430 = vector.shape_cast %get3A_426 : vector<16xi32> to vector<16xi32>
      tpu.vector_store %arg9[%swap3A_427], %swap3A_430 {strides = array<i32>} : memref<128xi32, #tpu.memory_space<vmem>>, vector<16xi32>,
      %get3A_431 = arith.constant 48 : index
      %get3A_432 = tpu.vector_load %arg7[%get3A_431] {strides = array<i32>} : memref<128xi32, #tpu.memory_space<vmem>>, vector<16xi32>,
      %get3A_433 = vector.shape_cast %get3A_432 : vector<16xi32> to vector<16xi32>
      %swap3A_434 = arith.constant 48 : index
      %swap3A_435 = tpu.vector_load %arg9[%swap3A_434] {strides = array<i32>} : memref<128xi32, #tpu.memory_space<vmem>>, vector<16xi32>,
      %swap3A_436 = vector.shape_cast %swap3A_435 : vector<16xi32> to vector<16xi32>
      %swap3A_437 = vector.shape_cast %get3A_433 : vector<16xi32> to vector<16xi32>
      tpu.vector_store %arg9[%swap3A_434], %swap3A_437 {strides = array<i32>} : memref<128xi32, #tpu.memory_space<vmem>>, vector<16xi32>,
      %get3A_438 = arith.constant 64 : index
      %get3A_439 = tpu.vector_load %arg7[%get3A_438] {strides = array<i32>} : memref<128xi32, #tpu.memory_space<vmem>>, vector<16xi32>,
      %get3A_440 = vector.shape_cast %get3A_439 : vector<16xi32> to vector<16xi32>
      %swap3A_441 = arith.constant 64 : index
      %swap3A_442 = tpu.vector_load %arg9[%swap3A_441] {strides = array<i32>} : memref<128xi32, #tpu.memory_space<vmem>>, vector<16xi32>,
      %swap3A_443 = vector.shape_cast %swap3A_442 : vector<16xi32> to vector<16xi32>
      %swap3A_444 = vector.shape_cast %get3A_440 : vector<16xi32> to vector<16xi32>
      tpu.vector_store %arg9[%swap3A_441], %swap3A_444 {strides = array<i32>} : memref<128xi32, #tpu.memory_space<vmem>>, vector<16xi32>,
      %get3A_445 = arith.constant 80 : index
      %get3A_446 = tpu.vector_load %arg7[%get3A_445] {strides = array<i32>} : memref<128xi32, #tpu.memory_space<vmem>>, vector<16xi32>,
      %get3A_447 = vector.shape_cast %get3A_446 : vector<16xi32> to vector<16xi32>
      %swap3A_448 = arith.constant 80 : index
      %swap3A_449 = tpu.vector_load %arg9[%swap3A_448] {strides = array<i32>} : memref<128xi32, #tpu.memory_space<vmem>>, vector<16xi32>,
      %swap3A_450 = vector.shape_cast %swap3A_449 : vector<16xi32> to vector<16xi32>
      %swap3A_451 = vector.shape_cast %get3A_447 : vector<16xi32> to vector<16xi32>
      tpu.vector_store %arg9[%swap3A_448], %swap3A_451 {strides = array<i32>} : memref<128xi32, #tpu.memory_space<vmem>>, vector<16xi32>,
      %get3A_452 = arith.constant 96 : index
      %get3A_453 = tpu.vector_load %arg7[%get3A_452] {strides = array<i32>} : memref<128xi32, #tpu.memory_space<vmem>>, vector<16xi32>,
      %get3A_454 = vector.shape_cast %get3A_453 : vector<16xi32> to vector<16xi32>
      %swap3A_455 = arith.constant 96 : index
      %swap3A_456 = tpu.vector_load %arg9[%swap3A_455] {strides = array<i32>} : memref<128xi32, #tpu.memory_space<vmem>>, vector<16xi32>,
      %swap3A_457 = vector.shape_cast %swap3A_456 : vector<16xi32> to vector<16xi32>
      %swap3A_458 = vector.shape_cast %get3A_454 : vector<16xi32> to vector<16xi32>
      tpu.vector_store %arg9[%swap3A_455], %swap3A_458 {strides = array<i32>} : memref<128xi32, #tpu.memory_space<vmem>>, vector<16xi32>,
      %get3A_459 = arith.constant 112 : index
      %get3A_460 = tpu.vector_load %arg7[%get3A_459] {strides = array<i32>} : memref<128xi32, #tpu.memory_space<vmem>>, vector<16xi32>,
      %get3A_461 = vector.shape_cast %get3A_460 : vector<16xi32> to vector<16xi32>
      %swap3A_462 = arith.constant 112 : index
      %swap3A_463 = tpu.vector_load %arg9[%swap3A_462] {strides = array<i32>} : memref<128xi32, #tpu.memory_space<vmem>>, vector<16xi32>,
      %swap3A_464 = vector.shape_cast %swap3A_463 : vector<16xi32> to vector<16xi32>
      %swap3A_465 = vector.shape_cast %get3A_461 : vector<16xi32> to vector<16xi32>
      tpu.vector_store %arg9[%swap3A_462], %swap3A_465 {strides = array<i32>} : memref<128xi32, #tpu.memory_space<vmem>>, vector<16xi32>,
      %add3A_466 = arith.constant 256 : i32
      %add3A_467 = arith.addi %add3A_404, %add3A_466 : i32
      %dma_start3A_468 = tpu.memref_slice %arg2[%add3A_467] : memref<320000xi32, #tpu.memory_space<hbm>> -> memref<128xi32, #tpu.memory_space<hbm>>
      %dma_start3A_469 = tpu.memref_slice %arg2[%add3A_467] : memref<320000xi32, #tpu.memory_space<hbm>> -> memref<128xi32, #tpu.memory_space<hbm>>
      tpu.enqueue_dma source(%dma_start3A_469 : memref<128xi32, #tpu.memory_space<hbm>>) target(%arg7 : memref<128xi32, #tpu.memory_space<vmem>>) target_semaphore(%arg15 : memref<!tpu.dma_semaphore, #tpu.memory_space<semaphore_mem>>)
      %dma_start3A_470 = arith.constant 0 : i32
      %dma_start3A_471 = arith.constant 0 : i32
      %dma_start3A_472 = tpu.memref_slice %arg13[%dma_start3A_470, %dma_start3A_471] : memref<10240x128xf32, #tpu.memory_space<vmem_shared>> -> memref<10240x128xf32, #tpu.memory_space<vmem_shared>>
      tpu.enqueue_indirect_dma source(%arg11 : memref<128x128xf32, #tpu.memory_space<vmem>>) target(%dma_start3A_472 : memref<10240x128xf32, #tpu.memory_space<vmem_shared>>) offsets(%arg9 : memref<128xi32, #tpu.memory_space<vmem>>) semaphore(%arg17 : memref<!tpu.dma_semaphore, #tpu.memory_space<semaphore_mem>>) {add = true}
    }
    %scan3A_157 = arith.constant 37 : i32
    %add3A_158 = arith.constant 9728 : i32
    %add3A_159 = arith.addi %mul3A_14, %add3A_158 : i32
    %dma_wait3A_160 = arith.constant 0 : i32
    %dma_wait3A_161 = arith.constant 0 : i32
    %dma_wait3A_162 = tpu.memref_slice %arg13[%dma_wait3A_160, %dma_wait3A_161] : memref<10240x128xf32, #tpu.memory_space<vmem_shared>> -> memref<10240x128xf32, #tpu.memory_space<vmem_shared>>
    tpu.wait_indirect_dma semaphore(%arg16 : memref<!tpu.dma_semaphore, #tpu.memory_space<semaphore_mem>>) src(%arg11 : memref<128x128xf32, #tpu.memory_space<vmem>>) dst(%dma_wait3A_162 : memref<10240x128xf32, #tpu.memory_space<vmem_shared>>)
    %dma_wait3A_163 = tpu.memref_slice %arg2[%add3A_159] : memref<320000xi32, #tpu.memory_space<hbm>> -> memref<128xi32, #tpu.memory_space<hbm>>
    %dma_wait3A_164 = tpu.memref_slice %arg2[%add3A_159] : memref<320000xi32, #tpu.memory_space<hbm>> -> memref<128xi32, #tpu.memory_space<hbm>>
    tpu.wait_dma2 semaphore(%arg14 : memref<!tpu.dma_semaphore, #tpu.memory_space<semaphore_mem>>) src(%dma_wait3A_164 : memref<128xi32, #tpu.memory_space<hbm>>) dst(%arg6 : memref<128xi32, #tpu.memory_space<vmem>>)
    %get3A_165 = arith.constant 0 : index
    %get3A_166 = tpu.vector_load %arg6[%get3A_165] {strides = array<i32>} : memref<128xi32, #tpu.memory_space<vmem>>, vector<16xi32>,
    %get3A_167 = vector.shape_cast %get3A_166 : vector<16xi32> to vector<16xi32>
    %swap3A_168 = arith.constant 0 : index
    %swap3A_169 = tpu.vector_load %arg8[%swap3A_168] {strides = array<i32>} : memref<128xi32, #tpu.memory_space<vmem>>, vector<16xi32>,
    %swap3A_170 = vector.shape_cast %swap3A_169 : vector<16xi32> to vector<16xi32>
    %swap3A_171 = vector.shape_cast %get3A_167 : vector<16xi32> to vector<16xi32>
    tpu.vector_store %arg8[%swap3A_168], %swap3A_171 {strides = array<i32>} : memref<128xi32, #tpu.memory_space<vmem>>, vector<16xi32>,
    %get3A_172 = arith.constant 16 : index
    %get3A_173 = tpu.vector_load %arg6[%get3A_172] {strides = array<i32>} : memref<128xi32, #tpu.memory_space<vmem>>, vector<16xi32>,
    %get3A_174 = vector.shape_cast %get3A_173 : vector<16xi32> to vector<16xi32>
    %swap3A_175 = arith.constant 16 : index
    %swap3A_176 = tpu.vector_load %arg8[%swap3A_175] {strides = array<i32>} : memref<128xi32, #tpu.memory_space<vmem>>, vector<16xi32>,
    %swap3A_177 = vector.shape_cast %swap3A_176 : vector<16xi32> to vector<16xi32>
    %swap3A_178 = vector.shape_cast %get3A_174 : vector<16xi32> to vector<16xi32>
    tpu.vector_store %arg8[%swap3A_175], %swap3A_178 {strides = array<i32>} : memref<128xi32, #tpu.memory_space<vmem>>, vector<16xi32>,
    %get3A_179 = arith.constant 32 : index
    %get3A_180 = tpu.vector_load %arg6[%get3A_179] {strides = array<i32>} : memref<128xi32, #tpu.memory_space<vmem>>, vector<16xi32>,
    %get3A_181 = vector.shape_cast %get3A_180 : vector<16xi32> to vector<16xi32>
    %swap3A_182 = arith.constant 32 : index
    %swap3A_183 = tpu.vector_load %arg8[%swap3A_182] {strides = array<i32>} : memref<128xi32, #tpu.memory_space<vmem>>, vector<16xi32>,
    %swap3A_184 = vector.shape_cast %swap3A_183 : vector<16xi32> to vector<16xi32>
    %swap3A_185 = vector.shape_cast %get3A_181 : vector<16xi32> to vector<16xi32>
    tpu.vector_store %arg8[%swap3A_182], %swap3A_185 {strides = array<i32>} : memref<128xi32, #tpu.memory_space<vmem>>, vector<16xi32>,
    %get3A_186 = arith.constant 48 : index
    %get3A_187 = tpu.vector_load %arg6[%get3A_186] {strides = array<i32>} : memref<128xi32, #tpu.memory_space<vmem>>, vector<16xi32>,
    %get3A_188 = vector.shape_cast %get3A_187 : vector<16xi32> to vector<16xi32>
    %swap3A_189 = arith.constant 48 : index
    %swap3A_190 = tpu.vector_load %arg8[%swap3A_189] {strides = array<i32>} : memref<128xi32, #tpu.memory_space<vmem>>, vector<16xi32>,
    %swap3A_191 = vector.shape_cast %swap3A_190 : vector<16xi32> to vector<16xi32>
    %swap3A_192 = vector.shape_cast %get3A_188 : vector<16xi32> to vector<16xi32>
    tpu.vector_store %arg8[%swap3A_189], %swap3A_192 {strides = array<i32>} : memref<128xi32, #tpu.memory_space<vmem>>, vector<16xi32>,
    %get3A_193 = arith.constant 64 : index
    %get3A_194 = tpu.vector_load %arg6[%get3A_193] {strides = array<i32>} : memref<128xi32, #tpu.memory_space<vmem>>, vector<16xi32>,
    %get3A_195 = vector.shape_cast %get3A_194 : vector<16xi32> to vector<16xi32>
    %swap3A_196 = arith.constant 64 : index
    %swap3A_197 = tpu.vector_load %arg8[%swap3A_196] {strides = array<i32>} : memref<128xi32, #tpu.memory_space<vmem>>, vector<16xi32>,
    %swap3A_198 = vector.shape_cast %swap3A_197 : vector<16xi32> to vector<16xi32>
    %swap3A_199 = vector.shape_cast %get3A_195 : vector<16xi32> to vector<16xi32>
    tpu.vector_store %arg8[%swap3A_196], %swap3A_199 {strides = array<i32>} : memref<128xi32, #tpu.memory_space<vmem>>, vector<16xi32>,
    %get3A_200 = arith.constant 80 : index
    %get3A_201 = tpu.vector_load %arg6[%get3A_200] {strides = array<i32>} : memref<128xi32, #tpu.memory_space<vmem>>, vector<16xi32>,
    %get3A_202 = vector.shape_cast %get3A_201 : vector<16xi32> to vector<16xi32>
    %swap3A_203 = arith.constant 80 : index
    %swap3A_204 = tpu.vector_load %arg8[%swap3A_203] {strides = array<i32>} : memref<128xi32, #tpu.memory_space<vmem>>, vector<16xi32>,
    %swap3A_205 = vector.shape_cast %swap3A_204 : vector<16xi32> to vector<16xi32>
    %swap3A_206 = vector.shape_cast %get3A_202 : vector<16xi32> to vector<16xi32>
    tpu.vector_store %arg8[%swap3A_203], %swap3A_206 {strides = array<i32>} : memref<128xi32, #tpu.memory_space<vmem>>, vector<16xi32>,
    %get3A_207 = arith.constant 96 : index
    %get3A_208 = tpu.vector_load %arg6[%get3A_207] {strides = array<i32>} : memref<128xi32, #tpu.memory_space<vmem>>, vector<16xi32>,
    %get3A_209 = vector.shape_cast %get3A_208 : vector<16xi32> to vector<16xi32>
    %swap3A_210 = arith.constant 96 : index
    %swap3A_211 = tpu.vector_load %arg8[%swap3A_210] {strides = array<i32>} : memref<128xi32, #tpu.memory_space<vmem>>, vector<16xi32>,
    %swap3A_212 = vector.shape_cast %swap3A_211 : vector<16xi32> to vector<16xi32>
    %swap3A_213 = vector.shape_cast %get3A_209 : vector<16xi32> to vector<16xi32>
    tpu.vector_store %arg8[%swap3A_210], %swap3A_213 {strides = array<i32>} : memref<128xi32, #tpu.memory_space<vmem>>, vector<16xi32>,
    %get3A_214 = arith.constant 112 : index
    %get3A_215 = tpu.vector_load %arg6[%get3A_214] {strides = array<i32>} : memref<128xi32, #tpu.memory_space<vmem>>, vector<16xi32>,
    %get3A_216 = vector.shape_cast %get3A_215 : vector<16xi32> to vector<16xi32>
    %swap3A_217 = arith.constant 112 : index
    %swap3A_218 = tpu.vector_load %arg8[%swap3A_217] {strides = array<i32>} : memref<128xi32, #tpu.memory_space<vmem>>, vector<16xi32>,
    %swap3A_219 = vector.shape_cast %swap3A_218 : vector<16xi32> to vector<16xi32>
    %swap3A_220 = vector.shape_cast %get3A_216 : vector<16xi32> to vector<16xi32>
    tpu.vector_store %arg8[%swap3A_217], %swap3A_220 {strides = array<i32>} : memref<128xi32, #tpu.memory_space<vmem>>, vector<16xi32>,
    %dma_start3A_221 = arith.constant 0 : i32
    %dma_start3A_222 = arith.constant 0 : i32
    %dma_start3A_223 = tpu.memref_slice %arg13[%dma_start3A_221, %dma_start3A_222] : memref<10240x128xf32, #tpu.memory_space<vmem_shared>> -> memref<10240x128xf32, #tpu.memory_space<vmem_shared>>
    tpu.enqueue_indirect_dma source(%arg11 : memref<128x128xf32, #tpu.memory_space<vmem>>) target(%dma_start3A_223 : memref<10240x128xf32, #tpu.memory_space<vmem_shared>>) offsets(%arg8 : memref<128xi32, #tpu.memory_space<vmem>>) semaphore(%arg16 : memref<!tpu.dma_semaphore, #tpu.memory_space<semaphore_mem>>) {add = true}
    %add3A_224 = arith.constant 9856 : i32
    %add3A_225 = arith.addi %mul3A_14, %add3A_224 : i32
    %dma_wait3A_226 = arith.constant 0 : i32
    %dma_wait3A_227 = arith.constant 0 : i32
    %dma_wait3A_228 = tpu.memref_slice %arg13[%dma_wait3A_226, %dma_wait3A_227] : memref<10240x128xf32, #tpu.memory_space<vmem_shared>> -> memref<10240x128xf32, #tpu.memory_space<vmem_shared>>
    tpu.wait_indirect_dma semaphore(%arg17 : memref<!tpu.dma_semaphore, #tpu.memory_space<semaphore_mem>>) src(%arg11 : memref<128x128xf32, #tpu.memory_space<vmem>>) dst(%dma_wait3A_228 : memref<10240x128xf32, #tpu.memory_space<vmem_shared>>)
    %dma_wait3A_229 = tpu.memref_slice %arg2[%add3A_225] : memref<320000xi32, #tpu.memory_space<hbm>> -> memref<128xi32, #tpu.memory_space<hbm>>
    %dma_wait3A_230 = tpu.memref_slice %arg2[%add3A_225] : memref<320000xi32, #tpu.memory_space<hbm>> -> memref<128xi32, #tpu.memory_space<hbm>>
    tpu.wait_dma2 semaphore(%arg15 : memref<!tpu.dma_semaphore, #tpu.memory_space<semaphore_mem>>) src(%dma_wait3A_230 : memref<128xi32, #tpu.memory_space<hbm>>) dst(%arg7 : memref<128xi32, #tpu.memory_space<vmem>>)
    %get3A_231 = arith.constant 0 : index
    %get3A_232 = tpu.vector_load %arg7[%get3A_231] {strides = array<i32>} : memref<128xi32, #tpu.memory_space<vmem>>, vector<16xi32>,
    %get3A_233 = vector.shape_cast %get3A_232 : vector<16xi32> to vector<16xi32>
    %swap3A_234 = arith.constant 0 : index
    %swap3A_235 = tpu.vector_load %arg9[%swap3A_234] {strides = array<i32>} : memref<128xi32, #tpu.memory_space<vmem>>, vector<16xi32>,
    %swap3A_236 = vector.shape_cast %swap3A_235 : vector<16xi32> to vector<16xi32>
    %swap3A_237 = vector.shape_cast %get3A_233 : vector<16xi32> to vector<16xi32>
    tpu.vector_store %arg9[%swap3A_234], %swap3A_237 {strides = array<i32>} : memref<128xi32, #tpu.memory_space<vmem>>, vector<16xi32>,
    %get3A_238 = arith.constant 16 : index
    %get3A_239 = tpu.vector_load %arg7[%get3A_238] {strides = array<i32>} : memref<128xi32, #tpu.memory_space<vmem>>, vector<16xi32>,
    %get3A_240 = vector.shape_cast %get3A_239 : vector<16xi32> to vector<16xi32>
    %swap3A_241 = arith.constant 16 : index
    %swap3A_242 = tpu.vector_load %arg9[%swap3A_241] {strides = array<i32>} : memref<128xi32, #tpu.memory_space<vmem>>, vector<16xi32>,
    %swap3A_243 = vector.shape_cast %swap3A_242 : vector<16xi32> to vector<16xi32>
    %swap3A_244 = vector.shape_cast %get3A_240 : vector<16xi32> to vector<16xi32>
    tpu.vector_store %arg9[%swap3A_241], %swap3A_244 {strides = array<i32>} : memref<128xi32, #tpu.memory_space<vmem>>, vector<16xi32>,
    %get3A_245 = arith.constant 32 : index
    %get3A_246 = tpu.vector_load %arg7[%get3A_245] {strides = array<i32>} : memref<128xi32, #tpu.memory_space<vmem>>, vector<16xi32>,
    %get3A_247 = vector.shape_cast %get3A_246 : vector<16xi32> to vector<16xi32>
    %swap3A_248 = arith.constant 32 : index
    %swap3A_249 = tpu.vector_load %arg9[%swap3A_248] {strides = array<i32>} : memref<128xi32, #tpu.memory_space<vmem>>, vector<16xi32>,
    %swap3A_250 = vector.shape_cast %swap3A_249 : vector<16xi32> to vector<16xi32>
    %swap3A_251 = vector.shape_cast %get3A_247 : vector<16xi32> to vector<16xi32>
    tpu.vector_store %arg9[%swap3A_248], %swap3A_251 {strides = array<i32>} : memref<128xi32, #tpu.memory_space<vmem>>, vector<16xi32>,
    %get3A_252 = arith.constant 48 : index
    %get3A_253 = tpu.vector_load %arg7[%get3A_252] {strides = array<i32>} : memref<128xi32, #tpu.memory_space<vmem>>, vector<16xi32>,
    %get3A_254 = vector.shape_cast %get3A_253 : vector<16xi32> to vector<16xi32>
    %swap3A_255 = arith.constant 48 : index
    %swap3A_256 = tpu.vector_load %arg9[%swap3A_255] {strides = array<i32>} : memref<128xi32, #tpu.memory_space<vmem>>, vector<16xi32>,
    %swap3A_257 = vector.shape_cast %swap3A_256 : vector<16xi32> to vector<16xi32>
    %swap3A_258 = vector.shape_cast %get3A_254 : vector<16xi32> to vector<16xi32>
    tpu.vector_store %arg9[%swap3A_255], %swap3A_258 {strides = array<i32>} : memref<128xi32, #tpu.memory_space<vmem>>, vector<16xi32>,
    %get3A_259 = arith.constant 64 : index
    %get3A_260 = tpu.vector_load %arg7[%get3A_259] {strides = array<i32>} : memref<128xi32, #tpu.memory_space<vmem>>, vector<16xi32>,
    %get3A_261 = vector.shape_cast %get3A_260 : vector<16xi32> to vector<16xi32>
    %swap3A_262 = arith.constant 64 : index
    %swap3A_263 = tpu.vector_load %arg9[%swap3A_262] {strides = array<i32>} : memref<128xi32, #tpu.memory_space<vmem>>, vector<16xi32>,
    %swap3A_264 = vector.shape_cast %swap3A_263 : vector<16xi32> to vector<16xi32>
    %swap3A_265 = vector.shape_cast %get3A_261 : vector<16xi32> to vector<16xi32>
    tpu.vector_store %arg9[%swap3A_262], %swap3A_265 {strides = array<i32>} : memref<128xi32, #tpu.memory_space<vmem>>, vector<16xi32>,
    %get3A_266 = arith.constant 80 : index
    %get3A_267 = tpu.vector_load %arg7[%get3A_266] {strides = array<i32>} : memref<128xi32, #tpu.memory_space<vmem>>, vector<16xi32>,
    %get3A_268 = vector.shape_cast %get3A_267 : vector<16xi32> to vector<16xi32>
    %swap3A_269 = arith.constant 80 : index
    %swap3A_270 = tpu.vector_load %arg9[%swap3A_269] {strides = array<i32>} : memref<128xi32, #tpu.memory_space<vmem>>, vector<16xi32>,
    %swap3A_271 = vector.shape_cast %swap3A_270 : vector<16xi32> to vector<16xi32>
    %swap3A_272 = vector.shape_cast %get3A_268 : vector<16xi32> to vector<16xi32>
    tpu.vector_store %arg9[%swap3A_269], %swap3A_272 {strides = array<i32>} : memref<128xi32, #tpu.memory_space<vmem>>, vector<16xi32>,
    %get3A_273 = arith.constant 96 : index
    %get3A_274 = tpu.vector_load %arg7[%get3A_273] {strides = array<i32>} : memref<128xi32, #tpu.memory_space<vmem>>, vector<16xi32>,
    %get3A_275 = vector.shape_cast %get3A_274 : vector<16xi32> to vector<16xi32>
    %swap3A_276 = arith.constant 96 : index
    %swap3A_277 = tpu.vector_load %arg9[%swap3A_276] {strides = array<i32>} : memref<128xi32, #tpu.memory_space<vmem>>, vector<16xi32>,
    %swap3A_278 = vector.shape_cast %swap3A_277 : vector<16xi32> to vector<16xi32>
    %swap3A_279 = vector.shape_cast %get3A_275 : vector<16xi32> to vector<16xi32>
    tpu.vector_store %arg9[%swap3A_276], %swap3A_279 {strides = array<i32>} : memref<128xi32, #tpu.memory_space<vmem>>, vector<16xi32>,
    %get3A_280 = arith.constant 112 : index
    %get3A_281 = tpu.vector_load %arg7[%get3A_280] {strides = array<i32>} : memref<128xi32, #tpu.memory_space<vmem>>, vector<16xi32>,
    %get3A_282 = vector.shape_cast %get3A_281 : vector<16xi32> to vector<16xi32>
    %swap3A_283 = arith.constant 112 : index
    %swap3A_284 = tpu.vector_load %arg9[%swap3A_283] {strides = array<i32>} : memref<128xi32, #tpu.memory_space<vmem>>, vector<16xi32>,
    %swap3A_285 = vector.shape_cast %swap3A_284 : vector<16xi32> to vector<16xi32>
    %swap3A_286 = vector.shape_cast %get3A_282 : vector<16xi32> to vector<16xi32>
    tpu.vector_store %arg9[%swap3A_283], %swap3A_286 {strides = array<i32>} : memref<128xi32, #tpu.memory_space<vmem>>, vector<16xi32>,
    %dma_start3A_287 = arith.constant 0 : i32
    %dma_start3A_288 = arith.constant 0 : i32
    %dma_start3A_289 = tpu.memref_slice %arg13[%dma_start3A_287, %dma_start3A_288] : memref<10240x128xf32, #tpu.memory_space<vmem_shared>> -> memref<10240x128xf32, #tpu.memory_space<vmem_shared>>
    tpu.enqueue_indirect_dma source(%arg11 : memref<128x128xf32, #tpu.memory_space<vmem>>) target(%dma_start3A_289 : memref<10240x128xf32, #tpu.memory_space<vmem_shared>>) offsets(%arg9 : memref<128xi32, #tpu.memory_space<vmem>>) semaphore(%arg17 : memref<!tpu.dma_semaphore, #tpu.memory_space<semaphore_mem>>) {add = true}
    %dma_wait3A_290 = arith.constant 0 : i32
    %dma_wait3A_291 = arith.constant 0 : i32
    %dma_wait3A_292 = tpu.memref_slice %arg13[%dma_wait3A_290, %dma_wait3A_291] : memref<10240x128xf32, #tpu.memory_space<vmem_shared>> -> memref<10240x128xf32, #tpu.memory_space<vmem_shared>>
    tpu.wait_indirect_dma semaphore(%arg16 : memref<!tpu.dma_semaphore, #tpu.memory_space<semaphore_mem>>) src(%arg11 : memref<128x128xf32, #tpu.memory_space<vmem>>) dst(%dma_wait3A_292 : memref<10240x128xf32, #tpu.memory_space<vmem_shared>>)
    %dma_wait3A_293 = arith.constant 0 : i32
    %dma_wait3A_294 = arith.constant 0 : i32
    %dma_wait3A_295 = tpu.memref_slice %arg13[%dma_wait3A_293, %dma_wait3A_294] : memref<10240x128xf32, #tpu.memory_space<vmem_shared>> -> memref<10240x128xf32, #tpu.memory_space<vmem_shared>>
    tpu.wait_indirect_dma semaphore(%arg17 : memref<!tpu.dma_semaphore, #tpu.memory_space<semaphore_mem>>) src(%arg11 : memref<128x128xf32, #tpu.memory_space<vmem>>) dst(%dma_wait3A_295 : memref<10240x128xf32, #tpu.memory_space<vmem_shared>>)
    %add3A_296 = arith.constant 9984 : i32
    %add3A_297 = arith.addi %mul3A_14, %add3A_296 : i32
    "tpu.region"() ({
      %run_scoped3A = tpu.sem_alloc : memref<!tpu.dma_semaphore, #tpu.memory_space<semaphore_mem>>
      %dma_start3A_322 = tpu.memref_slice %arg2[%add3A_297] : memref<320000xi32, #tpu.memory_space<hbm>> -> memref<16xi32, #tpu.memory_space<hbm>>
      %dma_start3A_323 = tpu.memref_slice %arg2[%add3A_297] : memref<320000xi32, #tpu.memory_space<hbm>> -> memref<16xi32, #tpu.memory_space<hbm>>
      tpu.enqueue_dma source(%dma_start3A_323 : memref<16xi32, #tpu.memory_space<hbm>>) target(%arg10 : memref<16xi32, #tpu.memory_space<vmem>>) target_semaphore(%run_scoped3A : memref<!tpu.dma_semaphore, #tpu.memory_space<semaphore_mem>>)
      %dma_wait3A_324 = tpu.memref_slice %arg2[%add3A_297] : memref<320000xi32, #tpu.memory_space<hbm>> -> memref<16xi32, #tpu.memory_space<hbm>>
      %dma_wait3A_325 = tpu.memref_slice %arg2[%add3A_297] : memref<320000xi32, #tpu.memory_space<hbm>> -> memref<16xi32, #tpu.memory_space<hbm>>
      tpu.wait_dma2 semaphore(%run_scoped3A : memref<!tpu.dma_semaphore, #tpu.memory_space<semaphore_mem>>) src(%dma_wait3A_325 : memref<16xi32, #tpu.memory_space<hbm>>) dst(%arg10 : memref<16xi32, #tpu.memory_space<vmem>>)
      tpu.yield
    }) : () -> ()
    "tpu.region"() ({
      %run_scoped3A = tpu.sem_alloc : memref<!tpu.dma_semaphore, #tpu.memory_space<semaphore_mem>>
      %dma_start3A_322 = arith.constant 0 : i32
      %dma_start3A_323 = arith.constant 0 : i32
      %dma_start3A_324 = tpu.memref_slice %arg11[%dma_start3A_322, %dma_start3A_323] : memref<128x128xf32, #tpu.memory_space<vmem>> -> memref<16x128xf32, #tpu.memory_space<vmem>>
      %dma_start3A_325 = arith.constant 0 : i32
      %dma_start3A_326 = arith.constant 0 : i32
      %dma_start3A_327 = tpu.memref_slice %arg13[%dma_start3A_325, %dma_start3A_326] : memref<10240x128xf32, #tpu.memory_space<vmem_shared>> -> memref<10240x128xf32, #tpu.memory_space<vmem_shared>>
      tpu.enqueue_indirect_dma source(%dma_start3A_324 : memref<16x128xf32, #tpu.memory_space<vmem>>) target(%dma_start3A_327 : memref<10240x128xf32, #tpu.memory_space<vmem_shared>>) offsets(%arg10 : memref<16xi32, #tpu.memory_space<vmem>>) semaphore(%run_scoped3A : memref<!tpu.dma_semaphore, #tpu.memory_space<semaphore_mem>>) {add = true}
      %dma_wait3A_328 = arith.constant 0 : i32
      %dma_wait3A_329 = arith.constant 0 : i32
      %dma_wait3A_330 = tpu.memref_slice %arg11[%dma_wait3A_328, %dma_wait3A_329] : memref<128x128xf32, #tpu.memory_space<vmem>> -> memref<16x128xf32, #tpu.memory_space<vmem>>
      %dma_wait3A_331 = arith.constant 0 : i32
      %dma_wait3A_332 = arith.constant 0 : i32
      %dma_wait3A_333 = tpu.memref_slice %arg13[%dma_wait3A_331, %dma_wait3A_332] : memref<10240x128xf32, #tpu.memory_space<vmem_shared>> -> memref<10240x128xf32, #tpu.memory_space<vmem_shared>>
      tpu.wait_indirect_dma semaphore(%run_scoped3A : memref<!tpu.dma_semaphore, #tpu.memory_space<semaphore_mem>>) src(%dma_wait3A_330 : memref<16x128xf32, #tpu.memory_space<vmem>>) dst(%dma_wait3A_333 : memref<10240x128xf32, #tpu.memory_space<vmem_shared>>)
      tpu.yield
    }) : () -> ()
    %barrier3A_298 = arith.constant 0 : index
    tpu.barrier barrier_id(%barrier3A_298)
    %mul3A_299 = arith.constant 10240 : i32
    %mul3A_300 = arith.muli %arg0, %mul3A_299 : i32
    %add3A_301 = arith.addi %mul3A_300, %mul3A_2 : i32
    %add3A_302 = arith.constant 0 : i32
    %add3A_303 = arith.addi %mul3A_2, %add3A_302 : i32
    "tpu.region"() ({
      %run_scoped3A = tpu.sem_alloc : memref<!tpu.dma_semaphore, #tpu.memory_space<semaphore_mem>>
      %dma_start3A_322 = arith.constant 0 : i32
      %dma_start3A_323 = tpu.memref_slice %arg13[%add3A_303, %dma_start3A_322] : memref<10240x128xf32, #tpu.memory_space<vmem_shared>> -> memref<128x128xf32, #tpu.memory_space<vmem_shared>>
      %dma_start3A_324 = arith.constant 0 : i32
      %dma_start3A_325 = tpu.memref_slice %arg13[%add3A_303, %dma_start3A_324] : memref<10240x128xf32, #tpu.memory_space<vmem_shared>> -> memref<128x128xf32, #tpu.memory_space<vmem_shared>>
      tpu.enqueue_dma source(%dma_start3A_325 : memref<128x128xf32, #tpu.memory_space<vmem_shared>>) target(%arg12 : memref<128x128xf32, #tpu.memory_space<vmem>>) target_semaphore(%run_scoped3A : memref<!tpu.dma_semaphore, #tpu.memory_space<semaphore_mem>>)
      %dma_wait3A_326 = arith.constant 0 : i32
      %dma_wait3A_327 = tpu.memref_slice %arg13[%add3A_303, %dma_wait3A_326] : memref<10240x128xf32, #tpu.memory_space<vmem_shared>> -> memref<128x128xf32, #tpu.memory_space<vmem_shared>>
      %dma_wait3A_328 = arith.constant 0 : i32
      %dma_wait3A_329 = tpu.memref_slice %arg13[%add3A_303, %dma_wait3A_328] : memref<10240x128xf32, #tpu.memory_space<vmem_shared>> -> memref<128x128xf32, #tpu.memory_space<vmem_shared>>
      tpu.wait_dma2 semaphore(%run_scoped3A : memref<!tpu.dma_semaphore, #tpu.memory_space<semaphore_mem>>) src(%dma_wait3A_329 : memref<128x128xf32, #tpu.memory_space<vmem_shared>>) dst(%arg12 : memref<128x128xf32, #tpu.memory_space<vmem>>)
      tpu.yield
    }) : () -> ()
    %add3A_304 = arith.constant 0 : i32
    %add3A_305 = arith.addi %add3A_301, %add3A_304 : i32
    "tpu.region"() ({
      %run_scoped3A = tpu.sem_alloc : memref<!tpu.dma_semaphore, #tpu.memory_space<semaphore_mem>>
      %dma_start3A_322 = arith.constant 0 : i32
      %dma_start3A_323 = tpu.memref_slice %arg5[%add3A_305, %dma_start3A_322] : memref<20480x128xf32, #tpu.memory_space<hbm>> -> memref<128x128xf32, #tpu.memory_space<hbm>>
      %dma_start3A_324 = arith.constant 0 : i32
      %dma_start3A_325 = tpu.memref_slice %arg5[%add3A_305, %dma_start3A_324] : memref<20480x128xf32, #tpu.memory_space<hbm>> -> memref<128x128xf32, #tpu.memory_space<hbm>>
      tpu.enqueue_dma source(%arg12 : memref<128x128xf32, #tpu.memory_space<vmem>>) target(%dma_start3A_325 : memref<128x128xf32, #tpu.memory_space<hbm>>) target_semaphore(%run_scoped3A : memref<!tpu.dma_semaphore, #tpu.memory_space<semaphore_mem>>)
      %dma_wait3A_326 = arith.constant 0 : i32
      %dma_wait3A_327 = tpu.memref_slice %arg5[%add3A_305, %dma_wait3A_326] : memref<20480x128xf32, #tpu.memory_space<hbm>> -> memref<128x128xf32, #tpu.memory_space<hbm>>
      %dma_wait3A_328 = arith.constant 0 : i32
      %dma_wait3A_329 = tpu.memref_slice %arg5[%add3A_305, %dma_wait3A_328] : memref<20480x128xf32, #tpu.memory_space<hbm>> -> memref<128x128xf32, #tpu.memory_space<hbm>>
      tpu.wait_dma2 semaphore(%run_scoped3A : memref<!tpu.dma_semaphore, #tpu.memory_space<semaphore_mem>>) src(%arg12 : memref<128x128xf32, #tpu.memory_space<vmem>>) dst(%dma_wait3A_329 : memref<128x128xf32, #tpu.memory_space<hbm>>)
      tpu.yield
    }) : () -> ()
    %add3A_306 = arith.constant 128 : i32
    %add3A_307 = arith.addi %mul3A_2, %add3A_306 : i32
    "tpu.region"() ({
      %run_scoped3A = tpu.sem_alloc : memref<!tpu.dma_semaphore, #tpu.memory_space<semaphore_mem>>
      %dma_start3A_322 = arith.constant 0 : i32
      %dma_start3A_323 = tpu.memref_slice %arg13[%add3A_307, %dma_start3A_322] : memref<10240x128xf32, #tpu.memory_space<vmem_shared>> -> memref<128x128xf32, #tpu.memory_space<vmem_shared>>
      %dma_start3A_324 = arith.constant 0 : i32
      %dma_start3A_325 = tpu.memref_slice %arg13[%add3A_307, %dma_start3A_324] : memref<10240x128xf32, #tpu.memory_space<vmem_shared>> -> memref<128x128xf32, #tpu.memory_space<vmem_shared>>
      tpu.enqueue_dma source(%dma_start3A_325 : memref<128x128xf32, #tpu.memory_space<vmem_shared>>) target(%arg12 : memref<128x128xf32, #tpu.memory_space<vmem>>) target_semaphore(%run_scoped3A : memref<!tpu.dma_semaphore, #tpu.memory_space<semaphore_mem>>)
      %dma_wait3A_326 = arith.constant 0 : i32
      %dma_wait3A_327 = tpu.memref_slice %arg13[%add3A_307, %dma_wait3A_326] : memref<10240x128xf32, #tpu.memory_space<vmem_shared>> -> memref<128x128xf32, #tpu.memory_space<vmem_shared>>
      %dma_wait3A_328 = arith.constant 0 : i32
      %dma_wait3A_329 = tpu.memref_slice %arg13[%add3A_307, %dma_wait3A_328] : memref<10240x128xf32, #tpu.memory_space<vmem_shared>> -> memref<128x128xf32, #tpu.memory_space<vmem_shared>>
      tpu.wait_dma2 semaphore(%run_scoped3A : memref<!tpu.dma_semaphore, #tpu.memory_space<semaphore_mem>>) src(%dma_wait3A_329 : memref<128x128xf32, #tpu.memory_space<vmem_shared>>) dst(%arg12 : memref<128x128xf32, #tpu.memory_space<vmem>>)
      tpu.yield
    }) : () -> ()
    %add3A_308 = arith.constant 128 : i32
    %add3A_309 = arith.addi %add3A_301, %add3A_308 : i32
    "tpu.region"() ({
      %run_scoped3A = tpu.sem_alloc : memref<!tpu.dma_semaphore, #tpu.memory_space<semaphore_mem>>
      %dma_start3A_322 = arith.constant 0 : i32
      %dma_start3A_323 = tpu.memref_slice %arg5[%add3A_309, %dma_start3A_322] : memref<20480x128xf32, #tpu.memory_space<hbm>> -> memref<128x128xf32, #tpu.memory_space<hbm>>
      %dma_start3A_324 = arith.constant 0 : i32
      %dma_start3A_325 = tpu.memref_slice %arg5[%add3A_309, %dma_start3A_324] : memref<20480x128xf32, #tpu.memory_space<hbm>> -> memref<128x128xf32, #tpu.memory_space<hbm>>
      tpu.enqueue_dma source(%arg12 : memref<128x128xf32, #tpu.memory_space<vmem>>) target(%dma_start3A_325 : memref<128x128xf32, #tpu.memory_space<hbm>>) target_semaphore(%run_scoped3A : memref<!tpu.dma_semaphore, #tpu.memory_space<semaphore_mem>>)
      %dma_wait3A_326 = arith.constant 0 : i32
      %dma_wait3A_327 = tpu.memref_slice %arg5[%add3A_309, %dma_wait3A_326] : memref<20480x128xf32, #tpu.memory_space<hbm>> -> memref<128x128xf32, #tpu.memory_space<hbm>>
      %dma_wait3A_328 = arith.constant 0 : i32
      %dma_wait3A_329 = tpu.memref_slice %arg5[%add3A_309, %dma_wait3A_328] : memref<20480x128xf32, #tpu.memory_space<hbm>> -> memref<128x128xf32, #tpu.memory_space<hbm>>
      tpu.wait_dma2 semaphore(%run_scoped3A : memref<!tpu.dma_semaphore, #tpu.memory_space<semaphore_mem>>) src(%arg12 : memref<128x128xf32, #tpu.memory_space<vmem>>) dst(%dma_wait3A_329 : memref<128x128xf32, #tpu.memory_space<hbm>>)
      tpu.yield
    }) : () -> ()
    %add3A_310 = arith.constant 256 : i32
    %add3A_311 = arith.addi %mul3A_2, %add3A_310 : i32
    "tpu.region"() ({
      %run_scoped3A = tpu.sem_alloc : memref<!tpu.dma_semaphore, #tpu.memory_space<semaphore_mem>>
      %dma_start3A_322 = arith.constant 0 : i32
      %dma_start3A_323 = tpu.memref_slice %arg13[%add3A_311, %dma_start3A_322] : memref<10240x128xf32, #tpu.memory_space<vmem_shared>> -> memref<128x128xf32, #tpu.memory_space<vmem_shared>>
      %dma_start3A_324 = arith.constant 0 : i32
      %dma_start3A_325 = tpu.memref_slice %arg13[%add3A_311, %dma_start3A_324] : memref<10240x128xf32, #tpu.memory_space<vmem_shared>> -> memref<128x128xf32, #tpu.memory_space<vmem_shared>>
      tpu.enqueue_dma source(%dma_start3A_325 : memref<128x128xf32, #tpu.memory_space<vmem_shared>>) target(%arg12 : memref<128x128xf32, #tpu.memory_space<vmem>>) target_semaphore(%run_scoped3A : memref<!tpu.dma_semaphore, #tpu.memory_space<semaphore_mem>>)
      %dma_wait3A_326 = arith.constant 0 : i32
      %dma_wait3A_327 = tpu.memref_slice %arg13[%add3A_311, %dma_wait3A_326] : memref<10240x128xf32, #tpu.memory_space<vmem_shared>> -> memref<128x128xf32, #tpu.memory_space<vmem_shared>>
      %dma_wait3A_328 = arith.constant 0 : i32
      %dma_wait3A_329 = tpu.memref_slice %arg13[%add3A_311, %dma_wait3A_328] : memref<10240x128xf32, #tpu.memory_space<vmem_shared>> -> memref<128x128xf32, #tpu.memory_space<vmem_shared>>
      tpu.wait_dma2 semaphore(%run_scoped3A : memref<!tpu.dma_semaphore, #tpu.memory_space<semaphore_mem>>) src(%dma_wait3A_329 : memref<128x128xf32, #tpu.memory_space<vmem_shared>>) dst(%arg12 : memref<128x128xf32, #tpu.memory_space<vmem>>)
      tpu.yield
    }) : () -> ()
    %add3A_312 = arith.constant 256 : i32
    %add3A_313 = arith.addi %add3A_301, %add3A_312 : i32
    "tpu.region"() ({
      %run_scoped3A = tpu.sem_alloc : memref<!tpu.dma_semaphore, #tpu.memory_space<semaphore_mem>>
      %dma_start3A_322 = arith.constant 0 : i32
      %dma_start3A_323 = tpu.memref_slice %arg5[%add3A_313, %dma_start3A_322] : memref<20480x128xf32, #tpu.memory_space<hbm>> -> memref<128x128xf32, #tpu.memory_space<hbm>>
      %dma_start3A_324 = arith.constant 0 : i32
      %dma_start3A_325 = tpu.memref_slice %arg5[%add3A_313, %dma_start3A_324] : memref<20480x128xf32, #tpu.memory_space<hbm>> -> memref<128x128xf32, #tpu.memory_space<hbm>>
      tpu.enqueue_dma source(%arg12 : memref<128x128xf32, #tpu.memory_space<vmem>>) target(%dma_start3A_325 : memref<128x128xf32, #tpu.memory_space<hbm>>) target_semaphore(%run_scoped3A : memref<!tpu.dma_semaphore, #tpu.memory_space<semaphore_mem>>)
      %dma_wait3A_326 = arith.constant 0 : i32
      %dma_wait3A_327 = tpu.memref_slice %arg5[%add3A_313, %dma_wait3A_326] : memref<20480x128xf32, #tpu.memory_space<hbm>> -> memref<128x128xf32, #tpu.memory_space<hbm>>
      %dma_wait3A_328 = arith.constant 0 : i32
      %dma_wait3A_329 = tpu.memref_slice %arg5[%add3A_313, %dma_wait3A_328] : memref<20480x128xf32, #tpu.memory_space<hbm>> -> memref<128x128xf32, #tpu.memory_space<hbm>>
      tpu.wait_dma2 semaphore(%run_scoped3A : memref<!tpu.dma_semaphore, #tpu.memory_space<semaphore_mem>>) src(%arg12 : memref<128x128xf32, #tpu.memory_space<vmem>>) dst(%dma_wait3A_329 : memref<128x128xf32, #tpu.memory_space<hbm>>)
      tpu.yield
    }) : () -> ()
    %add3A_314 = arith.constant 384 : i32
    %add3A_315 = arith.addi %mul3A_2, %add3A_314 : i32
    "tpu.region"() ({
      %run_scoped3A = tpu.sem_alloc : memref<!tpu.dma_semaphore, #tpu.memory_space<semaphore_mem>>
      %dma_start3A_322 = arith.constant 0 : i32
      %dma_start3A_323 = tpu.memref_slice %arg13[%add3A_315, %dma_start3A_322] : memref<10240x128xf32, #tpu.memory_space<vmem_shared>> -> memref<128x128xf32, #tpu.memory_space<vmem_shared>>
      %dma_start3A_324 = arith.constant 0 : i32
      %dma_start3A_325 = tpu.memref_slice %arg13[%add3A_315, %dma_start3A_324] : memref<10240x128xf32, #tpu.memory_space<vmem_shared>> -> memref<128x128xf32, #tpu.memory_space<vmem_shared>>
      tpu.enqueue_dma source(%dma_start3A_325 : memref<128x128xf32, #tpu.memory_space<vmem_shared>>) target(%arg12 : memref<128x128xf32, #tpu.memory_space<vmem>>) target_semaphore(%run_scoped3A : memref<!tpu.dma_semaphore, #tpu.memory_space<semaphore_mem>>)
      %dma_wait3A_326 = arith.constant 0 : i32
      %dma_wait3A_327 = tpu.memref_slice %arg13[%add3A_315, %dma_wait3A_326] : memref<10240x128xf32, #tpu.memory_space<vmem_shared>> -> memref<128x128xf32, #tpu.memory_space<vmem_shared>>
      %dma_wait3A_328 = arith.constant 0 : i32
      %dma_wait3A_329 = tpu.memref_slice %arg13[%add3A_315, %dma_wait3A_328] : memref<10240x128xf32, #tpu.memory_space<vmem_shared>> -> memref<128x128xf32, #tpu.memory_space<vmem_shared>>
      tpu.wait_dma2 semaphore(%run_scoped3A : memref<!tpu.dma_semaphore, #tpu.memory_space<semaphore_mem>>) src(%dma_wait3A_329 : memref<128x128xf32, #tpu.memory_space<vmem_shared>>) dst(%arg12 : memref<128x128xf32, #tpu.memory_space<vmem>>)
      tpu.yield
    }) : () -> ()
    %add3A_316 = arith.constant 384 : i32
    %add3A_317 = arith.addi %add3A_301, %add3A_316 : i32
    "tpu.region"() ({
      %run_scoped3A = tpu.sem_alloc : memref<!tpu.dma_semaphore, #tpu.memory_space<semaphore_mem>>
      %dma_start3A_322 = arith.constant 0 : i32
      %dma_start3A_323 = tpu.memref_slice %arg5[%add3A_317, %dma_start3A_322] : memref<20480x128xf32, #tpu.memory_space<hbm>> -> memref<128x128xf32, #tpu.memory_space<hbm>>
      %dma_start3A_324 = arith.constant 0 : i32
      %dma_start3A_325 = tpu.memref_slice %arg5[%add3A_317, %dma_start3A_324] : memref<20480x128xf32, #tpu.memory_space<hbm>> -> memref<128x128xf32, #tpu.memory_space<hbm>>
      tpu.enqueue_dma source(%arg12 : memref<128x128xf32, #tpu.memory_space<vmem>>) target(%dma_start3A_325 : memref<128x128xf32, #tpu.memory_space<hbm>>) target_semaphore(%run_scoped3A : memref<!tpu.dma_semaphore, #tpu.memory_space<semaphore_mem>>)
      %dma_wait3A_326 = arith.constant 0 : i32
      %dma_wait3A_327 = tpu.memref_slice %arg5[%add3A_317, %dma_wait3A_326] : memref<20480x128xf32, #tpu.memory_space<hbm>> -> memref<128x128xf32, #tpu.memory_space<hbm>>
      %dma_wait3A_328 = arith.constant 0 : i32
      %dma_wait3A_329 = tpu.memref_slice %arg5[%add3A_317, %dma_wait3A_328] : memref<20480x128xf32, #tpu.memory_space<hbm>> -> memref<128x128xf32, #tpu.memory_space<hbm>>
      tpu.wait_dma2 semaphore(%run_scoped3A : memref<!tpu.dma_semaphore, #tpu.memory_space<semaphore_mem>>) src(%arg12 : memref<128x128xf32, #tpu.memory_space<vmem>>) dst(%dma_wait3A_329 : memref<128x128xf32, #tpu.memory_space<hbm>>)
      tpu.yield
    }) : () -> ()
    %add3A_318 = arith.constant 512 : i32
    %add3A_319 = arith.addi %mul3A_2, %add3A_318 : i32
    "tpu.region"() ({
      %run_scoped3A = tpu.sem_alloc : memref<!tpu.dma_semaphore, #tpu.memory_space<semaphore_mem>>
      %dma_start3A_322 = arith.constant 0 : i32
      %dma_start3A_323 = tpu.memref_slice %arg13[%add3A_319, %dma_start3A_322] : memref<10240x128xf32, #tpu.memory_space<vmem_shared>> -> memref<128x128xf32, #tpu.memory_space<vmem_shared>>
      %dma_start3A_324 = arith.constant 0 : i32
      %dma_start3A_325 = tpu.memref_slice %arg13[%add3A_319, %dma_start3A_324] : memref<10240x128xf32, #tpu.memory_space<vmem_shared>> -> memref<128x128xf32, #tpu.memory_space<vmem_shared>>
      tpu.enqueue_dma source(%dma_start3A_325 : memref<128x128xf32, #tpu.memory_space<vmem_shared>>) target(%arg12 : memref<128x128xf32, #tpu.memory_space<vmem>>) target_semaphore(%run_scoped3A : memref<!tpu.dma_semaphore, #tpu.memory_space<semaphore_mem>>)
      %dma_wait3A_326 = arith.constant 0 : i32
      %dma_wait3A_327 = tpu.memref_slice %arg13[%add3A_319, %dma_wait3A_326] : memref<10240x128xf32, #tpu.memory_space<vmem_shared>> -> memref<128x128xf32, #tpu.memory_space<vmem_shared>>
      %dma_wait3A_328 = arith.constant 0 : i32
      %dma_wait3A_329 = tpu.memref_slice %arg13[%add3A_319, %dma_wait3A_328] : memref<10240x128xf32, #tpu.memory_space<vmem_shared>> -> memref<128x128xf32, #tpu.memory_space<vmem_shared>>
      tpu.wait_dma2 semaphore(%run_scoped3A : memref<!tpu.dma_semaphore, #tpu.memory_space<semaphore_mem>>) src(%dma_wait3A_329 : memref<128x128xf32, #tpu.memory_space<vmem_shared>>) dst(%arg12 : memref<128x128xf32, #tpu.memory_space<vmem>>)
      tpu.yield
    }) : () -> ()
    %add3A_320 = arith.constant 512 : i32
    %add3A_321 = arith.addi %add3A_301, %add3A_320 : i32
    "tpu.region"() ({
      %run_scoped3A = tpu.sem_alloc : memref<!tpu.dma_semaphore, #tpu.memory_space<semaphore_mem>>
      %dma_start3A_322 = arith.constant 0 : i32
      %dma_start3A_323 = tpu.memref_slice %arg5[%add3A_321, %dma_start3A_322] : memref<20480x128xf32, #tpu.memory_space<hbm>> -> memref<128x128xf32, #tpu.memory_space<hbm>>
      %dma_start3A_324 = arith.constant 0 : i32
      %dma_start3A_325 = tpu.memref_slice %arg5[%add3A_321, %dma_start3A_324] : memref<20480x128xf32, #tpu.memory_space<hbm>> -> memref<128x128xf32, #tpu.memory_space<hbm>>
      tpu.enqueue_dma source(%arg12 : memref<128x128xf32, #tpu.memory_space<vmem>>) target(%dma_start3A_325 : memref<128x128xf32, #tpu.memory_space<hbm>>) target_semaphore(%run_scoped3A : memref<!tpu.dma_semaphore, #tpu.memory_space<semaphore_mem>>)
      %dma_wait3A_326 = arith.constant 0 : i32
      %dma_wait3A_327 = tpu.memref_slice %arg5[%add3A_321, %dma_wait3A_326] : memref<20480x128xf32, #tpu.memory_space<hbm>> -> memref<128x128xf32, #tpu.memory_space<hbm>>
      %dma_wait3A_328 = arith.constant 0 : i32
      %dma_wait3A_329 = tpu.memref_slice %arg5[%add3A_321, %dma_wait3A_328] : memref<20480x128xf32, #tpu.memory_space<hbm>> -> memref<128x128xf32, #tpu.memory_space<hbm>>
      tpu.wait_dma2 semaphore(%run_scoped3A : memref<!tpu.dma_semaphore, #tpu.memory_space<semaphore_mem>>) src(%arg12 : memref<128x128xf32, #tpu.memory_space<vmem>>) dst(%dma_wait3A_329 : memref<128x128xf32, #tpu.memory_space<hbm>>)
      tpu.yield
    }) : () -> ()
    return
  }
}

#map = affine_map<(d0, d1) -> (0, 0)>
#map1 = affine_map<(d0, d1) -> (0)>
module attributes {stable_mosaic.version = 14 : i64} {
  func.func @k(%arg0: i32, %arg1: i32, %arg2: memref<20000x128xf32, #tpu.memory_space<hbm>>, %arg3: memref<320000xi32, #tpu.memory_space<hbm>>, %arg4: memref<320000xi32, #tpu.memory_space<hbm>>, %arg5: memref<128x128xf32, #tpu.memory_space<hbm>>, %arg6: memref<20480x128xf32, #tpu.memory_space<hbm>>, %arg7: memref<128xi32, #tpu.memory_space<vmem>>, %arg8: memref<128xi32, #tpu.memory_space<vmem>>, %arg9: memref<128xi32, #tpu.memory_space<vmem>>, %arg10: memref<128xi32, #tpu.memory_space<vmem>>, %arg11: memref<128xi32, #tpu.memory_space<vmem>>, %arg12: memref<128xi32, #tpu.memory_space<vmem>>, %arg13: memref<128xi32, #tpu.memory_space<vmem>>, %arg14: memref<128xi32, #tpu.memory_space<vmem>>, %arg15: memref<32xi32, #tpu.memory_space<vmem>>, %arg16: memref<32xi32, #tpu.memory_space<vmem>>, %arg17: memref<128x128xf32, #tpu.memory_space<vmem>>, %arg18: memref<128x128xf32, #tpu.memory_space<vmem>>, %arg19: memref<10240x128xf32, #tpu.memory_space<vmem_shared>>, %arg20: memref<!tpu.dma_semaphore, #tpu.memory_space<semaphore_mem>>, %arg21: memref<!tpu.dma_semaphore, #tpu.memory_space<semaphore_mem>>, %arg22: memref<!tpu.dma_semaphore, #tpu.memory_space<semaphore_mem>>, %arg23: memref<!tpu.dma_semaphore, #tpu.memory_space<semaphore_mem>>, %arg24: memref<!tpu.dma_semaphore, #tpu.memory_space<semaphore_mem>>, %arg25: memref<!tpu.dma_semaphore, #tpu.memory_space<semaphore_mem>>) attributes {dimension_semantics = [#tpu.dimension_semantics<core_parallel>, #tpu.dimension_semantics<subcore_parallel>], iteration_bounds = array<i64: 2, 16>, scalar_prefetch = 0 : i64, scratch_operands = 19 : i64, tpu.core_type = #tpu.core_type<sc_vector_subcore>, window_params = [{transform_indices = #map}, {transform_indices = #map1}, {transform_indices = #map1}, {transform_indices = #map}, {transform_indices = #map}]} {
    %mul3A = arith.constant 10000 : i32
    %mul3A_0 = arith.muli %arg0, %mul3A : i32
    "tpu.region"() ({
      %run_scoped3A = tpu.sem_alloc : memref<!tpu.dma_semaphore, #tpu.memory_space<semaphore_mem>>
      tpu.enqueue_dma source(%arg5 : memref<128x128xf32, #tpu.memory_space<hbm>>) target(%arg17 : memref<128x128xf32, #tpu.memory_space<vmem>>) target_semaphore(%run_scoped3A : memref<!tpu.dma_semaphore, #tpu.memory_space<semaphore_mem>>)
      tpu.wait_dma2 semaphore(%run_scoped3A : memref<!tpu.dma_semaphore, #tpu.memory_space<semaphore_mem>>) src(%arg5 : memref<128x128xf32, #tpu.memory_space<hbm>>) dst(%arg17 : memref<128x128xf32, #tpu.memory_space<vmem>>)
      tpu.yield
    }) : () -> ()
    %mul3A_1 = arith.constant 640 : i32
    %mul3A_2 = arith.muli %arg1, %mul3A_1 : i32
    %add3A = arith.constant 0 : i32
    %add3A_3 = arith.addi %mul3A_2, %add3A : i32
    "tpu.region"() ({
      %run_scoped3A = tpu.sem_alloc : memref<!tpu.dma_semaphore, #tpu.memory_space<semaphore_mem>>
      %dma_start3A_683 = arith.constant 0 : i32
      %dma_start3A_684 = tpu.memref_slice %arg19[%add3A_3, %dma_start3A_683] : memref<10240x128xf32, #tpu.memory_space<vmem_shared>> -> memref<128x128xf32, #tpu.memory_space<vmem_shared>>
      %dma_start3A_685 = arith.constant 0 : i32
      %dma_start3A_686 = tpu.memref_slice %arg19[%add3A_3, %dma_start3A_685] : memref<10240x128xf32, #tpu.memory_space<vmem_shared>> -> memref<128x128xf32, #tpu.memory_space<vmem_shared>>
      tpu.enqueue_dma source(%arg17 : memref<128x128xf32, #tpu.memory_space<vmem>>) target(%dma_start3A_686 : memref<128x128xf32, #tpu.memory_space<vmem_shared>>) target_semaphore(%run_scoped3A : memref<!tpu.dma_semaphore, #tpu.memory_space<semaphore_mem>>)
      %dma_wait3A_687 = arith.constant 0 : i32
      %dma_wait3A_688 = tpu.memref_slice %arg19[%add3A_3, %dma_wait3A_687] : memref<10240x128xf32, #tpu.memory_space<vmem_shared>> -> memref<128x128xf32, #tpu.memory_space<vmem_shared>>
      %dma_wait3A_689 = arith.constant 0 : i32
      %dma_wait3A_690 = tpu.memref_slice %arg19[%add3A_3, %dma_wait3A_689] : memref<10240x128xf32, #tpu.memory_space<vmem_shared>> -> memref<128x128xf32, #tpu.memory_space<vmem_shared>>
      tpu.wait_dma2 semaphore(%run_scoped3A : memref<!tpu.dma_semaphore, #tpu.memory_space<semaphore_mem>>) src(%arg17 : memref<128x128xf32, #tpu.memory_space<vmem>>) dst(%dma_wait3A_690 : memref<128x128xf32, #tpu.memory_space<vmem_shared>>)
      tpu.yield
    }) : () -> ()
    %add3A_4 = arith.constant 128 : i32
    %add3A_5 = arith.addi %mul3A_2, %add3A_4 : i32
    "tpu.region"() ({
      %run_scoped3A = tpu.sem_alloc : memref<!tpu.dma_semaphore, #tpu.memory_space<semaphore_mem>>
      %dma_start3A_683 = arith.constant 0 : i32
      %dma_start3A_684 = tpu.memref_slice %arg19[%add3A_5, %dma_start3A_683] : memref<10240x128xf32, #tpu.memory_space<vmem_shared>> -> memref<128x128xf32, #tpu.memory_space<vmem_shared>>
      %dma_start3A_685 = arith.constant 0 : i32
      %dma_start3A_686 = tpu.memref_slice %arg19[%add3A_5, %dma_start3A_685] : memref<10240x128xf32, #tpu.memory_space<vmem_shared>> -> memref<128x128xf32, #tpu.memory_space<vmem_shared>>
      tpu.enqueue_dma source(%arg17 : memref<128x128xf32, #tpu.memory_space<vmem>>) target(%dma_start3A_686 : memref<128x128xf32, #tpu.memory_space<vmem_shared>>) target_semaphore(%run_scoped3A : memref<!tpu.dma_semaphore, #tpu.memory_space<semaphore_mem>>)
      %dma_wait3A_687 = arith.constant 0 : i32
      %dma_wait3A_688 = tpu.memref_slice %arg19[%add3A_5, %dma_wait3A_687] : memref<10240x128xf32, #tpu.memory_space<vmem_shared>> -> memref<128x128xf32, #tpu.memory_space<vmem_shared>>
      %dma_wait3A_689 = arith.constant 0 : i32
      %dma_wait3A_690 = tpu.memref_slice %arg19[%add3A_5, %dma_wait3A_689] : memref<10240x128xf32, #tpu.memory_space<vmem_shared>> -> memref<128x128xf32, #tpu.memory_space<vmem_shared>>
      tpu.wait_dma2 semaphore(%run_scoped3A : memref<!tpu.dma_semaphore, #tpu.memory_space<semaphore_mem>>) src(%arg17 : memref<128x128xf32, #tpu.memory_space<vmem>>) dst(%dma_wait3A_690 : memref<128x128xf32, #tpu.memory_space<vmem_shared>>)
      tpu.yield
    }) : () -> ()
    %add3A_6 = arith.constant 256 : i32
    %add3A_7 = arith.addi %mul3A_2, %add3A_6 : i32
    "tpu.region"() ({
      %run_scoped3A = tpu.sem_alloc : memref<!tpu.dma_semaphore, #tpu.memory_space<semaphore_mem>>
      %dma_start3A_683 = arith.constant 0 : i32
      %dma_start3A_684 = tpu.memref_slice %arg19[%add3A_7, %dma_start3A_683] : memref<10240x128xf32, #tpu.memory_space<vmem_shared>> -> memref<128x128xf32, #tpu.memory_space<vmem_shared>>
      %dma_start3A_685 = arith.constant 0 : i32
      %dma_start3A_686 = tpu.memref_slice %arg19[%add3A_7, %dma_start3A_685] : memref<10240x128xf32, #tpu.memory_space<vmem_shared>> -> memref<128x128xf32, #tpu.memory_space<vmem_shared>>
      tpu.enqueue_dma source(%arg17 : memref<128x128xf32, #tpu.memory_space<vmem>>) target(%dma_start3A_686 : memref<128x128xf32, #tpu.memory_space<vmem_shared>>) target_semaphore(%run_scoped3A : memref<!tpu.dma_semaphore, #tpu.memory_space<semaphore_mem>>)
      %dma_wait3A_687 = arith.constant 0 : i32
      %dma_wait3A_688 = tpu.memref_slice %arg19[%add3A_7, %dma_wait3A_687] : memref<10240x128xf32, #tpu.memory_space<vmem_shared>> -> memref<128x128xf32, #tpu.memory_space<vmem_shared>>
      %dma_wait3A_689 = arith.constant 0 : i32
      %dma_wait3A_690 = tpu.memref_slice %arg19[%add3A_7, %dma_wait3A_689] : memref<10240x128xf32, #tpu.memory_space<vmem_shared>> -> memref<128x128xf32, #tpu.memory_space<vmem_shared>>
      tpu.wait_dma2 semaphore(%run_scoped3A : memref<!tpu.dma_semaphore, #tpu.memory_space<semaphore_mem>>) src(%arg17 : memref<128x128xf32, #tpu.memory_space<vmem>>) dst(%dma_wait3A_690 : memref<128x128xf32, #tpu.memory_space<vmem_shared>>)
      tpu.yield
    }) : () -> ()
    %add3A_8 = arith.constant 384 : i32
    %add3A_9 = arith.addi %mul3A_2, %add3A_8 : i32
    "tpu.region"() ({
      %run_scoped3A = tpu.sem_alloc : memref<!tpu.dma_semaphore, #tpu.memory_space<semaphore_mem>>
      %dma_start3A_683 = arith.constant 0 : i32
      %dma_start3A_684 = tpu.memref_slice %arg19[%add3A_9, %dma_start3A_683] : memref<10240x128xf32, #tpu.memory_space<vmem_shared>> -> memref<128x128xf32, #tpu.memory_space<vmem_shared>>
      %dma_start3A_685 = arith.constant 0 : i32
      %dma_start3A_686 = tpu.memref_slice %arg19[%add3A_9, %dma_start3A_685] : memref<10240x128xf32, #tpu.memory_space<vmem_shared>> -> memref<128x128xf32, #tpu.memory_space<vmem_shared>>
      tpu.enqueue_dma source(%arg17 : memref<128x128xf32, #tpu.memory_space<vmem>>) target(%dma_start3A_686 : memref<128x128xf32, #tpu.memory_space<vmem_shared>>) target_semaphore(%run_scoped3A : memref<!tpu.dma_semaphore, #tpu.memory_space<semaphore_mem>>)
      %dma_wait3A_687 = arith.constant 0 : i32
      %dma_wait3A_688 = tpu.memref_slice %arg19[%add3A_9, %dma_wait3A_687] : memref<10240x128xf32, #tpu.memory_space<vmem_shared>> -> memref<128x128xf32, #tpu.memory_space<vmem_shared>>
      %dma_wait3A_689 = arith.constant 0 : i32
      %dma_wait3A_690 = tpu.memref_slice %arg19[%add3A_9, %dma_wait3A_689] : memref<10240x128xf32, #tpu.memory_space<vmem_shared>> -> memref<128x128xf32, #tpu.memory_space<vmem_shared>>
      tpu.wait_dma2 semaphore(%run_scoped3A : memref<!tpu.dma_semaphore, #tpu.memory_space<semaphore_mem>>) src(%arg17 : memref<128x128xf32, #tpu.memory_space<vmem>>) dst(%dma_wait3A_690 : memref<128x128xf32, #tpu.memory_space<vmem_shared>>)
      tpu.yield
    }) : () -> ()
    %add3A_10 = arith.constant 512 : i32
    %add3A_11 = arith.addi %mul3A_2, %add3A_10 : i32
    "tpu.region"() ({
      %run_scoped3A = tpu.sem_alloc : memref<!tpu.dma_semaphore, #tpu.memory_space<semaphore_mem>>
      %dma_start3A_683 = arith.constant 0 : i32
      %dma_start3A_684 = tpu.memref_slice %arg19[%add3A_11, %dma_start3A_683] : memref<10240x128xf32, #tpu.memory_space<vmem_shared>> -> memref<128x128xf32, #tpu.memory_space<vmem_shared>>
      %dma_start3A_685 = arith.constant 0 : i32
      %dma_start3A_686 = tpu.memref_slice %arg19[%add3A_11, %dma_start3A_685] : memref<10240x128xf32, #tpu.memory_space<vmem_shared>> -> memref<128x128xf32, #tpu.memory_space<vmem_shared>>
      tpu.enqueue_dma source(%arg17 : memref<128x128xf32, #tpu.memory_space<vmem>>) target(%dma_start3A_686 : memref<128x128xf32, #tpu.memory_space<vmem_shared>>) target_semaphore(%run_scoped3A : memref<!tpu.dma_semaphore, #tpu.memory_space<semaphore_mem>>)
      %dma_wait3A_687 = arith.constant 0 : i32
      %dma_wait3A_688 = tpu.memref_slice %arg19[%add3A_11, %dma_wait3A_687] : memref<10240x128xf32, #tpu.memory_space<vmem_shared>> -> memref<128x128xf32, #tpu.memory_space<vmem_shared>>
      %dma_wait3A_689 = arith.constant 0 : i32
      %dma_wait3A_690 = tpu.memref_slice %arg19[%add3A_11, %dma_wait3A_689] : memref<10240x128xf32, #tpu.memory_space<vmem_shared>> -> memref<128x128xf32, #tpu.memory_space<vmem_shared>>
      tpu.wait_dma2 semaphore(%run_scoped3A : memref<!tpu.dma_semaphore, #tpu.memory_space<semaphore_mem>>) src(%arg17 : memref<128x128xf32, #tpu.memory_space<vmem>>) dst(%dma_wait3A_690 : memref<128x128xf32, #tpu.memory_space<vmem_shared>>)
      tpu.yield
    }) : () -> ()
    %barrier3A = arith.constant 0 : index
    tpu.barrier barrier_id(%barrier3A)
    %mul3A_12 = arith.constant 20000 : i32
    %mul3A_13 = arith.muli %arg1, %mul3A_12 : i32
    %add3A_14 = arith.constant 0 : i32
    %add3A_15 = arith.addi %mul3A_13, %add3A_14 : i32
    %dma_start3A = tpu.memref_slice %arg3[%add3A_15] : memref<320000xi32, #tpu.memory_space<hbm>> -> memref<128xi32, #tpu.memory_space<hbm>>
    %dma_start3A_16 = tpu.memref_slice %arg3[%add3A_15] : memref<320000xi32, #tpu.memory_space<hbm>> -> memref<128xi32, #tpu.memory_space<hbm>>
    tpu.enqueue_dma source(%dma_start3A_16 : memref<128xi32, #tpu.memory_space<hbm>>) target(%arg7 : memref<128xi32, #tpu.memory_space<vmem>>) target_semaphore(%arg20 : memref<!tpu.dma_semaphore, #tpu.memory_space<semaphore_mem>>)
    %dma_start3A_17 = tpu.memref_slice %arg4[%add3A_15] : memref<320000xi32, #tpu.memory_space<hbm>> -> memref<128xi32, #tpu.memory_space<hbm>>
    %dma_start3A_18 = tpu.memref_slice %arg4[%add3A_15] : memref<320000xi32, #tpu.memory_space<hbm>> -> memref<128xi32, #tpu.memory_space<hbm>>
    tpu.enqueue_dma source(%dma_start3A_18 : memref<128xi32, #tpu.memory_space<hbm>>) target(%arg9 : memref<128xi32, #tpu.memory_space<vmem>>) target_semaphore(%arg20 : memref<!tpu.dma_semaphore, #tpu.memory_space<semaphore_mem>>)
    %add3A_19 = arith.constant 128 : i32
    %add3A_20 = arith.addi %mul3A_13, %add3A_19 : i32
    %dma_start3A_21 = tpu.memref_slice %arg3[%add3A_20] : memref<320000xi32, #tpu.memory_space<hbm>> -> memref<128xi32, #tpu.memory_space<hbm>>
    %dma_start3A_22 = tpu.memref_slice %arg3[%add3A_20] : memref<320000xi32, #tpu.memory_space<hbm>> -> memref<128xi32, #tpu.memory_space<hbm>>
    tpu.enqueue_dma source(%dma_start3A_22 : memref<128xi32, #tpu.memory_space<hbm>>) target(%arg8 : memref<128xi32, #tpu.memory_space<vmem>>) target_semaphore(%arg21 : memref<!tpu.dma_semaphore, #tpu.memory_space<semaphore_mem>>)
    %dma_start3A_23 = tpu.memref_slice %arg4[%add3A_20] : memref<320000xi32, #tpu.memory_space<hbm>> -> memref<128xi32, #tpu.memory_space<hbm>>
    %dma_start3A_24 = tpu.memref_slice %arg4[%add3A_20] : memref<320000xi32, #tpu.memory_space<hbm>> -> memref<128xi32, #tpu.memory_space<hbm>>
    tpu.enqueue_dma source(%dma_start3A_24 : memref<128xi32, #tpu.memory_space<hbm>>) target(%arg10 : memref<128xi32, #tpu.memory_space<vmem>>) target_semaphore(%arg21 : memref<!tpu.dma_semaphore, #tpu.memory_space<semaphore_mem>>)
    %add3A_25 = arith.constant 0 : i32
    %add3A_26 = arith.addi %mul3A_13, %add3A_25 : i32
    %dma_wait3A = tpu.memref_slice %arg3[%add3A_26] : memref<320000xi32, #tpu.memory_space<hbm>> -> memref<128xi32, #tpu.memory_space<hbm>>
    %dma_wait3A_27 = tpu.memref_slice %arg3[%add3A_26] : memref<320000xi32, #tpu.memory_space<hbm>> -> memref<128xi32, #tpu.memory_space<hbm>>
    tpu.wait_dma2 semaphore(%arg20 : memref<!tpu.dma_semaphore, #tpu.memory_space<semaphore_mem>>) src(%dma_wait3A_27 : memref<128xi32, #tpu.memory_space<hbm>>) dst(%arg7 : memref<128xi32, #tpu.memory_space<vmem>>)
    %dma_wait3A_28 = tpu.memref_slice %arg4[%add3A_26] : memref<320000xi32, #tpu.memory_space<hbm>> -> memref<128xi32, #tpu.memory_space<hbm>>
    %dma_wait3A_29 = tpu.memref_slice %arg4[%add3A_26] : memref<320000xi32, #tpu.memory_space<hbm>> -> memref<128xi32, #tpu.memory_space<hbm>>
    tpu.wait_dma2 semaphore(%arg20 : memref<!tpu.dma_semaphore, #tpu.memory_space<semaphore_mem>>) src(%dma_wait3A_29 : memref<128xi32, #tpu.memory_space<hbm>>) dst(%arg9 : memref<128xi32, #tpu.memory_space<vmem>>)
    %get3A = arith.constant 0 : index
    %get3A_30 = tpu.vector_load %arg7[%get3A] {strides = array<i32>} : memref<128xi32, #tpu.memory_space<vmem>>, vector<16xi32>,
    %get3A_31 = vector.shape_cast %get3A_30 : vector<16xi32> to vector<16xi32>
    %add3A_32 = vector.broadcast %mul3A_0 : i32 to vector<16xi32>
    %add3A_33 = arith.addi %get3A_31, %add3A_32 : vector<16xi32>
    %swap3A = arith.constant 0 : index
    %swap3A_34 = tpu.vector_load %arg11[%swap3A] {strides = array<i32>} : memref<128xi32, #tpu.memory_space<vmem>>, vector<16xi32>,
    %swap3A_35 = vector.shape_cast %swap3A_34 : vector<16xi32> to vector<16xi32>
    %swap3A_36 = vector.shape_cast %add3A_33 : vector<16xi32> to vector<16xi32>
    tpu.vector_store %arg11[%swap3A], %swap3A_36 {strides = array<i32>} : memref<128xi32, #tpu.memory_space<vmem>>, vector<16xi32>,
    %get3A_37 = arith.constant 0 : index
    %get3A_38 = tpu.vector_load %arg9[%get3A_37] {strides = array<i32>} : memref<128xi32, #tpu.memory_space<vmem>>, vector<16xi32>,
    %get3A_39 = vector.shape_cast %get3A_38 : vector<16xi32> to vector<16xi32>
    %swap3A_40 = arith.constant 0 : index
    %swap3A_41 = tpu.vector_load %arg13[%swap3A_40] {strides = array<i32>} : memref<128xi32, #tpu.memory_space<vmem>>, vector<16xi32>,
    %swap3A_42 = vector.shape_cast %swap3A_41 : vector<16xi32> to vector<16xi32>
    %swap3A_43 = vector.shape_cast %get3A_39 : vector<16xi32> to vector<16xi32>
    tpu.vector_store %arg13[%swap3A_40], %swap3A_43 {strides = array<i32>} : memref<128xi32, #tpu.memory_space<vmem>>, vector<16xi32>,
    %get3A_44 = arith.constant 16 : index
    %get3A_45 = tpu.vector_load %arg7[%get3A_44] {strides = array<i32>} : memref<128xi32, #tpu.memory_space<vmem>>, vector<16xi32>,
    %get3A_46 = vector.shape_cast %get3A_45 : vector<16xi32> to vector<16xi32>
    %add3A_47 = vector.broadcast %mul3A_0 : i32 to vector<16xi32>
    %add3A_48 = arith.addi %get3A_46, %add3A_47 : vector<16xi32>
    %swap3A_49 = arith.constant 16 : index
    %swap3A_50 = tpu.vector_load %arg11[%swap3A_49] {strides = array<i32>} : memref<128xi32, #tpu.memory_space<vmem>>, vector<16xi32>,
    %swap3A_51 = vector.shape_cast %swap3A_50 : vector<16xi32> to vector<16xi32>
    %swap3A_52 = vector.shape_cast %add3A_48 : vector<16xi32> to vector<16xi32>
    tpu.vector_store %arg11[%swap3A_49], %swap3A_52 {strides = array<i32>} : memref<128xi32, #tpu.memory_space<vmem>>, vector<16xi32>,
    %get3A_53 = arith.constant 16 : index
    %get3A_54 = tpu.vector_load %arg9[%get3A_53] {strides = array<i32>} : memref<128xi32, #tpu.memory_space<vmem>>, vector<16xi32>,
    %get3A_55 = vector.shape_cast %get3A_54 : vector<16xi32> to vector<16xi32>
    %swap3A_56 = arith.constant 16 : index
    %swap3A_57 = tpu.vector_load %arg13[%swap3A_56] {strides = array<i32>} : memref<128xi32, #tpu.memory_space<vmem>>, vector<16xi32>,
    %swap3A_58 = vector.shape_cast %swap3A_57 : vector<16xi32> to vector<16xi32>
    %swap3A_59 = vector.shape_cast %get3A_55 : vector<16xi32> to vector<16xi32>
    tpu.vector_store %arg13[%swap3A_56], %swap3A_59 {strides = array<i32>} : memref<128xi32, #tpu.memory_space<vmem>>, vector<16xi32>,
    %get3A_60 = arith.constant 32 : index
    %get3A_61 = tpu.vector_load %arg7[%get3A_60] {strides = array<i32>} : memref<128xi32, #tpu.memory_space<vmem>>, vector<16xi32>,
    %get3A_62 = vector.shape_cast %get3A_61 : vector<16xi32> to vector<16xi32>
    %add3A_63 = vector.broadcast %mul3A_0 : i32 to vector<16xi32>
    %add3A_64 = arith.addi %get3A_62, %add3A_63 : vector<16xi32>
    %swap3A_65 = arith.constant 32 : index
    %swap3A_66 = tpu.vector_load %arg11[%swap3A_65] {strides = array<i32>} : memref<128xi32, #tpu.memory_space<vmem>>, vector<16xi32>,
    %swap3A_67 = vector.shape_cast %swap3A_66 : vector<16xi32> to vector<16xi32>
    %swap3A_68 = vector.shape_cast %add3A_64 : vector<16xi32> to vector<16xi32>
    tpu.vector_store %arg11[%swap3A_65], %swap3A_68 {strides = array<i32>} : memref<128xi32, #tpu.memory_space<vmem>>, vector<16xi32>,
    %get3A_69 = arith.constant 32 : index
    %get3A_70 = tpu.vector_load %arg9[%get3A_69] {strides = array<i32>} : memref<128xi32, #tpu.memory_space<vmem>>, vector<16xi32>,
    %get3A_71 = vector.shape_cast %get3A_70 : vector<16xi32> to vector<16xi32>
    %swap3A_72 = arith.constant 32 : index
    %swap3A_73 = tpu.vector_load %arg13[%swap3A_72] {strides = array<i32>} : memref<128xi32, #tpu.memory_space<vmem>>, vector<16xi32>,
    %swap3A_74 = vector.shape_cast %swap3A_73 : vector<16xi32> to vector<16xi32>
    %swap3A_75 = vector.shape_cast %get3A_71 : vector<16xi32> to vector<16xi32>
    tpu.vector_store %arg13[%swap3A_72], %swap3A_75 {strides = array<i32>} : memref<128xi32, #tpu.memory_space<vmem>>, vector<16xi32>,
    %get3A_76 = arith.constant 48 : index
    %get3A_77 = tpu.vector_load %arg7[%get3A_76] {strides = array<i32>} : memref<128xi32, #tpu.memory_space<vmem>>, vector<16xi32>,
    %get3A_78 = vector.shape_cast %get3A_77 : vector<16xi32> to vector<16xi32>
    %add3A_79 = vector.broadcast %mul3A_0 : i32 to vector<16xi32>
    %add3A_80 = arith.addi %get3A_78, %add3A_79 : vector<16xi32>
    %swap3A_81 = arith.constant 48 : index
    %swap3A_82 = tpu.vector_load %arg11[%swap3A_81] {strides = array<i32>} : memref<128xi32, #tpu.memory_space<vmem>>, vector<16xi32>,
    %swap3A_83 = vector.shape_cast %swap3A_82 : vector<16xi32> to vector<16xi32>
    %swap3A_84 = vector.shape_cast %add3A_80 : vector<16xi32> to vector<16xi32>
    tpu.vector_store %arg11[%swap3A_81], %swap3A_84 {strides = array<i32>} : memref<128xi32, #tpu.memory_space<vmem>>, vector<16xi32>,
    %get3A_85 = arith.constant 48 : index
    %get3A_86 = tpu.vector_load %arg9[%get3A_85] {strides = array<i32>} : memref<128xi32, #tpu.memory_space<vmem>>, vector<16xi32>,
    %get3A_87 = vector.shape_cast %get3A_86 : vector<16xi32> to vector<16xi32>
    %swap3A_88 = arith.constant 48 : index
    %swap3A_89 = tpu.vector_load %arg13[%swap3A_88] {strides = array<i32>} : memref<128xi32, #tpu.memory_space<vmem>>, vector<16xi32>,
    %swap3A_90 = vector.shape_cast %swap3A_89 : vector<16xi32> to vector<16xi32>
    %swap3A_91 = vector.shape_cast %get3A_87 : vector<16xi32> to vector<16xi32>
    tpu.vector_store %arg13[%swap3A_88], %swap3A_91 {strides = array<i32>} : memref<128xi32, #tpu.memory_space<vmem>>, vector<16xi32>,
    %get3A_92 = arith.constant 64 : index
    %get3A_93 = tpu.vector_load %arg7[%get3A_92] {strides = array<i32>} : memref<128xi32, #tpu.memory_space<vmem>>, vector<16xi32>,
    %get3A_94 = vector.shape_cast %get3A_93 : vector<16xi32> to vector<16xi32>
    %add3A_95 = vector.broadcast %mul3A_0 : i32 to vector<16xi32>
    %add3A_96 = arith.addi %get3A_94, %add3A_95 : vector<16xi32>
    %swap3A_97 = arith.constant 64 : index
    %swap3A_98 = tpu.vector_load %arg11[%swap3A_97] {strides = array<i32>} : memref<128xi32, #tpu.memory_space<vmem>>, vector<16xi32>,
    %swap3A_99 = vector.shape_cast %swap3A_98 : vector<16xi32> to vector<16xi32>
    %swap3A_100 = vector.shape_cast %add3A_96 : vector<16xi32> to vector<16xi32>
    tpu.vector_store %arg11[%swap3A_97], %swap3A_100 {strides = array<i32>} : memref<128xi32, #tpu.memory_space<vmem>>, vector<16xi32>,
    %get3A_101 = arith.constant 64 : index
    %get3A_102 = tpu.vector_load %arg9[%get3A_101] {strides = array<i32>} : memref<128xi32, #tpu.memory_space<vmem>>, vector<16xi32>,
    %get3A_103 = vector.shape_cast %get3A_102 : vector<16xi32> to vector<16xi32>
    %swap3A_104 = arith.constant 64 : index
    %swap3A_105 = tpu.vector_load %arg13[%swap3A_104] {strides = array<i32>} : memref<128xi32, #tpu.memory_space<vmem>>, vector<16xi32>,
    %swap3A_106 = vector.shape_cast %swap3A_105 : vector<16xi32> to vector<16xi32>
    %swap3A_107 = vector.shape_cast %get3A_103 : vector<16xi32> to vector<16xi32>
    tpu.vector_store %arg13[%swap3A_104], %swap3A_107 {strides = array<i32>} : memref<128xi32, #tpu.memory_space<vmem>>, vector<16xi32>,
    %get3A_108 = arith.constant 80 : index
    %get3A_109 = tpu.vector_load %arg7[%get3A_108] {strides = array<i32>} : memref<128xi32, #tpu.memory_space<vmem>>, vector<16xi32>,
    %get3A_110 = vector.shape_cast %get3A_109 : vector<16xi32> to vector<16xi32>
    %add3A_111 = vector.broadcast %mul3A_0 : i32 to vector<16xi32>
    %add3A_112 = arith.addi %get3A_110, %add3A_111 : vector<16xi32>
    %swap3A_113 = arith.constant 80 : index
    %swap3A_114 = tpu.vector_load %arg11[%swap3A_113] {strides = array<i32>} : memref<128xi32, #tpu.memory_space<vmem>>, vector<16xi32>,
    %swap3A_115 = vector.shape_cast %swap3A_114 : vector<16xi32> to vector<16xi32>
    %swap3A_116 = vector.shape_cast %add3A_112 : vector<16xi32> to vector<16xi32>
    tpu.vector_store %arg11[%swap3A_113], %swap3A_116 {strides = array<i32>} : memref<128xi32, #tpu.memory_space<vmem>>, vector<16xi32>,
    %get3A_117 = arith.constant 80 : index
    %get3A_118 = tpu.vector_load %arg9[%get3A_117] {strides = array<i32>} : memref<128xi32, #tpu.memory_space<vmem>>, vector<16xi32>,
    %get3A_119 = vector.shape_cast %get3A_118 : vector<16xi32> to vector<16xi32>
    %swap3A_120 = arith.constant 80 : index
    %swap3A_121 = tpu.vector_load %arg13[%swap3A_120] {strides = array<i32>} : memref<128xi32, #tpu.memory_space<vmem>>, vector<16xi32>,
    %swap3A_122 = vector.shape_cast %swap3A_121 : vector<16xi32> to vector<16xi32>
    %swap3A_123 = vector.shape_cast %get3A_119 : vector<16xi32> to vector<16xi32>
    tpu.vector_store %arg13[%swap3A_120], %swap3A_123 {strides = array<i32>} : memref<128xi32, #tpu.memory_space<vmem>>, vector<16xi32>,
    %get3A_124 = arith.constant 96 : index
    %get3A_125 = tpu.vector_load %arg7[%get3A_124] {strides = array<i32>} : memref<128xi32, #tpu.memory_space<vmem>>, vector<16xi32>,
    %get3A_126 = vector.shape_cast %get3A_125 : vector<16xi32> to vector<16xi32>
    %add3A_127 = vector.broadcast %mul3A_0 : i32 to vector<16xi32>
    %add3A_128 = arith.addi %get3A_126, %add3A_127 : vector<16xi32>
    %swap3A_129 = arith.constant 96 : index
    %swap3A_130 = tpu.vector_load %arg11[%swap3A_129] {strides = array<i32>} : memref<128xi32, #tpu.memory_space<vmem>>, vector<16xi32>,
    %swap3A_131 = vector.shape_cast %swap3A_130 : vector<16xi32> to vector<16xi32>
    %swap3A_132 = vector.shape_cast %add3A_128 : vector<16xi32> to vector<16xi32>
    tpu.vector_store %arg11[%swap3A_129], %swap3A_132 {strides = array<i32>} : memref<128xi32, #tpu.memory_space<vmem>>, vector<16xi32>,
    %get3A_133 = arith.constant 96 : index
    %get3A_134 = tpu.vector_load %arg9[%get3A_133] {strides = array<i32>} : memref<128xi32, #tpu.memory_space<vmem>>, vector<16xi32>,
    %get3A_135 = vector.shape_cast %get3A_134 : vector<16xi32> to vector<16xi32>
    %swap3A_136 = arith.constant 96 : index
    %swap3A_137 = tpu.vector_load %arg13[%swap3A_136] {strides = array<i32>} : memref<128xi32, #tpu.memory_space<vmem>>, vector<16xi32>,
    %swap3A_138 = vector.shape_cast %swap3A_137 : vector<16xi32> to vector<16xi32>
    %swap3A_139 = vector.shape_cast %get3A_135 : vector<16xi32> to vector<16xi32>
    tpu.vector_store %arg13[%swap3A_136], %swap3A_139 {strides = array<i32>} : memref<128xi32, #tpu.memory_space<vmem>>, vector<16xi32>,
    %get3A_140 = arith.constant 112 : index
    %get3A_141 = tpu.vector_load %arg7[%get3A_140] {strides = array<i32>} : memref<128xi32, #tpu.memory_space<vmem>>, vector<16xi32>,
    %get3A_142 = vector.shape_cast %get3A_141 : vector<16xi32> to vector<16xi32>
    %add3A_143 = vector.broadcast %mul3A_0 : i32 to vector<16xi32>
    %add3A_144 = arith.addi %get3A_142, %add3A_143 : vector<16xi32>
    %swap3A_145 = arith.constant 112 : index
    %swap3A_146 = tpu.vector_load %arg11[%swap3A_145] {strides = array<i32>} : memref<128xi32, #tpu.memory_space<vmem>>, vector<16xi32>,
    %swap3A_147 = vector.shape_cast %swap3A_146 : vector<16xi32> to vector<16xi32>
    %swap3A_148 = vector.shape_cast %add3A_144 : vector<16xi32> to vector<16xi32>
    tpu.vector_store %arg11[%swap3A_145], %swap3A_148 {strides = array<i32>} : memref<128xi32, #tpu.memory_space<vmem>>, vector<16xi32>,
    %get3A_149 = arith.constant 112 : index
    %get3A_150 = tpu.vector_load %arg9[%get3A_149] {strides = array<i32>} : memref<128xi32, #tpu.memory_space<vmem>>, vector<16xi32>,
    %get3A_151 = vector.shape_cast %get3A_150 : vector<16xi32> to vector<16xi32>
    %swap3A_152 = arith.constant 112 : index
    %swap3A_153 = tpu.vector_load %arg13[%swap3A_152] {strides = array<i32>} : memref<128xi32, #tpu.memory_space<vmem>>, vector<16xi32>,
    %swap3A_154 = vector.shape_cast %swap3A_153 : vector<16xi32> to vector<16xi32>
    %swap3A_155 = vector.shape_cast %get3A_151 : vector<16xi32> to vector<16xi32>
    tpu.vector_store %arg13[%swap3A_152], %swap3A_155 {strides = array<i32>} : memref<128xi32, #tpu.memory_space<vmem>>, vector<16xi32>,
    %add3A_156 = arith.constant 256 : i32
    %add3A_157 = arith.addi %add3A_26, %add3A_156 : i32
    %dma_start3A_158 = tpu.memref_slice %arg3[%add3A_157] : memref<320000xi32, #tpu.memory_space<hbm>> -> memref<128xi32, #tpu.memory_space<hbm>>
    %dma_start3A_159 = tpu.memref_slice %arg3[%add3A_157] : memref<320000xi32, #tpu.memory_space<hbm>> -> memref<128xi32, #tpu.memory_space<hbm>>
    tpu.enqueue_dma source(%dma_start3A_159 : memref<128xi32, #tpu.memory_space<hbm>>) target(%arg7 : memref<128xi32, #tpu.memory_space<vmem>>) target_semaphore(%arg20 : memref<!tpu.dma_semaphore, #tpu.memory_space<semaphore_mem>>)
    %add3A_160 = arith.constant 256 : i32
    %add3A_161 = arith.addi %add3A_26, %add3A_160 : i32
    %dma_start3A_162 = tpu.memref_slice %arg4[%add3A_161] : memref<320000xi32, #tpu.memory_space<hbm>> -> memref<128xi32, #tpu.memory_space<hbm>>
    %dma_start3A_163 = tpu.memref_slice %arg4[%add3A_161] : memref<320000xi32, #tpu.memory_space<hbm>> -> memref<128xi32, #tpu.memory_space<hbm>>
    tpu.enqueue_dma source(%dma_start3A_163 : memref<128xi32, #tpu.memory_space<hbm>>) target(%arg9 : memref<128xi32, #tpu.memory_space<vmem>>) target_semaphore(%arg20 : memref<!tpu.dma_semaphore, #tpu.memory_space<semaphore_mem>>)
    %dma_start3A_164 = arith.constant 0 : i32
    %dma_start3A_165 = arith.constant 0 : i32
    %dma_start3A_166 = tpu.memref_slice %arg2[%dma_start3A_164, %dma_start3A_165] : memref<20000x128xf32, #tpu.memory_space<hbm>> -> memref<20000x128xf32, #tpu.memory_space<hbm>>
    tpu.enqueue_indirect_dma source(%dma_start3A_166 : memref<20000x128xf32, #tpu.memory_space<hbm>>) target(%arg17 : memref<128x128xf32, #tpu.memory_space<vmem>>) offsets(%arg11 : memref<128xi32, #tpu.memory_space<vmem>>) semaphore(%arg22 : memref<!tpu.dma_semaphore, #tpu.memory_space<semaphore_mem>>)
    %add3A_167 = arith.constant 128 : i32
    %add3A_168 = arith.addi %mul3A_13, %add3A_167 : i32
    %dma_wait3A_169 = tpu.memref_slice %arg3[%add3A_168] : memref<320000xi32, #tpu.memory_space<hbm>> -> memref<128xi32, #tpu.memory_space<hbm>>
    %dma_wait3A_170 = tpu.memref_slice %arg3[%add3A_168] : memref<320000xi32, #tpu.memory_space<hbm>> -> memref<128xi32, #tpu.memory_space<hbm>>
    tpu.wait_dma2 semaphore(%arg21 : memref<!tpu.dma_semaphore, #tpu.memory_space<semaphore_mem>>) src(%dma_wait3A_170 : memref<128xi32, #tpu.memory_space<hbm>>) dst(%arg8 : memref<128xi32, #tpu.memory_space<vmem>>)
    %dma_wait3A_171 = tpu.memref_slice %arg4[%add3A_168] : memref<320000xi32, #tpu.memory_space<hbm>> -> memref<128xi32, #tpu.memory_space<hbm>>
    %dma_wait3A_172 = tpu.memref_slice %arg4[%add3A_168] : memref<320000xi32, #tpu.memory_space<hbm>> -> memref<128xi32, #tpu.memory_space<hbm>>
    tpu.wait_dma2 semaphore(%arg21 : memref<!tpu.dma_semaphore, #tpu.memory_space<semaphore_mem>>) src(%dma_wait3A_172 : memref<128xi32, #tpu.memory_space<hbm>>) dst(%arg10 : memref<128xi32, #tpu.memory_space<vmem>>)
    %get3A_173 = arith.constant 0 : index
    %get3A_174 = tpu.vector_load %arg8[%get3A_173] {strides = array<i32>} : memref<128xi32, #tpu.memory_space<vmem>>, vector<16xi32>,
    %get3A_175 = vector.shape_cast %get3A_174 : vector<16xi32> to vector<16xi32>
    %add3A_176 = vector.broadcast %mul3A_0 : i32 to vector<16xi32>
    %add3A_177 = arith.addi %get3A_175, %add3A_176 : vector<16xi32>
    %swap3A_178 = arith.constant 0 : index
    %swap3A_179 = tpu.vector_load %arg12[%swap3A_178] {strides = array<i32>} : memref<128xi32, #tpu.memory_space<vmem>>, vector<16xi32>,
    %swap3A_180 = vector.shape_cast %swap3A_179 : vector<16xi32> to vector<16xi32>
    %swap3A_181 = vector.shape_cast %add3A_177 : vector<16xi32> to vector<16xi32>
    tpu.vector_store %arg12[%swap3A_178], %swap3A_181 {strides = array<i32>} : memref<128xi32, #tpu.memory_space<vmem>>, vector<16xi32>,
    %get3A_182 = arith.constant 0 : index
    %get3A_183 = tpu.vector_load %arg10[%get3A_182] {strides = array<i32>} : memref<128xi32, #tpu.memory_space<vmem>>, vector<16xi32>,
    %get3A_184 = vector.shape_cast %get3A_183 : vector<16xi32> to vector<16xi32>
    %swap3A_185 = arith.constant 0 : index
    %swap3A_186 = tpu.vector_load %arg14[%swap3A_185] {strides = array<i32>} : memref<128xi32, #tpu.memory_space<vmem>>, vector<16xi32>,
    %swap3A_187 = vector.shape_cast %swap3A_186 : vector<16xi32> to vector<16xi32>
    %swap3A_188 = vector.shape_cast %get3A_184 : vector<16xi32> to vector<16xi32>
    tpu.vector_store %arg14[%swap3A_185], %swap3A_188 {strides = array<i32>} : memref<128xi32, #tpu.memory_space<vmem>>, vector<16xi32>,
    %get3A_189 = arith.constant 16 : index
    %get3A_190 = tpu.vector_load %arg8[%get3A_189] {strides = array<i32>} : memref<128xi32, #tpu.memory_space<vmem>>, vector<16xi32>,
    %get3A_191 = vector.shape_cast %get3A_190 : vector<16xi32> to vector<16xi32>
    %add3A_192 = vector.broadcast %mul3A_0 : i32 to vector<16xi32>
    %add3A_193 = arith.addi %get3A_191, %add3A_192 : vector<16xi32>
    %swap3A_194 = arith.constant 16 : index
    %swap3A_195 = tpu.vector_load %arg12[%swap3A_194] {strides = array<i32>} : memref<128xi32, #tpu.memory_space<vmem>>, vector<16xi32>,
    %swap3A_196 = vector.shape_cast %swap3A_195 : vector<16xi32> to vector<16xi32>
    %swap3A_197 = vector.shape_cast %add3A_193 : vector<16xi32> to vector<16xi32>
    tpu.vector_store %arg12[%swap3A_194], %swap3A_197 {strides = array<i32>} : memref<128xi32, #tpu.memory_space<vmem>>, vector<16xi32>,
    %get3A_198 = arith.constant 16 : index
    %get3A_199 = tpu.vector_load %arg10[%get3A_198] {strides = array<i32>} : memref<128xi32, #tpu.memory_space<vmem>>, vector<16xi32>,
    %get3A_200 = vector.shape_cast %get3A_199 : vector<16xi32> to vector<16xi32>
    %swap3A_201 = arith.constant 16 : index
    %swap3A_202 = tpu.vector_load %arg14[%swap3A_201] {strides = array<i32>} : memref<128xi32, #tpu.memory_space<vmem>>, vector<16xi32>,
    %swap3A_203 = vector.shape_cast %swap3A_202 : vector<16xi32> to vector<16xi32>
    %swap3A_204 = vector.shape_cast %get3A_200 : vector<16xi32> to vector<16xi32>
    tpu.vector_store %arg14[%swap3A_201], %swap3A_204 {strides = array<i32>} : memref<128xi32, #tpu.memory_space<vmem>>, vector<16xi32>,
    %get3A_205 = arith.constant 32 : index
    %get3A_206 = tpu.vector_load %arg8[%get3A_205] {strides = array<i32>} : memref<128xi32, #tpu.memory_space<vmem>>, vector<16xi32>,
    %get3A_207 = vector.shape_cast %get3A_206 : vector<16xi32> to vector<16xi32>
    %add3A_208 = vector.broadcast %mul3A_0 : i32 to vector<16xi32>
    %add3A_209 = arith.addi %get3A_207, %add3A_208 : vector<16xi32>
    %swap3A_210 = arith.constant 32 : index
    %swap3A_211 = tpu.vector_load %arg12[%swap3A_210] {strides = array<i32>} : memref<128xi32, #tpu.memory_space<vmem>>, vector<16xi32>,
    %swap3A_212 = vector.shape_cast %swap3A_211 : vector<16xi32> to vector<16xi32>
    %swap3A_213 = vector.shape_cast %add3A_209 : vector<16xi32> to vector<16xi32>
    tpu.vector_store %arg12[%swap3A_210], %swap3A_213 {strides = array<i32>} : memref<128xi32, #tpu.memory_space<vmem>>, vector<16xi32>,
    %get3A_214 = arith.constant 32 : index
    %get3A_215 = tpu.vector_load %arg10[%get3A_214] {strides = array<i32>} : memref<128xi32, #tpu.memory_space<vmem>>, vector<16xi32>,
    %get3A_216 = vector.shape_cast %get3A_215 : vector<16xi32> to vector<16xi32>
    %swap3A_217 = arith.constant 32 : index
    %swap3A_218 = tpu.vector_load %arg14[%swap3A_217] {strides = array<i32>} : memref<128xi32, #tpu.memory_space<vmem>>, vector<16xi32>,
    %swap3A_219 = vector.shape_cast %swap3A_218 : vector<16xi32> to vector<16xi32>
    %swap3A_220 = vector.shape_cast %get3A_216 : vector<16xi32> to vector<16xi32>
    tpu.vector_store %arg14[%swap3A_217], %swap3A_220 {strides = array<i32>} : memref<128xi32, #tpu.memory_space<vmem>>, vector<16xi32>,
    %get3A_221 = arith.constant 48 : index
    %get3A_222 = tpu.vector_load %arg8[%get3A_221] {strides = array<i32>} : memref<128xi32, #tpu.memory_space<vmem>>, vector<16xi32>,
    %get3A_223 = vector.shape_cast %get3A_222 : vector<16xi32> to vector<16xi32>
    %add3A_224 = vector.broadcast %mul3A_0 : i32 to vector<16xi32>
    %add3A_225 = arith.addi %get3A_223, %add3A_224 : vector<16xi32>
    %swap3A_226 = arith.constant 48 : index
    %swap3A_227 = tpu.vector_load %arg12[%swap3A_226] {strides = array<i32>} : memref<128xi32, #tpu.memory_space<vmem>>, vector<16xi32>,
    %swap3A_228 = vector.shape_cast %swap3A_227 : vector<16xi32> to vector<16xi32>
    %swap3A_229 = vector.shape_cast %add3A_225 : vector<16xi32> to vector<16xi32>
    tpu.vector_store %arg12[%swap3A_226], %swap3A_229 {strides = array<i32>} : memref<128xi32, #tpu.memory_space<vmem>>, vector<16xi32>,
    %get3A_230 = arith.constant 48 : index
    %get3A_231 = tpu.vector_load %arg10[%get3A_230] {strides = array<i32>} : memref<128xi32, #tpu.memory_space<vmem>>, vector<16xi32>,
    %get3A_232 = vector.shape_cast %get3A_231 : vector<16xi32> to vector<16xi32>
    %swap3A_233 = arith.constant 48 : index
    %swap3A_234 = tpu.vector_load %arg14[%swap3A_233] {strides = array<i32>} : memref<128xi32, #tpu.memory_space<vmem>>, vector<16xi32>,
    %swap3A_235 = vector.shape_cast %swap3A_234 : vector<16xi32> to vector<16xi32>
    %swap3A_236 = vector.shape_cast %get3A_232 : vector<16xi32> to vector<16xi32>
    tpu.vector_store %arg14[%swap3A_233], %swap3A_236 {strides = array<i32>} : memref<128xi32, #tpu.memory_space<vmem>>, vector<16xi32>,
    %get3A_237 = arith.constant 64 : index
    %get3A_238 = tpu.vector_load %arg8[%get3A_237] {strides = array<i32>} : memref<128xi32, #tpu.memory_space<vmem>>, vector<16xi32>,
    %get3A_239 = vector.shape_cast %get3A_238 : vector<16xi32> to vector<16xi32>
    %add3A_240 = vector.broadcast %mul3A_0 : i32 to vector<16xi32>
    %add3A_241 = arith.addi %get3A_239, %add3A_240 : vector<16xi32>
    %swap3A_242 = arith.constant 64 : index
    %swap3A_243 = tpu.vector_load %arg12[%swap3A_242] {strides = array<i32>} : memref<128xi32, #tpu.memory_space<vmem>>, vector<16xi32>,
    %swap3A_244 = vector.shape_cast %swap3A_243 : vector<16xi32> to vector<16xi32>
    %swap3A_245 = vector.shape_cast %add3A_241 : vector<16xi32> to vector<16xi32>
    tpu.vector_store %arg12[%swap3A_242], %swap3A_245 {strides = array<i32>} : memref<128xi32, #tpu.memory_space<vmem>>, vector<16xi32>,
    %get3A_246 = arith.constant 64 : index
    %get3A_247 = tpu.vector_load %arg10[%get3A_246] {strides = array<i32>} : memref<128xi32, #tpu.memory_space<vmem>>, vector<16xi32>,
    %get3A_248 = vector.shape_cast %get3A_247 : vector<16xi32> to vector<16xi32>
    %swap3A_249 = arith.constant 64 : index
    %swap3A_250 = tpu.vector_load %arg14[%swap3A_249] {strides = array<i32>} : memref<128xi32, #tpu.memory_space<vmem>>, vector<16xi32>,
    %swap3A_251 = vector.shape_cast %swap3A_250 : vector<16xi32> to vector<16xi32>
    %swap3A_252 = vector.shape_cast %get3A_248 : vector<16xi32> to vector<16xi32>
    tpu.vector_store %arg14[%swap3A_249], %swap3A_252 {strides = array<i32>} : memref<128xi32, #tpu.memory_space<vmem>>, vector<16xi32>,
    %get3A_253 = arith.constant 80 : index
    %get3A_254 = tpu.vector_load %arg8[%get3A_253] {strides = array<i32>} : memref<128xi32, #tpu.memory_space<vmem>>, vector<16xi32>,
    %get3A_255 = vector.shape_cast %get3A_254 : vector<16xi32> to vector<16xi32>
    %add3A_256 = vector.broadcast %mul3A_0 : i32 to vector<16xi32>
    %add3A_257 = arith.addi %get3A_255, %add3A_256 : vector<16xi32>
    %swap3A_258 = arith.constant 80 : index
    %swap3A_259 = tpu.vector_load %arg12[%swap3A_258] {strides = array<i32>} : memref<128xi32, #tpu.memory_space<vmem>>, vector<16xi32>,
    %swap3A_260 = vector.shape_cast %swap3A_259 : vector<16xi32> to vector<16xi32>
    %swap3A_261 = vector.shape_cast %add3A_257 : vector<16xi32> to vector<16xi32>
    tpu.vector_store %arg12[%swap3A_258], %swap3A_261 {strides = array<i32>} : memref<128xi32, #tpu.memory_space<vmem>>, vector<16xi32>,
    %get3A_262 = arith.constant 80 : index
    %get3A_263 = tpu.vector_load %arg10[%get3A_262] {strides = array<i32>} : memref<128xi32, #tpu.memory_space<vmem>>, vector<16xi32>,
    %get3A_264 = vector.shape_cast %get3A_263 : vector<16xi32> to vector<16xi32>
    %swap3A_265 = arith.constant 80 : index
    %swap3A_266 = tpu.vector_load %arg14[%swap3A_265] {strides = array<i32>} : memref<128xi32, #tpu.memory_space<vmem>>, vector<16xi32>,
    %swap3A_267 = vector.shape_cast %swap3A_266 : vector<16xi32> to vector<16xi32>
    %swap3A_268 = vector.shape_cast %get3A_264 : vector<16xi32> to vector<16xi32>
    tpu.vector_store %arg14[%swap3A_265], %swap3A_268 {strides = array<i32>} : memref<128xi32, #tpu.memory_space<vmem>>, vector<16xi32>,
    %get3A_269 = arith.constant 96 : index
    %get3A_270 = tpu.vector_load %arg8[%get3A_269] {strides = array<i32>} : memref<128xi32, #tpu.memory_space<vmem>>, vector<16xi32>,
    %get3A_271 = vector.shape_cast %get3A_270 : vector<16xi32> to vector<16xi32>
    %add3A_272 = vector.broadcast %mul3A_0 : i32 to vector<16xi32>
    %add3A_273 = arith.addi %get3A_271, %add3A_272 : vector<16xi32>
    %swap3A_274 = arith.constant 96 : index
    %swap3A_275 = tpu.vector_load %arg12[%swap3A_274] {strides = array<i32>} : memref<128xi32, #tpu.memory_space<vmem>>, vector<16xi32>,
    %swap3A_276 = vector.shape_cast %swap3A_275 : vector<16xi32> to vector<16xi32>
    %swap3A_277 = vector.shape_cast %add3A_273 : vector<16xi32> to vector<16xi32>
    tpu.vector_store %arg12[%swap3A_274], %swap3A_277 {strides = array<i32>} : memref<128xi32, #tpu.memory_space<vmem>>, vector<16xi32>,
    %get3A_278 = arith.constant 96 : index
    %get3A_279 = tpu.vector_load %arg10[%get3A_278] {strides = array<i32>} : memref<128xi32, #tpu.memory_space<vmem>>, vector<16xi32>,
    %get3A_280 = vector.shape_cast %get3A_279 : vector<16xi32> to vector<16xi32>
    %swap3A_281 = arith.constant 96 : index
    %swap3A_282 = tpu.vector_load %arg14[%swap3A_281] {strides = array<i32>} : memref<128xi32, #tpu.memory_space<vmem>>, vector<16xi32>,
    %swap3A_283 = vector.shape_cast %swap3A_282 : vector<16xi32> to vector<16xi32>
    %swap3A_284 = vector.shape_cast %get3A_280 : vector<16xi32> to vector<16xi32>
    tpu.vector_store %arg14[%swap3A_281], %swap3A_284 {strides = array<i32>} : memref<128xi32, #tpu.memory_space<vmem>>, vector<16xi32>,
    %get3A_285 = arith.constant 112 : index
    %get3A_286 = tpu.vector_load %arg8[%get3A_285] {strides = array<i32>} : memref<128xi32, #tpu.memory_space<vmem>>, vector<16xi32>,
    %get3A_287 = vector.shape_cast %get3A_286 : vector<16xi32> to vector<16xi32>
    %add3A_288 = vector.broadcast %mul3A_0 : i32 to vector<16xi32>
    %add3A_289 = arith.addi %get3A_287, %add3A_288 : vector<16xi32>
    %swap3A_290 = arith.constant 112 : index
    %swap3A_291 = tpu.vector_load %arg12[%swap3A_290] {strides = array<i32>} : memref<128xi32, #tpu.memory_space<vmem>>, vector<16xi32>,
    %swap3A_292 = vector.shape_cast %swap3A_291 : vector<16xi32> to vector<16xi32>
    %swap3A_293 = vector.shape_cast %add3A_289 : vector<16xi32> to vector<16xi32>
    tpu.vector_store %arg12[%swap3A_290], %swap3A_293 {strides = array<i32>} : memref<128xi32, #tpu.memory_space<vmem>>, vector<16xi32>,
    %get3A_294 = arith.constant 112 : index
    %get3A_295 = tpu.vector_load %arg10[%get3A_294] {strides = array<i32>} : memref<128xi32, #tpu.memory_space<vmem>>, vector<16xi32>,
    %get3A_296 = vector.shape_cast %get3A_295 : vector<16xi32> to vector<16xi32>
    %swap3A_297 = arith.constant 112 : index
    %swap3A_298 = tpu.vector_load %arg14[%swap3A_297] {strides = array<i32>} : memref<128xi32, #tpu.memory_space<vmem>>, vector<16xi32>,
    %swap3A_299 = vector.shape_cast %swap3A_298 : vector<16xi32> to vector<16xi32>
    %swap3A_300 = vector.shape_cast %get3A_296 : vector<16xi32> to vector<16xi32>
    tpu.vector_store %arg14[%swap3A_297], %swap3A_300 {strides = array<i32>} : memref<128xi32, #tpu.memory_space<vmem>>, vector<16xi32>,
    %add3A_301 = arith.constant 256 : i32
    %add3A_302 = arith.addi %add3A_168, %add3A_301 : i32
    %dma_start3A_303 = tpu.memref_slice %arg3[%add3A_302] : memref<320000xi32, #tpu.memory_space<hbm>> -> memref<128xi32, #tpu.memory_space<hbm>>
    %dma_start3A_304 = tpu.memref_slice %arg3[%add3A_302] : memref<320000xi32, #tpu.memory_space<hbm>> -> memref<128xi32, #tpu.memory_space<hbm>>
    tpu.enqueue_dma source(%dma_start3A_304 : memref<128xi32, #tpu.memory_space<hbm>>) target(%arg8 : memref<128xi32, #tpu.memory_space<vmem>>) target_semaphore(%arg21 : memref<!tpu.dma_semaphore, #tpu.memory_space<semaphore_mem>>)
    %add3A_305 = arith.constant 256 : i32
    %add3A_306 = arith.addi %add3A_168, %add3A_305 : i32
    %dma_start3A_307 = tpu.memref_slice %arg4[%add3A_306] : memref<320000xi32, #tpu.memory_space<hbm>> -> memref<128xi32, #tpu.memory_space<hbm>>
    %dma_start3A_308 = tpu.memref_slice %arg4[%add3A_306] : memref<320000xi32, #tpu.memory_space<hbm>> -> memref<128xi32, #tpu.memory_space<hbm>>
    tpu.enqueue_dma source(%dma_start3A_308 : memref<128xi32, #tpu.memory_space<hbm>>) target(%arg10 : memref<128xi32, #tpu.memory_space<vmem>>) target_semaphore(%arg21 : memref<!tpu.dma_semaphore, #tpu.memory_space<semaphore_mem>>)
    %dma_start3A_309 = arith.constant 0 : i32
    %dma_start3A_310 = arith.constant 0 : i32
    %dma_start3A_311 = tpu.memref_slice %arg2[%dma_start3A_309, %dma_start3A_310] : memref<20000x128xf32, #tpu.memory_space<hbm>> -> memref<20000x128xf32, #tpu.memory_space<hbm>>
    tpu.enqueue_indirect_dma source(%dma_start3A_311 : memref<20000x128xf32, #tpu.memory_space<hbm>>) target(%arg18 : memref<128x128xf32, #tpu.memory_space<vmem>>) offsets(%arg12 : memref<128xi32, #tpu.memory_space<vmem>>) semaphore(%arg23 : memref<!tpu.dma_semaphore, #tpu.memory_space<semaphore_mem>>)
    %dma_wait3A_312 = arith.constant 0 : i32
    %dma_wait3A_313 = arith.constant 0 : i32
    %dma_wait3A_314 = tpu.memref_slice %arg2[%dma_wait3A_312, %dma_wait3A_313] : memref<20000x128xf32, #tpu.memory_space<hbm>> -> memref<20000x128xf32, #tpu.memory_space<hbm>>
    tpu.wait_indirect_dma semaphore(%arg22 : memref<!tpu.dma_semaphore, #tpu.memory_space<semaphore_mem>>) src(%dma_wait3A_314 : memref<20000x128xf32, #tpu.memory_space<hbm>>) dst(%arg17 : memref<128x128xf32, #tpu.memory_space<vmem>>)
    %dma_start3A_315 = arith.constant 0 : i32
    %dma_start3A_316 = arith.constant 0 : i32
    %dma_start3A_317 = tpu.memref_slice %arg19[%dma_start3A_315, %dma_start3A_316] : memref<10240x128xf32, #tpu.memory_space<vmem_shared>> -> memref<10240x128xf32, #tpu.memory_space<vmem_shared>>
    tpu.enqueue_indirect_dma source(%arg17 : memref<128x128xf32, #tpu.memory_space<vmem>>) target(%dma_start3A_317 : memref<10240x128xf32, #tpu.memory_space<vmem_shared>>) offsets(%arg13 : memref<128xi32, #tpu.memory_space<vmem>>) semaphore(%arg24 : memref<!tpu.dma_semaphore, #tpu.memory_space<semaphore_mem>>) {add = true}
    %scan3A = arith.constant 0 : i32
    %scan3A_318 = arith.constant 1 : i32
    %scan3A_319 = arith.constant 76 : i32
    %scan3A_320 = arith.addi %scan3A_318, %scan3A_319 : i32
    %scan3A_321 = arith.constant 1 : i32
    scf.for %scan3A_683 = %scan3A_318 to %scan3A_320 step %scan3A_321  : i32 {
      %mul3A_684 = arith.constant 2 : i32
      %mul3A_685 = arith.muli %scan3A_683, %mul3A_684 : i32
      %add3A_686 = arith.constant 0 : i32
      %add3A_687 = arith.addi %mul3A_685, %add3A_686 : i32
      %mul3A_688 = arith.constant 128 : i32
      %mul3A_689 = arith.muli %add3A_687, %mul3A_688 : i32
      %add3A_690 = arith.addi %mul3A_13, %mul3A_689 : i32
      %dma_wait3A_691 = arith.constant 0 : i32
      %dma_wait3A_692 = arith.constant 0 : i32
      %dma_wait3A_693 = tpu.memref_slice %arg19[%dma_wait3A_691, %dma_wait3A_692] : memref<10240x128xf32, #tpu.memory_space<vmem_shared>> -> memref<10240x128xf32, #tpu.memory_space<vmem_shared>>
      tpu.wait_indirect_dma semaphore(%arg24 : memref<!tpu.dma_semaphore, #tpu.memory_space<semaphore_mem>>) src(%arg17 : memref<128x128xf32, #tpu.memory_space<vmem>>) dst(%dma_wait3A_693 : memref<10240x128xf32, #tpu.memory_space<vmem_shared>>)
      %dma_wait3A_694 = tpu.memref_slice %arg3[%add3A_690] : memref<320000xi32, #tpu.memory_space<hbm>> -> memref<128xi32, #tpu.memory_space<hbm>>
      %dma_wait3A_695 = tpu.memref_slice %arg3[%add3A_690] : memref<320000xi32, #tpu.memory_space<hbm>> -> memref<128xi32, #tpu.memory_space<hbm>>
      tpu.wait_dma2 semaphore(%arg20 : memref<!tpu.dma_semaphore, #tpu.memory_space<semaphore_mem>>) src(%dma_wait3A_695 : memref<128xi32, #tpu.memory_space<hbm>>) dst(%arg7 : memref<128xi32, #tpu.memory_space<vmem>>)
      %dma_wait3A_696 = tpu.memref_slice %arg4[%add3A_690] : memref<320000xi32, #tpu.memory_space<hbm>> -> memref<128xi32, #tpu.memory_space<hbm>>
      %dma_wait3A_697 = tpu.memref_slice %arg4[%add3A_690] : memref<320000xi32, #tpu.memory_space<hbm>> -> memref<128xi32, #tpu.memory_space<hbm>>
      tpu.wait_dma2 semaphore(%arg20 : memref<!tpu.dma_semaphore, #tpu.memory_space<semaphore_mem>>) src(%dma_wait3A_697 : memref<128xi32, #tpu.memory_space<hbm>>) dst(%arg9 : memref<128xi32, #tpu.memory_space<vmem>>)
      %get3A_698 = arith.constant 0 : index
      %get3A_699 = tpu.vector_load %arg7[%get3A_698] {strides = array<i32>} : memref<128xi32, #tpu.memory_space<vmem>>, vector<16xi32>,
      %get3A_700 = vector.shape_cast %get3A_699 : vector<16xi32> to vector<16xi32>
      %add3A_701 = vector.broadcast %mul3A_0 : i32 to vector<16xi32>
      %add3A_702 = arith.addi %get3A_700, %add3A_701 : vector<16xi32>
      %swap3A_703 = arith.constant 0 : index
      %swap3A_704 = tpu.vector_load %arg11[%swap3A_703] {strides = array<i32>} : memref<128xi32, #tpu.memory_space<vmem>>, vector<16xi32>,
      %swap3A_705 = vector.shape_cast %swap3A_704 : vector<16xi32> to vector<16xi32>
      %swap3A_706 = vector.shape_cast %add3A_702 : vector<16xi32> to vector<16xi32>
      tpu.vector_store %arg11[%swap3A_703], %swap3A_706 {strides = array<i32>} : memref<128xi32, #tpu.memory_space<vmem>>, vector<16xi32>,
      %get3A_707 = arith.constant 0 : index
      %get3A_708 = tpu.vector_load %arg9[%get3A_707] {strides = array<i32>} : memref<128xi32, #tpu.memory_space<vmem>>, vector<16xi32>,
      %get3A_709 = vector.shape_cast %get3A_708 : vector<16xi32> to vector<16xi32>
      %swap3A_710 = arith.constant 0 : index
      %swap3A_711 = tpu.vector_load %arg13[%swap3A_710] {strides = array<i32>} : memref<128xi32, #tpu.memory_space<vmem>>, vector<16xi32>,
      %swap3A_712 = vector.shape_cast %swap3A_711 : vector<16xi32> to vector<16xi32>
      %swap3A_713 = vector.shape_cast %get3A_709 : vector<16xi32> to vector<16xi32>
      tpu.vector_store %arg13[%swap3A_710], %swap3A_713 {strides = array<i32>} : memref<128xi32, #tpu.memory_space<vmem>>, vector<16xi32>,
      %get3A_714 = arith.constant 16 : index
      %get3A_715 = tpu.vector_load %arg7[%get3A_714] {strides = array<i32>} : memref<128xi32, #tpu.memory_space<vmem>>, vector<16xi32>,
      %get3A_716 = vector.shape_cast %get3A_715 : vector<16xi32> to vector<16xi32>
      %add3A_717 = vector.broadcast %mul3A_0 : i32 to vector<16xi32>
      %add3A_718 = arith.addi %get3A_716, %add3A_717 : vector<16xi32>
      %swap3A_719 = arith.constant 16 : index
      %swap3A_720 = tpu.vector_load %arg11[%swap3A_719] {strides = array<i32>} : memref<128xi32, #tpu.memory_space<vmem>>, vector<16xi32>,
      %swap3A_721 = vector.shape_cast %swap3A_720 : vector<16xi32> to vector<16xi32>
      %swap3A_722 = vector.shape_cast %add3A_718 : vector<16xi32> to vector<16xi32>
      tpu.vector_store %arg11[%swap3A_719], %swap3A_722 {strides = array<i32>} : memref<128xi32, #tpu.memory_space<vmem>>, vector<16xi32>,
      %get3A_723 = arith.constant 16 : index
      %get3A_724 = tpu.vector_load %arg9[%get3A_723] {strides = array<i32>} : memref<128xi32, #tpu.memory_space<vmem>>, vector<16xi32>,
      %get3A_725 = vector.shape_cast %get3A_724 : vector<16xi32> to vector<16xi32>
      %swap3A_726 = arith.constant 16 : index
      %swap3A_727 = tpu.vector_load %arg13[%swap3A_726] {strides = array<i32>} : memref<128xi32, #tpu.memory_space<vmem>>, vector<16xi32>,
      %swap3A_728 = vector.shape_cast %swap3A_727 : vector<16xi32> to vector<16xi32>
      %swap3A_729 = vector.shape_cast %get3A_725 : vector<16xi32> to vector<16xi32>
      tpu.vector_store %arg13[%swap3A_726], %swap3A_729 {strides = array<i32>} : memref<128xi32, #tpu.memory_space<vmem>>, vector<16xi32>,
      %get3A_730 = arith.constant 32 : index
      %get3A_731 = tpu.vector_load %arg7[%get3A_730] {strides = array<i32>} : memref<128xi32, #tpu.memory_space<vmem>>, vector<16xi32>,
      %get3A_732 = vector.shape_cast %get3A_731 : vector<16xi32> to vector<16xi32>
      %add3A_733 = vector.broadcast %mul3A_0 : i32 to vector<16xi32>
      %add3A_734 = arith.addi %get3A_732, %add3A_733 : vector<16xi32>
      %swap3A_735 = arith.constant 32 : index
      %swap3A_736 = tpu.vector_load %arg11[%swap3A_735] {strides = array<i32>} : memref<128xi32, #tpu.memory_space<vmem>>, vector<16xi32>,
      %swap3A_737 = vector.shape_cast %swap3A_736 : vector<16xi32> to vector<16xi32>
      %swap3A_738 = vector.shape_cast %add3A_734 : vector<16xi32> to vector<16xi32>
      tpu.vector_store %arg11[%swap3A_735], %swap3A_738 {strides = array<i32>} : memref<128xi32, #tpu.memory_space<vmem>>, vector<16xi32>,
      %get3A_739 = arith.constant 32 : index
      %get3A_740 = tpu.vector_load %arg9[%get3A_739] {strides = array<i32>} : memref<128xi32, #tpu.memory_space<vmem>>, vector<16xi32>,
      %get3A_741 = vector.shape_cast %get3A_740 : vector<16xi32> to vector<16xi32>
      %swap3A_742 = arith.constant 32 : index
      %swap3A_743 = tpu.vector_load %arg13[%swap3A_742] {strides = array<i32>} : memref<128xi32, #tpu.memory_space<vmem>>, vector<16xi32>,
      %swap3A_744 = vector.shape_cast %swap3A_743 : vector<16xi32> to vector<16xi32>
      %swap3A_745 = vector.shape_cast %get3A_741 : vector<16xi32> to vector<16xi32>
      tpu.vector_store %arg13[%swap3A_742], %swap3A_745 {strides = array<i32>} : memref<128xi32, #tpu.memory_space<vmem>>, vector<16xi32>,
      %get3A_746 = arith.constant 48 : index
      %get3A_747 = tpu.vector_load %arg7[%get3A_746] {strides = array<i32>} : memref<128xi32, #tpu.memory_space<vmem>>, vector<16xi32>,
      %get3A_748 = vector.shape_cast %get3A_747 : vector<16xi32> to vector<16xi32>
      %add3A_749 = vector.broadcast %mul3A_0 : i32 to vector<16xi32>
      %add3A_750 = arith.addi %get3A_748, %add3A_749 : vector<16xi32>
      %swap3A_751 = arith.constant 48 : index
      %swap3A_752 = tpu.vector_load %arg11[%swap3A_751] {strides = array<i32>} : memref<128xi32, #tpu.memory_space<vmem>>, vector<16xi32>,
      %swap3A_753 = vector.shape_cast %swap3A_752 : vector<16xi32> to vector<16xi32>
      %swap3A_754 = vector.shape_cast %add3A_750 : vector<16xi32> to vector<16xi32>
      tpu.vector_store %arg11[%swap3A_751], %swap3A_754 {strides = array<i32>} : memref<128xi32, #tpu.memory_space<vmem>>, vector<16xi32>,
      %get3A_755 = arith.constant 48 : index
      %get3A_756 = tpu.vector_load %arg9[%get3A_755] {strides = array<i32>} : memref<128xi32, #tpu.memory_space<vmem>>, vector<16xi32>,
      %get3A_757 = vector.shape_cast %get3A_756 : vector<16xi32> to vector<16xi32>
      %swap3A_758 = arith.constant 48 : index
      %swap3A_759 = tpu.vector_load %arg13[%swap3A_758] {strides = array<i32>} : memref<128xi32, #tpu.memory_space<vmem>>, vector<16xi32>,
      %swap3A_760 = vector.shape_cast %swap3A_759 : vector<16xi32> to vector<16xi32>
      %swap3A_761 = vector.shape_cast %get3A_757 : vector<16xi32> to vector<16xi32>
      tpu.vector_store %arg13[%swap3A_758], %swap3A_761 {strides = array<i32>} : memref<128xi32, #tpu.memory_space<vmem>>, vector<16xi32>,
      %get3A_762 = arith.constant 64 : index
      %get3A_763 = tpu.vector_load %arg7[%get3A_762] {strides = array<i32>} : memref<128xi32, #tpu.memory_space<vmem>>, vector<16xi32>,
      %get3A_764 = vector.shape_cast %get3A_763 : vector<16xi32> to vector<16xi32>
      %add3A_765 = vector.broadcast %mul3A_0 : i32 to vector<16xi32>
      %add3A_766 = arith.addi %get3A_764, %add3A_765 : vector<16xi32>
      %swap3A_767 = arith.constant 64 : index
      %swap3A_768 = tpu.vector_load %arg11[%swap3A_767] {strides = array<i32>} : memref<128xi32, #tpu.memory_space<vmem>>, vector<16xi32>,
      %swap3A_769 = vector.shape_cast %swap3A_768 : vector<16xi32> to vector<16xi32>
      %swap3A_770 = vector.shape_cast %add3A_766 : vector<16xi32> to vector<16xi32>
      tpu.vector_store %arg11[%swap3A_767], %swap3A_770 {strides = array<i32>} : memref<128xi32, #tpu.memory_space<vmem>>, vector<16xi32>,
      %get3A_771 = arith.constant 64 : index
      %get3A_772 = tpu.vector_load %arg9[%get3A_771] {strides = array<i32>} : memref<128xi32, #tpu.memory_space<vmem>>, vector<16xi32>,
      %get3A_773 = vector.shape_cast %get3A_772 : vector<16xi32> to vector<16xi32>
      %swap3A_774 = arith.constant 64 : index
      %swap3A_775 = tpu.vector_load %arg13[%swap3A_774] {strides = array<i32>} : memref<128xi32, #tpu.memory_space<vmem>>, vector<16xi32>,
      %swap3A_776 = vector.shape_cast %swap3A_775 : vector<16xi32> to vector<16xi32>
      %swap3A_777 = vector.shape_cast %get3A_773 : vector<16xi32> to vector<16xi32>
      tpu.vector_store %arg13[%swap3A_774], %swap3A_777 {strides = array<i32>} : memref<128xi32, #tpu.memory_space<vmem>>, vector<16xi32>,
      %get3A_778 = arith.constant 80 : index
      %get3A_779 = tpu.vector_load %arg7[%get3A_778] {strides = array<i32>} : memref<128xi32, #tpu.memory_space<vmem>>, vector<16xi32>,
      %get3A_780 = vector.shape_cast %get3A_779 : vector<16xi32> to vector<16xi32>
      %add3A_781 = vector.broadcast %mul3A_0 : i32 to vector<16xi32>
      %add3A_782 = arith.addi %get3A_780, %add3A_781 : vector<16xi32>
      %swap3A_783 = arith.constant 80 : index
      %swap3A_784 = tpu.vector_load %arg11[%swap3A_783] {strides = array<i32>} : memref<128xi32, #tpu.memory_space<vmem>>, vector<16xi32>,
      %swap3A_785 = vector.shape_cast %swap3A_784 : vector<16xi32> to vector<16xi32>
      %swap3A_786 = vector.shape_cast %add3A_782 : vector<16xi32> to vector<16xi32>
      tpu.vector_store %arg11[%swap3A_783], %swap3A_786 {strides = array<i32>} : memref<128xi32, #tpu.memory_space<vmem>>, vector<16xi32>,
      %get3A_787 = arith.constant 80 : index
      %get3A_788 = tpu.vector_load %arg9[%get3A_787] {strides = array<i32>} : memref<128xi32, #tpu.memory_space<vmem>>, vector<16xi32>,
      %get3A_789 = vector.shape_cast %get3A_788 : vector<16xi32> to vector<16xi32>
      %swap3A_790 = arith.constant 80 : index
      %swap3A_791 = tpu.vector_load %arg13[%swap3A_790] {strides = array<i32>} : memref<128xi32, #tpu.memory_space<vmem>>, vector<16xi32>,
      %swap3A_792 = vector.shape_cast %swap3A_791 : vector<16xi32> to vector<16xi32>
      %swap3A_793 = vector.shape_cast %get3A_789 : vector<16xi32> to vector<16xi32>
      tpu.vector_store %arg13[%swap3A_790], %swap3A_793 {strides = array<i32>} : memref<128xi32, #tpu.memory_space<vmem>>, vector<16xi32>,
      %get3A_794 = arith.constant 96 : index
      %get3A_795 = tpu.vector_load %arg7[%get3A_794] {strides = array<i32>} : memref<128xi32, #tpu.memory_space<vmem>>, vector<16xi32>,
      %get3A_796 = vector.shape_cast %get3A_795 : vector<16xi32> to vector<16xi32>
      %add3A_797 = vector.broadcast %mul3A_0 : i32 to vector<16xi32>
      %add3A_798 = arith.addi %get3A_796, %add3A_797 : vector<16xi32>
      %swap3A_799 = arith.constant 96 : index
      %swap3A_800 = tpu.vector_load %arg11[%swap3A_799] {strides = array<i32>} : memref<128xi32, #tpu.memory_space<vmem>>, vector<16xi32>,
      %swap3A_801 = vector.shape_cast %swap3A_800 : vector<16xi32> to vector<16xi32>
      %swap3A_802 = vector.shape_cast %add3A_798 : vector<16xi32> to vector<16xi32>
      tpu.vector_store %arg11[%swap3A_799], %swap3A_802 {strides = array<i32>} : memref<128xi32, #tpu.memory_space<vmem>>, vector<16xi32>,
      %get3A_803 = arith.constant 96 : index
      %get3A_804 = tpu.vector_load %arg9[%get3A_803] {strides = array<i32>} : memref<128xi32, #tpu.memory_space<vmem>>, vector<16xi32>,
      %get3A_805 = vector.shape_cast %get3A_804 : vector<16xi32> to vector<16xi32>
      %swap3A_806 = arith.constant 96 : index
      %swap3A_807 = tpu.vector_load %arg13[%swap3A_806] {strides = array<i32>} : memref<128xi32, #tpu.memory_space<vmem>>, vector<16xi32>,
      %swap3A_808 = vector.shape_cast %swap3A_807 : vector<16xi32> to vector<16xi32>
      %swap3A_809 = vector.shape_cast %get3A_805 : vector<16xi32> to vector<16xi32>
      tpu.vector_store %arg13[%swap3A_806], %swap3A_809 {strides = array<i32>} : memref<128xi32, #tpu.memory_space<vmem>>, vector<16xi32>,
      %get3A_810 = arith.constant 112 : index
      %get3A_811 = tpu.vector_load %arg7[%get3A_810] {strides = array<i32>} : memref<128xi32, #tpu.memory_space<vmem>>, vector<16xi32>,
      %get3A_812 = vector.shape_cast %get3A_811 : vector<16xi32> to vector<16xi32>
      %add3A_813 = vector.broadcast %mul3A_0 : i32 to vector<16xi32>
      %add3A_814 = arith.addi %get3A_812, %add3A_813 : vector<16xi32>
      %swap3A_815 = arith.constant 112 : index
      %swap3A_816 = tpu.vector_load %arg11[%swap3A_815] {strides = array<i32>} : memref<128xi32, #tpu.memory_space<vmem>>, vector<16xi32>,
      %swap3A_817 = vector.shape_cast %swap3A_816 : vector<16xi32> to vector<16xi32>
      %swap3A_818 = vector.shape_cast %add3A_814 : vector<16xi32> to vector<16xi32>
      tpu.vector_store %arg11[%swap3A_815], %swap3A_818 {strides = array<i32>} : memref<128xi32, #tpu.memory_space<vmem>>, vector<16xi32>,
      %get3A_819 = arith.constant 112 : index
      %get3A_820 = tpu.vector_load %arg9[%get3A_819] {strides = array<i32>} : memref<128xi32, #tpu.memory_space<vmem>>, vector<16xi32>,
      %get3A_821 = vector.shape_cast %get3A_820 : vector<16xi32> to vector<16xi32>
      %swap3A_822 = arith.constant 112 : index
      %swap3A_823 = tpu.vector_load %arg13[%swap3A_822] {strides = array<i32>} : memref<128xi32, #tpu.memory_space<vmem>>, vector<16xi32>,
      %swap3A_824 = vector.shape_cast %swap3A_823 : vector<16xi32> to vector<16xi32>
      %swap3A_825 = vector.shape_cast %get3A_821 : vector<16xi32> to vector<16xi32>
      tpu.vector_store %arg13[%swap3A_822], %swap3A_825 {strides = array<i32>} : memref<128xi32, #tpu.memory_space<vmem>>, vector<16xi32>,
      %add3A_826 = arith.constant 256 : i32
      %add3A_827 = arith.addi %add3A_690, %add3A_826 : i32
      %dma_start3A_828 = tpu.memref_slice %arg3[%add3A_827] : memref<320000xi32, #tpu.memory_space<hbm>> -> memref<128xi32, #tpu.memory_space<hbm>>
      %dma_start3A_829 = tpu.memref_slice %arg3[%add3A_827] : memref<320000xi32, #tpu.memory_space<hbm>> -> memref<128xi32, #tpu.memory_space<hbm>>
      tpu.enqueue_dma source(%dma_start3A_829 : memref<128xi32, #tpu.memory_space<hbm>>) target(%arg7 : memref<128xi32, #tpu.memory_space<vmem>>) target_semaphore(%arg20 : memref<!tpu.dma_semaphore, #tpu.memory_space<semaphore_mem>>)
      %add3A_830 = arith.constant 256 : i32
      %add3A_831 = arith.addi %add3A_690, %add3A_830 : i32
      %dma_start3A_832 = tpu.memref_slice %arg4[%add3A_831] : memref<320000xi32, #tpu.memory_space<hbm>> -> memref<128xi32, #tpu.memory_space<hbm>>
      %dma_start3A_833 = tpu.memref_slice %arg4[%add3A_831] : memref<320000xi32, #tpu.memory_space<hbm>> -> memref<128xi32, #tpu.memory_space<hbm>>
      tpu.enqueue_dma source(%dma_start3A_833 : memref<128xi32, #tpu.memory_space<hbm>>) target(%arg9 : memref<128xi32, #tpu.memory_space<vmem>>) target_semaphore(%arg20 : memref<!tpu.dma_semaphore, #tpu.memory_space<semaphore_mem>>)
      %dma_start3A_834 = arith.constant 0 : i32
      %dma_start3A_835 = arith.constant 0 : i32
      %dma_start3A_836 = tpu.memref_slice %arg2[%dma_start3A_834, %dma_start3A_835] : memref<20000x128xf32, #tpu.memory_space<hbm>> -> memref<20000x128xf32, #tpu.memory_space<hbm>>
      tpu.enqueue_indirect_dma source(%dma_start3A_836 : memref<20000x128xf32, #tpu.memory_space<hbm>>) target(%arg17 : memref<128x128xf32, #tpu.memory_space<vmem>>) offsets(%arg11 : memref<128xi32, #tpu.memory_space<vmem>>) semaphore(%arg22 : memref<!tpu.dma_semaphore, #tpu.memory_space<semaphore_mem>>)
      %dma_wait3A_837 = arith.constant 0 : i32
      %dma_wait3A_838 = arith.constant 0 : i32
      %dma_wait3A_839 = tpu.memref_slice %arg2[%dma_wait3A_837, %dma_wait3A_838] : memref<20000x128xf32, #tpu.memory_space<hbm>> -> memref<20000x128xf32, #tpu.memory_space<hbm>>
      tpu.wait_indirect_dma semaphore(%arg23 : memref<!tpu.dma_semaphore, #tpu.memory_space<semaphore_mem>>) src(%dma_wait3A_839 : memref<20000x128xf32, #tpu.memory_space<hbm>>) dst(%arg18 : memref<128x128xf32, #tpu.memory_space<vmem>>)
      %dma_start3A_840 = arith.constant 0 : i32
      %dma_start3A_841 = arith.constant 0 : i32
      %dma_start3A_842 = tpu.memref_slice %arg19[%dma_start3A_840, %dma_start3A_841] : memref<10240x128xf32, #tpu.memory_space<vmem_shared>> -> memref<10240x128xf32, #tpu.memory_space<vmem_shared>>
      tpu.enqueue_indirect_dma source(%arg18 : memref<128x128xf32, #tpu.memory_space<vmem>>) target(%dma_start3A_842 : memref<10240x128xf32, #tpu.memory_space<vmem_shared>>) offsets(%arg14 : memref<128xi32, #tpu.memory_space<vmem>>) semaphore(%arg25 : memref<!tpu.dma_semaphore, #tpu.memory_space<semaphore_mem>>) {add = true}
      %mul3A_843 = arith.constant 2 : i32
      %mul3A_844 = arith.muli %scan3A_683, %mul3A_843 : i32
      %add3A_845 = arith.constant 1 : i32
      %add3A_846 = arith.addi %mul3A_844, %add3A_845 : i32
      %mul3A_847 = arith.constant 128 : i32
      %mul3A_848 = arith.muli %add3A_846, %mul3A_847 : i32
      %add3A_849 = arith.addi %mul3A_13, %mul3A_848 : i32
      %dma_wait3A_850 = arith.constant 0 : i32
      %dma_wait3A_851 = arith.constant 0 : i32
      %dma_wait3A_852 = tpu.memref_slice %arg19[%dma_wait3A_850, %dma_wait3A_851] : memref<10240x128xf32, #tpu.memory_space<vmem_shared>> -> memref<10240x128xf32, #tpu.memory_space<vmem_shared>>
      tpu.wait_indirect_dma semaphore(%arg25 : memref<!tpu.dma_semaphore, #tpu.memory_space<semaphore_mem>>) src(%arg18 : memref<128x128xf32, #tpu.memory_space<vmem>>) dst(%dma_wait3A_852 : memref<10240x128xf32, #tpu.memory_space<vmem_shared>>)
      %dma_wait3A_853 = tpu.memref_slice %arg3[%add3A_849] : memref<320000xi32, #tpu.memory_space<hbm>> -> memref<128xi32, #tpu.memory_space<hbm>>
      %dma_wait3A_854 = tpu.memref_slice %arg3[%add3A_849] : memref<320000xi32, #tpu.memory_space<hbm>> -> memref<128xi32, #tpu.memory_space<hbm>>
      tpu.wait_dma2 semaphore(%arg21 : memref<!tpu.dma_semaphore, #tpu.memory_space<semaphore_mem>>) src(%dma_wait3A_854 : memref<128xi32, #tpu.memory_space<hbm>>) dst(%arg8 : memref<128xi32, #tpu.memory_space<vmem>>)
      %dma_wait3A_855 = tpu.memref_slice %arg4[%add3A_849] : memref<320000xi32, #tpu.memory_space<hbm>> -> memref<128xi32, #tpu.memory_space<hbm>>
      %dma_wait3A_856 = tpu.memref_slice %arg4[%add3A_849] : memref<320000xi32, #tpu.memory_space<hbm>> -> memref<128xi32, #tpu.memory_space<hbm>>
      tpu.wait_dma2 semaphore(%arg21 : memref<!tpu.dma_semaphore, #tpu.memory_space<semaphore_mem>>) src(%dma_wait3A_856 : memref<128xi32, #tpu.memory_space<hbm>>) dst(%arg10 : memref<128xi32, #tpu.memory_space<vmem>>)
      %get3A_857 = arith.constant 0 : index
      %get3A_858 = tpu.vector_load %arg8[%get3A_857] {strides = array<i32>} : memref<128xi32, #tpu.memory_space<vmem>>, vector<16xi32>,
      %get3A_859 = vector.shape_cast %get3A_858 : vector<16xi32> to vector<16xi32>
      %add3A_860 = vector.broadcast %mul3A_0 : i32 to vector<16xi32>
      %add3A_861 = arith.addi %get3A_859, %add3A_860 : vector<16xi32>
      %swap3A_862 = arith.constant 0 : index
      %swap3A_863 = tpu.vector_load %arg12[%swap3A_862] {strides = array<i32>} : memref<128xi32, #tpu.memory_space<vmem>>, vector<16xi32>,
      %swap3A_864 = vector.shape_cast %swap3A_863 : vector<16xi32> to vector<16xi32>
      %swap3A_865 = vector.shape_cast %add3A_861 : vector<16xi32> to vector<16xi32>
      tpu.vector_store %arg12[%swap3A_862], %swap3A_865 {strides = array<i32>} : memref<128xi32, #tpu.memory_space<vmem>>, vector<16xi32>,
      %get3A_866 = arith.constant 0 : index
      %get3A_867 = tpu.vector_load %arg10[%get3A_866] {strides = array<i32>} : memref<128xi32, #tpu.memory_space<vmem>>, vector<16xi32>,
      %get3A_868 = vector.shape_cast %get3A_867 : vector<16xi32> to vector<16xi32>
      %swap3A_869 = arith.constant 0 : index
      %swap3A_870 = tpu.vector_load %arg14[%swap3A_869] {strides = array<i32>} : memref<128xi32, #tpu.memory_space<vmem>>, vector<16xi32>,
      %swap3A_871 = vector.shape_cast %swap3A_870 : vector<16xi32> to vector<16xi32>
      %swap3A_872 = vector.shape_cast %get3A_868 : vector<16xi32> to vector<16xi32>
      tpu.vector_store %arg14[%swap3A_869], %swap3A_872 {strides = array<i32>} : memref<128xi32, #tpu.memory_space<vmem>>, vector<16xi32>,
      %get3A_873 = arith.constant 16 : index
      %get3A_874 = tpu.vector_load %arg8[%get3A_873] {strides = array<i32>} : memref<128xi32, #tpu.memory_space<vmem>>, vector<16xi32>,
      %get3A_875 = vector.shape_cast %get3A_874 : vector<16xi32> to vector<16xi32>
      %add3A_876 = vector.broadcast %mul3A_0 : i32 to vector<16xi32>
      %add3A_877 = arith.addi %get3A_875, %add3A_876 : vector<16xi32>
      %swap3A_878 = arith.constant 16 : index
      %swap3A_879 = tpu.vector_load %arg12[%swap3A_878] {strides = array<i32>} : memref<128xi32, #tpu.memory_space<vmem>>, vector<16xi32>,
      %swap3A_880 = vector.shape_cast %swap3A_879 : vector<16xi32> to vector<16xi32>
      %swap3A_881 = vector.shape_cast %add3A_877 : vector<16xi32> to vector<16xi32>
      tpu.vector_store %arg12[%swap3A_878], %swap3A_881 {strides = array<i32>} : memref<128xi32, #tpu.memory_space<vmem>>, vector<16xi32>,
      %get3A_882 = arith.constant 16 : index
      %get3A_883 = tpu.vector_load %arg10[%get3A_882] {strides = array<i32>} : memref<128xi32, #tpu.memory_space<vmem>>, vector<16xi32>,
      %get3A_884 = vector.shape_cast %get3A_883 : vector<16xi32> to vector<16xi32>
      %swap3A_885 = arith.constant 16 : index
      %swap3A_886 = tpu.vector_load %arg14[%swap3A_885] {strides = array<i32>} : memref<128xi32, #tpu.memory_space<vmem>>, vector<16xi32>,
      %swap3A_887 = vector.shape_cast %swap3A_886 : vector<16xi32> to vector<16xi32>
      %swap3A_888 = vector.shape_cast %get3A_884 : vector<16xi32> to vector<16xi32>
      tpu.vector_store %arg14[%swap3A_885], %swap3A_888 {strides = array<i32>} : memref<128xi32, #tpu.memory_space<vmem>>, vector<16xi32>,
      %get3A_889 = arith.constant 32 : index
      %get3A_890 = tpu.vector_load %arg8[%get3A_889] {strides = array<i32>} : memref<128xi32, #tpu.memory_space<vmem>>, vector<16xi32>,
      %get3A_891 = vector.shape_cast %get3A_890 : vector<16xi32> to vector<16xi32>
      %add3A_892 = vector.broadcast %mul3A_0 : i32 to vector<16xi32>
      %add3A_893 = arith.addi %get3A_891, %add3A_892 : vector<16xi32>
      %swap3A_894 = arith.constant 32 : index
      %swap3A_895 = tpu.vector_load %arg12[%swap3A_894] {strides = array<i32>} : memref<128xi32, #tpu.memory_space<vmem>>, vector<16xi32>,
      %swap3A_896 = vector.shape_cast %swap3A_895 : vector<16xi32> to vector<16xi32>
      %swap3A_897 = vector.shape_cast %add3A_893 : vector<16xi32> to vector<16xi32>
      tpu.vector_store %arg12[%swap3A_894], %swap3A_897 {strides = array<i32>} : memref<128xi32, #tpu.memory_space<vmem>>, vector<16xi32>,
      %get3A_898 = arith.constant 32 : index
      %get3A_899 = tpu.vector_load %arg10[%get3A_898] {strides = array<i32>} : memref<128xi32, #tpu.memory_space<vmem>>, vector<16xi32>,
      %get3A_900 = vector.shape_cast %get3A_899 : vector<16xi32> to vector<16xi32>
      %swap3A_901 = arith.constant 32 : index
      %swap3A_902 = tpu.vector_load %arg14[%swap3A_901] {strides = array<i32>} : memref<128xi32, #tpu.memory_space<vmem>>, vector<16xi32>,
      %swap3A_903 = vector.shape_cast %swap3A_902 : vector<16xi32> to vector<16xi32>
      %swap3A_904 = vector.shape_cast %get3A_900 : vector<16xi32> to vector<16xi32>
      tpu.vector_store %arg14[%swap3A_901], %swap3A_904 {strides = array<i32>} : memref<128xi32, #tpu.memory_space<vmem>>, vector<16xi32>,
      %get3A_905 = arith.constant 48 : index
      %get3A_906 = tpu.vector_load %arg8[%get3A_905] {strides = array<i32>} : memref<128xi32, #tpu.memory_space<vmem>>, vector<16xi32>,
      %get3A_907 = vector.shape_cast %get3A_906 : vector<16xi32> to vector<16xi32>
      %add3A_908 = vector.broadcast %mul3A_0 : i32 to vector<16xi32>
      %add3A_909 = arith.addi %get3A_907, %add3A_908 : vector<16xi32>
      %swap3A_910 = arith.constant 48 : index
      %swap3A_911 = tpu.vector_load %arg12[%swap3A_910] {strides = array<i32>} : memref<128xi32, #tpu.memory_space<vmem>>, vector<16xi32>,
      %swap3A_912 = vector.shape_cast %swap3A_911 : vector<16xi32> to vector<16xi32>
      %swap3A_913 = vector.shape_cast %add3A_909 : vector<16xi32> to vector<16xi32>
      tpu.vector_store %arg12[%swap3A_910], %swap3A_913 {strides = array<i32>} : memref<128xi32, #tpu.memory_space<vmem>>, vector<16xi32>,
      %get3A_914 = arith.constant 48 : index
      %get3A_915 = tpu.vector_load %arg10[%get3A_914] {strides = array<i32>} : memref<128xi32, #tpu.memory_space<vmem>>, vector<16xi32>,
      %get3A_916 = vector.shape_cast %get3A_915 : vector<16xi32> to vector<16xi32>
      %swap3A_917 = arith.constant 48 : index
      %swap3A_918 = tpu.vector_load %arg14[%swap3A_917] {strides = array<i32>} : memref<128xi32, #tpu.memory_space<vmem>>, vector<16xi32>,
      %swap3A_919 = vector.shape_cast %swap3A_918 : vector<16xi32> to vector<16xi32>
      %swap3A_920 = vector.shape_cast %get3A_916 : vector<16xi32> to vector<16xi32>
      tpu.vector_store %arg14[%swap3A_917], %swap3A_920 {strides = array<i32>} : memref<128xi32, #tpu.memory_space<vmem>>, vector<16xi32>,
      %get3A_921 = arith.constant 64 : index
      %get3A_922 = tpu.vector_load %arg8[%get3A_921] {strides = array<i32>} : memref<128xi32, #tpu.memory_space<vmem>>, vector<16xi32>,
      %get3A_923 = vector.shape_cast %get3A_922 : vector<16xi32> to vector<16xi32>
      %add3A_924 = vector.broadcast %mul3A_0 : i32 to vector<16xi32>
      %add3A_925 = arith.addi %get3A_923, %add3A_924 : vector<16xi32>
      %swap3A_926 = arith.constant 64 : index
      %swap3A_927 = tpu.vector_load %arg12[%swap3A_926] {strides = array<i32>} : memref<128xi32, #tpu.memory_space<vmem>>, vector<16xi32>,
      %swap3A_928 = vector.shape_cast %swap3A_927 : vector<16xi32> to vector<16xi32>
      %swap3A_929 = vector.shape_cast %add3A_925 : vector<16xi32> to vector<16xi32>
      tpu.vector_store %arg12[%swap3A_926], %swap3A_929 {strides = array<i32>} : memref<128xi32, #tpu.memory_space<vmem>>, vector<16xi32>,
      %get3A_930 = arith.constant 64 : index
      %get3A_931 = tpu.vector_load %arg10[%get3A_930] {strides = array<i32>} : memref<128xi32, #tpu.memory_space<vmem>>, vector<16xi32>,
      %get3A_932 = vector.shape_cast %get3A_931 : vector<16xi32> to vector<16xi32>
      %swap3A_933 = arith.constant 64 : index
      %swap3A_934 = tpu.vector_load %arg14[%swap3A_933] {strides = array<i32>} : memref<128xi32, #tpu.memory_space<vmem>>, vector<16xi32>,
      %swap3A_935 = vector.shape_cast %swap3A_934 : vector<16xi32> to vector<16xi32>
      %swap3A_936 = vector.shape_cast %get3A_932 : vector<16xi32> to vector<16xi32>
      tpu.vector_store %arg14[%swap3A_933], %swap3A_936 {strides = array<i32>} : memref<128xi32, #tpu.memory_space<vmem>>, vector<16xi32>,
      %get3A_937 = arith.constant 80 : index
      %get3A_938 = tpu.vector_load %arg8[%get3A_937] {strides = array<i32>} : memref<128xi32, #tpu.memory_space<vmem>>, vector<16xi32>,
      %get3A_939 = vector.shape_cast %get3A_938 : vector<16xi32> to vector<16xi32>
      %add3A_940 = vector.broadcast %mul3A_0 : i32 to vector<16xi32>
      %add3A_941 = arith.addi %get3A_939, %add3A_940 : vector<16xi32>
      %swap3A_942 = arith.constant 80 : index
      %swap3A_943 = tpu.vector_load %arg12[%swap3A_942] {strides = array<i32>} : memref<128xi32, #tpu.memory_space<vmem>>, vector<16xi32>,
      %swap3A_944 = vector.shape_cast %swap3A_943 : vector<16xi32> to vector<16xi32>
      %swap3A_945 = vector.shape_cast %add3A_941 : vector<16xi32> to vector<16xi32>
      tpu.vector_store %arg12[%swap3A_942], %swap3A_945 {strides = array<i32>} : memref<128xi32, #tpu.memory_space<vmem>>, vector<16xi32>,
      %get3A_946 = arith.constant 80 : index
      %get3A_947 = tpu.vector_load %arg10[%get3A_946] {strides = array<i32>} : memref<128xi32, #tpu.memory_space<vmem>>, vector<16xi32>,
      %get3A_948 = vector.shape_cast %get3A_947 : vector<16xi32> to vector<16xi32>
      %swap3A_949 = arith.constant 80 : index
      %swap3A_950 = tpu.vector_load %arg14[%swap3A_949] {strides = array<i32>} : memref<128xi32, #tpu.memory_space<vmem>>, vector<16xi32>,
      %swap3A_951 = vector.shape_cast %swap3A_950 : vector<16xi32> to vector<16xi32>
      %swap3A_952 = vector.shape_cast %get3A_948 : vector<16xi32> to vector<16xi32>
      tpu.vector_store %arg14[%swap3A_949], %swap3A_952 {strides = array<i32>} : memref<128xi32, #tpu.memory_space<vmem>>, vector<16xi32>,
      %get3A_953 = arith.constant 96 : index
      %get3A_954 = tpu.vector_load %arg8[%get3A_953] {strides = array<i32>} : memref<128xi32, #tpu.memory_space<vmem>>, vector<16xi32>,
      %get3A_955 = vector.shape_cast %get3A_954 : vector<16xi32> to vector<16xi32>
      %add3A_956 = vector.broadcast %mul3A_0 : i32 to vector<16xi32>
      %add3A_957 = arith.addi %get3A_955, %add3A_956 : vector<16xi32>
      %swap3A_958 = arith.constant 96 : index
      %swap3A_959 = tpu.vector_load %arg12[%swap3A_958] {strides = array<i32>} : memref<128xi32, #tpu.memory_space<vmem>>, vector<16xi32>,
      %swap3A_960 = vector.shape_cast %swap3A_959 : vector<16xi32> to vector<16xi32>
      %swap3A_961 = vector.shape_cast %add3A_957 : vector<16xi32> to vector<16xi32>
      tpu.vector_store %arg12[%swap3A_958], %swap3A_961 {strides = array<i32>} : memref<128xi32, #tpu.memory_space<vmem>>, vector<16xi32>,
      %get3A_962 = arith.constant 96 : index
      %get3A_963 = tpu.vector_load %arg10[%get3A_962] {strides = array<i32>} : memref<128xi32, #tpu.memory_space<vmem>>, vector<16xi32>,
      %get3A_964 = vector.shape_cast %get3A_963 : vector<16xi32> to vector<16xi32>
      %swap3A_965 = arith.constant 96 : index
      %swap3A_966 = tpu.vector_load %arg14[%swap3A_965] {strides = array<i32>} : memref<128xi32, #tpu.memory_space<vmem>>, vector<16xi32>,
      %swap3A_967 = vector.shape_cast %swap3A_966 : vector<16xi32> to vector<16xi32>
      %swap3A_968 = vector.shape_cast %get3A_964 : vector<16xi32> to vector<16xi32>
      tpu.vector_store %arg14[%swap3A_965], %swap3A_968 {strides = array<i32>} : memref<128xi32, #tpu.memory_space<vmem>>, vector<16xi32>,
      %get3A_969 = arith.constant 112 : index
      %get3A_970 = tpu.vector_load %arg8[%get3A_969] {strides = array<i32>} : memref<128xi32, #tpu.memory_space<vmem>>, vector<16xi32>,
      %get3A_971 = vector.shape_cast %get3A_970 : vector<16xi32> to vector<16xi32>
      %add3A_972 = vector.broadcast %mul3A_0 : i32 to vector<16xi32>
      %add3A_973 = arith.addi %get3A_971, %add3A_972 : vector<16xi32>
      %swap3A_974 = arith.constant 112 : index
      %swap3A_975 = tpu.vector_load %arg12[%swap3A_974] {strides = array<i32>} : memref<128xi32, #tpu.memory_space<vmem>>, vector<16xi32>,
      %swap3A_976 = vector.shape_cast %swap3A_975 : vector<16xi32> to vector<16xi32>
      %swap3A_977 = vector.shape_cast %add3A_973 : vector<16xi32> to vector<16xi32>
      tpu.vector_store %arg12[%swap3A_974], %swap3A_977 {strides = array<i32>} : memref<128xi32, #tpu.memory_space<vmem>>, vector<16xi32>,
      %get3A_978 = arith.constant 112 : index
      %get3A_979 = tpu.vector_load %arg10[%get3A_978] {strides = array<i32>} : memref<128xi32, #tpu.memory_space<vmem>>, vector<16xi32>,
      %get3A_980 = vector.shape_cast %get3A_979 : vector<16xi32> to vector<16xi32>
      %swap3A_981 = arith.constant 112 : index
      %swap3A_982 = tpu.vector_load %arg14[%swap3A_981] {strides = array<i32>} : memref<128xi32, #tpu.memory_space<vmem>>, vector<16xi32>,
      %swap3A_983 = vector.shape_cast %swap3A_982 : vector<16xi32> to vector<16xi32>
      %swap3A_984 = vector.shape_cast %get3A_980 : vector<16xi32> to vector<16xi32>
      tpu.vector_store %arg14[%swap3A_981], %swap3A_984 {strides = array<i32>} : memref<128xi32, #tpu.memory_space<vmem>>, vector<16xi32>,
      %add3A_985 = arith.constant 256 : i32
      %add3A_986 = arith.addi %add3A_849, %add3A_985 : i32
      %dma_start3A_987 = tpu.memref_slice %arg3[%add3A_986] : memref<320000xi32, #tpu.memory_space<hbm>> -> memref<128xi32, #tpu.memory_space<hbm>>
      %dma_start3A_988 = tpu.memref_slice %arg3[%add3A_986] : memref<320000xi32, #tpu.memory_space<hbm>> -> memref<128xi32, #tpu.memory_space<hbm>>
      tpu.enqueue_dma source(%dma_start3A_988 : memref<128xi32, #tpu.memory_space<hbm>>) target(%arg8 : memref<128xi32, #tpu.memory_space<vmem>>) target_semaphore(%arg21 : memref<!tpu.dma_semaphore, #tpu.memory_space<semaphore_mem>>)
      %add3A_989 = arith.constant 256 : i32
      %add3A_990 = arith.addi %add3A_849, %add3A_989 : i32
      %dma_start3A_991 = tpu.memref_slice %arg4[%add3A_990] : memref<320000xi32, #tpu.memory_space<hbm>> -> memref<128xi32, #tpu.memory_space<hbm>>
      %dma_start3A_992 = tpu.memref_slice %arg4[%add3A_990] : memref<320000xi32, #tpu.memory_space<hbm>> -> memref<128xi32, #tpu.memory_space<hbm>>
      tpu.enqueue_dma source(%dma_start3A_992 : memref<128xi32, #tpu.memory_space<hbm>>) target(%arg10 : memref<128xi32, #tpu.memory_space<vmem>>) target_semaphore(%arg21 : memref<!tpu.dma_semaphore, #tpu.memory_space<semaphore_mem>>)
      %dma_start3A_993 = arith.constant 0 : i32
      %dma_start3A_994 = arith.constant 0 : i32
      %dma_start3A_995 = tpu.memref_slice %arg2[%dma_start3A_993, %dma_start3A_994] : memref<20000x128xf32, #tpu.memory_space<hbm>> -> memref<20000x128xf32, #tpu.memory_space<hbm>>
      tpu.enqueue_indirect_dma source(%dma_start3A_995 : memref<20000x128xf32, #tpu.memory_space<hbm>>) target(%arg18 : memref<128x128xf32, #tpu.memory_space<vmem>>) offsets(%arg12 : memref<128xi32, #tpu.memory_space<vmem>>) semaphore(%arg23 : memref<!tpu.dma_semaphore, #tpu.memory_space<semaphore_mem>>)
      %dma_wait3A_996 = arith.constant 0 : i32
      %dma_wait3A_997 = arith.constant 0 : i32
      %dma_wait3A_998 = tpu.memref_slice %arg2[%dma_wait3A_996, %dma_wait3A_997] : memref<20000x128xf32, #tpu.memory_space<hbm>> -> memref<20000x128xf32, #tpu.memory_space<hbm>>
      tpu.wait_indirect_dma semaphore(%arg22 : memref<!tpu.dma_semaphore, #tpu.memory_space<semaphore_mem>>) src(%dma_wait3A_998 : memref<20000x128xf32, #tpu.memory_space<hbm>>) dst(%arg17 : memref<128x128xf32, #tpu.memory_space<vmem>>)
      %dma_start3A_999 = arith.constant 0 : i32
      %dma_start3A_1000 = arith.constant 0 : i32
      %dma_start3A_1001 = tpu.memref_slice %arg19[%dma_start3A_999, %dma_start3A_1000] : memref<10240x128xf32, #tpu.memory_space<vmem_shared>> -> memref<10240x128xf32, #tpu.memory_space<vmem_shared>>
      tpu.enqueue_indirect_dma source(%arg17 : memref<128x128xf32, #tpu.memory_space<vmem>>) target(%dma_start3A_1001 : memref<10240x128xf32, #tpu.memory_space<vmem_shared>>) offsets(%arg13 : memref<128xi32, #tpu.memory_space<vmem>>) semaphore(%arg24 : memref<!tpu.dma_semaphore, #tpu.memory_space<semaphore_mem>>) {add = true}
    }
    %scan3A_322 = arith.constant 76 : i32
    %add3A_323 = arith.constant 19712 : i32
    %add3A_324 = arith.addi %mul3A_13, %add3A_323 : i32
    %dma_wait3A_325 = arith.constant 0 : i32
    %dma_wait3A_326 = arith.constant 0 : i32
    %dma_wait3A_327 = tpu.memref_slice %arg19[%dma_wait3A_325, %dma_wait3A_326] : memref<10240x128xf32, #tpu.memory_space<vmem_shared>> -> memref<10240x128xf32, #tpu.memory_space<vmem_shared>>
    tpu.wait_indirect_dma semaphore(%arg24 : memref<!tpu.dma_semaphore, #tpu.memory_space<semaphore_mem>>) src(%arg17 : memref<128x128xf32, #tpu.memory_space<vmem>>) dst(%dma_wait3A_327 : memref<10240x128xf32, #tpu.memory_space<vmem_shared>>)
    %dma_wait3A_328 = tpu.memref_slice %arg3[%add3A_324] : memref<320000xi32, #tpu.memory_space<hbm>> -> memref<128xi32, #tpu.memory_space<hbm>>
    %dma_wait3A_329 = tpu.memref_slice %arg3[%add3A_324] : memref<320000xi32, #tpu.memory_space<hbm>> -> memref<128xi32, #tpu.memory_space<hbm>>
    tpu.wait_dma2 semaphore(%arg20 : memref<!tpu.dma_semaphore, #tpu.memory_space<semaphore_mem>>) src(%dma_wait3A_329 : memref<128xi32, #tpu.memory_space<hbm>>) dst(%arg7 : memref<128xi32, #tpu.memory_space<vmem>>)
    %dma_wait3A_330 = tpu.memref_slice %arg4[%add3A_324] : memref<320000xi32, #tpu.memory_space<hbm>> -> memref<128xi32, #tpu.memory_space<hbm>>
    %dma_wait3A_331 = tpu.memref_slice %arg4[%add3A_324] : memref<320000xi32, #tpu.memory_space<hbm>> -> memref<128xi32, #tpu.memory_space<hbm>>
    tpu.wait_dma2 semaphore(%arg20 : memref<!tpu.dma_semaphore, #tpu.memory_space<semaphore_mem>>) src(%dma_wait3A_331 : memref<128xi32, #tpu.memory_space<hbm>>) dst(%arg9 : memref<128xi32, #tpu.memory_space<vmem>>)
    %get3A_332 = arith.constant 0 : index
    %get3A_333 = tpu.vector_load %arg7[%get3A_332] {strides = array<i32>} : memref<128xi32, #tpu.memory_space<vmem>>, vector<16xi32>,
    %get3A_334 = vector.shape_cast %get3A_333 : vector<16xi32> to vector<16xi32>
    %add3A_335 = vector.broadcast %mul3A_0 : i32 to vector<16xi32>
    %add3A_336 = arith.addi %get3A_334, %add3A_335 : vector<16xi32>
    %swap3A_337 = arith.constant 0 : index
    %swap3A_338 = tpu.vector_load %arg11[%swap3A_337] {strides = array<i32>} : memref<128xi32, #tpu.memory_space<vmem>>, vector<16xi32>,
    %swap3A_339 = vector.shape_cast %swap3A_338 : vector<16xi32> to vector<16xi32>
    %swap3A_340 = vector.shape_cast %add3A_336 : vector<16xi32> to vector<16xi32>
    tpu.vector_store %arg11[%swap3A_337], %swap3A_340 {strides = array<i32>} : memref<128xi32, #tpu.memory_space<vmem>>, vector<16xi32>,
    %get3A_341 = arith.constant 0 : index
    %get3A_342 = tpu.vector_load %arg9[%get3A_341] {strides = array<i32>} : memref<128xi32, #tpu.memory_space<vmem>>, vector<16xi32>,
    %get3A_343 = vector.shape_cast %get3A_342 : vector<16xi32> to vector<16xi32>
    %swap3A_344 = arith.constant 0 : index
    %swap3A_345 = tpu.vector_load %arg13[%swap3A_344] {strides = array<i32>} : memref<128xi32, #tpu.memory_space<vmem>>, vector<16xi32>,
    %swap3A_346 = vector.shape_cast %swap3A_345 : vector<16xi32> to vector<16xi32>
    %swap3A_347 = vector.shape_cast %get3A_343 : vector<16xi32> to vector<16xi32>
    tpu.vector_store %arg13[%swap3A_344], %swap3A_347 {strides = array<i32>} : memref<128xi32, #tpu.memory_space<vmem>>, vector<16xi32>,
    %get3A_348 = arith.constant 16 : index
    %get3A_349 = tpu.vector_load %arg7[%get3A_348] {strides = array<i32>} : memref<128xi32, #tpu.memory_space<vmem>>, vector<16xi32>,
    %get3A_350 = vector.shape_cast %get3A_349 : vector<16xi32> to vector<16xi32>
    %add3A_351 = vector.broadcast %mul3A_0 : i32 to vector<16xi32>
    %add3A_352 = arith.addi %get3A_350, %add3A_351 : vector<16xi32>
    %swap3A_353 = arith.constant 16 : index
    %swap3A_354 = tpu.vector_load %arg11[%swap3A_353] {strides = array<i32>} : memref<128xi32, #tpu.memory_space<vmem>>, vector<16xi32>,
    %swap3A_355 = vector.shape_cast %swap3A_354 : vector<16xi32> to vector<16xi32>
    %swap3A_356 = vector.shape_cast %add3A_352 : vector<16xi32> to vector<16xi32>
    tpu.vector_store %arg11[%swap3A_353], %swap3A_356 {strides = array<i32>} : memref<128xi32, #tpu.memory_space<vmem>>, vector<16xi32>,
    %get3A_357 = arith.constant 16 : index
    %get3A_358 = tpu.vector_load %arg9[%get3A_357] {strides = array<i32>} : memref<128xi32, #tpu.memory_space<vmem>>, vector<16xi32>,
    %get3A_359 = vector.shape_cast %get3A_358 : vector<16xi32> to vector<16xi32>
    %swap3A_360 = arith.constant 16 : index
    %swap3A_361 = tpu.vector_load %arg13[%swap3A_360] {strides = array<i32>} : memref<128xi32, #tpu.memory_space<vmem>>, vector<16xi32>,
    %swap3A_362 = vector.shape_cast %swap3A_361 : vector<16xi32> to vector<16xi32>
    %swap3A_363 = vector.shape_cast %get3A_359 : vector<16xi32> to vector<16xi32>
    tpu.vector_store %arg13[%swap3A_360], %swap3A_363 {strides = array<i32>} : memref<128xi32, #tpu.memory_space<vmem>>, vector<16xi32>,
    %get3A_364 = arith.constant 32 : index
    %get3A_365 = tpu.vector_load %arg7[%get3A_364] {strides = array<i32>} : memref<128xi32, #tpu.memory_space<vmem>>, vector<16xi32>,
    %get3A_366 = vector.shape_cast %get3A_365 : vector<16xi32> to vector<16xi32>
    %add3A_367 = vector.broadcast %mul3A_0 : i32 to vector<16xi32>
    %add3A_368 = arith.addi %get3A_366, %add3A_367 : vector<16xi32>
    %swap3A_369 = arith.constant 32 : index
    %swap3A_370 = tpu.vector_load %arg11[%swap3A_369] {strides = array<i32>} : memref<128xi32, #tpu.memory_space<vmem>>, vector<16xi32>,
    %swap3A_371 = vector.shape_cast %swap3A_370 : vector<16xi32> to vector<16xi32>
    %swap3A_372 = vector.shape_cast %add3A_368 : vector<16xi32> to vector<16xi32>
    tpu.vector_store %arg11[%swap3A_369], %swap3A_372 {strides = array<i32>} : memref<128xi32, #tpu.memory_space<vmem>>, vector<16xi32>,
    %get3A_373 = arith.constant 32 : index
    %get3A_374 = tpu.vector_load %arg9[%get3A_373] {strides = array<i32>} : memref<128xi32, #tpu.memory_space<vmem>>, vector<16xi32>,
    %get3A_375 = vector.shape_cast %get3A_374 : vector<16xi32> to vector<16xi32>
    %swap3A_376 = arith.constant 32 : index
    %swap3A_377 = tpu.vector_load %arg13[%swap3A_376] {strides = array<i32>} : memref<128xi32, #tpu.memory_space<vmem>>, vector<16xi32>,
    %swap3A_378 = vector.shape_cast %swap3A_377 : vector<16xi32> to vector<16xi32>
    %swap3A_379 = vector.shape_cast %get3A_375 : vector<16xi32> to vector<16xi32>
    tpu.vector_store %arg13[%swap3A_376], %swap3A_379 {strides = array<i32>} : memref<128xi32, #tpu.memory_space<vmem>>, vector<16xi32>,
    %get3A_380 = arith.constant 48 : index
    %get3A_381 = tpu.vector_load %arg7[%get3A_380] {strides = array<i32>} : memref<128xi32, #tpu.memory_space<vmem>>, vector<16xi32>,
    %get3A_382 = vector.shape_cast %get3A_381 : vector<16xi32> to vector<16xi32>
    %add3A_383 = vector.broadcast %mul3A_0 : i32 to vector<16xi32>
    %add3A_384 = arith.addi %get3A_382, %add3A_383 : vector<16xi32>
    %swap3A_385 = arith.constant 48 : index
    %swap3A_386 = tpu.vector_load %arg11[%swap3A_385] {strides = array<i32>} : memref<128xi32, #tpu.memory_space<vmem>>, vector<16xi32>,
    %swap3A_387 = vector.shape_cast %swap3A_386 : vector<16xi32> to vector<16xi32>
    %swap3A_388 = vector.shape_cast %add3A_384 : vector<16xi32> to vector<16xi32>
    tpu.vector_store %arg11[%swap3A_385], %swap3A_388 {strides = array<i32>} : memref<128xi32, #tpu.memory_space<vmem>>, vector<16xi32>,
    %get3A_389 = arith.constant 48 : index
    %get3A_390 = tpu.vector_load %arg9[%get3A_389] {strides = array<i32>} : memref<128xi32, #tpu.memory_space<vmem>>, vector<16xi32>,
    %get3A_391 = vector.shape_cast %get3A_390 : vector<16xi32> to vector<16xi32>
    %swap3A_392 = arith.constant 48 : index
    %swap3A_393 = tpu.vector_load %arg13[%swap3A_392] {strides = array<i32>} : memref<128xi32, #tpu.memory_space<vmem>>, vector<16xi32>,
    %swap3A_394 = vector.shape_cast %swap3A_393 : vector<16xi32> to vector<16xi32>
    %swap3A_395 = vector.shape_cast %get3A_391 : vector<16xi32> to vector<16xi32>
    tpu.vector_store %arg13[%swap3A_392], %swap3A_395 {strides = array<i32>} : memref<128xi32, #tpu.memory_space<vmem>>, vector<16xi32>,
    %get3A_396 = arith.constant 64 : index
    %get3A_397 = tpu.vector_load %arg7[%get3A_396] {strides = array<i32>} : memref<128xi32, #tpu.memory_space<vmem>>, vector<16xi32>,
    %get3A_398 = vector.shape_cast %get3A_397 : vector<16xi32> to vector<16xi32>
    %add3A_399 = vector.broadcast %mul3A_0 : i32 to vector<16xi32>
    %add3A_400 = arith.addi %get3A_398, %add3A_399 : vector<16xi32>
    %swap3A_401 = arith.constant 64 : index
    %swap3A_402 = tpu.vector_load %arg11[%swap3A_401] {strides = array<i32>} : memref<128xi32, #tpu.memory_space<vmem>>, vector<16xi32>,
    %swap3A_403 = vector.shape_cast %swap3A_402 : vector<16xi32> to vector<16xi32>
    %swap3A_404 = vector.shape_cast %add3A_400 : vector<16xi32> to vector<16xi32>
    tpu.vector_store %arg11[%swap3A_401], %swap3A_404 {strides = array<i32>} : memref<128xi32, #tpu.memory_space<vmem>>, vector<16xi32>,
    %get3A_405 = arith.constant 64 : index
    %get3A_406 = tpu.vector_load %arg9[%get3A_405] {strides = array<i32>} : memref<128xi32, #tpu.memory_space<vmem>>, vector<16xi32>,
    %get3A_407 = vector.shape_cast %get3A_406 : vector<16xi32> to vector<16xi32>
    %swap3A_408 = arith.constant 64 : index
    %swap3A_409 = tpu.vector_load %arg13[%swap3A_408] {strides = array<i32>} : memref<128xi32, #tpu.memory_space<vmem>>, vector<16xi32>,
    %swap3A_410 = vector.shape_cast %swap3A_409 : vector<16xi32> to vector<16xi32>
    %swap3A_411 = vector.shape_cast %get3A_407 : vector<16xi32> to vector<16xi32>
    tpu.vector_store %arg13[%swap3A_408], %swap3A_411 {strides = array<i32>} : memref<128xi32, #tpu.memory_space<vmem>>, vector<16xi32>,
    %get3A_412 = arith.constant 80 : index
    %get3A_413 = tpu.vector_load %arg7[%get3A_412] {strides = array<i32>} : memref<128xi32, #tpu.memory_space<vmem>>, vector<16xi32>,
    %get3A_414 = vector.shape_cast %get3A_413 : vector<16xi32> to vector<16xi32>
    %add3A_415 = vector.broadcast %mul3A_0 : i32 to vector<16xi32>
    %add3A_416 = arith.addi %get3A_414, %add3A_415 : vector<16xi32>
    %swap3A_417 = arith.constant 80 : index
    %swap3A_418 = tpu.vector_load %arg11[%swap3A_417] {strides = array<i32>} : memref<128xi32, #tpu.memory_space<vmem>>, vector<16xi32>,
    %swap3A_419 = vector.shape_cast %swap3A_418 : vector<16xi32> to vector<16xi32>
    %swap3A_420 = vector.shape_cast %add3A_416 : vector<16xi32> to vector<16xi32>
    tpu.vector_store %arg11[%swap3A_417], %swap3A_420 {strides = array<i32>} : memref<128xi32, #tpu.memory_space<vmem>>, vector<16xi32>,
    %get3A_421 = arith.constant 80 : index
    %get3A_422 = tpu.vector_load %arg9[%get3A_421] {strides = array<i32>} : memref<128xi32, #tpu.memory_space<vmem>>, vector<16xi32>,
    %get3A_423 = vector.shape_cast %get3A_422 : vector<16xi32> to vector<16xi32>
    %swap3A_424 = arith.constant 80 : index
    %swap3A_425 = tpu.vector_load %arg13[%swap3A_424] {strides = array<i32>} : memref<128xi32, #tpu.memory_space<vmem>>, vector<16xi32>,
    %swap3A_426 = vector.shape_cast %swap3A_425 : vector<16xi32> to vector<16xi32>
    %swap3A_427 = vector.shape_cast %get3A_423 : vector<16xi32> to vector<16xi32>
    tpu.vector_store %arg13[%swap3A_424], %swap3A_427 {strides = array<i32>} : memref<128xi32, #tpu.memory_space<vmem>>, vector<16xi32>,
    %get3A_428 = arith.constant 96 : index
    %get3A_429 = tpu.vector_load %arg7[%get3A_428] {strides = array<i32>} : memref<128xi32, #tpu.memory_space<vmem>>, vector<16xi32>,
    %get3A_430 = vector.shape_cast %get3A_429 : vector<16xi32> to vector<16xi32>
    %add3A_431 = vector.broadcast %mul3A_0 : i32 to vector<16xi32>
    %add3A_432 = arith.addi %get3A_430, %add3A_431 : vector<16xi32>
    %swap3A_433 = arith.constant 96 : index
    %swap3A_434 = tpu.vector_load %arg11[%swap3A_433] {strides = array<i32>} : memref<128xi32, #tpu.memory_space<vmem>>, vector<16xi32>,
    %swap3A_435 = vector.shape_cast %swap3A_434 : vector<16xi32> to vector<16xi32>
    %swap3A_436 = vector.shape_cast %add3A_432 : vector<16xi32> to vector<16xi32>
    tpu.vector_store %arg11[%swap3A_433], %swap3A_436 {strides = array<i32>} : memref<128xi32, #tpu.memory_space<vmem>>, vector<16xi32>,
    %get3A_437 = arith.constant 96 : index
    %get3A_438 = tpu.vector_load %arg9[%get3A_437] {strides = array<i32>} : memref<128xi32, #tpu.memory_space<vmem>>, vector<16xi32>,
    %get3A_439 = vector.shape_cast %get3A_438 : vector<16xi32> to vector<16xi32>
    %swap3A_440 = arith.constant 96 : index
    %swap3A_441 = tpu.vector_load %arg13[%swap3A_440] {strides = array<i32>} : memref<128xi32, #tpu.memory_space<vmem>>, vector<16xi32>,
    %swap3A_442 = vector.shape_cast %swap3A_441 : vector<16xi32> to vector<16xi32>
    %swap3A_443 = vector.shape_cast %get3A_439 : vector<16xi32> to vector<16xi32>
    tpu.vector_store %arg13[%swap3A_440], %swap3A_443 {strides = array<i32>} : memref<128xi32, #tpu.memory_space<vmem>>, vector<16xi32>,
    %get3A_444 = arith.constant 112 : index
    %get3A_445 = tpu.vector_load %arg7[%get3A_444] {strides = array<i32>} : memref<128xi32, #tpu.memory_space<vmem>>, vector<16xi32>,
    %get3A_446 = vector.shape_cast %get3A_445 : vector<16xi32> to vector<16xi32>
    %add3A_447 = vector.broadcast %mul3A_0 : i32 to vector<16xi32>
    %add3A_448 = arith.addi %get3A_446, %add3A_447 : vector<16xi32>
    %swap3A_449 = arith.constant 112 : index
    %swap3A_450 = tpu.vector_load %arg11[%swap3A_449] {strides = array<i32>} : memref<128xi32, #tpu.memory_space<vmem>>, vector<16xi32>,
    %swap3A_451 = vector.shape_cast %swap3A_450 : vector<16xi32> to vector<16xi32>
    %swap3A_452 = vector.shape_cast %add3A_448 : vector<16xi32> to vector<16xi32>
    tpu.vector_store %arg11[%swap3A_449], %swap3A_452 {strides = array<i32>} : memref<128xi32, #tpu.memory_space<vmem>>, vector<16xi32>,
    %get3A_453 = arith.constant 112 : index
    %get3A_454 = tpu.vector_load %arg9[%get3A_453] {strides = array<i32>} : memref<128xi32, #tpu.memory_space<vmem>>, vector<16xi32>,
    %get3A_455 = vector.shape_cast %get3A_454 : vector<16xi32> to vector<16xi32>
    %swap3A_456 = arith.constant 112 : index
    %swap3A_457 = tpu.vector_load %arg13[%swap3A_456] {strides = array<i32>} : memref<128xi32, #tpu.memory_space<vmem>>, vector<16xi32>,
    %swap3A_458 = vector.shape_cast %swap3A_457 : vector<16xi32> to vector<16xi32>
    %swap3A_459 = vector.shape_cast %get3A_455 : vector<16xi32> to vector<16xi32>
    tpu.vector_store %arg13[%swap3A_456], %swap3A_459 {strides = array<i32>} : memref<128xi32, #tpu.memory_space<vmem>>, vector<16xi32>,
    %dma_start3A_460 = arith.constant 0 : i32
    %dma_start3A_461 = arith.constant 0 : i32
    %dma_start3A_462 = tpu.memref_slice %arg2[%dma_start3A_460, %dma_start3A_461] : memref<20000x128xf32, #tpu.memory_space<hbm>> -> memref<20000x128xf32, #tpu.memory_space<hbm>>
    tpu.enqueue_indirect_dma source(%dma_start3A_462 : memref<20000x128xf32, #tpu.memory_space<hbm>>) target(%arg17 : memref<128x128xf32, #tpu.memory_space<vmem>>) offsets(%arg11 : memref<128xi32, #tpu.memory_space<vmem>>) semaphore(%arg22 : memref<!tpu.dma_semaphore, #tpu.memory_space<semaphore_mem>>)
    %dma_wait3A_463 = arith.constant 0 : i32
    %dma_wait3A_464 = arith.constant 0 : i32
    %dma_wait3A_465 = tpu.memref_slice %arg2[%dma_wait3A_463, %dma_wait3A_464] : memref<20000x128xf32, #tpu.memory_space<hbm>> -> memref<20000x128xf32, #tpu.memory_space<hbm>>
    tpu.wait_indirect_dma semaphore(%arg23 : memref<!tpu.dma_semaphore, #tpu.memory_space<semaphore_mem>>) src(%dma_wait3A_465 : memref<20000x128xf32, #tpu.memory_space<hbm>>) dst(%arg18 : memref<128x128xf32, #tpu.memory_space<vmem>>)
    %dma_start3A_466 = arith.constant 0 : i32
    %dma_start3A_467 = arith.constant 0 : i32
    %dma_start3A_468 = tpu.memref_slice %arg19[%dma_start3A_466, %dma_start3A_467] : memref<10240x128xf32, #tpu.memory_space<vmem_shared>> -> memref<10240x128xf32, #tpu.memory_space<vmem_shared>>
    tpu.enqueue_indirect_dma source(%arg18 : memref<128x128xf32, #tpu.memory_space<vmem>>) target(%dma_start3A_468 : memref<10240x128xf32, #tpu.memory_space<vmem_shared>>) offsets(%arg14 : memref<128xi32, #tpu.memory_space<vmem>>) semaphore(%arg25 : memref<!tpu.dma_semaphore, #tpu.memory_space<semaphore_mem>>) {add = true}
    %add3A_469 = arith.constant 19840 : i32
    %add3A_470 = arith.addi %mul3A_13, %add3A_469 : i32
    %dma_wait3A_471 = arith.constant 0 : i32
    %dma_wait3A_472 = arith.constant 0 : i32
    %dma_wait3A_473 = tpu.memref_slice %arg19[%dma_wait3A_471, %dma_wait3A_472] : memref<10240x128xf32, #tpu.memory_space<vmem_shared>> -> memref<10240x128xf32, #tpu.memory_space<vmem_shared>>
    tpu.wait_indirect_dma semaphore(%arg25 : memref<!tpu.dma_semaphore, #tpu.memory_space<semaphore_mem>>) src(%arg18 : memref<128x128xf32, #tpu.memory_space<vmem>>) dst(%dma_wait3A_473 : memref<10240x128xf32, #tpu.memory_space<vmem_shared>>)
    %dma_wait3A_474 = tpu.memref_slice %arg3[%add3A_470] : memref<320000xi32, #tpu.memory_space<hbm>> -> memref<128xi32, #tpu.memory_space<hbm>>
    %dma_wait3A_475 = tpu.memref_slice %arg3[%add3A_470] : memref<320000xi32, #tpu.memory_space<hbm>> -> memref<128xi32, #tpu.memory_space<hbm>>
    tpu.wait_dma2 semaphore(%arg21 : memref<!tpu.dma_semaphore, #tpu.memory_space<semaphore_mem>>) src(%dma_wait3A_475 : memref<128xi32, #tpu.memory_space<hbm>>) dst(%arg8 : memref<128xi32, #tpu.memory_space<vmem>>)
    %dma_wait3A_476 = tpu.memref_slice %arg4[%add3A_470] : memref<320000xi32, #tpu.memory_space<hbm>> -> memref<128xi32, #tpu.memory_space<hbm>>
    %dma_wait3A_477 = tpu.memref_slice %arg4[%add3A_470] : memref<320000xi32, #tpu.memory_space<hbm>> -> memref<128xi32, #tpu.memory_space<hbm>>
    tpu.wait_dma2 semaphore(%arg21 : memref<!tpu.dma_semaphore, #tpu.memory_space<semaphore_mem>>) src(%dma_wait3A_477 : memref<128xi32, #tpu.memory_space<hbm>>) dst(%arg10 : memref<128xi32, #tpu.memory_space<vmem>>)
    %get3A_478 = arith.constant 0 : index
    %get3A_479 = tpu.vector_load %arg8[%get3A_478] {strides = array<i32>} : memref<128xi32, #tpu.memory_space<vmem>>, vector<16xi32>,
    %get3A_480 = vector.shape_cast %get3A_479 : vector<16xi32> to vector<16xi32>
    %add3A_481 = vector.broadcast %mul3A_0 : i32 to vector<16xi32>
    %add3A_482 = arith.addi %get3A_480, %add3A_481 : vector<16xi32>
    %swap3A_483 = arith.constant 0 : index
    %swap3A_484 = tpu.vector_load %arg12[%swap3A_483] {strides = array<i32>} : memref<128xi32, #tpu.memory_space<vmem>>, vector<16xi32>,
    %swap3A_485 = vector.shape_cast %swap3A_484 : vector<16xi32> to vector<16xi32>
    %swap3A_486 = vector.shape_cast %add3A_482 : vector<16xi32> to vector<16xi32>
    tpu.vector_store %arg12[%swap3A_483], %swap3A_486 {strides = array<i32>} : memref<128xi32, #tpu.memory_space<vmem>>, vector<16xi32>,
    %get3A_487 = arith.constant 0 : index
    %get3A_488 = tpu.vector_load %arg10[%get3A_487] {strides = array<i32>} : memref<128xi32, #tpu.memory_space<vmem>>, vector<16xi32>,
    %get3A_489 = vector.shape_cast %get3A_488 : vector<16xi32> to vector<16xi32>
    %swap3A_490 = arith.constant 0 : index
    %swap3A_491 = tpu.vector_load %arg14[%swap3A_490] {strides = array<i32>} : memref<128xi32, #tpu.memory_space<vmem>>, vector<16xi32>,
    %swap3A_492 = vector.shape_cast %swap3A_491 : vector<16xi32> to vector<16xi32>
    %swap3A_493 = vector.shape_cast %get3A_489 : vector<16xi32> to vector<16xi32>
    tpu.vector_store %arg14[%swap3A_490], %swap3A_493 {strides = array<i32>} : memref<128xi32, #tpu.memory_space<vmem>>, vector<16xi32>,
    %get3A_494 = arith.constant 16 : index
    %get3A_495 = tpu.vector_load %arg8[%get3A_494] {strides = array<i32>} : memref<128xi32, #tpu.memory_space<vmem>>, vector<16xi32>,
    %get3A_496 = vector.shape_cast %get3A_495 : vector<16xi32> to vector<16xi32>
    %add3A_497 = vector.broadcast %mul3A_0 : i32 to vector<16xi32>
    %add3A_498 = arith.addi %get3A_496, %add3A_497 : vector<16xi32>
    %swap3A_499 = arith.constant 16 : index
    %swap3A_500 = tpu.vector_load %arg12[%swap3A_499] {strides = array<i32>} : memref<128xi32, #tpu.memory_space<vmem>>, vector<16xi32>,
    %swap3A_501 = vector.shape_cast %swap3A_500 : vector<16xi32> to vector<16xi32>
    %swap3A_502 = vector.shape_cast %add3A_498 : vector<16xi32> to vector<16xi32>
    tpu.vector_store %arg12[%swap3A_499], %swap3A_502 {strides = array<i32>} : memref<128xi32, #tpu.memory_space<vmem>>, vector<16xi32>,
    %get3A_503 = arith.constant 16 : index
    %get3A_504 = tpu.vector_load %arg10[%get3A_503] {strides = array<i32>} : memref<128xi32, #tpu.memory_space<vmem>>, vector<16xi32>,
    %get3A_505 = vector.shape_cast %get3A_504 : vector<16xi32> to vector<16xi32>
    %swap3A_506 = arith.constant 16 : index
    %swap3A_507 = tpu.vector_load %arg14[%swap3A_506] {strides = array<i32>} : memref<128xi32, #tpu.memory_space<vmem>>, vector<16xi32>,
    %swap3A_508 = vector.shape_cast %swap3A_507 : vector<16xi32> to vector<16xi32>
    %swap3A_509 = vector.shape_cast %get3A_505 : vector<16xi32> to vector<16xi32>
    tpu.vector_store %arg14[%swap3A_506], %swap3A_509 {strides = array<i32>} : memref<128xi32, #tpu.memory_space<vmem>>, vector<16xi32>,
    %get3A_510 = arith.constant 32 : index
    %get3A_511 = tpu.vector_load %arg8[%get3A_510] {strides = array<i32>} : memref<128xi32, #tpu.memory_space<vmem>>, vector<16xi32>,
    %get3A_512 = vector.shape_cast %get3A_511 : vector<16xi32> to vector<16xi32>
    %add3A_513 = vector.broadcast %mul3A_0 : i32 to vector<16xi32>
    %add3A_514 = arith.addi %get3A_512, %add3A_513 : vector<16xi32>
    %swap3A_515 = arith.constant 32 : index
    %swap3A_516 = tpu.vector_load %arg12[%swap3A_515] {strides = array<i32>} : memref<128xi32, #tpu.memory_space<vmem>>, vector<16xi32>,
    %swap3A_517 = vector.shape_cast %swap3A_516 : vector<16xi32> to vector<16xi32>
    %swap3A_518 = vector.shape_cast %add3A_514 : vector<16xi32> to vector<16xi32>
    tpu.vector_store %arg12[%swap3A_515], %swap3A_518 {strides = array<i32>} : memref<128xi32, #tpu.memory_space<vmem>>, vector<16xi32>,
    %get3A_519 = arith.constant 32 : index
    %get3A_520 = tpu.vector_load %arg10[%get3A_519] {strides = array<i32>} : memref<128xi32, #tpu.memory_space<vmem>>, vector<16xi32>,
    %get3A_521 = vector.shape_cast %get3A_520 : vector<16xi32> to vector<16xi32>
    %swap3A_522 = arith.constant 32 : index
    %swap3A_523 = tpu.vector_load %arg14[%swap3A_522] {strides = array<i32>} : memref<128xi32, #tpu.memory_space<vmem>>, vector<16xi32>,
    %swap3A_524 = vector.shape_cast %swap3A_523 : vector<16xi32> to vector<16xi32>
    %swap3A_525 = vector.shape_cast %get3A_521 : vector<16xi32> to vector<16xi32>
    tpu.vector_store %arg14[%swap3A_522], %swap3A_525 {strides = array<i32>} : memref<128xi32, #tpu.memory_space<vmem>>, vector<16xi32>,
    %get3A_526 = arith.constant 48 : index
    %get3A_527 = tpu.vector_load %arg8[%get3A_526] {strides = array<i32>} : memref<128xi32, #tpu.memory_space<vmem>>, vector<16xi32>,
    %get3A_528 = vector.shape_cast %get3A_527 : vector<16xi32> to vector<16xi32>
    %add3A_529 = vector.broadcast %mul3A_0 : i32 to vector<16xi32>
    %add3A_530 = arith.addi %get3A_528, %add3A_529 : vector<16xi32>
    %swap3A_531 = arith.constant 48 : index
    %swap3A_532 = tpu.vector_load %arg12[%swap3A_531] {strides = array<i32>} : memref<128xi32, #tpu.memory_space<vmem>>, vector<16xi32>,
    %swap3A_533 = vector.shape_cast %swap3A_532 : vector<16xi32> to vector<16xi32>
    %swap3A_534 = vector.shape_cast %add3A_530 : vector<16xi32> to vector<16xi32>
    tpu.vector_store %arg12[%swap3A_531], %swap3A_534 {strides = array<i32>} : memref<128xi32, #tpu.memory_space<vmem>>, vector<16xi32>,
    %get3A_535 = arith.constant 48 : index
    %get3A_536 = tpu.vector_load %arg10[%get3A_535] {strides = array<i32>} : memref<128xi32, #tpu.memory_space<vmem>>, vector<16xi32>,
    %get3A_537 = vector.shape_cast %get3A_536 : vector<16xi32> to vector<16xi32>
    %swap3A_538 = arith.constant 48 : index
    %swap3A_539 = tpu.vector_load %arg14[%swap3A_538] {strides = array<i32>} : memref<128xi32, #tpu.memory_space<vmem>>, vector<16xi32>,
    %swap3A_540 = vector.shape_cast %swap3A_539 : vector<16xi32> to vector<16xi32>
    %swap3A_541 = vector.shape_cast %get3A_537 : vector<16xi32> to vector<16xi32>
    tpu.vector_store %arg14[%swap3A_538], %swap3A_541 {strides = array<i32>} : memref<128xi32, #tpu.memory_space<vmem>>, vector<16xi32>,
    %get3A_542 = arith.constant 64 : index
    %get3A_543 = tpu.vector_load %arg8[%get3A_542] {strides = array<i32>} : memref<128xi32, #tpu.memory_space<vmem>>, vector<16xi32>,
    %get3A_544 = vector.shape_cast %get3A_543 : vector<16xi32> to vector<16xi32>
    %add3A_545 = vector.broadcast %mul3A_0 : i32 to vector<16xi32>
    %add3A_546 = arith.addi %get3A_544, %add3A_545 : vector<16xi32>
    %swap3A_547 = arith.constant 64 : index
    %swap3A_548 = tpu.vector_load %arg12[%swap3A_547] {strides = array<i32>} : memref<128xi32, #tpu.memory_space<vmem>>, vector<16xi32>,
    %swap3A_549 = vector.shape_cast %swap3A_548 : vector<16xi32> to vector<16xi32>
    %swap3A_550 = vector.shape_cast %add3A_546 : vector<16xi32> to vector<16xi32>
    tpu.vector_store %arg12[%swap3A_547], %swap3A_550 {strides = array<i32>} : memref<128xi32, #tpu.memory_space<vmem>>, vector<16xi32>,
    %get3A_551 = arith.constant 64 : index
    %get3A_552 = tpu.vector_load %arg10[%get3A_551] {strides = array<i32>} : memref<128xi32, #tpu.memory_space<vmem>>, vector<16xi32>,
    %get3A_553 = vector.shape_cast %get3A_552 : vector<16xi32> to vector<16xi32>
    %swap3A_554 = arith.constant 64 : index
    %swap3A_555 = tpu.vector_load %arg14[%swap3A_554] {strides = array<i32>} : memref<128xi32, #tpu.memory_space<vmem>>, vector<16xi32>,
    %swap3A_556 = vector.shape_cast %swap3A_555 : vector<16xi32> to vector<16xi32>
    %swap3A_557 = vector.shape_cast %get3A_553 : vector<16xi32> to vector<16xi32>
    tpu.vector_store %arg14[%swap3A_554], %swap3A_557 {strides = array<i32>} : memref<128xi32, #tpu.memory_space<vmem>>, vector<16xi32>,
    %get3A_558 = arith.constant 80 : index
    %get3A_559 = tpu.vector_load %arg8[%get3A_558] {strides = array<i32>} : memref<128xi32, #tpu.memory_space<vmem>>, vector<16xi32>,
    %get3A_560 = vector.shape_cast %get3A_559 : vector<16xi32> to vector<16xi32>
    %add3A_561 = vector.broadcast %mul3A_0 : i32 to vector<16xi32>
    %add3A_562 = arith.addi %get3A_560, %add3A_561 : vector<16xi32>
    %swap3A_563 = arith.constant 80 : index
    %swap3A_564 = tpu.vector_load %arg12[%swap3A_563] {strides = array<i32>} : memref<128xi32, #tpu.memory_space<vmem>>, vector<16xi32>,
    %swap3A_565 = vector.shape_cast %swap3A_564 : vector<16xi32> to vector<16xi32>
    %swap3A_566 = vector.shape_cast %add3A_562 : vector<16xi32> to vector<16xi32>
    tpu.vector_store %arg12[%swap3A_563], %swap3A_566 {strides = array<i32>} : memref<128xi32, #tpu.memory_space<vmem>>, vector<16xi32>,
    %get3A_567 = arith.constant 80 : index
    %get3A_568 = tpu.vector_load %arg10[%get3A_567] {strides = array<i32>} : memref<128xi32, #tpu.memory_space<vmem>>, vector<16xi32>,
    %get3A_569 = vector.shape_cast %get3A_568 : vector<16xi32> to vector<16xi32>
    %swap3A_570 = arith.constant 80 : index
    %swap3A_571 = tpu.vector_load %arg14[%swap3A_570] {strides = array<i32>} : memref<128xi32, #tpu.memory_space<vmem>>, vector<16xi32>,
    %swap3A_572 = vector.shape_cast %swap3A_571 : vector<16xi32> to vector<16xi32>
    %swap3A_573 = vector.shape_cast %get3A_569 : vector<16xi32> to vector<16xi32>
    tpu.vector_store %arg14[%swap3A_570], %swap3A_573 {strides = array<i32>} : memref<128xi32, #tpu.memory_space<vmem>>, vector<16xi32>,
    %get3A_574 = arith.constant 96 : index
    %get3A_575 = tpu.vector_load %arg8[%get3A_574] {strides = array<i32>} : memref<128xi32, #tpu.memory_space<vmem>>, vector<16xi32>,
    %get3A_576 = vector.shape_cast %get3A_575 : vector<16xi32> to vector<16xi32>
    %add3A_577 = vector.broadcast %mul3A_0 : i32 to vector<16xi32>
    %add3A_578 = arith.addi %get3A_576, %add3A_577 : vector<16xi32>
    %swap3A_579 = arith.constant 96 : index
    %swap3A_580 = tpu.vector_load %arg12[%swap3A_579] {strides = array<i32>} : memref<128xi32, #tpu.memory_space<vmem>>, vector<16xi32>,
    %swap3A_581 = vector.shape_cast %swap3A_580 : vector<16xi32> to vector<16xi32>
    %swap3A_582 = vector.shape_cast %add3A_578 : vector<16xi32> to vector<16xi32>
    tpu.vector_store %arg12[%swap3A_579], %swap3A_582 {strides = array<i32>} : memref<128xi32, #tpu.memory_space<vmem>>, vector<16xi32>,
    %get3A_583 = arith.constant 96 : index
    %get3A_584 = tpu.vector_load %arg10[%get3A_583] {strides = array<i32>} : memref<128xi32, #tpu.memory_space<vmem>>, vector<16xi32>,
    %get3A_585 = vector.shape_cast %get3A_584 : vector<16xi32> to vector<16xi32>
    %swap3A_586 = arith.constant 96 : index
    %swap3A_587 = tpu.vector_load %arg14[%swap3A_586] {strides = array<i32>} : memref<128xi32, #tpu.memory_space<vmem>>, vector<16xi32>,
    %swap3A_588 = vector.shape_cast %swap3A_587 : vector<16xi32> to vector<16xi32>
    %swap3A_589 = vector.shape_cast %get3A_585 : vector<16xi32> to vector<16xi32>
    tpu.vector_store %arg14[%swap3A_586], %swap3A_589 {strides = array<i32>} : memref<128xi32, #tpu.memory_space<vmem>>, vector<16xi32>,
    %get3A_590 = arith.constant 112 : index
    %get3A_591 = tpu.vector_load %arg8[%get3A_590] {strides = array<i32>} : memref<128xi32, #tpu.memory_space<vmem>>, vector<16xi32>,
    %get3A_592 = vector.shape_cast %get3A_591 : vector<16xi32> to vector<16xi32>
    %add3A_593 = vector.broadcast %mul3A_0 : i32 to vector<16xi32>
    %add3A_594 = arith.addi %get3A_592, %add3A_593 : vector<16xi32>
    %swap3A_595 = arith.constant 112 : index
    %swap3A_596 = tpu.vector_load %arg12[%swap3A_595] {strides = array<i32>} : memref<128xi32, #tpu.memory_space<vmem>>, vector<16xi32>,
    %swap3A_597 = vector.shape_cast %swap3A_596 : vector<16xi32> to vector<16xi32>
    %swap3A_598 = vector.shape_cast %add3A_594 : vector<16xi32> to vector<16xi32>
    tpu.vector_store %arg12[%swap3A_595], %swap3A_598 {strides = array<i32>} : memref<128xi32, #tpu.memory_space<vmem>>, vector<16xi32>,
    %get3A_599 = arith.constant 112 : index
    %get3A_600 = tpu.vector_load %arg10[%get3A_599] {strides = array<i32>} : memref<128xi32, #tpu.memory_space<vmem>>, vector<16xi32>,
    %get3A_601 = vector.shape_cast %get3A_600 : vector<16xi32> to vector<16xi32>
    %swap3A_602 = arith.constant 112 : index
    %swap3A_603 = tpu.vector_load %arg14[%swap3A_602] {strides = array<i32>} : memref<128xi32, #tpu.memory_space<vmem>>, vector<16xi32>,
    %swap3A_604 = vector.shape_cast %swap3A_603 : vector<16xi32> to vector<16xi32>
    %swap3A_605 = vector.shape_cast %get3A_601 : vector<16xi32> to vector<16xi32>
    tpu.vector_store %arg14[%swap3A_602], %swap3A_605 {strides = array<i32>} : memref<128xi32, #tpu.memory_space<vmem>>, vector<16xi32>,
    %dma_start3A_606 = arith.constant 0 : i32
    %dma_start3A_607 = arith.constant 0 : i32
    %dma_start3A_608 = tpu.memref_slice %arg2[%dma_start3A_606, %dma_start3A_607] : memref<20000x128xf32, #tpu.memory_space<hbm>> -> memref<20000x128xf32, #tpu.memory_space<hbm>>
    tpu.enqueue_indirect_dma source(%dma_start3A_608 : memref<20000x128xf32, #tpu.memory_space<hbm>>) target(%arg18 : memref<128x128xf32, #tpu.memory_space<vmem>>) offsets(%arg12 : memref<128xi32, #tpu.memory_space<vmem>>) semaphore(%arg23 : memref<!tpu.dma_semaphore, #tpu.memory_space<semaphore_mem>>)
    %dma_wait3A_609 = arith.constant 0 : i32
    %dma_wait3A_610 = arith.constant 0 : i32
    %dma_wait3A_611 = tpu.memref_slice %arg2[%dma_wait3A_609, %dma_wait3A_610] : memref<20000x128xf32, #tpu.memory_space<hbm>> -> memref<20000x128xf32, #tpu.memory_space<hbm>>
    tpu.wait_indirect_dma semaphore(%arg22 : memref<!tpu.dma_semaphore, #tpu.memory_space<semaphore_mem>>) src(%dma_wait3A_611 : memref<20000x128xf32, #tpu.memory_space<hbm>>) dst(%arg17 : memref<128x128xf32, #tpu.memory_space<vmem>>)
    %dma_start3A_612 = arith.constant 0 : i32
    %dma_start3A_613 = arith.constant 0 : i32
    %dma_start3A_614 = tpu.memref_slice %arg19[%dma_start3A_612, %dma_start3A_613] : memref<10240x128xf32, #tpu.memory_space<vmem_shared>> -> memref<10240x128xf32, #tpu.memory_space<vmem_shared>>
    tpu.enqueue_indirect_dma source(%arg17 : memref<128x128xf32, #tpu.memory_space<vmem>>) target(%dma_start3A_614 : memref<10240x128xf32, #tpu.memory_space<vmem_shared>>) offsets(%arg13 : memref<128xi32, #tpu.memory_space<vmem>>) semaphore(%arg24 : memref<!tpu.dma_semaphore, #tpu.memory_space<semaphore_mem>>) {add = true}
    %dma_wait3A_615 = arith.constant 0 : i32
    %dma_wait3A_616 = arith.constant 0 : i32
    %dma_wait3A_617 = tpu.memref_slice %arg2[%dma_wait3A_615, %dma_wait3A_616] : memref<20000x128xf32, #tpu.memory_space<hbm>> -> memref<20000x128xf32, #tpu.memory_space<hbm>>
    tpu.wait_indirect_dma semaphore(%arg23 : memref<!tpu.dma_semaphore, #tpu.memory_space<semaphore_mem>>) src(%dma_wait3A_617 : memref<20000x128xf32, #tpu.memory_space<hbm>>) dst(%arg18 : memref<128x128xf32, #tpu.memory_space<vmem>>)
    %dma_start3A_618 = arith.constant 0 : i32
    %dma_start3A_619 = arith.constant 0 : i32
    %dma_start3A_620 = tpu.memref_slice %arg19[%dma_start3A_618, %dma_start3A_619] : memref<10240x128xf32, #tpu.memory_space<vmem_shared>> -> memref<10240x128xf32, #tpu.memory_space<vmem_shared>>
    tpu.enqueue_indirect_dma source(%arg18 : memref<128x128xf32, #tpu.memory_space<vmem>>) target(%dma_start3A_620 : memref<10240x128xf32, #tpu.memory_space<vmem_shared>>) offsets(%arg14 : memref<128xi32, #tpu.memory_space<vmem>>) semaphore(%arg25 : memref<!tpu.dma_semaphore, #tpu.memory_space<semaphore_mem>>) {add = true}
    %dma_wait3A_621 = arith.constant 0 : i32
    %dma_wait3A_622 = arith.constant 0 : i32
    %dma_wait3A_623 = tpu.memref_slice %arg19[%dma_wait3A_621, %dma_wait3A_622] : memref<10240x128xf32, #tpu.memory_space<vmem_shared>> -> memref<10240x128xf32, #tpu.memory_space<vmem_shared>>
    tpu.wait_indirect_dma semaphore(%arg24 : memref<!tpu.dma_semaphore, #tpu.memory_space<semaphore_mem>>) src(%arg17 : memref<128x128xf32, #tpu.memory_space<vmem>>) dst(%dma_wait3A_623 : memref<10240x128xf32, #tpu.memory_space<vmem_shared>>)
    %dma_wait3A_624 = arith.constant 0 : i32
    %dma_wait3A_625 = arith.constant 0 : i32
    %dma_wait3A_626 = tpu.memref_slice %arg19[%dma_wait3A_624, %dma_wait3A_625] : memref<10240x128xf32, #tpu.memory_space<vmem_shared>> -> memref<10240x128xf32, #tpu.memory_space<vmem_shared>>
    tpu.wait_indirect_dma semaphore(%arg25 : memref<!tpu.dma_semaphore, #tpu.memory_space<semaphore_mem>>) src(%arg18 : memref<128x128xf32, #tpu.memory_space<vmem>>) dst(%dma_wait3A_626 : memref<10240x128xf32, #tpu.memory_space<vmem_shared>>)
    %add3A_627 = arith.constant 19968 : i32
    %add3A_628 = arith.addi %mul3A_13, %add3A_627 : i32
    "tpu.region"() ({
      %run_scoped3A = tpu.sem_alloc : memref<!tpu.dma_semaphore, #tpu.memory_space<semaphore_mem>>
      %dma_start3A_683 = tpu.memref_slice %arg3[%add3A_628] : memref<320000xi32, #tpu.memory_space<hbm>> -> memref<32xi32, #tpu.memory_space<hbm>>
      %dma_start3A_684 = tpu.memref_slice %arg3[%add3A_628] : memref<320000xi32, #tpu.memory_space<hbm>> -> memref<32xi32, #tpu.memory_space<hbm>>
      tpu.enqueue_dma source(%dma_start3A_684 : memref<32xi32, #tpu.memory_space<hbm>>) target(%arg15 : memref<32xi32, #tpu.memory_space<vmem>>) target_semaphore(%run_scoped3A : memref<!tpu.dma_semaphore, #tpu.memory_space<semaphore_mem>>)
      %dma_wait3A_685 = tpu.memref_slice %arg3[%add3A_628] : memref<320000xi32, #tpu.memory_space<hbm>> -> memref<32xi32, #tpu.memory_space<hbm>>
      %dma_wait3A_686 = tpu.memref_slice %arg3[%add3A_628] : memref<320000xi32, #tpu.memory_space<hbm>> -> memref<32xi32, #tpu.memory_space<hbm>>
      tpu.wait_dma2 semaphore(%run_scoped3A : memref<!tpu.dma_semaphore, #tpu.memory_space<semaphore_mem>>) src(%dma_wait3A_686 : memref<32xi32, #tpu.memory_space<hbm>>) dst(%arg15 : memref<32xi32, #tpu.memory_space<vmem>>)
      tpu.yield
    }) : () -> ()
    %get3A_629 = arith.constant 0 : index
    %get3A_630 = tpu.vector_load %arg15[%get3A_629] {strides = array<i32>} : memref<32xi32, #tpu.memory_space<vmem>>, vector<16xi32>,
    %get3A_631 = vector.shape_cast %get3A_630 : vector<16xi32> to vector<16xi32>
    %add3A_632 = vector.broadcast %mul3A_0 : i32 to vector<16xi32>
    %add3A_633 = arith.addi %get3A_631, %add3A_632 : vector<16xi32>
    %swap3A_634 = arith.constant 0 : index
    %swap3A_635 = tpu.vector_load %arg15[%swap3A_634] {strides = array<i32>} : memref<32xi32, #tpu.memory_space<vmem>>, vector<16xi32>,
    %swap3A_636 = vector.shape_cast %swap3A_635 : vector<16xi32> to vector<16xi32>
    %swap3A_637 = vector.shape_cast %add3A_633 : vector<16xi32> to vector<16xi32>
    tpu.vector_store %arg15[%swap3A_634], %swap3A_637 {strides = array<i32>} : memref<32xi32, #tpu.memory_space<vmem>>, vector<16xi32>,
    %get3A_638 = arith.constant 16 : index
    %get3A_639 = tpu.vector_load %arg15[%get3A_638] {strides = array<i32>} : memref<32xi32, #tpu.memory_space<vmem>>, vector<16xi32>,
    %get3A_640 = vector.shape_cast %get3A_639 : vector<16xi32> to vector<16xi32>
    %add3A_641 = vector.broadcast %mul3A_0 : i32 to vector<16xi32>
    %add3A_642 = arith.addi %get3A_640, %add3A_641 : vector<16xi32>
    %swap3A_643 = arith.constant 16 : index
    %swap3A_644 = tpu.vector_load %arg15[%swap3A_643] {strides = array<i32>} : memref<32xi32, #tpu.memory_space<vmem>>, vector<16xi32>,
    %swap3A_645 = vector.shape_cast %swap3A_644 : vector<16xi32> to vector<16xi32>
    %swap3A_646 = vector.shape_cast %add3A_642 : vector<16xi32> to vector<16xi32>
    tpu.vector_store %arg15[%swap3A_643], %swap3A_646 {strides = array<i32>} : memref<32xi32, #tpu.memory_space<vmem>>, vector<16xi32>,
    "tpu.region"() ({
      %run_scoped3A = tpu.sem_alloc : memref<!tpu.dma_semaphore, #tpu.memory_space<semaphore_mem>>
      %dma_start3A_683 = tpu.memref_slice %arg4[%add3A_628] : memref<320000xi32, #tpu.memory_space<hbm>> -> memref<32xi32, #tpu.memory_space<hbm>>
      %dma_start3A_684 = tpu.memref_slice %arg4[%add3A_628] : memref<320000xi32, #tpu.memory_space<hbm>> -> memref<32xi32, #tpu.memory_space<hbm>>
      tpu.enqueue_dma source(%dma_start3A_684 : memref<32xi32, #tpu.memory_space<hbm>>) target(%arg16 : memref<32xi32, #tpu.memory_space<vmem>>) target_semaphore(%run_scoped3A : memref<!tpu.dma_semaphore, #tpu.memory_space<semaphore_mem>>)
      %dma_wait3A_685 = tpu.memref_slice %arg4[%add3A_628] : memref<320000xi32, #tpu.memory_space<hbm>> -> memref<32xi32, #tpu.memory_space<hbm>>
      %dma_wait3A_686 = tpu.memref_slice %arg4[%add3A_628] : memref<320000xi32, #tpu.memory_space<hbm>> -> memref<32xi32, #tpu.memory_space<hbm>>
      tpu.wait_dma2 semaphore(%run_scoped3A : memref<!tpu.dma_semaphore, #tpu.memory_space<semaphore_mem>>) src(%dma_wait3A_686 : memref<32xi32, #tpu.memory_space<hbm>>) dst(%arg16 : memref<32xi32, #tpu.memory_space<vmem>>)
      tpu.yield
    }) : () -> ()
    %dma_start3A_647 = arith.constant 0 : i32
    %dma_start3A_648 = arith.constant 0 : i32
    %dma_start3A_649 = tpu.memref_slice %arg17[%dma_start3A_647, %dma_start3A_648] : memref<128x128xf32, #tpu.memory_space<vmem>> -> memref<32x128xf32, #tpu.memory_space<vmem>>
    %dma_start3A_650 = arith.constant 0 : i32
    %dma_start3A_651 = arith.constant 0 : i32
    %dma_start3A_652 = tpu.memref_slice %arg2[%dma_start3A_650, %dma_start3A_651] : memref<20000x128xf32, #tpu.memory_space<hbm>> -> memref<20000x128xf32, #tpu.memory_space<hbm>>
    tpu.enqueue_indirect_dma source(%dma_start3A_652 : memref<20000x128xf32, #tpu.memory_space<hbm>>) target(%dma_start3A_649 : memref<32x128xf32, #tpu.memory_space<vmem>>) offsets(%arg15 : memref<32xi32, #tpu.memory_space<vmem>>) semaphore(%arg22 : memref<!tpu.dma_semaphore, #tpu.memory_space<semaphore_mem>>)
    %dma_wait3A_653 = arith.constant 0 : i32
    %dma_wait3A_654 = arith.constant 0 : i32
    %dma_wait3A_655 = tpu.memref_slice %arg17[%dma_wait3A_653, %dma_wait3A_654] : memref<128x128xf32, #tpu.memory_space<vmem>> -> memref<32x128xf32, #tpu.memory_space<vmem>>
    %dma_wait3A_656 = arith.constant 0 : i32
    %dma_wait3A_657 = arith.constant 0 : i32
    %dma_wait3A_658 = tpu.memref_slice %arg2[%dma_wait3A_656, %dma_wait3A_657] : memref<20000x128xf32, #tpu.memory_space<hbm>> -> memref<20000x128xf32, #tpu.memory_space<hbm>>
    tpu.wait_indirect_dma semaphore(%arg22 : memref<!tpu.dma_semaphore, #tpu.memory_space<semaphore_mem>>) src(%dma_wait3A_658 : memref<20000x128xf32, #tpu.memory_space<hbm>>) dst(%dma_wait3A_655 : memref<32x128xf32, #tpu.memory_space<vmem>>)
    "tpu.region"() ({
      %run_scoped3A = tpu.sem_alloc : memref<!tpu.dma_semaphore, #tpu.memory_space<semaphore_mem>>
      %dma_start3A_683 = arith.constant 0 : i32
      %dma_start3A_684 = arith.constant 0 : i32
      %dma_start3A_685 = tpu.memref_slice %arg17[%dma_start3A_683, %dma_start3A_684] : memref<128x128xf32, #tpu.memory_space<vmem>> -> memref<32x128xf32, #tpu.memory_space<vmem>>
      %dma_start3A_686 = arith.constant 0 : i32
      %dma_start3A_687 = arith.constant 0 : i32
      %dma_start3A_688 = tpu.memref_slice %arg19[%dma_start3A_686, %dma_start3A_687] : memref<10240x128xf32, #tpu.memory_space<vmem_shared>> -> memref<10240x128xf32, #tpu.memory_space<vmem_shared>>
      tpu.enqueue_indirect_dma source(%dma_start3A_685 : memref<32x128xf32, #tpu.memory_space<vmem>>) target(%dma_start3A_688 : memref<10240x128xf32, #tpu.memory_space<vmem_shared>>) offsets(%arg16 : memref<32xi32, #tpu.memory_space<vmem>>) semaphore(%run_scoped3A : memref<!tpu.dma_semaphore, #tpu.memory_space<semaphore_mem>>) {add = true}
      %dma_wait3A_689 = arith.constant 0 : i32
      %dma_wait3A_690 = arith.constant 0 : i32
      %dma_wait3A_691 = tpu.memref_slice %arg17[%dma_wait3A_689, %dma_wait3A_690] : memref<128x128xf32, #tpu.memory_space<vmem>> -> memref<32x128xf32, #tpu.memory_space<vmem>>
      %dma_wait3A_692 = arith.constant 0 : i32
      %dma_wait3A_693 = arith.constant 0 : i32
      %dma_wait3A_694 = tpu.memref_slice %arg19[%dma_wait3A_692, %dma_wait3A_693] : memref<10240x128xf32, #tpu.memory_space<vmem_shared>> -> memref<10240x128xf32, #tpu.memory_space<vmem_shared>>
      tpu.wait_indirect_dma semaphore(%run_scoped3A : memref<!tpu.dma_semaphore, #tpu.memory_space<semaphore_mem>>) src(%dma_wait3A_691 : memref<32x128xf32, #tpu.memory_space<vmem>>) dst(%dma_wait3A_694 : memref<10240x128xf32, #tpu.memory_space<vmem_shared>>)
      tpu.yield
    }) : () -> ()
    %barrier3A_659 = arith.constant 0 : index
    tpu.barrier barrier_id(%barrier3A_659)
    %mul3A_660 = arith.constant 10240 : i32
    %mul3A_661 = arith.muli %arg0, %mul3A_660 : i32
    %add3A_662 = arith.addi %mul3A_661, %mul3A_2 : i32
    %add3A_663 = arith.constant 0 : i32
    %add3A_664 = arith.addi %mul3A_2, %add3A_663 : i32
    "tpu.region"() ({
      %run_scoped3A = tpu.sem_alloc : memref<!tpu.dma_semaphore, #tpu.memory_space<semaphore_mem>>
      %dma_start3A_683 = arith.constant 0 : i32
      %dma_start3A_684 = tpu.memref_slice %arg19[%add3A_664, %dma_start3A_683] : memref<10240x128xf32, #tpu.memory_space<vmem_shared>> -> memref<128x128xf32, #tpu.memory_space<vmem_shared>>
      %dma_start3A_685 = arith.constant 0 : i32
      %dma_start3A_686 = tpu.memref_slice %arg19[%add3A_664, %dma_start3A_685] : memref<10240x128xf32, #tpu.memory_space<vmem_shared>> -> memref<128x128xf32, #tpu.memory_space<vmem_shared>>
      tpu.enqueue_dma source(%dma_start3A_686 : memref<128x128xf32, #tpu.memory_space<vmem_shared>>) target(%arg17 : memref<128x128xf32, #tpu.memory_space<vmem>>) target_semaphore(%run_scoped3A : memref<!tpu.dma_semaphore, #tpu.memory_space<semaphore_mem>>)
      %dma_wait3A_687 = arith.constant 0 : i32
      %dma_wait3A_688 = tpu.memref_slice %arg19[%add3A_664, %dma_wait3A_687] : memref<10240x128xf32, #tpu.memory_space<vmem_shared>> -> memref<128x128xf32, #tpu.memory_space<vmem_shared>>
      %dma_wait3A_689 = arith.constant 0 : i32
      %dma_wait3A_690 = tpu.memref_slice %arg19[%add3A_664, %dma_wait3A_689] : memref<10240x128xf32, #tpu.memory_space<vmem_shared>> -> memref<128x128xf32, #tpu.memory_space<vmem_shared>>
      tpu.wait_dma2 semaphore(%run_scoped3A : memref<!tpu.dma_semaphore, #tpu.memory_space<semaphore_mem>>) src(%dma_wait3A_690 : memref<128x128xf32, #tpu.memory_space<vmem_shared>>) dst(%arg17 : memref<128x128xf32, #tpu.memory_space<vmem>>)
      tpu.yield
    }) : () -> ()
    %add3A_665 = arith.constant 0 : i32
    %add3A_666 = arith.addi %add3A_662, %add3A_665 : i32
    "tpu.region"() ({
      %run_scoped3A = tpu.sem_alloc : memref<!tpu.dma_semaphore, #tpu.memory_space<semaphore_mem>>
      %dma_start3A_683 = arith.constant 0 : i32
      %dma_start3A_684 = tpu.memref_slice %arg6[%add3A_666, %dma_start3A_683] : memref<20480x128xf32, #tpu.memory_space<hbm>> -> memref<128x128xf32, #tpu.memory_space<hbm>>
      %dma_start3A_685 = arith.constant 0 : i32
      %dma_start3A_686 = tpu.memref_slice %arg6[%add3A_666, %dma_start3A_685] : memref<20480x128xf32, #tpu.memory_space<hbm>> -> memref<128x128xf32, #tpu.memory_space<hbm>>
      tpu.enqueue_dma source(%arg17 : memref<128x128xf32, #tpu.memory_space<vmem>>) target(%dma_start3A_686 : memref<128x128xf32, #tpu.memory_space<hbm>>) target_semaphore(%run_scoped3A : memref<!tpu.dma_semaphore, #tpu.memory_space<semaphore_mem>>)
      %dma_wait3A_687 = arith.constant 0 : i32
      %dma_wait3A_688 = tpu.memref_slice %arg6[%add3A_666, %dma_wait3A_687] : memref<20480x128xf32, #tpu.memory_space<hbm>> -> memref<128x128xf32, #tpu.memory_space<hbm>>
      %dma_wait3A_689 = arith.constant 0 : i32
      %dma_wait3A_690 = tpu.memref_slice %arg6[%add3A_666, %dma_wait3A_689] : memref<20480x128xf32, #tpu.memory_space<hbm>> -> memref<128x128xf32, #tpu.memory_space<hbm>>
      tpu.wait_dma2 semaphore(%run_scoped3A : memref<!tpu.dma_semaphore, #tpu.memory_space<semaphore_mem>>) src(%arg17 : memref<128x128xf32, #tpu.memory_space<vmem>>) dst(%dma_wait3A_690 : memref<128x128xf32, #tpu.memory_space<hbm>>)
      tpu.yield
    }) : () -> ()
    %add3A_667 = arith.constant 128 : i32
    %add3A_668 = arith.addi %mul3A_2, %add3A_667 : i32
    "tpu.region"() ({
      %run_scoped3A = tpu.sem_alloc : memref<!tpu.dma_semaphore, #tpu.memory_space<semaphore_mem>>
      %dma_start3A_683 = arith.constant 0 : i32
      %dma_start3A_684 = tpu.memref_slice %arg19[%add3A_668, %dma_start3A_683] : memref<10240x128xf32, #tpu.memory_space<vmem_shared>> -> memref<128x128xf32, #tpu.memory_space<vmem_shared>>
      %dma_start3A_685 = arith.constant 0 : i32
      %dma_start3A_686 = tpu.memref_slice %arg19[%add3A_668, %dma_start3A_685] : memref<10240x128xf32, #tpu.memory_space<vmem_shared>> -> memref<128x128xf32, #tpu.memory_space<vmem_shared>>
      tpu.enqueue_dma source(%dma_start3A_686 : memref<128x128xf32, #tpu.memory_space<vmem_shared>>) target(%arg17 : memref<128x128xf32, #tpu.memory_space<vmem>>) target_semaphore(%run_scoped3A : memref<!tpu.dma_semaphore, #tpu.memory_space<semaphore_mem>>)
      %dma_wait3A_687 = arith.constant 0 : i32
      %dma_wait3A_688 = tpu.memref_slice %arg19[%add3A_668, %dma_wait3A_687] : memref<10240x128xf32, #tpu.memory_space<vmem_shared>> -> memref<128x128xf32, #tpu.memory_space<vmem_shared>>
      %dma_wait3A_689 = arith.constant 0 : i32
      %dma_wait3A_690 = tpu.memref_slice %arg19[%add3A_668, %dma_wait3A_689] : memref<10240x128xf32, #tpu.memory_space<vmem_shared>> -> memref<128x128xf32, #tpu.memory_space<vmem_shared>>
      tpu.wait_dma2 semaphore(%run_scoped3A : memref<!tpu.dma_semaphore, #tpu.memory_space<semaphore_mem>>) src(%dma_wait3A_690 : memref<128x128xf32, #tpu.memory_space<vmem_shared>>) dst(%arg17 : memref<128x128xf32, #tpu.memory_space<vmem>>)
      tpu.yield
    }) : () -> ()
    %add3A_669 = arith.constant 128 : i32
    %add3A_670 = arith.addi %add3A_662, %add3A_669 : i32
    "tpu.region"() ({
      %run_scoped3A = tpu.sem_alloc : memref<!tpu.dma_semaphore, #tpu.memory_space<semaphore_mem>>
      %dma_start3A_683 = arith.constant 0 : i32
      %dma_start3A_684 = tpu.memref_slice %arg6[%add3A_670, %dma_start3A_683] : memref<20480x128xf32, #tpu.memory_space<hbm>> -> memref<128x128xf32, #tpu.memory_space<hbm>>
      %dma_start3A_685 = arith.constant 0 : i32
      %dma_start3A_686 = tpu.memref_slice %arg6[%add3A_670, %dma_start3A_685] : memref<20480x128xf32, #tpu.memory_space<hbm>> -> memref<128x128xf32, #tpu.memory_space<hbm>>
      tpu.enqueue_dma source(%arg17 : memref<128x128xf32, #tpu.memory_space<vmem>>) target(%dma_start3A_686 : memref<128x128xf32, #tpu.memory_space<hbm>>) target_semaphore(%run_scoped3A : memref<!tpu.dma_semaphore, #tpu.memory_space<semaphore_mem>>)
      %dma_wait3A_687 = arith.constant 0 : i32
      %dma_wait3A_688 = tpu.memref_slice %arg6[%add3A_670, %dma_wait3A_687] : memref<20480x128xf32, #tpu.memory_space<hbm>> -> memref<128x128xf32, #tpu.memory_space<hbm>>
      %dma_wait3A_689 = arith.constant 0 : i32
      %dma_wait3A_690 = tpu.memref_slice %arg6[%add3A_670, %dma_wait3A_689] : memref<20480x128xf32, #tpu.memory_space<hbm>> -> memref<128x128xf32, #tpu.memory_space<hbm>>
      tpu.wait_dma2 semaphore(%run_scoped3A : memref<!tpu.dma_semaphore, #tpu.memory_space<semaphore_mem>>) src(%arg17 : memref<128x128xf32, #tpu.memory_space<vmem>>) dst(%dma_wait3A_690 : memref<128x128xf32, #tpu.memory_space<hbm>>)
      tpu.yield
    }) : () -> ()
    %add3A_671 = arith.constant 256 : i32
    %add3A_672 = arith.addi %mul3A_2, %add3A_671 : i32
    "tpu.region"() ({
      %run_scoped3A = tpu.sem_alloc : memref<!tpu.dma_semaphore, #tpu.memory_space<semaphore_mem>>
      %dma_start3A_683 = arith.constant 0 : i32
      %dma_start3A_684 = tpu.memref_slice %arg19[%add3A_672, %dma_start3A_683] : memref<10240x128xf32, #tpu.memory_space<vmem_shared>> -> memref<128x128xf32, #tpu.memory_space<vmem_shared>>
      %dma_start3A_685 = arith.constant 0 : i32
      %dma_start3A_686 = tpu.memref_slice %arg19[%add3A_672, %dma_start3A_685] : memref<10240x128xf32, #tpu.memory_space<vmem_shared>> -> memref<128x128xf32, #tpu.memory_space<vmem_shared>>
      tpu.enqueue_dma source(%dma_start3A_686 : memref<128x128xf32, #tpu.memory_space<vmem_shared>>) target(%arg17 : memref<128x128xf32, #tpu.memory_space<vmem>>) target_semaphore(%run_scoped3A : memref<!tpu.dma_semaphore, #tpu.memory_space<semaphore_mem>>)
      %dma_wait3A_687 = arith.constant 0 : i32
      %dma_wait3A_688 = tpu.memref_slice %arg19[%add3A_672, %dma_wait3A_687] : memref<10240x128xf32, #tpu.memory_space<vmem_shared>> -> memref<128x128xf32, #tpu.memory_space<vmem_shared>>
      %dma_wait3A_689 = arith.constant 0 : i32
      %dma_wait3A_690 = tpu.memref_slice %arg19[%add3A_672, %dma_wait3A_689] : memref<10240x128xf32, #tpu.memory_space<vmem_shared>> -> memref<128x128xf32, #tpu.memory_space<vmem_shared>>
      tpu.wait_dma2 semaphore(%run_scoped3A : memref<!tpu.dma_semaphore, #tpu.memory_space<semaphore_mem>>) src(%dma_wait3A_690 : memref<128x128xf32, #tpu.memory_space<vmem_shared>>) dst(%arg17 : memref<128x128xf32, #tpu.memory_space<vmem>>)
      tpu.yield
    }) : () -> ()
    %add3A_673 = arith.constant 256 : i32
    %add3A_674 = arith.addi %add3A_662, %add3A_673 : i32
    "tpu.region"() ({
      %run_scoped3A = tpu.sem_alloc : memref<!tpu.dma_semaphore, #tpu.memory_space<semaphore_mem>>
      %dma_start3A_683 = arith.constant 0 : i32
      %dma_start3A_684 = tpu.memref_slice %arg6[%add3A_674, %dma_start3A_683] : memref<20480x128xf32, #tpu.memory_space<hbm>> -> memref<128x128xf32, #tpu.memory_space<hbm>>
      %dma_start3A_685 = arith.constant 0 : i32
      %dma_start3A_686 = tpu.memref_slice %arg6[%add3A_674, %dma_start3A_685] : memref<20480x128xf32, #tpu.memory_space<hbm>> -> memref<128x128xf32, #tpu.memory_space<hbm>>
      tpu.enqueue_dma source(%arg17 : memref<128x128xf32, #tpu.memory_space<vmem>>) target(%dma_start3A_686 : memref<128x128xf32, #tpu.memory_space<hbm>>) target_semaphore(%run_scoped3A : memref<!tpu.dma_semaphore, #tpu.memory_space<semaphore_mem>>)
      %dma_wait3A_687 = arith.constant 0 : i32
      %dma_wait3A_688 = tpu.memref_slice %arg6[%add3A_674, %dma_wait3A_687] : memref<20480x128xf32, #tpu.memory_space<hbm>> -> memref<128x128xf32, #tpu.memory_space<hbm>>
      %dma_wait3A_689 = arith.constant 0 : i32
      %dma_wait3A_690 = tpu.memref_slice %arg6[%add3A_674, %dma_wait3A_689] : memref<20480x128xf32, #tpu.memory_space<hbm>> -> memref<128x128xf32, #tpu.memory_space<hbm>>
      tpu.wait_dma2 semaphore(%run_scoped3A : memref<!tpu.dma_semaphore, #tpu.memory_space<semaphore_mem>>) src(%arg17 : memref<128x128xf32, #tpu.memory_space<vmem>>) dst(%dma_wait3A_690 : memref<128x128xf32, #tpu.memory_space<hbm>>)
      tpu.yield
    }) : () -> ()
    %add3A_675 = arith.constant 384 : i32
    %add3A_676 = arith.addi %mul3A_2, %add3A_675 : i32
    "tpu.region"() ({
      %run_scoped3A = tpu.sem_alloc : memref<!tpu.dma_semaphore, #tpu.memory_space<semaphore_mem>>
      %dma_start3A_683 = arith.constant 0 : i32
      %dma_start3A_684 = tpu.memref_slice %arg19[%add3A_676, %dma_start3A_683] : memref<10240x128xf32, #tpu.memory_space<vmem_shared>> -> memref<128x128xf32, #tpu.memory_space<vmem_shared>>
      %dma_start3A_685 = arith.constant 0 : i32
      %dma_start3A_686 = tpu.memref_slice %arg19[%add3A_676, %dma_start3A_685] : memref<10240x128xf32, #tpu.memory_space<vmem_shared>> -> memref<128x128xf32, #tpu.memory_space<vmem_shared>>
      tpu.enqueue_dma source(%dma_start3A_686 : memref<128x128xf32, #tpu.memory_space<vmem_shared>>) target(%arg17 : memref<128x128xf32, #tpu.memory_space<vmem>>) target_semaphore(%run_scoped3A : memref<!tpu.dma_semaphore, #tpu.memory_space<semaphore_mem>>)
      %dma_wait3A_687 = arith.constant 0 : i32
      %dma_wait3A_688 = tpu.memref_slice %arg19[%add3A_676, %dma_wait3A_687] : memref<10240x128xf32, #tpu.memory_space<vmem_shared>> -> memref<128x128xf32, #tpu.memory_space<vmem_shared>>
      %dma_wait3A_689 = arith.constant 0 : i32
      %dma_wait3A_690 = tpu.memref_slice %arg19[%add3A_676, %dma_wait3A_689] : memref<10240x128xf32, #tpu.memory_space<vmem_shared>> -> memref<128x128xf32, #tpu.memory_space<vmem_shared>>
      tpu.wait_dma2 semaphore(%run_scoped3A : memref<!tpu.dma_semaphore, #tpu.memory_space<semaphore_mem>>) src(%dma_wait3A_690 : memref<128x128xf32, #tpu.memory_space<vmem_shared>>) dst(%arg17 : memref<128x128xf32, #tpu.memory_space<vmem>>)
      tpu.yield
    }) : () -> ()
    %add3A_677 = arith.constant 384 : i32
    %add3A_678 = arith.addi %add3A_662, %add3A_677 : i32
    "tpu.region"() ({
      %run_scoped3A = tpu.sem_alloc : memref<!tpu.dma_semaphore, #tpu.memory_space<semaphore_mem>>
      %dma_start3A_683 = arith.constant 0 : i32
      %dma_start3A_684 = tpu.memref_slice %arg6[%add3A_678, %dma_start3A_683] : memref<20480x128xf32, #tpu.memory_space<hbm>> -> memref<128x128xf32, #tpu.memory_space<hbm>>
      %dma_start3A_685 = arith.constant 0 : i32
      %dma_start3A_686 = tpu.memref_slice %arg6[%add3A_678, %dma_start3A_685] : memref<20480x128xf32, #tpu.memory_space<hbm>> -> memref<128x128xf32, #tpu.memory_space<hbm>>
      tpu.enqueue_dma source(%arg17 : memref<128x128xf32, #tpu.memory_space<vmem>>) target(%dma_start3A_686 : memref<128x128xf32, #tpu.memory_space<hbm>>) target_semaphore(%run_scoped3A : memref<!tpu.dma_semaphore, #tpu.memory_space<semaphore_mem>>)
      %dma_wait3A_687 = arith.constant 0 : i32
      %dma_wait3A_688 = tpu.memref_slice %arg6[%add3A_678, %dma_wait3A_687] : memref<20480x128xf32, #tpu.memory_space<hbm>> -> memref<128x128xf32, #tpu.memory_space<hbm>>
      %dma_wait3A_689 = arith.constant 0 : i32
      %dma_wait3A_690 = tpu.memref_slice %arg6[%add3A_678, %dma_wait3A_689] : memref<20480x128xf32, #tpu.memory_space<hbm>> -> memref<128x128xf32, #tpu.memory_space<hbm>>
      tpu.wait_dma2 semaphore(%run_scoped3A : memref<!tpu.dma_semaphore, #tpu.memory_space<semaphore_mem>>) src(%arg17 : memref<128x128xf32, #tpu.memory_space<vmem>>) dst(%dma_wait3A_690 : memref<128x128xf32, #tpu.memory_space<hbm>>)
      tpu.yield
    }) : () -> ()
    %add3A_679 = arith.constant 512 : i32
    %add3A_680 = arith.addi %mul3A_2, %add3A_679 : i32
    "tpu.region"() ({
      %run_scoped3A = tpu.sem_alloc : memref<!tpu.dma_semaphore, #tpu.memory_space<semaphore_mem>>
      %dma_start3A_683 = arith.constant 0 : i32
      %dma_start3A_684 = tpu.memref_slice %arg19[%add3A_680, %dma_start3A_683] : memref<10240x128xf32, #tpu.memory_space<vmem_shared>> -> memref<128x128xf32, #tpu.memory_space<vmem_shared>>
      %dma_start3A_685 = arith.constant 0 : i32
      %dma_start3A_686 = tpu.memref_slice %arg19[%add3A_680, %dma_start3A_685] : memref<10240x128xf32, #tpu.memory_space<vmem_shared>> -> memref<128x128xf32, #tpu.memory_space<vmem_shared>>
      tpu.enqueue_dma source(%dma_start3A_686 : memref<128x128xf32, #tpu.memory_space<vmem_shared>>) target(%arg17 : memref<128x128xf32, #tpu.memory_space<vmem>>) target_semaphore(%run_scoped3A : memref<!tpu.dma_semaphore, #tpu.memory_space<semaphore_mem>>)
      %dma_wait3A_687 = arith.constant 0 : i32
      %dma_wait3A_688 = tpu.memref_slice %arg19[%add3A_680, %dma_wait3A_687] : memref<10240x128xf32, #tpu.memory_space<vmem_shared>> -> memref<128x128xf32, #tpu.memory_space<vmem_shared>>
      %dma_wait3A_689 = arith.constant 0 : i32
      %dma_wait3A_690 = tpu.memref_slice %arg19[%add3A_680, %dma_wait3A_689] : memref<10240x128xf32, #tpu.memory_space<vmem_shared>> -> memref<128x128xf32, #tpu.memory_space<vmem_shared>>
      tpu.wait_dma2 semaphore(%run_scoped3A : memref<!tpu.dma_semaphore, #tpu.memory_space<semaphore_mem>>) src(%dma_wait3A_690 : memref<128x128xf32, #tpu.memory_space<vmem_shared>>) dst(%arg17 : memref<128x128xf32, #tpu.memory_space<vmem>>)
      tpu.yield
    }) : () -> ()
    %add3A_681 = arith.constant 512 : i32
    %add3A_682 = arith.addi %add3A_662, %add3A_681 : i32
    "tpu.region"() ({
      %run_scoped3A = tpu.sem_alloc : memref<!tpu.dma_semaphore, #tpu.memory_space<semaphore_mem>>
      %dma_start3A_683 = arith.constant 0 : i32
      %dma_start3A_684 = tpu.memref_slice %arg6[%add3A_682, %dma_start3A_683] : memref<20480x128xf32, #tpu.memory_space<hbm>> -> memref<128x128xf32, #tpu.memory_space<hbm>>
      %dma_start3A_685 = arith.constant 0 : i32
      %dma_start3A_686 = tpu.memref_slice %arg6[%add3A_682, %dma_start3A_685] : memref<20480x128xf32, #tpu.memory_space<hbm>> -> memref<128x128xf32, #tpu.memory_space<hbm>>
      tpu.enqueue_dma source(%arg17 : memref<128x128xf32, #tpu.memory_space<vmem>>) target(%dma_start3A_686 : memref<128x128xf32, #tpu.memory_space<hbm>>) target_semaphore(%run_scoped3A : memref<!tpu.dma_semaphore, #tpu.memory_space<semaphore_mem>>)
      %dma_wait3A_687 = arith.constant 0 : i32
      %dma_wait3A_688 = tpu.memref_slice %arg6[%add3A_682, %dma_wait3A_687] : memref<20480x128xf32, #tpu.memory_space<hbm>> -> memref<128x128xf32, #tpu.memory_space<hbm>>
      %dma_wait3A_689 = arith.constant 0 : i32
      %dma_wait3A_690 = tpu.memref_slice %arg6[%add3A_682, %dma_wait3A_689] : memref<20480x128xf32, #tpu.memory_space<hbm>> -> memref<128x128xf32, #tpu.memory_space<hbm>>
      tpu.wait_dma2 semaphore(%run_scoped3A : memref<!tpu.dma_semaphore, #tpu.memory_space<semaphore_mem>>) src(%arg17 : memref<128x128xf32, #tpu.memory_space<vmem>>) dst(%dma_wait3A_690 : memref<128x128xf32, #tpu.memory_space<hbm>>)
      tpu.yield
    }) : () -> ()
    return
  }
}

#map = affine_map<(d0, d1) -> (0, 0)>
#map1 = affine_map<(d0, d1) -> (0)>
module attributes {stable_mosaic.version = 14 : i64} {
  func.func @k(%arg0: i32, %arg1: i32, %arg2: memref<20000x128xf32, #tpu.memory_space<hbm>>, %arg3: memref<320000xi32, #tpu.memory_space<hbm>>, %arg4: memref<320000xi32, #tpu.memory_space<hbm>>, %arg5: memref<128x128xf32, #tpu.memory_space<hbm>>, %arg6: memref<20480x128xf32, #tpu.memory_space<hbm>>, %arg7: memref<128xi32, #tpu.memory_space<vmem>>, %arg8: memref<128xi32, #tpu.memory_space<vmem>>, %arg9: memref<128xi32, #tpu.memory_space<vmem>>, %arg10: memref<128xi32, #tpu.memory_space<vmem>>, %arg11: memref<128xi32, #tpu.memory_space<vmem>>, %arg12: memref<128xi32, #tpu.memory_space<vmem>>, %arg13: memref<128xi32, #tpu.memory_space<vmem>>, %arg14: memref<128xi32, #tpu.memory_space<vmem>>, %arg15: memref<32xi32, #tpu.memory_space<vmem>>, %arg16: memref<32xi32, #tpu.memory_space<vmem>>, %arg17: memref<128x128xf32, #tpu.memory_space<vmem>>, %arg18: memref<128x128xf32, #tpu.memory_space<vmem>>, %arg19: memref<10240x128xf32, #tpu.memory_space<vmem_shared>>, %arg20: memref<!tpu.dma_semaphore, #tpu.memory_space<semaphore_mem>>, %arg21: memref<!tpu.dma_semaphore, #tpu.memory_space<semaphore_mem>>, %arg22: memref<!tpu.dma_semaphore, #tpu.memory_space<semaphore_mem>>, %arg23: memref<!tpu.dma_semaphore, #tpu.memory_space<semaphore_mem>>, %arg24: memref<!tpu.dma_semaphore, #tpu.memory_space<semaphore_mem>>, %arg25: memref<!tpu.dma_semaphore, #tpu.memory_space<semaphore_mem>>) attributes {dimension_semantics = [#tpu.dimension_semantics<core_parallel>, #tpu.dimension_semantics<subcore_parallel>], iteration_bounds = array<i64: 2, 16>, scalar_prefetch = 0 : i64, scratch_operands = 19 : i64, tpu.core_type = #tpu.core_type<sc_vector_subcore>, window_params = [{transform_indices = #map}, {transform_indices = #map1}, {transform_indices = #map1}, {transform_indices = #map}, {transform_indices = #map}]} {
    %mul3A = arith.constant 10000 : i32
    %mul3A_0 = arith.muli %arg0, %mul3A : i32
    "tpu.region"() ({
      %run_scoped3A = tpu.sem_alloc : memref<!tpu.dma_semaphore, #tpu.memory_space<semaphore_mem>>
      tpu.enqueue_dma source(%arg5 : memref<128x128xf32, #tpu.memory_space<hbm>>) target(%arg17 : memref<128x128xf32, #tpu.memory_space<vmem>>) target_semaphore(%run_scoped3A : memref<!tpu.dma_semaphore, #tpu.memory_space<semaphore_mem>>)
      tpu.wait_dma2 semaphore(%run_scoped3A : memref<!tpu.dma_semaphore, #tpu.memory_space<semaphore_mem>>) src(%arg5 : memref<128x128xf32, #tpu.memory_space<hbm>>) dst(%arg17 : memref<128x128xf32, #tpu.memory_space<vmem>>)
      tpu.yield
    }) : () -> ()
    %mul3A_1 = arith.constant 640 : i32
    %mul3A_2 = arith.muli %arg1, %mul3A_1 : i32
    %add3A = arith.constant 0 : i32
    %add3A_3 = arith.addi %mul3A_2, %add3A : i32
    "tpu.region"() ({
      %run_scoped3A = tpu.sem_alloc : memref<!tpu.dma_semaphore, #tpu.memory_space<semaphore_mem>>
      %dma_start3A_683 = arith.constant 0 : i32
      %dma_start3A_684 = tpu.memref_slice %arg19[%add3A_3, %dma_start3A_683] : memref<10240x128xf32, #tpu.memory_space<vmem_shared>> -> memref<128x128xf32, #tpu.memory_space<vmem_shared>>
      %dma_start3A_685 = arith.constant 0 : i32
      %dma_start3A_686 = tpu.memref_slice %arg19[%add3A_3, %dma_start3A_685] : memref<10240x128xf32, #tpu.memory_space<vmem_shared>> -> memref<128x128xf32, #tpu.memory_space<vmem_shared>>
      tpu.enqueue_dma source(%arg17 : memref<128x128xf32, #tpu.memory_space<vmem>>) target(%dma_start3A_686 : memref<128x128xf32, #tpu.memory_space<vmem_shared>>) target_semaphore(%run_scoped3A : memref<!tpu.dma_semaphore, #tpu.memory_space<semaphore_mem>>)
      %dma_wait3A_687 = arith.constant 0 : i32
      %dma_wait3A_688 = tpu.memref_slice %arg19[%add3A_3, %dma_wait3A_687] : memref<10240x128xf32, #tpu.memory_space<vmem_shared>> -> memref<128x128xf32, #tpu.memory_space<vmem_shared>>
      %dma_wait3A_689 = arith.constant 0 : i32
      %dma_wait3A_690 = tpu.memref_slice %arg19[%add3A_3, %dma_wait3A_689] : memref<10240x128xf32, #tpu.memory_space<vmem_shared>> -> memref<128x128xf32, #tpu.memory_space<vmem_shared>>
      tpu.wait_dma2 semaphore(%run_scoped3A : memref<!tpu.dma_semaphore, #tpu.memory_space<semaphore_mem>>) src(%arg17 : memref<128x128xf32, #tpu.memory_space<vmem>>) dst(%dma_wait3A_690 : memref<128x128xf32, #tpu.memory_space<vmem_shared>>)
      tpu.yield
    }) : () -> ()
    %add3A_4 = arith.constant 128 : i32
    %add3A_5 = arith.addi %mul3A_2, %add3A_4 : i32
    "tpu.region"() ({
      %run_scoped3A = tpu.sem_alloc : memref<!tpu.dma_semaphore, #tpu.memory_space<semaphore_mem>>
      %dma_start3A_683 = arith.constant 0 : i32
      %dma_start3A_684 = tpu.memref_slice %arg19[%add3A_5, %dma_start3A_683] : memref<10240x128xf32, #tpu.memory_space<vmem_shared>> -> memref<128x128xf32, #tpu.memory_space<vmem_shared>>
      %dma_start3A_685 = arith.constant 0 : i32
      %dma_start3A_686 = tpu.memref_slice %arg19[%add3A_5, %dma_start3A_685] : memref<10240x128xf32, #tpu.memory_space<vmem_shared>> -> memref<128x128xf32, #tpu.memory_space<vmem_shared>>
      tpu.enqueue_dma source(%arg17 : memref<128x128xf32, #tpu.memory_space<vmem>>) target(%dma_start3A_686 : memref<128x128xf32, #tpu.memory_space<vmem_shared>>) target_semaphore(%run_scoped3A : memref<!tpu.dma_semaphore, #tpu.memory_space<semaphore_mem>>)
      %dma_wait3A_687 = arith.constant 0 : i32
      %dma_wait3A_688 = tpu.memref_slice %arg19[%add3A_5, %dma_wait3A_687] : memref<10240x128xf32, #tpu.memory_space<vmem_shared>> -> memref<128x128xf32, #tpu.memory_space<vmem_shared>>
      %dma_wait3A_689 = arith.constant 0 : i32
      %dma_wait3A_690 = tpu.memref_slice %arg19[%add3A_5, %dma_wait3A_689] : memref<10240x128xf32, #tpu.memory_space<vmem_shared>> -> memref<128x128xf32, #tpu.memory_space<vmem_shared>>
      tpu.wait_dma2 semaphore(%run_scoped3A : memref<!tpu.dma_semaphore, #tpu.memory_space<semaphore_mem>>) src(%arg17 : memref<128x128xf32, #tpu.memory_space<vmem>>) dst(%dma_wait3A_690 : memref<128x128xf32, #tpu.memory_space<vmem_shared>>)
      tpu.yield
    }) : () -> ()
    %add3A_6 = arith.constant 256 : i32
    %add3A_7 = arith.addi %mul3A_2, %add3A_6 : i32
    "tpu.region"() ({
      %run_scoped3A = tpu.sem_alloc : memref<!tpu.dma_semaphore, #tpu.memory_space<semaphore_mem>>
      %dma_start3A_683 = arith.constant 0 : i32
      %dma_start3A_684 = tpu.memref_slice %arg19[%add3A_7, %dma_start3A_683] : memref<10240x128xf32, #tpu.memory_space<vmem_shared>> -> memref<128x128xf32, #tpu.memory_space<vmem_shared>>
      %dma_start3A_685 = arith.constant 0 : i32
      %dma_start3A_686 = tpu.memref_slice %arg19[%add3A_7, %dma_start3A_685] : memref<10240x128xf32, #tpu.memory_space<vmem_shared>> -> memref<128x128xf32, #tpu.memory_space<vmem_shared>>
      tpu.enqueue_dma source(%arg17 : memref<128x128xf32, #tpu.memory_space<vmem>>) target(%dma_start3A_686 : memref<128x128xf32, #tpu.memory_space<vmem_shared>>) target_semaphore(%run_scoped3A : memref<!tpu.dma_semaphore, #tpu.memory_space<semaphore_mem>>)
      %dma_wait3A_687 = arith.constant 0 : i32
      %dma_wait3A_688 = tpu.memref_slice %arg19[%add3A_7, %dma_wait3A_687] : memref<10240x128xf32, #tpu.memory_space<vmem_shared>> -> memref<128x128xf32, #tpu.memory_space<vmem_shared>>
      %dma_wait3A_689 = arith.constant 0 : i32
      %dma_wait3A_690 = tpu.memref_slice %arg19[%add3A_7, %dma_wait3A_689] : memref<10240x128xf32, #tpu.memory_space<vmem_shared>> -> memref<128x128xf32, #tpu.memory_space<vmem_shared>>
      tpu.wait_dma2 semaphore(%run_scoped3A : memref<!tpu.dma_semaphore, #tpu.memory_space<semaphore_mem>>) src(%arg17 : memref<128x128xf32, #tpu.memory_space<vmem>>) dst(%dma_wait3A_690 : memref<128x128xf32, #tpu.memory_space<vmem_shared>>)
      tpu.yield
    }) : () -> ()
    %add3A_8 = arith.constant 384 : i32
    %add3A_9 = arith.addi %mul3A_2, %add3A_8 : i32
    "tpu.region"() ({
      %run_scoped3A = tpu.sem_alloc : memref<!tpu.dma_semaphore, #tpu.memory_space<semaphore_mem>>
      %dma_start3A_683 = arith.constant 0 : i32
      %dma_start3A_684 = tpu.memref_slice %arg19[%add3A_9, %dma_start3A_683] : memref<10240x128xf32, #tpu.memory_space<vmem_shared>> -> memref<128x128xf32, #tpu.memory_space<vmem_shared>>
      %dma_start3A_685 = arith.constant 0 : i32
      %dma_start3A_686 = tpu.memref_slice %arg19[%add3A_9, %dma_start3A_685] : memref<10240x128xf32, #tpu.memory_space<vmem_shared>> -> memref<128x128xf32, #tpu.memory_space<vmem_shared>>
      tpu.enqueue_dma source(%arg17 : memref<128x128xf32, #tpu.memory_space<vmem>>) target(%dma_start3A_686 : memref<128x128xf32, #tpu.memory_space<vmem_shared>>) target_semaphore(%run_scoped3A : memref<!tpu.dma_semaphore, #tpu.memory_space<semaphore_mem>>)
      %dma_wait3A_687 = arith.constant 0 : i32
      %dma_wait3A_688 = tpu.memref_slice %arg19[%add3A_9, %dma_wait3A_687] : memref<10240x128xf32, #tpu.memory_space<vmem_shared>> -> memref<128x128xf32, #tpu.memory_space<vmem_shared>>
      %dma_wait3A_689 = arith.constant 0 : i32
      %dma_wait3A_690 = tpu.memref_slice %arg19[%add3A_9, %dma_wait3A_689] : memref<10240x128xf32, #tpu.memory_space<vmem_shared>> -> memref<128x128xf32, #tpu.memory_space<vmem_shared>>
      tpu.wait_dma2 semaphore(%run_scoped3A : memref<!tpu.dma_semaphore, #tpu.memory_space<semaphore_mem>>) src(%arg17 : memref<128x128xf32, #tpu.memory_space<vmem>>) dst(%dma_wait3A_690 : memref<128x128xf32, #tpu.memory_space<vmem_shared>>)
      tpu.yield
    }) : () -> ()
    %add3A_10 = arith.constant 512 : i32
    %add3A_11 = arith.addi %mul3A_2, %add3A_10 : i32
    "tpu.region"() ({
      %run_scoped3A = tpu.sem_alloc : memref<!tpu.dma_semaphore, #tpu.memory_space<semaphore_mem>>
      %dma_start3A_683 = arith.constant 0 : i32
      %dma_start3A_684 = tpu.memref_slice %arg19[%add3A_11, %dma_start3A_683] : memref<10240x128xf32, #tpu.memory_space<vmem_shared>> -> memref<128x128xf32, #tpu.memory_space<vmem_shared>>
      %dma_start3A_685 = arith.constant 0 : i32
      %dma_start3A_686 = tpu.memref_slice %arg19[%add3A_11, %dma_start3A_685] : memref<10240x128xf32, #tpu.memory_space<vmem_shared>> -> memref<128x128xf32, #tpu.memory_space<vmem_shared>>
      tpu.enqueue_dma source(%arg17 : memref<128x128xf32, #tpu.memory_space<vmem>>) target(%dma_start3A_686 : memref<128x128xf32, #tpu.memory_space<vmem_shared>>) target_semaphore(%run_scoped3A : memref<!tpu.dma_semaphore, #tpu.memory_space<semaphore_mem>>)
      %dma_wait3A_687 = arith.constant 0 : i32
      %dma_wait3A_688 = tpu.memref_slice %arg19[%add3A_11, %dma_wait3A_687] : memref<10240x128xf32, #tpu.memory_space<vmem_shared>> -> memref<128x128xf32, #tpu.memory_space<vmem_shared>>
      %dma_wait3A_689 = arith.constant 0 : i32
      %dma_wait3A_690 = tpu.memref_slice %arg19[%add3A_11, %dma_wait3A_689] : memref<10240x128xf32, #tpu.memory_space<vmem_shared>> -> memref<128x128xf32, #tpu.memory_space<vmem_shared>>
      tpu.wait_dma2 semaphore(%run_scoped3A : memref<!tpu.dma_semaphore, #tpu.memory_space<semaphore_mem>>) src(%arg17 : memref<128x128xf32, #tpu.memory_space<vmem>>) dst(%dma_wait3A_690 : memref<128x128xf32, #tpu.memory_space<vmem_shared>>)
      tpu.yield
    }) : () -> ()
    %barrier3A = arith.constant 0 : index
    tpu.barrier barrier_id(%barrier3A)
    %mul3A_12 = arith.constant 20000 : i32
    %mul3A_13 = arith.muli %arg1, %mul3A_12 : i32
    %add3A_14 = arith.constant 0 : i32
    %add3A_15 = arith.addi %mul3A_13, %add3A_14 : i32
    %dma_start3A = tpu.memref_slice %arg3[%add3A_15] : memref<320000xi32, #tpu.memory_space<hbm>> -> memref<128xi32, #tpu.memory_space<hbm>>
    %dma_start3A_16 = tpu.memref_slice %arg3[%add3A_15] : memref<320000xi32, #tpu.memory_space<hbm>> -> memref<128xi32, #tpu.memory_space<hbm>>
    tpu.enqueue_dma source(%dma_start3A_16 : memref<128xi32, #tpu.memory_space<hbm>>) target(%arg7 : memref<128xi32, #tpu.memory_space<vmem>>) target_semaphore(%arg20 : memref<!tpu.dma_semaphore, #tpu.memory_space<semaphore_mem>>)
    %dma_start3A_17 = tpu.memref_slice %arg4[%add3A_15] : memref<320000xi32, #tpu.memory_space<hbm>> -> memref<128xi32, #tpu.memory_space<hbm>>
    %dma_start3A_18 = tpu.memref_slice %arg4[%add3A_15] : memref<320000xi32, #tpu.memory_space<hbm>> -> memref<128xi32, #tpu.memory_space<hbm>>
    tpu.enqueue_dma source(%dma_start3A_18 : memref<128xi32, #tpu.memory_space<hbm>>) target(%arg9 : memref<128xi32, #tpu.memory_space<vmem>>) target_semaphore(%arg20 : memref<!tpu.dma_semaphore, #tpu.memory_space<semaphore_mem>>)
    %add3A_19 = arith.constant 128 : i32
    %add3A_20 = arith.addi %mul3A_13, %add3A_19 : i32
    %dma_start3A_21 = tpu.memref_slice %arg3[%add3A_20] : memref<320000xi32, #tpu.memory_space<hbm>> -> memref<128xi32, #tpu.memory_space<hbm>>
    %dma_start3A_22 = tpu.memref_slice %arg3[%add3A_20] : memref<320000xi32, #tpu.memory_space<hbm>> -> memref<128xi32, #tpu.memory_space<hbm>>
    tpu.enqueue_dma source(%dma_start3A_22 : memref<128xi32, #tpu.memory_space<hbm>>) target(%arg8 : memref<128xi32, #tpu.memory_space<vmem>>) target_semaphore(%arg21 : memref<!tpu.dma_semaphore, #tpu.memory_space<semaphore_mem>>)
    %dma_start3A_23 = tpu.memref_slice %arg4[%add3A_20] : memref<320000xi32, #tpu.memory_space<hbm>> -> memref<128xi32, #tpu.memory_space<hbm>>
    %dma_start3A_24 = tpu.memref_slice %arg4[%add3A_20] : memref<320000xi32, #tpu.memory_space<hbm>> -> memref<128xi32, #tpu.memory_space<hbm>>
    tpu.enqueue_dma source(%dma_start3A_24 : memref<128xi32, #tpu.memory_space<hbm>>) target(%arg10 : memref<128xi32, #tpu.memory_space<vmem>>) target_semaphore(%arg21 : memref<!tpu.dma_semaphore, #tpu.memory_space<semaphore_mem>>)
    %add3A_25 = arith.constant 0 : i32
    %add3A_26 = arith.addi %mul3A_13, %add3A_25 : i32
    %dma_wait3A = tpu.memref_slice %arg3[%add3A_26] : memref<320000xi32, #tpu.memory_space<hbm>> -> memref<128xi32, #tpu.memory_space<hbm>>
    %dma_wait3A_27 = tpu.memref_slice %arg3[%add3A_26] : memref<320000xi32, #tpu.memory_space<hbm>> -> memref<128xi32, #tpu.memory_space<hbm>>
    tpu.wait_dma2 semaphore(%arg20 : memref<!tpu.dma_semaphore, #tpu.memory_space<semaphore_mem>>) src(%dma_wait3A_27 : memref<128xi32, #tpu.memory_space<hbm>>) dst(%arg7 : memref<128xi32, #tpu.memory_space<vmem>>)
    %dma_wait3A_28 = tpu.memref_slice %arg4[%add3A_26] : memref<320000xi32, #tpu.memory_space<hbm>> -> memref<128xi32, #tpu.memory_space<hbm>>
    %dma_wait3A_29 = tpu.memref_slice %arg4[%add3A_26] : memref<320000xi32, #tpu.memory_space<hbm>> -> memref<128xi32, #tpu.memory_space<hbm>>
    tpu.wait_dma2 semaphore(%arg20 : memref<!tpu.dma_semaphore, #tpu.memory_space<semaphore_mem>>) src(%dma_wait3A_29 : memref<128xi32, #tpu.memory_space<hbm>>) dst(%arg9 : memref<128xi32, #tpu.memory_space<vmem>>)
    %get3A = arith.constant 0 : index
    %get3A_30 = tpu.vector_load %arg7[%get3A] {strides = array<i32>} : memref<128xi32, #tpu.memory_space<vmem>>, vector<16xi32>,
    %get3A_31 = vector.shape_cast %get3A_30 : vector<16xi32> to vector<16xi32>
    %add3A_32 = vector.broadcast %mul3A_0 : i32 to vector<16xi32>
    %add3A_33 = arith.addi %get3A_31, %add3A_32 : vector<16xi32>
    %swap3A = arith.constant 0 : index
    %swap3A_34 = tpu.vector_load %arg11[%swap3A] {strides = array<i32>} : memref<128xi32, #tpu.memory_space<vmem>>, vector<16xi32>,
    %swap3A_35 = vector.shape_cast %swap3A_34 : vector<16xi32> to vector<16xi32>
    %swap3A_36 = vector.shape_cast %add3A_33 : vector<16xi32> to vector<16xi32>
    tpu.vector_store %arg11[%swap3A], %swap3A_36 {strides = array<i32>} : memref<128xi32, #tpu.memory_space<vmem>>, vector<16xi32>,
    %get3A_37 = arith.constant 0 : index
    %get3A_38 = tpu.vector_load %arg9[%get3A_37] {strides = array<i32>} : memref<128xi32, #tpu.memory_space<vmem>>, vector<16xi32>,
    %get3A_39 = vector.shape_cast %get3A_38 : vector<16xi32> to vector<16xi32>
    %swap3A_40 = arith.constant 0 : index
    %swap3A_41 = tpu.vector_load %arg13[%swap3A_40] {strides = array<i32>} : memref<128xi32, #tpu.memory_space<vmem>>, vector<16xi32>,
    %swap3A_42 = vector.shape_cast %swap3A_41 : vector<16xi32> to vector<16xi32>
    %swap3A_43 = vector.shape_cast %get3A_39 : vector<16xi32> to vector<16xi32>
    tpu.vector_store %arg13[%swap3A_40], %swap3A_43 {strides = array<i32>} : memref<128xi32, #tpu.memory_space<vmem>>, vector<16xi32>,
    %get3A_44 = arith.constant 16 : index
    %get3A_45 = tpu.vector_load %arg7[%get3A_44] {strides = array<i32>} : memref<128xi32, #tpu.memory_space<vmem>>, vector<16xi32>,
    %get3A_46 = vector.shape_cast %get3A_45 : vector<16xi32> to vector<16xi32>
    %add3A_47 = vector.broadcast %mul3A_0 : i32 to vector<16xi32>
    %add3A_48 = arith.addi %get3A_46, %add3A_47 : vector<16xi32>
    %swap3A_49 = arith.constant 16 : index
    %swap3A_50 = tpu.vector_load %arg11[%swap3A_49] {strides = array<i32>} : memref<128xi32, #tpu.memory_space<vmem>>, vector<16xi32>,
    %swap3A_51 = vector.shape_cast %swap3A_50 : vector<16xi32> to vector<16xi32>
    %swap3A_52 = vector.shape_cast %add3A_48 : vector<16xi32> to vector<16xi32>
    tpu.vector_store %arg11[%swap3A_49], %swap3A_52 {strides = array<i32>} : memref<128xi32, #tpu.memory_space<vmem>>, vector<16xi32>,
    %get3A_53 = arith.constant 16 : index
    %get3A_54 = tpu.vector_load %arg9[%get3A_53] {strides = array<i32>} : memref<128xi32, #tpu.memory_space<vmem>>, vector<16xi32>,
    %get3A_55 = vector.shape_cast %get3A_54 : vector<16xi32> to vector<16xi32>
    %swap3A_56 = arith.constant 16 : index
    %swap3A_57 = tpu.vector_load %arg13[%swap3A_56] {strides = array<i32>} : memref<128xi32, #tpu.memory_space<vmem>>, vector<16xi32>,
    %swap3A_58 = vector.shape_cast %swap3A_57 : vector<16xi32> to vector<16xi32>
    %swap3A_59 = vector.shape_cast %get3A_55 : vector<16xi32> to vector<16xi32>
    tpu.vector_store %arg13[%swap3A_56], %swap3A_59 {strides = array<i32>} : memref<128xi32, #tpu.memory_space<vmem>>, vector<16xi32>,
    %get3A_60 = arith.constant 32 : index
    %get3A_61 = tpu.vector_load %arg7[%get3A_60] {strides = array<i32>} : memref<128xi32, #tpu.memory_space<vmem>>, vector<16xi32>,
    %get3A_62 = vector.shape_cast %get3A_61 : vector<16xi32> to vector<16xi32>
    %add3A_63 = vector.broadcast %mul3A_0 : i32 to vector<16xi32>
    %add3A_64 = arith.addi %get3A_62, %add3A_63 : vector<16xi32>
    %swap3A_65 = arith.constant 32 : index
    %swap3A_66 = tpu.vector_load %arg11[%swap3A_65] {strides = array<i32>} : memref<128xi32, #tpu.memory_space<vmem>>, vector<16xi32>,
    %swap3A_67 = vector.shape_cast %swap3A_66 : vector<16xi32> to vector<16xi32>
    %swap3A_68 = vector.shape_cast %add3A_64 : vector<16xi32> to vector<16xi32>
    tpu.vector_store %arg11[%swap3A_65], %swap3A_68 {strides = array<i32>} : memref<128xi32, #tpu.memory_space<vmem>>, vector<16xi32>,
    %get3A_69 = arith.constant 32 : index
    %get3A_70 = tpu.vector_load %arg9[%get3A_69] {strides = array<i32>} : memref<128xi32, #tpu.memory_space<vmem>>, vector<16xi32>,
    %get3A_71 = vector.shape_cast %get3A_70 : vector<16xi32> to vector<16xi32>
    %swap3A_72 = arith.constant 32 : index
    %swap3A_73 = tpu.vector_load %arg13[%swap3A_72] {strides = array<i32>} : memref<128xi32, #tpu.memory_space<vmem>>, vector<16xi32>,
    %swap3A_74 = vector.shape_cast %swap3A_73 : vector<16xi32> to vector<16xi32>
    %swap3A_75 = vector.shape_cast %get3A_71 : vector<16xi32> to vector<16xi32>
    tpu.vector_store %arg13[%swap3A_72], %swap3A_75 {strides = array<i32>} : memref<128xi32, #tpu.memory_space<vmem>>, vector<16xi32>,
    %get3A_76 = arith.constant 48 : index
    %get3A_77 = tpu.vector_load %arg7[%get3A_76] {strides = array<i32>} : memref<128xi32, #tpu.memory_space<vmem>>, vector<16xi32>,
    %get3A_78 = vector.shape_cast %get3A_77 : vector<16xi32> to vector<16xi32>
    %add3A_79 = vector.broadcast %mul3A_0 : i32 to vector<16xi32>
    %add3A_80 = arith.addi %get3A_78, %add3A_79 : vector<16xi32>
    %swap3A_81 = arith.constant 48 : index
    %swap3A_82 = tpu.vector_load %arg11[%swap3A_81] {strides = array<i32>} : memref<128xi32, #tpu.memory_space<vmem>>, vector<16xi32>,
    %swap3A_83 = vector.shape_cast %swap3A_82 : vector<16xi32> to vector<16xi32>
    %swap3A_84 = vector.shape_cast %add3A_80 : vector<16xi32> to vector<16xi32>
    tpu.vector_store %arg11[%swap3A_81], %swap3A_84 {strides = array<i32>} : memref<128xi32, #tpu.memory_space<vmem>>, vector<16xi32>,
    %get3A_85 = arith.constant 48 : index
    %get3A_86 = tpu.vector_load %arg9[%get3A_85] {strides = array<i32>} : memref<128xi32, #tpu.memory_space<vmem>>, vector<16xi32>,
    %get3A_87 = vector.shape_cast %get3A_86 : vector<16xi32> to vector<16xi32>
    %swap3A_88 = arith.constant 48 : index
    %swap3A_89 = tpu.vector_load %arg13[%swap3A_88] {strides = array<i32>} : memref<128xi32, #tpu.memory_space<vmem>>, vector<16xi32>,
    %swap3A_90 = vector.shape_cast %swap3A_89 : vector<16xi32> to vector<16xi32>
    %swap3A_91 = vector.shape_cast %get3A_87 : vector<16xi32> to vector<16xi32>
    tpu.vector_store %arg13[%swap3A_88], %swap3A_91 {strides = array<i32>} : memref<128xi32, #tpu.memory_space<vmem>>, vector<16xi32>,
    %get3A_92 = arith.constant 64 : index
    %get3A_93 = tpu.vector_load %arg7[%get3A_92] {strides = array<i32>} : memref<128xi32, #tpu.memory_space<vmem>>, vector<16xi32>,
    %get3A_94 = vector.shape_cast %get3A_93 : vector<16xi32> to vector<16xi32>
    %add3A_95 = vector.broadcast %mul3A_0 : i32 to vector<16xi32>
    %add3A_96 = arith.addi %get3A_94, %add3A_95 : vector<16xi32>
    %swap3A_97 = arith.constant 64 : index
    %swap3A_98 = tpu.vector_load %arg11[%swap3A_97] {strides = array<i32>} : memref<128xi32, #tpu.memory_space<vmem>>, vector<16xi32>,
    %swap3A_99 = vector.shape_cast %swap3A_98 : vector<16xi32> to vector<16xi32>
    %swap3A_100 = vector.shape_cast %add3A_96 : vector<16xi32> to vector<16xi32>
    tpu.vector_store %arg11[%swap3A_97], %swap3A_100 {strides = array<i32>} : memref<128xi32, #tpu.memory_space<vmem>>, vector<16xi32>,
    %get3A_101 = arith.constant 64 : index
    %get3A_102 = tpu.vector_load %arg9[%get3A_101] {strides = array<i32>} : memref<128xi32, #tpu.memory_space<vmem>>, vector<16xi32>,
    %get3A_103 = vector.shape_cast %get3A_102 : vector<16xi32> to vector<16xi32>
    %swap3A_104 = arith.constant 64 : index
    %swap3A_105 = tpu.vector_load %arg13[%swap3A_104] {strides = array<i32>} : memref<128xi32, #tpu.memory_space<vmem>>, vector<16xi32>,
    %swap3A_106 = vector.shape_cast %swap3A_105 : vector<16xi32> to vector<16xi32>
    %swap3A_107 = vector.shape_cast %get3A_103 : vector<16xi32> to vector<16xi32>
    tpu.vector_store %arg13[%swap3A_104], %swap3A_107 {strides = array<i32>} : memref<128xi32, #tpu.memory_space<vmem>>, vector<16xi32>,
    %get3A_108 = arith.constant 80 : index
    %get3A_109 = tpu.vector_load %arg7[%get3A_108] {strides = array<i32>} : memref<128xi32, #tpu.memory_space<vmem>>, vector<16xi32>,
    %get3A_110 = vector.shape_cast %get3A_109 : vector<16xi32> to vector<16xi32>
    %add3A_111 = vector.broadcast %mul3A_0 : i32 to vector<16xi32>
    %add3A_112 = arith.addi %get3A_110, %add3A_111 : vector<16xi32>
    %swap3A_113 = arith.constant 80 : index
    %swap3A_114 = tpu.vector_load %arg11[%swap3A_113] {strides = array<i32>} : memref<128xi32, #tpu.memory_space<vmem>>, vector<16xi32>,
    %swap3A_115 = vector.shape_cast %swap3A_114 : vector<16xi32> to vector<16xi32>
    %swap3A_116 = vector.shape_cast %add3A_112 : vector<16xi32> to vector<16xi32>
    tpu.vector_store %arg11[%swap3A_113], %swap3A_116 {strides = array<i32>} : memref<128xi32, #tpu.memory_space<vmem>>, vector<16xi32>,
    %get3A_117 = arith.constant 80 : index
    %get3A_118 = tpu.vector_load %arg9[%get3A_117] {strides = array<i32>} : memref<128xi32, #tpu.memory_space<vmem>>, vector<16xi32>,
    %get3A_119 = vector.shape_cast %get3A_118 : vector<16xi32> to vector<16xi32>
    %swap3A_120 = arith.constant 80 : index
    %swap3A_121 = tpu.vector_load %arg13[%swap3A_120] {strides = array<i32>} : memref<128xi32, #tpu.memory_space<vmem>>, vector<16xi32>,
    %swap3A_122 = vector.shape_cast %swap3A_121 : vector<16xi32> to vector<16xi32>
    %swap3A_123 = vector.shape_cast %get3A_119 : vector<16xi32> to vector<16xi32>
    tpu.vector_store %arg13[%swap3A_120], %swap3A_123 {strides = array<i32>} : memref<128xi32, #tpu.memory_space<vmem>>, vector<16xi32>,
    %get3A_124 = arith.constant 96 : index
    %get3A_125 = tpu.vector_load %arg7[%get3A_124] {strides = array<i32>} : memref<128xi32, #tpu.memory_space<vmem>>, vector<16xi32>,
    %get3A_126 = vector.shape_cast %get3A_125 : vector<16xi32> to vector<16xi32>
    %add3A_127 = vector.broadcast %mul3A_0 : i32 to vector<16xi32>
    %add3A_128 = arith.addi %get3A_126, %add3A_127 : vector<16xi32>
    %swap3A_129 = arith.constant 96 : index
    %swap3A_130 = tpu.vector_load %arg11[%swap3A_129] {strides = array<i32>} : memref<128xi32, #tpu.memory_space<vmem>>, vector<16xi32>,
    %swap3A_131 = vector.shape_cast %swap3A_130 : vector<16xi32> to vector<16xi32>
    %swap3A_132 = vector.shape_cast %add3A_128 : vector<16xi32> to vector<16xi32>
    tpu.vector_store %arg11[%swap3A_129], %swap3A_132 {strides = array<i32>} : memref<128xi32, #tpu.memory_space<vmem>>, vector<16xi32>,
    %get3A_133 = arith.constant 96 : index
    %get3A_134 = tpu.vector_load %arg9[%get3A_133] {strides = array<i32>} : memref<128xi32, #tpu.memory_space<vmem>>, vector<16xi32>,
    %get3A_135 = vector.shape_cast %get3A_134 : vector<16xi32> to vector<16xi32>
    %swap3A_136 = arith.constant 96 : index
    %swap3A_137 = tpu.vector_load %arg13[%swap3A_136] {strides = array<i32>} : memref<128xi32, #tpu.memory_space<vmem>>, vector<16xi32>,
    %swap3A_138 = vector.shape_cast %swap3A_137 : vector<16xi32> to vector<16xi32>
    %swap3A_139 = vector.shape_cast %get3A_135 : vector<16xi32> to vector<16xi32>
    tpu.vector_store %arg13[%swap3A_136], %swap3A_139 {strides = array<i32>} : memref<128xi32, #tpu.memory_space<vmem>>, vector<16xi32>,
    %get3A_140 = arith.constant 112 : index
    %get3A_141 = tpu.vector_load %arg7[%get3A_140] {strides = array<i32>} : memref<128xi32, #tpu.memory_space<vmem>>, vector<16xi32>,
    %get3A_142 = vector.shape_cast %get3A_141 : vector<16xi32> to vector<16xi32>
    %add3A_143 = vector.broadcast %mul3A_0 : i32 to vector<16xi32>
    %add3A_144 = arith.addi %get3A_142, %add3A_143 : vector<16xi32>
    %swap3A_145 = arith.constant 112 : index
    %swap3A_146 = tpu.vector_load %arg11[%swap3A_145] {strides = array<i32>} : memref<128xi32, #tpu.memory_space<vmem>>, vector<16xi32>,
    %swap3A_147 = vector.shape_cast %swap3A_146 : vector<16xi32> to vector<16xi32>
    %swap3A_148 = vector.shape_cast %add3A_144 : vector<16xi32> to vector<16xi32>
    tpu.vector_store %arg11[%swap3A_145], %swap3A_148 {strides = array<i32>} : memref<128xi32, #tpu.memory_space<vmem>>, vector<16xi32>,
    %get3A_149 = arith.constant 112 : index
    %get3A_150 = tpu.vector_load %arg9[%get3A_149] {strides = array<i32>} : memref<128xi32, #tpu.memory_space<vmem>>, vector<16xi32>,
    %get3A_151 = vector.shape_cast %get3A_150 : vector<16xi32> to vector<16xi32>
    %swap3A_152 = arith.constant 112 : index
    %swap3A_153 = tpu.vector_load %arg13[%swap3A_152] {strides = array<i32>} : memref<128xi32, #tpu.memory_space<vmem>>, vector<16xi32>,
    %swap3A_154 = vector.shape_cast %swap3A_153 : vector<16xi32> to vector<16xi32>
    %swap3A_155 = vector.shape_cast %get3A_151 : vector<16xi32> to vector<16xi32>
    tpu.vector_store %arg13[%swap3A_152], %swap3A_155 {strides = array<i32>} : memref<128xi32, #tpu.memory_space<vmem>>, vector<16xi32>,
    %add3A_156 = arith.constant 256 : i32
    %add3A_157 = arith.addi %add3A_26, %add3A_156 : i32
    %dma_start3A_158 = tpu.memref_slice %arg3[%add3A_157] : memref<320000xi32, #tpu.memory_space<hbm>> -> memref<128xi32, #tpu.memory_space<hbm>>
    %dma_start3A_159 = tpu.memref_slice %arg3[%add3A_157] : memref<320000xi32, #tpu.memory_space<hbm>> -> memref<128xi32, #tpu.memory_space<hbm>>
    tpu.enqueue_dma source(%dma_start3A_159 : memref<128xi32, #tpu.memory_space<hbm>>) target(%arg7 : memref<128xi32, #tpu.memory_space<vmem>>) target_semaphore(%arg20 : memref<!tpu.dma_semaphore, #tpu.memory_space<semaphore_mem>>)
    %add3A_160 = arith.constant 256 : i32
    %add3A_161 = arith.addi %add3A_26, %add3A_160 : i32
    %dma_start3A_162 = tpu.memref_slice %arg4[%add3A_161] : memref<320000xi32, #tpu.memory_space<hbm>> -> memref<128xi32, #tpu.memory_space<hbm>>
    %dma_start3A_163 = tpu.memref_slice %arg4[%add3A_161] : memref<320000xi32, #tpu.memory_space<hbm>> -> memref<128xi32, #tpu.memory_space<hbm>>
    tpu.enqueue_dma source(%dma_start3A_163 : memref<128xi32, #tpu.memory_space<hbm>>) target(%arg9 : memref<128xi32, #tpu.memory_space<vmem>>) target_semaphore(%arg20 : memref<!tpu.dma_semaphore, #tpu.memory_space<semaphore_mem>>)
    %dma_start3A_164 = arith.constant 0 : i32
    %dma_start3A_165 = arith.constant 0 : i32
    %dma_start3A_166 = tpu.memref_slice %arg2[%dma_start3A_164, %dma_start3A_165] : memref<20000x128xf32, #tpu.memory_space<hbm>> -> memref<20000x128xf32, #tpu.memory_space<hbm>>
    tpu.enqueue_indirect_dma source(%dma_start3A_166 : memref<20000x128xf32, #tpu.memory_space<hbm>>) target(%arg17 : memref<128x128xf32, #tpu.memory_space<vmem>>) offsets(%arg11 : memref<128xi32, #tpu.memory_space<vmem>>) semaphore(%arg22 : memref<!tpu.dma_semaphore, #tpu.memory_space<semaphore_mem>>)
    %add3A_167 = arith.constant 128 : i32
    %add3A_168 = arith.addi %mul3A_13, %add3A_167 : i32
    %dma_wait3A_169 = tpu.memref_slice %arg3[%add3A_168] : memref<320000xi32, #tpu.memory_space<hbm>> -> memref<128xi32, #tpu.memory_space<hbm>>
    %dma_wait3A_170 = tpu.memref_slice %arg3[%add3A_168] : memref<320000xi32, #tpu.memory_space<hbm>> -> memref<128xi32, #tpu.memory_space<hbm>>
    tpu.wait_dma2 semaphore(%arg21 : memref<!tpu.dma_semaphore, #tpu.memory_space<semaphore_mem>>) src(%dma_wait3A_170 : memref<128xi32, #tpu.memory_space<hbm>>) dst(%arg8 : memref<128xi32, #tpu.memory_space<vmem>>)
    %dma_wait3A_171 = tpu.memref_slice %arg4[%add3A_168] : memref<320000xi32, #tpu.memory_space<hbm>> -> memref<128xi32, #tpu.memory_space<hbm>>
    %dma_wait3A_172 = tpu.memref_slice %arg4[%add3A_168] : memref<320000xi32, #tpu.memory_space<hbm>> -> memref<128xi32, #tpu.memory_space<hbm>>
    tpu.wait_dma2 semaphore(%arg21 : memref<!tpu.dma_semaphore, #tpu.memory_space<semaphore_mem>>) src(%dma_wait3A_172 : memref<128xi32, #tpu.memory_space<hbm>>) dst(%arg10 : memref<128xi32, #tpu.memory_space<vmem>>)
    %get3A_173 = arith.constant 0 : index
    %get3A_174 = tpu.vector_load %arg8[%get3A_173] {strides = array<i32>} : memref<128xi32, #tpu.memory_space<vmem>>, vector<16xi32>,
    %get3A_175 = vector.shape_cast %get3A_174 : vector<16xi32> to vector<16xi32>
    %add3A_176 = vector.broadcast %mul3A_0 : i32 to vector<16xi32>
    %add3A_177 = arith.addi %get3A_175, %add3A_176 : vector<16xi32>
    %swap3A_178 = arith.constant 0 : index
    %swap3A_179 = tpu.vector_load %arg12[%swap3A_178] {strides = array<i32>} : memref<128xi32, #tpu.memory_space<vmem>>, vector<16xi32>,
    %swap3A_180 = vector.shape_cast %swap3A_179 : vector<16xi32> to vector<16xi32>
    %swap3A_181 = vector.shape_cast %add3A_177 : vector<16xi32> to vector<16xi32>
    tpu.vector_store %arg12[%swap3A_178], %swap3A_181 {strides = array<i32>} : memref<128xi32, #tpu.memory_space<vmem>>, vector<16xi32>,
    %get3A_182 = arith.constant 0 : index
    %get3A_183 = tpu.vector_load %arg10[%get3A_182] {strides = array<i32>} : memref<128xi32, #tpu.memory_space<vmem>>, vector<16xi32>,
    %get3A_184 = vector.shape_cast %get3A_183 : vector<16xi32> to vector<16xi32>
    %swap3A_185 = arith.constant 0 : index
    %swap3A_186 = tpu.vector_load %arg14[%swap3A_185] {strides = array<i32>} : memref<128xi32, #tpu.memory_space<vmem>>, vector<16xi32>,
    %swap3A_187 = vector.shape_cast %swap3A_186 : vector<16xi32> to vector<16xi32>
    %swap3A_188 = vector.shape_cast %get3A_184 : vector<16xi32> to vector<16xi32>
    tpu.vector_store %arg14[%swap3A_185], %swap3A_188 {strides = array<i32>} : memref<128xi32, #tpu.memory_space<vmem>>, vector<16xi32>,
    %get3A_189 = arith.constant 16 : index
    %get3A_190 = tpu.vector_load %arg8[%get3A_189] {strides = array<i32>} : memref<128xi32, #tpu.memory_space<vmem>>, vector<16xi32>,
    %get3A_191 = vector.shape_cast %get3A_190 : vector<16xi32> to vector<16xi32>
    %add3A_192 = vector.broadcast %mul3A_0 : i32 to vector<16xi32>
    %add3A_193 = arith.addi %get3A_191, %add3A_192 : vector<16xi32>
    %swap3A_194 = arith.constant 16 : index
    %swap3A_195 = tpu.vector_load %arg12[%swap3A_194] {strides = array<i32>} : memref<128xi32, #tpu.memory_space<vmem>>, vector<16xi32>,
    %swap3A_196 = vector.shape_cast %swap3A_195 : vector<16xi32> to vector<16xi32>
    %swap3A_197 = vector.shape_cast %add3A_193 : vector<16xi32> to vector<16xi32>
    tpu.vector_store %arg12[%swap3A_194], %swap3A_197 {strides = array<i32>} : memref<128xi32, #tpu.memory_space<vmem>>, vector<16xi32>,
    %get3A_198 = arith.constant 16 : index
    %get3A_199 = tpu.vector_load %arg10[%get3A_198] {strides = array<i32>} : memref<128xi32, #tpu.memory_space<vmem>>, vector<16xi32>,
    %get3A_200 = vector.shape_cast %get3A_199 : vector<16xi32> to vector<16xi32>
    %swap3A_201 = arith.constant 16 : index
    %swap3A_202 = tpu.vector_load %arg14[%swap3A_201] {strides = array<i32>} : memref<128xi32, #tpu.memory_space<vmem>>, vector<16xi32>,
    %swap3A_203 = vector.shape_cast %swap3A_202 : vector<16xi32> to vector<16xi32>
    %swap3A_204 = vector.shape_cast %get3A_200 : vector<16xi32> to vector<16xi32>
    tpu.vector_store %arg14[%swap3A_201], %swap3A_204 {strides = array<i32>} : memref<128xi32, #tpu.memory_space<vmem>>, vector<16xi32>,
    %get3A_205 = arith.constant 32 : index
    %get3A_206 = tpu.vector_load %arg8[%get3A_205] {strides = array<i32>} : memref<128xi32, #tpu.memory_space<vmem>>, vector<16xi32>,
    %get3A_207 = vector.shape_cast %get3A_206 : vector<16xi32> to vector<16xi32>
    %add3A_208 = vector.broadcast %mul3A_0 : i32 to vector<16xi32>
    %add3A_209 = arith.addi %get3A_207, %add3A_208 : vector<16xi32>
    %swap3A_210 = arith.constant 32 : index
    %swap3A_211 = tpu.vector_load %arg12[%swap3A_210] {strides = array<i32>} : memref<128xi32, #tpu.memory_space<vmem>>, vector<16xi32>,
    %swap3A_212 = vector.shape_cast %swap3A_211 : vector<16xi32> to vector<16xi32>
    %swap3A_213 = vector.shape_cast %add3A_209 : vector<16xi32> to vector<16xi32>
    tpu.vector_store %arg12[%swap3A_210], %swap3A_213 {strides = array<i32>} : memref<128xi32, #tpu.memory_space<vmem>>, vector<16xi32>,
    %get3A_214 = arith.constant 32 : index
    %get3A_215 = tpu.vector_load %arg10[%get3A_214] {strides = array<i32>} : memref<128xi32, #tpu.memory_space<vmem>>, vector<16xi32>,
    %get3A_216 = vector.shape_cast %get3A_215 : vector<16xi32> to vector<16xi32>
    %swap3A_217 = arith.constant 32 : index
    %swap3A_218 = tpu.vector_load %arg14[%swap3A_217] {strides = array<i32>} : memref<128xi32, #tpu.memory_space<vmem>>, vector<16xi32>,
    %swap3A_219 = vector.shape_cast %swap3A_218 : vector<16xi32> to vector<16xi32>
    %swap3A_220 = vector.shape_cast %get3A_216 : vector<16xi32> to vector<16xi32>
    tpu.vector_store %arg14[%swap3A_217], %swap3A_220 {strides = array<i32>} : memref<128xi32, #tpu.memory_space<vmem>>, vector<16xi32>,
    %get3A_221 = arith.constant 48 : index
    %get3A_222 = tpu.vector_load %arg8[%get3A_221] {strides = array<i32>} : memref<128xi32, #tpu.memory_space<vmem>>, vector<16xi32>,
    %get3A_223 = vector.shape_cast %get3A_222 : vector<16xi32> to vector<16xi32>
    %add3A_224 = vector.broadcast %mul3A_0 : i32 to vector<16xi32>
    %add3A_225 = arith.addi %get3A_223, %add3A_224 : vector<16xi32>
    %swap3A_226 = arith.constant 48 : index
    %swap3A_227 = tpu.vector_load %arg12[%swap3A_226] {strides = array<i32>} : memref<128xi32, #tpu.memory_space<vmem>>, vector<16xi32>,
    %swap3A_228 = vector.shape_cast %swap3A_227 : vector<16xi32> to vector<16xi32>
    %swap3A_229 = vector.shape_cast %add3A_225 : vector<16xi32> to vector<16xi32>
    tpu.vector_store %arg12[%swap3A_226], %swap3A_229 {strides = array<i32>} : memref<128xi32, #tpu.memory_space<vmem>>, vector<16xi32>,
    %get3A_230 = arith.constant 48 : index
    %get3A_231 = tpu.vector_load %arg10[%get3A_230] {strides = array<i32>} : memref<128xi32, #tpu.memory_space<vmem>>, vector<16xi32>,
    %get3A_232 = vector.shape_cast %get3A_231 : vector<16xi32> to vector<16xi32>
    %swap3A_233 = arith.constant 48 : index
    %swap3A_234 = tpu.vector_load %arg14[%swap3A_233] {strides = array<i32>} : memref<128xi32, #tpu.memory_space<vmem>>, vector<16xi32>,
    %swap3A_235 = vector.shape_cast %swap3A_234 : vector<16xi32> to vector<16xi32>
    %swap3A_236 = vector.shape_cast %get3A_232 : vector<16xi32> to vector<16xi32>
    tpu.vector_store %arg14[%swap3A_233], %swap3A_236 {strides = array<i32>} : memref<128xi32, #tpu.memory_space<vmem>>, vector<16xi32>,
    %get3A_237 = arith.constant 64 : index
    %get3A_238 = tpu.vector_load %arg8[%get3A_237] {strides = array<i32>} : memref<128xi32, #tpu.memory_space<vmem>>, vector<16xi32>,
    %get3A_239 = vector.shape_cast %get3A_238 : vector<16xi32> to vector<16xi32>
    %add3A_240 = vector.broadcast %mul3A_0 : i32 to vector<16xi32>
    %add3A_241 = arith.addi %get3A_239, %add3A_240 : vector<16xi32>
    %swap3A_242 = arith.constant 64 : index
    %swap3A_243 = tpu.vector_load %arg12[%swap3A_242] {strides = array<i32>} : memref<128xi32, #tpu.memory_space<vmem>>, vector<16xi32>,
    %swap3A_244 = vector.shape_cast %swap3A_243 : vector<16xi32> to vector<16xi32>
    %swap3A_245 = vector.shape_cast %add3A_241 : vector<16xi32> to vector<16xi32>
    tpu.vector_store %arg12[%swap3A_242], %swap3A_245 {strides = array<i32>} : memref<128xi32, #tpu.memory_space<vmem>>, vector<16xi32>,
    %get3A_246 = arith.constant 64 : index
    %get3A_247 = tpu.vector_load %arg10[%get3A_246] {strides = array<i32>} : memref<128xi32, #tpu.memory_space<vmem>>, vector<16xi32>,
    %get3A_248 = vector.shape_cast %get3A_247 : vector<16xi32> to vector<16xi32>
    %swap3A_249 = arith.constant 64 : index
    %swap3A_250 = tpu.vector_load %arg14[%swap3A_249] {strides = array<i32>} : memref<128xi32, #tpu.memory_space<vmem>>, vector<16xi32>,
    %swap3A_251 = vector.shape_cast %swap3A_250 : vector<16xi32> to vector<16xi32>
    %swap3A_252 = vector.shape_cast %get3A_248 : vector<16xi32> to vector<16xi32>
    tpu.vector_store %arg14[%swap3A_249], %swap3A_252 {strides = array<i32>} : memref<128xi32, #tpu.memory_space<vmem>>, vector<16xi32>,
    %get3A_253 = arith.constant 80 : index
    %get3A_254 = tpu.vector_load %arg8[%get3A_253] {strides = array<i32>} : memref<128xi32, #tpu.memory_space<vmem>>, vector<16xi32>,
    %get3A_255 = vector.shape_cast %get3A_254 : vector<16xi32> to vector<16xi32>
    %add3A_256 = vector.broadcast %mul3A_0 : i32 to vector<16xi32>
    %add3A_257 = arith.addi %get3A_255, %add3A_256 : vector<16xi32>
    %swap3A_258 = arith.constant 80 : index
    %swap3A_259 = tpu.vector_load %arg12[%swap3A_258] {strides = array<i32>} : memref<128xi32, #tpu.memory_space<vmem>>, vector<16xi32>,
    %swap3A_260 = vector.shape_cast %swap3A_259 : vector<16xi32> to vector<16xi32>
    %swap3A_261 = vector.shape_cast %add3A_257 : vector<16xi32> to vector<16xi32>
    tpu.vector_store %arg12[%swap3A_258], %swap3A_261 {strides = array<i32>} : memref<128xi32, #tpu.memory_space<vmem>>, vector<16xi32>,
    %get3A_262 = arith.constant 80 : index
    %get3A_263 = tpu.vector_load %arg10[%get3A_262] {strides = array<i32>} : memref<128xi32, #tpu.memory_space<vmem>>, vector<16xi32>,
    %get3A_264 = vector.shape_cast %get3A_263 : vector<16xi32> to vector<16xi32>
    %swap3A_265 = arith.constant 80 : index
    %swap3A_266 = tpu.vector_load %arg14[%swap3A_265] {strides = array<i32>} : memref<128xi32, #tpu.memory_space<vmem>>, vector<16xi32>,
    %swap3A_267 = vector.shape_cast %swap3A_266 : vector<16xi32> to vector<16xi32>
    %swap3A_268 = vector.shape_cast %get3A_264 : vector<16xi32> to vector<16xi32>
    tpu.vector_store %arg14[%swap3A_265], %swap3A_268 {strides = array<i32>} : memref<128xi32, #tpu.memory_space<vmem>>, vector<16xi32>,
    %get3A_269 = arith.constant 96 : index
    %get3A_270 = tpu.vector_load %arg8[%get3A_269] {strides = array<i32>} : memref<128xi32, #tpu.memory_space<vmem>>, vector<16xi32>,
    %get3A_271 = vector.shape_cast %get3A_270 : vector<16xi32> to vector<16xi32>
    %add3A_272 = vector.broadcast %mul3A_0 : i32 to vector<16xi32>
    %add3A_273 = arith.addi %get3A_271, %add3A_272 : vector<16xi32>
    %swap3A_274 = arith.constant 96 : index
    %swap3A_275 = tpu.vector_load %arg12[%swap3A_274] {strides = array<i32>} : memref<128xi32, #tpu.memory_space<vmem>>, vector<16xi32>,
    %swap3A_276 = vector.shape_cast %swap3A_275 : vector<16xi32> to vector<16xi32>
    %swap3A_277 = vector.shape_cast %add3A_273 : vector<16xi32> to vector<16xi32>
    tpu.vector_store %arg12[%swap3A_274], %swap3A_277 {strides = array<i32>} : memref<128xi32, #tpu.memory_space<vmem>>, vector<16xi32>,
    %get3A_278 = arith.constant 96 : index
    %get3A_279 = tpu.vector_load %arg10[%get3A_278] {strides = array<i32>} : memref<128xi32, #tpu.memory_space<vmem>>, vector<16xi32>,
    %get3A_280 = vector.shape_cast %get3A_279 : vector<16xi32> to vector<16xi32>
    %swap3A_281 = arith.constant 96 : index
    %swap3A_282 = tpu.vector_load %arg14[%swap3A_281] {strides = array<i32>} : memref<128xi32, #tpu.memory_space<vmem>>, vector<16xi32>,
    %swap3A_283 = vector.shape_cast %swap3A_282 : vector<16xi32> to vector<16xi32>
    %swap3A_284 = vector.shape_cast %get3A_280 : vector<16xi32> to vector<16xi32>
    tpu.vector_store %arg14[%swap3A_281], %swap3A_284 {strides = array<i32>} : memref<128xi32, #tpu.memory_space<vmem>>, vector<16xi32>,
    %get3A_285 = arith.constant 112 : index
    %get3A_286 = tpu.vector_load %arg8[%get3A_285] {strides = array<i32>} : memref<128xi32, #tpu.memory_space<vmem>>, vector<16xi32>,
    %get3A_287 = vector.shape_cast %get3A_286 : vector<16xi32> to vector<16xi32>
    %add3A_288 = vector.broadcast %mul3A_0 : i32 to vector<16xi32>
    %add3A_289 = arith.addi %get3A_287, %add3A_288 : vector<16xi32>
    %swap3A_290 = arith.constant 112 : index
    %swap3A_291 = tpu.vector_load %arg12[%swap3A_290] {strides = array<i32>} : memref<128xi32, #tpu.memory_space<vmem>>, vector<16xi32>,
    %swap3A_292 = vector.shape_cast %swap3A_291 : vector<16xi32> to vector<16xi32>
    %swap3A_293 = vector.shape_cast %add3A_289 : vector<16xi32> to vector<16xi32>
    tpu.vector_store %arg12[%swap3A_290], %swap3A_293 {strides = array<i32>} : memref<128xi32, #tpu.memory_space<vmem>>, vector<16xi32>,
    %get3A_294 = arith.constant 112 : index
    %get3A_295 = tpu.vector_load %arg10[%get3A_294] {strides = array<i32>} : memref<128xi32, #tpu.memory_space<vmem>>, vector<16xi32>,
    %get3A_296 = vector.shape_cast %get3A_295 : vector<16xi32> to vector<16xi32>
    %swap3A_297 = arith.constant 112 : index
    %swap3A_298 = tpu.vector_load %arg14[%swap3A_297] {strides = array<i32>} : memref<128xi32, #tpu.memory_space<vmem>>, vector<16xi32>,
    %swap3A_299 = vector.shape_cast %swap3A_298 : vector<16xi32> to vector<16xi32>
    %swap3A_300 = vector.shape_cast %get3A_296 : vector<16xi32> to vector<16xi32>
    tpu.vector_store %arg14[%swap3A_297], %swap3A_300 {strides = array<i32>} : memref<128xi32, #tpu.memory_space<vmem>>, vector<16xi32>,
    %add3A_301 = arith.constant 256 : i32
    %add3A_302 = arith.addi %add3A_168, %add3A_301 : i32
    %dma_start3A_303 = tpu.memref_slice %arg3[%add3A_302] : memref<320000xi32, #tpu.memory_space<hbm>> -> memref<128xi32, #tpu.memory_space<hbm>>
    %dma_start3A_304 = tpu.memref_slice %arg3[%add3A_302] : memref<320000xi32, #tpu.memory_space<hbm>> -> memref<128xi32, #tpu.memory_space<hbm>>
    tpu.enqueue_dma source(%dma_start3A_304 : memref<128xi32, #tpu.memory_space<hbm>>) target(%arg8 : memref<128xi32, #tpu.memory_space<vmem>>) target_semaphore(%arg21 : memref<!tpu.dma_semaphore, #tpu.memory_space<semaphore_mem>>)
    %add3A_305 = arith.constant 256 : i32
    %add3A_306 = arith.addi %add3A_168, %add3A_305 : i32
    %dma_start3A_307 = tpu.memref_slice %arg4[%add3A_306] : memref<320000xi32, #tpu.memory_space<hbm>> -> memref<128xi32, #tpu.memory_space<hbm>>
    %dma_start3A_308 = tpu.memref_slice %arg4[%add3A_306] : memref<320000xi32, #tpu.memory_space<hbm>> -> memref<128xi32, #tpu.memory_space<hbm>>
    tpu.enqueue_dma source(%dma_start3A_308 : memref<128xi32, #tpu.memory_space<hbm>>) target(%arg10 : memref<128xi32, #tpu.memory_space<vmem>>) target_semaphore(%arg21 : memref<!tpu.dma_semaphore, #tpu.memory_space<semaphore_mem>>)
    %dma_start3A_309 = arith.constant 0 : i32
    %dma_start3A_310 = arith.constant 0 : i32
    %dma_start3A_311 = tpu.memref_slice %arg2[%dma_start3A_309, %dma_start3A_310] : memref<20000x128xf32, #tpu.memory_space<hbm>> -> memref<20000x128xf32, #tpu.memory_space<hbm>>
    tpu.enqueue_indirect_dma source(%dma_start3A_311 : memref<20000x128xf32, #tpu.memory_space<hbm>>) target(%arg18 : memref<128x128xf32, #tpu.memory_space<vmem>>) offsets(%arg12 : memref<128xi32, #tpu.memory_space<vmem>>) semaphore(%arg23 : memref<!tpu.dma_semaphore, #tpu.memory_space<semaphore_mem>>)
    %dma_wait3A_312 = arith.constant 0 : i32
    %dma_wait3A_313 = arith.constant 0 : i32
    %dma_wait3A_314 = tpu.memref_slice %arg2[%dma_wait3A_312, %dma_wait3A_313] : memref<20000x128xf32, #tpu.memory_space<hbm>> -> memref<20000x128xf32, #tpu.memory_space<hbm>>
    tpu.wait_indirect_dma semaphore(%arg22 : memref<!tpu.dma_semaphore, #tpu.memory_space<semaphore_mem>>) src(%dma_wait3A_314 : memref<20000x128xf32, #tpu.memory_space<hbm>>) dst(%arg17 : memref<128x128xf32, #tpu.memory_space<vmem>>)
    %dma_start3A_315 = arith.constant 0 : i32
    %dma_start3A_316 = arith.constant 0 : i32
    %dma_start3A_317 = tpu.memref_slice %arg19[%dma_start3A_315, %dma_start3A_316] : memref<10240x128xf32, #tpu.memory_space<vmem_shared>> -> memref<10240x128xf32, #tpu.memory_space<vmem_shared>>
    tpu.enqueue_indirect_dma source(%arg17 : memref<128x128xf32, #tpu.memory_space<vmem>>) target(%dma_start3A_317 : memref<10240x128xf32, #tpu.memory_space<vmem_shared>>) offsets(%arg13 : memref<128xi32, #tpu.memory_space<vmem>>) semaphore(%arg24 : memref<!tpu.dma_semaphore, #tpu.memory_space<semaphore_mem>>) {add = true}
    %scan3A = arith.constant 0 : i32
    %scan3A_318 = arith.constant 1 : i32
    %scan3A_319 = arith.constant 76 : i32
    %scan3A_320 = arith.addi %scan3A_318, %scan3A_319 : i32
    %scan3A_321 = arith.constant 1 : i32
    scf.for %scan3A_683 = %scan3A_318 to %scan3A_320 step %scan3A_321  : i32 {
      %mul3A_684 = arith.constant 2 : i32
      %mul3A_685 = arith.muli %scan3A_683, %mul3A_684 : i32
      %add3A_686 = arith.constant 0 : i32
      %add3A_687 = arith.addi %mul3A_685, %add3A_686 : i32
      %mul3A_688 = arith.constant 128 : i32
      %mul3A_689 = arith.muli %add3A_687, %mul3A_688 : i32
      %add3A_690 = arith.addi %mul3A_13, %mul3A_689 : i32
      %dma_wait3A_691 = arith.constant 0 : i32
      %dma_wait3A_692 = arith.constant 0 : i32
      %dma_wait3A_693 = tpu.memref_slice %arg19[%dma_wait3A_691, %dma_wait3A_692] : memref<10240x128xf32, #tpu.memory_space<vmem_shared>> -> memref<10240x128xf32, #tpu.memory_space<vmem_shared>>
      tpu.wait_indirect_dma semaphore(%arg24 : memref<!tpu.dma_semaphore, #tpu.memory_space<semaphore_mem>>) src(%arg17 : memref<128x128xf32, #tpu.memory_space<vmem>>) dst(%dma_wait3A_693 : memref<10240x128xf32, #tpu.memory_space<vmem_shared>>)
      %dma_wait3A_694 = tpu.memref_slice %arg3[%add3A_690] : memref<320000xi32, #tpu.memory_space<hbm>> -> memref<128xi32, #tpu.memory_space<hbm>>
      %dma_wait3A_695 = tpu.memref_slice %arg3[%add3A_690] : memref<320000xi32, #tpu.memory_space<hbm>> -> memref<128xi32, #tpu.memory_space<hbm>>
      tpu.wait_dma2 semaphore(%arg20 : memref<!tpu.dma_semaphore, #tpu.memory_space<semaphore_mem>>) src(%dma_wait3A_695 : memref<128xi32, #tpu.memory_space<hbm>>) dst(%arg7 : memref<128xi32, #tpu.memory_space<vmem>>)
      %dma_wait3A_696 = tpu.memref_slice %arg4[%add3A_690] : memref<320000xi32, #tpu.memory_space<hbm>> -> memref<128xi32, #tpu.memory_space<hbm>>
      %dma_wait3A_697 = tpu.memref_slice %arg4[%add3A_690] : memref<320000xi32, #tpu.memory_space<hbm>> -> memref<128xi32, #tpu.memory_space<hbm>>
      tpu.wait_dma2 semaphore(%arg20 : memref<!tpu.dma_semaphore, #tpu.memory_space<semaphore_mem>>) src(%dma_wait3A_697 : memref<128xi32, #tpu.memory_space<hbm>>) dst(%arg9 : memref<128xi32, #tpu.memory_space<vmem>>)
      %get3A_698 = arith.constant 0 : index
      %get3A_699 = tpu.vector_load %arg7[%get3A_698] {strides = array<i32>} : memref<128xi32, #tpu.memory_space<vmem>>, vector<16xi32>,
      %get3A_700 = vector.shape_cast %get3A_699 : vector<16xi32> to vector<16xi32>
      %add3A_701 = vector.broadcast %mul3A_0 : i32 to vector<16xi32>
      %add3A_702 = arith.addi %get3A_700, %add3A_701 : vector<16xi32>
      %swap3A_703 = arith.constant 0 : index
      %swap3A_704 = tpu.vector_load %arg11[%swap3A_703] {strides = array<i32>} : memref<128xi32, #tpu.memory_space<vmem>>, vector<16xi32>,
      %swap3A_705 = vector.shape_cast %swap3A_704 : vector<16xi32> to vector<16xi32>
      %swap3A_706 = vector.shape_cast %add3A_702 : vector<16xi32> to vector<16xi32>
      tpu.vector_store %arg11[%swap3A_703], %swap3A_706 {strides = array<i32>} : memref<128xi32, #tpu.memory_space<vmem>>, vector<16xi32>,
      %get3A_707 = arith.constant 0 : index
      %get3A_708 = tpu.vector_load %arg9[%get3A_707] {strides = array<i32>} : memref<128xi32, #tpu.memory_space<vmem>>, vector<16xi32>,
      %get3A_709 = vector.shape_cast %get3A_708 : vector<16xi32> to vector<16xi32>
      %swap3A_710 = arith.constant 0 : index
      %swap3A_711 = tpu.vector_load %arg13[%swap3A_710] {strides = array<i32>} : memref<128xi32, #tpu.memory_space<vmem>>, vector<16xi32>,
      %swap3A_712 = vector.shape_cast %swap3A_711 : vector<16xi32> to vector<16xi32>
      %swap3A_713 = vector.shape_cast %get3A_709 : vector<16xi32> to vector<16xi32>
      tpu.vector_store %arg13[%swap3A_710], %swap3A_713 {strides = array<i32>} : memref<128xi32, #tpu.memory_space<vmem>>, vector<16xi32>,
      %get3A_714 = arith.constant 16 : index
      %get3A_715 = tpu.vector_load %arg7[%get3A_714] {strides = array<i32>} : memref<128xi32, #tpu.memory_space<vmem>>, vector<16xi32>,
      %get3A_716 = vector.shape_cast %get3A_715 : vector<16xi32> to vector<16xi32>
      %add3A_717 = vector.broadcast %mul3A_0 : i32 to vector<16xi32>
      %add3A_718 = arith.addi %get3A_716, %add3A_717 : vector<16xi32>
      %swap3A_719 = arith.constant 16 : index
      %swap3A_720 = tpu.vector_load %arg11[%swap3A_719] {strides = array<i32>} : memref<128xi32, #tpu.memory_space<vmem>>, vector<16xi32>,
      %swap3A_721 = vector.shape_cast %swap3A_720 : vector<16xi32> to vector<16xi32>
      %swap3A_722 = vector.shape_cast %add3A_718 : vector<16xi32> to vector<16xi32>
      tpu.vector_store %arg11[%swap3A_719], %swap3A_722 {strides = array<i32>} : memref<128xi32, #tpu.memory_space<vmem>>, vector<16xi32>,
      %get3A_723 = arith.constant 16 : index
      %get3A_724 = tpu.vector_load %arg9[%get3A_723] {strides = array<i32>} : memref<128xi32, #tpu.memory_space<vmem>>, vector<16xi32>,
      %get3A_725 = vector.shape_cast %get3A_724 : vector<16xi32> to vector<16xi32>
      %swap3A_726 = arith.constant 16 : index
      %swap3A_727 = tpu.vector_load %arg13[%swap3A_726] {strides = array<i32>} : memref<128xi32, #tpu.memory_space<vmem>>, vector<16xi32>,
      %swap3A_728 = vector.shape_cast %swap3A_727 : vector<16xi32> to vector<16xi32>
      %swap3A_729 = vector.shape_cast %get3A_725 : vector<16xi32> to vector<16xi32>
      tpu.vector_store %arg13[%swap3A_726], %swap3A_729 {strides = array<i32>} : memref<128xi32, #tpu.memory_space<vmem>>, vector<16xi32>,
      %get3A_730 = arith.constant 32 : index
      %get3A_731 = tpu.vector_load %arg7[%get3A_730] {strides = array<i32>} : memref<128xi32, #tpu.memory_space<vmem>>, vector<16xi32>,
      %get3A_732 = vector.shape_cast %get3A_731 : vector<16xi32> to vector<16xi32>
      %add3A_733 = vector.broadcast %mul3A_0 : i32 to vector<16xi32>
      %add3A_734 = arith.addi %get3A_732, %add3A_733 : vector<16xi32>
      %swap3A_735 = arith.constant 32 : index
      %swap3A_736 = tpu.vector_load %arg11[%swap3A_735] {strides = array<i32>} : memref<128xi32, #tpu.memory_space<vmem>>, vector<16xi32>,
      %swap3A_737 = vector.shape_cast %swap3A_736 : vector<16xi32> to vector<16xi32>
      %swap3A_738 = vector.shape_cast %add3A_734 : vector<16xi32> to vector<16xi32>
      tpu.vector_store %arg11[%swap3A_735], %swap3A_738 {strides = array<i32>} : memref<128xi32, #tpu.memory_space<vmem>>, vector<16xi32>,
      %get3A_739 = arith.constant 32 : index
      %get3A_740 = tpu.vector_load %arg9[%get3A_739] {strides = array<i32>} : memref<128xi32, #tpu.memory_space<vmem>>, vector<16xi32>,
      %get3A_741 = vector.shape_cast %get3A_740 : vector<16xi32> to vector<16xi32>
      %swap3A_742 = arith.constant 32 : index
      %swap3A_743 = tpu.vector_load %arg13[%swap3A_742] {strides = array<i32>} : memref<128xi32, #tpu.memory_space<vmem>>, vector<16xi32>,
      %swap3A_744 = vector.shape_cast %swap3A_743 : vector<16xi32> to vector<16xi32>
      %swap3A_745 = vector.shape_cast %get3A_741 : vector<16xi32> to vector<16xi32>
      tpu.vector_store %arg13[%swap3A_742], %swap3A_745 {strides = array<i32>} : memref<128xi32, #tpu.memory_space<vmem>>, vector<16xi32>,
      %get3A_746 = arith.constant 48 : index
      %get3A_747 = tpu.vector_load %arg7[%get3A_746] {strides = array<i32>} : memref<128xi32, #tpu.memory_space<vmem>>, vector<16xi32>,
      %get3A_748 = vector.shape_cast %get3A_747 : vector<16xi32> to vector<16xi32>
      %add3A_749 = vector.broadcast %mul3A_0 : i32 to vector<16xi32>
      %add3A_750 = arith.addi %get3A_748, %add3A_749 : vector<16xi32>
      %swap3A_751 = arith.constant 48 : index
      %swap3A_752 = tpu.vector_load %arg11[%swap3A_751] {strides = array<i32>} : memref<128xi32, #tpu.memory_space<vmem>>, vector<16xi32>,
      %swap3A_753 = vector.shape_cast %swap3A_752 : vector<16xi32> to vector<16xi32>
      %swap3A_754 = vector.shape_cast %add3A_750 : vector<16xi32> to vector<16xi32>
      tpu.vector_store %arg11[%swap3A_751], %swap3A_754 {strides = array<i32>} : memref<128xi32, #tpu.memory_space<vmem>>, vector<16xi32>,
      %get3A_755 = arith.constant 48 : index
      %get3A_756 = tpu.vector_load %arg9[%get3A_755] {strides = array<i32>} : memref<128xi32, #tpu.memory_space<vmem>>, vector<16xi32>,
      %get3A_757 = vector.shape_cast %get3A_756 : vector<16xi32> to vector<16xi32>
      %swap3A_758 = arith.constant 48 : index
      %swap3A_759 = tpu.vector_load %arg13[%swap3A_758] {strides = array<i32>} : memref<128xi32, #tpu.memory_space<vmem>>, vector<16xi32>,
      %swap3A_760 = vector.shape_cast %swap3A_759 : vector<16xi32> to vector<16xi32>
      %swap3A_761 = vector.shape_cast %get3A_757 : vector<16xi32> to vector<16xi32>
      tpu.vector_store %arg13[%swap3A_758], %swap3A_761 {strides = array<i32>} : memref<128xi32, #tpu.memory_space<vmem>>, vector<16xi32>,
      %get3A_762 = arith.constant 64 : index
      %get3A_763 = tpu.vector_load %arg7[%get3A_762] {strides = array<i32>} : memref<128xi32, #tpu.memory_space<vmem>>, vector<16xi32>,
      %get3A_764 = vector.shape_cast %get3A_763 : vector<16xi32> to vector<16xi32>
      %add3A_765 = vector.broadcast %mul3A_0 : i32 to vector<16xi32>
      %add3A_766 = arith.addi %get3A_764, %add3A_765 : vector<16xi32>
      %swap3A_767 = arith.constant 64 : index
      %swap3A_768 = tpu.vector_load %arg11[%swap3A_767] {strides = array<i32>} : memref<128xi32, #tpu.memory_space<vmem>>, vector<16xi32>,
      %swap3A_769 = vector.shape_cast %swap3A_768 : vector<16xi32> to vector<16xi32>
      %swap3A_770 = vector.shape_cast %add3A_766 : vector<16xi32> to vector<16xi32>
      tpu.vector_store %arg11[%swap3A_767], %swap3A_770 {strides = array<i32>} : memref<128xi32, #tpu.memory_space<vmem>>, vector<16xi32>,
      %get3A_771 = arith.constant 64 : index
      %get3A_772 = tpu.vector_load %arg9[%get3A_771] {strides = array<i32>} : memref<128xi32, #tpu.memory_space<vmem>>, vector<16xi32>,
      %get3A_773 = vector.shape_cast %get3A_772 : vector<16xi32> to vector<16xi32>
      %swap3A_774 = arith.constant 64 : index
      %swap3A_775 = tpu.vector_load %arg13[%swap3A_774] {strides = array<i32>} : memref<128xi32, #tpu.memory_space<vmem>>, vector<16xi32>,
      %swap3A_776 = vector.shape_cast %swap3A_775 : vector<16xi32> to vector<16xi32>
      %swap3A_777 = vector.shape_cast %get3A_773 : vector<16xi32> to vector<16xi32>
      tpu.vector_store %arg13[%swap3A_774], %swap3A_777 {strides = array<i32>} : memref<128xi32, #tpu.memory_space<vmem>>, vector<16xi32>,
      %get3A_778 = arith.constant 80 : index
      %get3A_779 = tpu.vector_load %arg7[%get3A_778] {strides = array<i32>} : memref<128xi32, #tpu.memory_space<vmem>>, vector<16xi32>,
      %get3A_780 = vector.shape_cast %get3A_779 : vector<16xi32> to vector<16xi32>
      %add3A_781 = vector.broadcast %mul3A_0 : i32 to vector<16xi32>
      %add3A_782 = arith.addi %get3A_780, %add3A_781 : vector<16xi32>
      %swap3A_783 = arith.constant 80 : index
      %swap3A_784 = tpu.vector_load %arg11[%swap3A_783] {strides = array<i32>} : memref<128xi32, #tpu.memory_space<vmem>>, vector<16xi32>,
      %swap3A_785 = vector.shape_cast %swap3A_784 : vector<16xi32> to vector<16xi32>
      %swap3A_786 = vector.shape_cast %add3A_782 : vector<16xi32> to vector<16xi32>
      tpu.vector_store %arg11[%swap3A_783], %swap3A_786 {strides = array<i32>} : memref<128xi32, #tpu.memory_space<vmem>>, vector<16xi32>,
      %get3A_787 = arith.constant 80 : index
      %get3A_788 = tpu.vector_load %arg9[%get3A_787] {strides = array<i32>} : memref<128xi32, #tpu.memory_space<vmem>>, vector<16xi32>,
      %get3A_789 = vector.shape_cast %get3A_788 : vector<16xi32> to vector<16xi32>
      %swap3A_790 = arith.constant 80 : index
      %swap3A_791 = tpu.vector_load %arg13[%swap3A_790] {strides = array<i32>} : memref<128xi32, #tpu.memory_space<vmem>>, vector<16xi32>,
      %swap3A_792 = vector.shape_cast %swap3A_791 : vector<16xi32> to vector<16xi32>
      %swap3A_793 = vector.shape_cast %get3A_789 : vector<16xi32> to vector<16xi32>
      tpu.vector_store %arg13[%swap3A_790], %swap3A_793 {strides = array<i32>} : memref<128xi32, #tpu.memory_space<vmem>>, vector<16xi32>,
      %get3A_794 = arith.constant 96 : index
      %get3A_795 = tpu.vector_load %arg7[%get3A_794] {strides = array<i32>} : memref<128xi32, #tpu.memory_space<vmem>>, vector<16xi32>,
      %get3A_796 = vector.shape_cast %get3A_795 : vector<16xi32> to vector<16xi32>
      %add3A_797 = vector.broadcast %mul3A_0 : i32 to vector<16xi32>
      %add3A_798 = arith.addi %get3A_796, %add3A_797 : vector<16xi32>
      %swap3A_799 = arith.constant 96 : index
      %swap3A_800 = tpu.vector_load %arg11[%swap3A_799] {strides = array<i32>} : memref<128xi32, #tpu.memory_space<vmem>>, vector<16xi32>,
      %swap3A_801 = vector.shape_cast %swap3A_800 : vector<16xi32> to vector<16xi32>
      %swap3A_802 = vector.shape_cast %add3A_798 : vector<16xi32> to vector<16xi32>
      tpu.vector_store %arg11[%swap3A_799], %swap3A_802 {strides = array<i32>} : memref<128xi32, #tpu.memory_space<vmem>>, vector<16xi32>,
      %get3A_803 = arith.constant 96 : index
      %get3A_804 = tpu.vector_load %arg9[%get3A_803] {strides = array<i32>} : memref<128xi32, #tpu.memory_space<vmem>>, vector<16xi32>,
      %get3A_805 = vector.shape_cast %get3A_804 : vector<16xi32> to vector<16xi32>
      %swap3A_806 = arith.constant 96 : index
      %swap3A_807 = tpu.vector_load %arg13[%swap3A_806] {strides = array<i32>} : memref<128xi32, #tpu.memory_space<vmem>>, vector<16xi32>,
      %swap3A_808 = vector.shape_cast %swap3A_807 : vector<16xi32> to vector<16xi32>
      %swap3A_809 = vector.shape_cast %get3A_805 : vector<16xi32> to vector<16xi32>
      tpu.vector_store %arg13[%swap3A_806], %swap3A_809 {strides = array<i32>} : memref<128xi32, #tpu.memory_space<vmem>>, vector<16xi32>,
      %get3A_810 = arith.constant 112 : index
      %get3A_811 = tpu.vector_load %arg7[%get3A_810] {strides = array<i32>} : memref<128xi32, #tpu.memory_space<vmem>>, vector<16xi32>,
      %get3A_812 = vector.shape_cast %get3A_811 : vector<16xi32> to vector<16xi32>
      %add3A_813 = vector.broadcast %mul3A_0 : i32 to vector<16xi32>
      %add3A_814 = arith.addi %get3A_812, %add3A_813 : vector<16xi32>
      %swap3A_815 = arith.constant 112 : index
      %swap3A_816 = tpu.vector_load %arg11[%swap3A_815] {strides = array<i32>} : memref<128xi32, #tpu.memory_space<vmem>>, vector<16xi32>,
      %swap3A_817 = vector.shape_cast %swap3A_816 : vector<16xi32> to vector<16xi32>
      %swap3A_818 = vector.shape_cast %add3A_814 : vector<16xi32> to vector<16xi32>
      tpu.vector_store %arg11[%swap3A_815], %swap3A_818 {strides = array<i32>} : memref<128xi32, #tpu.memory_space<vmem>>, vector<16xi32>,
      %get3A_819 = arith.constant 112 : index
      %get3A_820 = tpu.vector_load %arg9[%get3A_819] {strides = array<i32>} : memref<128xi32, #tpu.memory_space<vmem>>, vector<16xi32>,
      %get3A_821 = vector.shape_cast %get3A_820 : vector<16xi32> to vector<16xi32>
      %swap3A_822 = arith.constant 112 : index
      %swap3A_823 = tpu.vector_load %arg13[%swap3A_822] {strides = array<i32>} : memref<128xi32, #tpu.memory_space<vmem>>, vector<16xi32>,
      %swap3A_824 = vector.shape_cast %swap3A_823 : vector<16xi32> to vector<16xi32>
      %swap3A_825 = vector.shape_cast %get3A_821 : vector<16xi32> to vector<16xi32>
      tpu.vector_store %arg13[%swap3A_822], %swap3A_825 {strides = array<i32>} : memref<128xi32, #tpu.memory_space<vmem>>, vector<16xi32>,
      %add3A_826 = arith.constant 256 : i32
      %add3A_827 = arith.addi %add3A_690, %add3A_826 : i32
      %dma_start3A_828 = tpu.memref_slice %arg3[%add3A_827] : memref<320000xi32, #tpu.memory_space<hbm>> -> memref<128xi32, #tpu.memory_space<hbm>>
      %dma_start3A_829 = tpu.memref_slice %arg3[%add3A_827] : memref<320000xi32, #tpu.memory_space<hbm>> -> memref<128xi32, #tpu.memory_space<hbm>>
      tpu.enqueue_dma source(%dma_start3A_829 : memref<128xi32, #tpu.memory_space<hbm>>) target(%arg7 : memref<128xi32, #tpu.memory_space<vmem>>) target_semaphore(%arg20 : memref<!tpu.dma_semaphore, #tpu.memory_space<semaphore_mem>>)
      %add3A_830 = arith.constant 256 : i32
      %add3A_831 = arith.addi %add3A_690, %add3A_830 : i32
      %dma_start3A_832 = tpu.memref_slice %arg4[%add3A_831] : memref<320000xi32, #tpu.memory_space<hbm>> -> memref<128xi32, #tpu.memory_space<hbm>>
      %dma_start3A_833 = tpu.memref_slice %arg4[%add3A_831] : memref<320000xi32, #tpu.memory_space<hbm>> -> memref<128xi32, #tpu.memory_space<hbm>>
      tpu.enqueue_dma source(%dma_start3A_833 : memref<128xi32, #tpu.memory_space<hbm>>) target(%arg9 : memref<128xi32, #tpu.memory_space<vmem>>) target_semaphore(%arg20 : memref<!tpu.dma_semaphore, #tpu.memory_space<semaphore_mem>>)
      %dma_start3A_834 = arith.constant 0 : i32
      %dma_start3A_835 = arith.constant 0 : i32
      %dma_start3A_836 = tpu.memref_slice %arg2[%dma_start3A_834, %dma_start3A_835] : memref<20000x128xf32, #tpu.memory_space<hbm>> -> memref<20000x128xf32, #tpu.memory_space<hbm>>
      tpu.enqueue_indirect_dma source(%dma_start3A_836 : memref<20000x128xf32, #tpu.memory_space<hbm>>) target(%arg17 : memref<128x128xf32, #tpu.memory_space<vmem>>) offsets(%arg11 : memref<128xi32, #tpu.memory_space<vmem>>) semaphore(%arg22 : memref<!tpu.dma_semaphore, #tpu.memory_space<semaphore_mem>>)
      %dma_wait3A_837 = arith.constant 0 : i32
      %dma_wait3A_838 = arith.constant 0 : i32
      %dma_wait3A_839 = tpu.memref_slice %arg2[%dma_wait3A_837, %dma_wait3A_838] : memref<20000x128xf32, #tpu.memory_space<hbm>> -> memref<20000x128xf32, #tpu.memory_space<hbm>>
      tpu.wait_indirect_dma semaphore(%arg23 : memref<!tpu.dma_semaphore, #tpu.memory_space<semaphore_mem>>) src(%dma_wait3A_839 : memref<20000x128xf32, #tpu.memory_space<hbm>>) dst(%arg18 : memref<128x128xf32, #tpu.memory_space<vmem>>)
      %dma_start3A_840 = arith.constant 0 : i32
      %dma_start3A_841 = arith.constant 0 : i32
      %dma_start3A_842 = tpu.memref_slice %arg19[%dma_start3A_840, %dma_start3A_841] : memref<10240x128xf32, #tpu.memory_space<vmem_shared>> -> memref<10240x128xf32, #tpu.memory_space<vmem_shared>>
      tpu.enqueue_indirect_dma source(%arg18 : memref<128x128xf32, #tpu.memory_space<vmem>>) target(%dma_start3A_842 : memref<10240x128xf32, #tpu.memory_space<vmem_shared>>) offsets(%arg14 : memref<128xi32, #tpu.memory_space<vmem>>) semaphore(%arg25 : memref<!tpu.dma_semaphore, #tpu.memory_space<semaphore_mem>>) {add = true}
      %mul3A_843 = arith.constant 2 : i32
      %mul3A_844 = arith.muli %scan3A_683, %mul3A_843 : i32
      %add3A_845 = arith.constant 1 : i32
      %add3A_846 = arith.addi %mul3A_844, %add3A_845 : i32
      %mul3A_847 = arith.constant 128 : i32
      %mul3A_848 = arith.muli %add3A_846, %mul3A_847 : i32
      %add3A_849 = arith.addi %mul3A_13, %mul3A_848 : i32
      %dma_wait3A_850 = arith.constant 0 : i32
      %dma_wait3A_851 = arith.constant 0 : i32
      %dma_wait3A_852 = tpu.memref_slice %arg19[%dma_wait3A_850, %dma_wait3A_851] : memref<10240x128xf32, #tpu.memory_space<vmem_shared>> -> memref<10240x128xf32, #tpu.memory_space<vmem_shared>>
      tpu.wait_indirect_dma semaphore(%arg25 : memref<!tpu.dma_semaphore, #tpu.memory_space<semaphore_mem>>) src(%arg18 : memref<128x128xf32, #tpu.memory_space<vmem>>) dst(%dma_wait3A_852 : memref<10240x128xf32, #tpu.memory_space<vmem_shared>>)
      %dma_wait3A_853 = tpu.memref_slice %arg3[%add3A_849] : memref<320000xi32, #tpu.memory_space<hbm>> -> memref<128xi32, #tpu.memory_space<hbm>>
      %dma_wait3A_854 = tpu.memref_slice %arg3[%add3A_849] : memref<320000xi32, #tpu.memory_space<hbm>> -> memref<128xi32, #tpu.memory_space<hbm>>
      tpu.wait_dma2 semaphore(%arg21 : memref<!tpu.dma_semaphore, #tpu.memory_space<semaphore_mem>>) src(%dma_wait3A_854 : memref<128xi32, #tpu.memory_space<hbm>>) dst(%arg8 : memref<128xi32, #tpu.memory_space<vmem>>)
      %dma_wait3A_855 = tpu.memref_slice %arg4[%add3A_849] : memref<320000xi32, #tpu.memory_space<hbm>> -> memref<128xi32, #tpu.memory_space<hbm>>
      %dma_wait3A_856 = tpu.memref_slice %arg4[%add3A_849] : memref<320000xi32, #tpu.memory_space<hbm>> -> memref<128xi32, #tpu.memory_space<hbm>>
      tpu.wait_dma2 semaphore(%arg21 : memref<!tpu.dma_semaphore, #tpu.memory_space<semaphore_mem>>) src(%dma_wait3A_856 : memref<128xi32, #tpu.memory_space<hbm>>) dst(%arg10 : memref<128xi32, #tpu.memory_space<vmem>>)
      %get3A_857 = arith.constant 0 : index
      %get3A_858 = tpu.vector_load %arg8[%get3A_857] {strides = array<i32>} : memref<128xi32, #tpu.memory_space<vmem>>, vector<16xi32>,
      %get3A_859 = vector.shape_cast %get3A_858 : vector<16xi32> to vector<16xi32>
      %add3A_860 = vector.broadcast %mul3A_0 : i32 to vector<16xi32>
      %add3A_861 = arith.addi %get3A_859, %add3A_860 : vector<16xi32>
      %swap3A_862 = arith.constant 0 : index
      %swap3A_863 = tpu.vector_load %arg12[%swap3A_862] {strides = array<i32>} : memref<128xi32, #tpu.memory_space<vmem>>, vector<16xi32>,
      %swap3A_864 = vector.shape_cast %swap3A_863 : vector<16xi32> to vector<16xi32>
      %swap3A_865 = vector.shape_cast %add3A_861 : vector<16xi32> to vector<16xi32>
      tpu.vector_store %arg12[%swap3A_862], %swap3A_865 {strides = array<i32>} : memref<128xi32, #tpu.memory_space<vmem>>, vector<16xi32>,
      %get3A_866 = arith.constant 0 : index
      %get3A_867 = tpu.vector_load %arg10[%get3A_866] {strides = array<i32>} : memref<128xi32, #tpu.memory_space<vmem>>, vector<16xi32>,
      %get3A_868 = vector.shape_cast %get3A_867 : vector<16xi32> to vector<16xi32>
      %swap3A_869 = arith.constant 0 : index
      %swap3A_870 = tpu.vector_load %arg14[%swap3A_869] {strides = array<i32>} : memref<128xi32, #tpu.memory_space<vmem>>, vector<16xi32>,
      %swap3A_871 = vector.shape_cast %swap3A_870 : vector<16xi32> to vector<16xi32>
      %swap3A_872 = vector.shape_cast %get3A_868 : vector<16xi32> to vector<16xi32>
      tpu.vector_store %arg14[%swap3A_869], %swap3A_872 {strides = array<i32>} : memref<128xi32, #tpu.memory_space<vmem>>, vector<16xi32>,
      %get3A_873 = arith.constant 16 : index
      %get3A_874 = tpu.vector_load %arg8[%get3A_873] {strides = array<i32>} : memref<128xi32, #tpu.memory_space<vmem>>, vector<16xi32>,
      %get3A_875 = vector.shape_cast %get3A_874 : vector<16xi32> to vector<16xi32>
      %add3A_876 = vector.broadcast %mul3A_0 : i32 to vector<16xi32>
      %add3A_877 = arith.addi %get3A_875, %add3A_876 : vector<16xi32>
      %swap3A_878 = arith.constant 16 : index
      %swap3A_879 = tpu.vector_load %arg12[%swap3A_878] {strides = array<i32>} : memref<128xi32, #tpu.memory_space<vmem>>, vector<16xi32>,
      %swap3A_880 = vector.shape_cast %swap3A_879 : vector<16xi32> to vector<16xi32>
      %swap3A_881 = vector.shape_cast %add3A_877 : vector<16xi32> to vector<16xi32>
      tpu.vector_store %arg12[%swap3A_878], %swap3A_881 {strides = array<i32>} : memref<128xi32, #tpu.memory_space<vmem>>, vector<16xi32>,
      %get3A_882 = arith.constant 16 : index
      %get3A_883 = tpu.vector_load %arg10[%get3A_882] {strides = array<i32>} : memref<128xi32, #tpu.memory_space<vmem>>, vector<16xi32>,
      %get3A_884 = vector.shape_cast %get3A_883 : vector<16xi32> to vector<16xi32>
      %swap3A_885 = arith.constant 16 : index
      %swap3A_886 = tpu.vector_load %arg14[%swap3A_885] {strides = array<i32>} : memref<128xi32, #tpu.memory_space<vmem>>, vector<16xi32>,
      %swap3A_887 = vector.shape_cast %swap3A_886 : vector<16xi32> to vector<16xi32>
      %swap3A_888 = vector.shape_cast %get3A_884 : vector<16xi32> to vector<16xi32>
      tpu.vector_store %arg14[%swap3A_885], %swap3A_888 {strides = array<i32>} : memref<128xi32, #tpu.memory_space<vmem>>, vector<16xi32>,
      %get3A_889 = arith.constant 32 : index
      %get3A_890 = tpu.vector_load %arg8[%get3A_889] {strides = array<i32>} : memref<128xi32, #tpu.memory_space<vmem>>, vector<16xi32>,
      %get3A_891 = vector.shape_cast %get3A_890 : vector<16xi32> to vector<16xi32>
      %add3A_892 = vector.broadcast %mul3A_0 : i32 to vector<16xi32>
      %add3A_893 = arith.addi %get3A_891, %add3A_892 : vector<16xi32>
      %swap3A_894 = arith.constant 32 : index
      %swap3A_895 = tpu.vector_load %arg12[%swap3A_894] {strides = array<i32>} : memref<128xi32, #tpu.memory_space<vmem>>, vector<16xi32>,
      %swap3A_896 = vector.shape_cast %swap3A_895 : vector<16xi32> to vector<16xi32>
      %swap3A_897 = vector.shape_cast %add3A_893 : vector<16xi32> to vector<16xi32>
      tpu.vector_store %arg12[%swap3A_894], %swap3A_897 {strides = array<i32>} : memref<128xi32, #tpu.memory_space<vmem>>, vector<16xi32>,
      %get3A_898 = arith.constant 32 : index
      %get3A_899 = tpu.vector_load %arg10[%get3A_898] {strides = array<i32>} : memref<128xi32, #tpu.memory_space<vmem>>, vector<16xi32>,
      %get3A_900 = vector.shape_cast %get3A_899 : vector<16xi32> to vector<16xi32>
      %swap3A_901 = arith.constant 32 : index
      %swap3A_902 = tpu.vector_load %arg14[%swap3A_901] {strides = array<i32>} : memref<128xi32, #tpu.memory_space<vmem>>, vector<16xi32>,
      %swap3A_903 = vector.shape_cast %swap3A_902 : vector<16xi32> to vector<16xi32>
      %swap3A_904 = vector.shape_cast %get3A_900 : vector<16xi32> to vector<16xi32>
      tpu.vector_store %arg14[%swap3A_901], %swap3A_904 {strides = array<i32>} : memref<128xi32, #tpu.memory_space<vmem>>, vector<16xi32>,
      %get3A_905 = arith.constant 48 : index
      %get3A_906 = tpu.vector_load %arg8[%get3A_905] {strides = array<i32>} : memref<128xi32, #tpu.memory_space<vmem>>, vector<16xi32>,
      %get3A_907 = vector.shape_cast %get3A_906 : vector<16xi32> to vector<16xi32>
      %add3A_908 = vector.broadcast %mul3A_0 : i32 to vector<16xi32>
      %add3A_909 = arith.addi %get3A_907, %add3A_908 : vector<16xi32>
      %swap3A_910 = arith.constant 48 : index
      %swap3A_911 = tpu.vector_load %arg12[%swap3A_910] {strides = array<i32>} : memref<128xi32, #tpu.memory_space<vmem>>, vector<16xi32>,
      %swap3A_912 = vector.shape_cast %swap3A_911 : vector<16xi32> to vector<16xi32>
      %swap3A_913 = vector.shape_cast %add3A_909 : vector<16xi32> to vector<16xi32>
      tpu.vector_store %arg12[%swap3A_910], %swap3A_913 {strides = array<i32>} : memref<128xi32, #tpu.memory_space<vmem>>, vector<16xi32>,
      %get3A_914 = arith.constant 48 : index
      %get3A_915 = tpu.vector_load %arg10[%get3A_914] {strides = array<i32>} : memref<128xi32, #tpu.memory_space<vmem>>, vector<16xi32>,
      %get3A_916 = vector.shape_cast %get3A_915 : vector<16xi32> to vector<16xi32>
      %swap3A_917 = arith.constant 48 : index
      %swap3A_918 = tpu.vector_load %arg14[%swap3A_917] {strides = array<i32>} : memref<128xi32, #tpu.memory_space<vmem>>, vector<16xi32>,
      %swap3A_919 = vector.shape_cast %swap3A_918 : vector<16xi32> to vector<16xi32>
      %swap3A_920 = vector.shape_cast %get3A_916 : vector<16xi32> to vector<16xi32>
      tpu.vector_store %arg14[%swap3A_917], %swap3A_920 {strides = array<i32>} : memref<128xi32, #tpu.memory_space<vmem>>, vector<16xi32>,
      %get3A_921 = arith.constant 64 : index
      %get3A_922 = tpu.vector_load %arg8[%get3A_921] {strides = array<i32>} : memref<128xi32, #tpu.memory_space<vmem>>, vector<16xi32>,
      %get3A_923 = vector.shape_cast %get3A_922 : vector<16xi32> to vector<16xi32>
      %add3A_924 = vector.broadcast %mul3A_0 : i32 to vector<16xi32>
      %add3A_925 = arith.addi %get3A_923, %add3A_924 : vector<16xi32>
      %swap3A_926 = arith.constant 64 : index
      %swap3A_927 = tpu.vector_load %arg12[%swap3A_926] {strides = array<i32>} : memref<128xi32, #tpu.memory_space<vmem>>, vector<16xi32>,
      %swap3A_928 = vector.shape_cast %swap3A_927 : vector<16xi32> to vector<16xi32>
      %swap3A_929 = vector.shape_cast %add3A_925 : vector<16xi32> to vector<16xi32>
      tpu.vector_store %arg12[%swap3A_926], %swap3A_929 {strides = array<i32>} : memref<128xi32, #tpu.memory_space<vmem>>, vector<16xi32>,
      %get3A_930 = arith.constant 64 : index
      %get3A_931 = tpu.vector_load %arg10[%get3A_930] {strides = array<i32>} : memref<128xi32, #tpu.memory_space<vmem>>, vector<16xi32>,
      %get3A_932 = vector.shape_cast %get3A_931 : vector<16xi32> to vector<16xi32>
      %swap3A_933 = arith.constant 64 : index
      %swap3A_934 = tpu.vector_load %arg14[%swap3A_933] {strides = array<i32>} : memref<128xi32, #tpu.memory_space<vmem>>, vector<16xi32>,
      %swap3A_935 = vector.shape_cast %swap3A_934 : vector<16xi32> to vector<16xi32>
      %swap3A_936 = vector.shape_cast %get3A_932 : vector<16xi32> to vector<16xi32>
      tpu.vector_store %arg14[%swap3A_933], %swap3A_936 {strides = array<i32>} : memref<128xi32, #tpu.memory_space<vmem>>, vector<16xi32>,
      %get3A_937 = arith.constant 80 : index
      %get3A_938 = tpu.vector_load %arg8[%get3A_937] {strides = array<i32>} : memref<128xi32, #tpu.memory_space<vmem>>, vector<16xi32>,
      %get3A_939 = vector.shape_cast %get3A_938 : vector<16xi32> to vector<16xi32>
      %add3A_940 = vector.broadcast %mul3A_0 : i32 to vector<16xi32>
      %add3A_941 = arith.addi %get3A_939, %add3A_940 : vector<16xi32>
      %swap3A_942 = arith.constant 80 : index
      %swap3A_943 = tpu.vector_load %arg12[%swap3A_942] {strides = array<i32>} : memref<128xi32, #tpu.memory_space<vmem>>, vector<16xi32>,
      %swap3A_944 = vector.shape_cast %swap3A_943 : vector<16xi32> to vector<16xi32>
      %swap3A_945 = vector.shape_cast %add3A_941 : vector<16xi32> to vector<16xi32>
      tpu.vector_store %arg12[%swap3A_942], %swap3A_945 {strides = array<i32>} : memref<128xi32, #tpu.memory_space<vmem>>, vector<16xi32>,
      %get3A_946 = arith.constant 80 : index
      %get3A_947 = tpu.vector_load %arg10[%get3A_946] {strides = array<i32>} : memref<128xi32, #tpu.memory_space<vmem>>, vector<16xi32>,
      %get3A_948 = vector.shape_cast %get3A_947 : vector<16xi32> to vector<16xi32>
      %swap3A_949 = arith.constant 80 : index
      %swap3A_950 = tpu.vector_load %arg14[%swap3A_949] {strides = array<i32>} : memref<128xi32, #tpu.memory_space<vmem>>, vector<16xi32>,
      %swap3A_951 = vector.shape_cast %swap3A_950 : vector<16xi32> to vector<16xi32>
      %swap3A_952 = vector.shape_cast %get3A_948 : vector<16xi32> to vector<16xi32>
      tpu.vector_store %arg14[%swap3A_949], %swap3A_952 {strides = array<i32>} : memref<128xi32, #tpu.memory_space<vmem>>, vector<16xi32>,
      %get3A_953 = arith.constant 96 : index
      %get3A_954 = tpu.vector_load %arg8[%get3A_953] {strides = array<i32>} : memref<128xi32, #tpu.memory_space<vmem>>, vector<16xi32>,
      %get3A_955 = vector.shape_cast %get3A_954 : vector<16xi32> to vector<16xi32>
      %add3A_956 = vector.broadcast %mul3A_0 : i32 to vector<16xi32>
      %add3A_957 = arith.addi %get3A_955, %add3A_956 : vector<16xi32>
      %swap3A_958 = arith.constant 96 : index
      %swap3A_959 = tpu.vector_load %arg12[%swap3A_958] {strides = array<i32>} : memref<128xi32, #tpu.memory_space<vmem>>, vector<16xi32>,
      %swap3A_960 = vector.shape_cast %swap3A_959 : vector<16xi32> to vector<16xi32>
      %swap3A_961 = vector.shape_cast %add3A_957 : vector<16xi32> to vector<16xi32>
      tpu.vector_store %arg12[%swap3A_958], %swap3A_961 {strides = array<i32>} : memref<128xi32, #tpu.memory_space<vmem>>, vector<16xi32>,
      %get3A_962 = arith.constant 96 : index
      %get3A_963 = tpu.vector_load %arg10[%get3A_962] {strides = array<i32>} : memref<128xi32, #tpu.memory_space<vmem>>, vector<16xi32>,
      %get3A_964 = vector.shape_cast %get3A_963 : vector<16xi32> to vector<16xi32>
      %swap3A_965 = arith.constant 96 : index
      %swap3A_966 = tpu.vector_load %arg14[%swap3A_965] {strides = array<i32>} : memref<128xi32, #tpu.memory_space<vmem>>, vector<16xi32>,
      %swap3A_967 = vector.shape_cast %swap3A_966 : vector<16xi32> to vector<16xi32>
      %swap3A_968 = vector.shape_cast %get3A_964 : vector<16xi32> to vector<16xi32>
      tpu.vector_store %arg14[%swap3A_965], %swap3A_968 {strides = array<i32>} : memref<128xi32, #tpu.memory_space<vmem>>, vector<16xi32>,
      %get3A_969 = arith.constant 112 : index
      %get3A_970 = tpu.vector_load %arg8[%get3A_969] {strides = array<i32>} : memref<128xi32, #tpu.memory_space<vmem>>, vector<16xi32>,
      %get3A_971 = vector.shape_cast %get3A_970 : vector<16xi32> to vector<16xi32>
      %add3A_972 = vector.broadcast %mul3A_0 : i32 to vector<16xi32>
      %add3A_973 = arith.addi %get3A_971, %add3A_972 : vector<16xi32>
      %swap3A_974 = arith.constant 112 : index
      %swap3A_975 = tpu.vector_load %arg12[%swap3A_974] {strides = array<i32>} : memref<128xi32, #tpu.memory_space<vmem>>, vector<16xi32>,
      %swap3A_976 = vector.shape_cast %swap3A_975 : vector<16xi32> to vector<16xi32>
      %swap3A_977 = vector.shape_cast %add3A_973 : vector<16xi32> to vector<16xi32>
      tpu.vector_store %arg12[%swap3A_974], %swap3A_977 {strides = array<i32>} : memref<128xi32, #tpu.memory_space<vmem>>, vector<16xi32>,
      %get3A_978 = arith.constant 112 : index
      %get3A_979 = tpu.vector_load %arg10[%get3A_978] {strides = array<i32>} : memref<128xi32, #tpu.memory_space<vmem>>, vector<16xi32>,
      %get3A_980 = vector.shape_cast %get3A_979 : vector<16xi32> to vector<16xi32>
      %swap3A_981 = arith.constant 112 : index
      %swap3A_982 = tpu.vector_load %arg14[%swap3A_981] {strides = array<i32>} : memref<128xi32, #tpu.memory_space<vmem>>, vector<16xi32>,
      %swap3A_983 = vector.shape_cast %swap3A_982 : vector<16xi32> to vector<16xi32>
      %swap3A_984 = vector.shape_cast %get3A_980 : vector<16xi32> to vector<16xi32>
      tpu.vector_store %arg14[%swap3A_981], %swap3A_984 {strides = array<i32>} : memref<128xi32, #tpu.memory_space<vmem>>, vector<16xi32>,
      %add3A_985 = arith.constant 256 : i32
      %add3A_986 = arith.addi %add3A_849, %add3A_985 : i32
      %dma_start3A_987 = tpu.memref_slice %arg3[%add3A_986] : memref<320000xi32, #tpu.memory_space<hbm>> -> memref<128xi32, #tpu.memory_space<hbm>>
      %dma_start3A_988 = tpu.memref_slice %arg3[%add3A_986] : memref<320000xi32, #tpu.memory_space<hbm>> -> memref<128xi32, #tpu.memory_space<hbm>>
      tpu.enqueue_dma source(%dma_start3A_988 : memref<128xi32, #tpu.memory_space<hbm>>) target(%arg8 : memref<128xi32, #tpu.memory_space<vmem>>) target_semaphore(%arg21 : memref<!tpu.dma_semaphore, #tpu.memory_space<semaphore_mem>>)
      %add3A_989 = arith.constant 256 : i32
      %add3A_990 = arith.addi %add3A_849, %add3A_989 : i32
      %dma_start3A_991 = tpu.memref_slice %arg4[%add3A_990] : memref<320000xi32, #tpu.memory_space<hbm>> -> memref<128xi32, #tpu.memory_space<hbm>>
      %dma_start3A_992 = tpu.memref_slice %arg4[%add3A_990] : memref<320000xi32, #tpu.memory_space<hbm>> -> memref<128xi32, #tpu.memory_space<hbm>>
      tpu.enqueue_dma source(%dma_start3A_992 : memref<128xi32, #tpu.memory_space<hbm>>) target(%arg10 : memref<128xi32, #tpu.memory_space<vmem>>) target_semaphore(%arg21 : memref<!tpu.dma_semaphore, #tpu.memory_space<semaphore_mem>>)
      %dma_start3A_993 = arith.constant 0 : i32
      %dma_start3A_994 = arith.constant 0 : i32
      %dma_start3A_995 = tpu.memref_slice %arg2[%dma_start3A_993, %dma_start3A_994] : memref<20000x128xf32, #tpu.memory_space<hbm>> -> memref<20000x128xf32, #tpu.memory_space<hbm>>
      tpu.enqueue_indirect_dma source(%dma_start3A_995 : memref<20000x128xf32, #tpu.memory_space<hbm>>) target(%arg18 : memref<128x128xf32, #tpu.memory_space<vmem>>) offsets(%arg12 : memref<128xi32, #tpu.memory_space<vmem>>) semaphore(%arg23 : memref<!tpu.dma_semaphore, #tpu.memory_space<semaphore_mem>>)
      %dma_wait3A_996 = arith.constant 0 : i32
      %dma_wait3A_997 = arith.constant 0 : i32
      %dma_wait3A_998 = tpu.memref_slice %arg2[%dma_wait3A_996, %dma_wait3A_997] : memref<20000x128xf32, #tpu.memory_space<hbm>> -> memref<20000x128xf32, #tpu.memory_space<hbm>>
      tpu.wait_indirect_dma semaphore(%arg22 : memref<!tpu.dma_semaphore, #tpu.memory_space<semaphore_mem>>) src(%dma_wait3A_998 : memref<20000x128xf32, #tpu.memory_space<hbm>>) dst(%arg17 : memref<128x128xf32, #tpu.memory_space<vmem>>)
      %dma_start3A_999 = arith.constant 0 : i32
      %dma_start3A_1000 = arith.constant 0 : i32
      %dma_start3A_1001 = tpu.memref_slice %arg19[%dma_start3A_999, %dma_start3A_1000] : memref<10240x128xf32, #tpu.memory_space<vmem_shared>> -> memref<10240x128xf32, #tpu.memory_space<vmem_shared>>
      tpu.enqueue_indirect_dma source(%arg17 : memref<128x128xf32, #tpu.memory_space<vmem>>) target(%dma_start3A_1001 : memref<10240x128xf32, #tpu.memory_space<vmem_shared>>) offsets(%arg13 : memref<128xi32, #tpu.memory_space<vmem>>) semaphore(%arg24 : memref<!tpu.dma_semaphore, #tpu.memory_space<semaphore_mem>>) {add = true}
    }
    %scan3A_322 = arith.constant 76 : i32
    %add3A_323 = arith.constant 19712 : i32
    %add3A_324 = arith.addi %mul3A_13, %add3A_323 : i32
    %dma_wait3A_325 = arith.constant 0 : i32
    %dma_wait3A_326 = arith.constant 0 : i32
    %dma_wait3A_327 = tpu.memref_slice %arg19[%dma_wait3A_325, %dma_wait3A_326] : memref<10240x128xf32, #tpu.memory_space<vmem_shared>> -> memref<10240x128xf32, #tpu.memory_space<vmem_shared>>
    tpu.wait_indirect_dma semaphore(%arg24 : memref<!tpu.dma_semaphore, #tpu.memory_space<semaphore_mem>>) src(%arg17 : memref<128x128xf32, #tpu.memory_space<vmem>>) dst(%dma_wait3A_327 : memref<10240x128xf32, #tpu.memory_space<vmem_shared>>)
    %dma_wait3A_328 = tpu.memref_slice %arg3[%add3A_324] : memref<320000xi32, #tpu.memory_space<hbm>> -> memref<128xi32, #tpu.memory_space<hbm>>
    %dma_wait3A_329 = tpu.memref_slice %arg3[%add3A_324] : memref<320000xi32, #tpu.memory_space<hbm>> -> memref<128xi32, #tpu.memory_space<hbm>>
    tpu.wait_dma2 semaphore(%arg20 : memref<!tpu.dma_semaphore, #tpu.memory_space<semaphore_mem>>) src(%dma_wait3A_329 : memref<128xi32, #tpu.memory_space<hbm>>) dst(%arg7 : memref<128xi32, #tpu.memory_space<vmem>>)
    %dma_wait3A_330 = tpu.memref_slice %arg4[%add3A_324] : memref<320000xi32, #tpu.memory_space<hbm>> -> memref<128xi32, #tpu.memory_space<hbm>>
    %dma_wait3A_331 = tpu.memref_slice %arg4[%add3A_324] : memref<320000xi32, #tpu.memory_space<hbm>> -> memref<128xi32, #tpu.memory_space<hbm>>
    tpu.wait_dma2 semaphore(%arg20 : memref<!tpu.dma_semaphore, #tpu.memory_space<semaphore_mem>>) src(%dma_wait3A_331 : memref<128xi32, #tpu.memory_space<hbm>>) dst(%arg9 : memref<128xi32, #tpu.memory_space<vmem>>)
    %get3A_332 = arith.constant 0 : index
    %get3A_333 = tpu.vector_load %arg7[%get3A_332] {strides = array<i32>} : memref<128xi32, #tpu.memory_space<vmem>>, vector<16xi32>,
    %get3A_334 = vector.shape_cast %get3A_333 : vector<16xi32> to vector<16xi32>
    %add3A_335 = vector.broadcast %mul3A_0 : i32 to vector<16xi32>
    %add3A_336 = arith.addi %get3A_334, %add3A_335 : vector<16xi32>
    %swap3A_337 = arith.constant 0 : index
    %swap3A_338 = tpu.vector_load %arg11[%swap3A_337] {strides = array<i32>} : memref<128xi32, #tpu.memory_space<vmem>>, vector<16xi32>,
    %swap3A_339 = vector.shape_cast %swap3A_338 : vector<16xi32> to vector<16xi32>
    %swap3A_340 = vector.shape_cast %add3A_336 : vector<16xi32> to vector<16xi32>
    tpu.vector_store %arg11[%swap3A_337], %swap3A_340 {strides = array<i32>} : memref<128xi32, #tpu.memory_space<vmem>>, vector<16xi32>,
    %get3A_341 = arith.constant 0 : index
    %get3A_342 = tpu.vector_load %arg9[%get3A_341] {strides = array<i32>} : memref<128xi32, #tpu.memory_space<vmem>>, vector<16xi32>,
    %get3A_343 = vector.shape_cast %get3A_342 : vector<16xi32> to vector<16xi32>
    %swap3A_344 = arith.constant 0 : index
    %swap3A_345 = tpu.vector_load %arg13[%swap3A_344] {strides = array<i32>} : memref<128xi32, #tpu.memory_space<vmem>>, vector<16xi32>,
    %swap3A_346 = vector.shape_cast %swap3A_345 : vector<16xi32> to vector<16xi32>
    %swap3A_347 = vector.shape_cast %get3A_343 : vector<16xi32> to vector<16xi32>
    tpu.vector_store %arg13[%swap3A_344], %swap3A_347 {strides = array<i32>} : memref<128xi32, #tpu.memory_space<vmem>>, vector<16xi32>,
    %get3A_348 = arith.constant 16 : index
    %get3A_349 = tpu.vector_load %arg7[%get3A_348] {strides = array<i32>} : memref<128xi32, #tpu.memory_space<vmem>>, vector<16xi32>,
    %get3A_350 = vector.shape_cast %get3A_349 : vector<16xi32> to vector<16xi32>
    %add3A_351 = vector.broadcast %mul3A_0 : i32 to vector<16xi32>
    %add3A_352 = arith.addi %get3A_350, %add3A_351 : vector<16xi32>
    %swap3A_353 = arith.constant 16 : index
    %swap3A_354 = tpu.vector_load %arg11[%swap3A_353] {strides = array<i32>} : memref<128xi32, #tpu.memory_space<vmem>>, vector<16xi32>,
    %swap3A_355 = vector.shape_cast %swap3A_354 : vector<16xi32> to vector<16xi32>
    %swap3A_356 = vector.shape_cast %add3A_352 : vector<16xi32> to vector<16xi32>
    tpu.vector_store %arg11[%swap3A_353], %swap3A_356 {strides = array<i32>} : memref<128xi32, #tpu.memory_space<vmem>>, vector<16xi32>,
    %get3A_357 = arith.constant 16 : index
    %get3A_358 = tpu.vector_load %arg9[%get3A_357] {strides = array<i32>} : memref<128xi32, #tpu.memory_space<vmem>>, vector<16xi32>,
    %get3A_359 = vector.shape_cast %get3A_358 : vector<16xi32> to vector<16xi32>
    %swap3A_360 = arith.constant 16 : index
    %swap3A_361 = tpu.vector_load %arg13[%swap3A_360] {strides = array<i32>} : memref<128xi32, #tpu.memory_space<vmem>>, vector<16xi32>,
    %swap3A_362 = vector.shape_cast %swap3A_361 : vector<16xi32> to vector<16xi32>
    %swap3A_363 = vector.shape_cast %get3A_359 : vector<16xi32> to vector<16xi32>
    tpu.vector_store %arg13[%swap3A_360], %swap3A_363 {strides = array<i32>} : memref<128xi32, #tpu.memory_space<vmem>>, vector<16xi32>,
    %get3A_364 = arith.constant 32 : index
    %get3A_365 = tpu.vector_load %arg7[%get3A_364] {strides = array<i32>} : memref<128xi32, #tpu.memory_space<vmem>>, vector<16xi32>,
    %get3A_366 = vector.shape_cast %get3A_365 : vector<16xi32> to vector<16xi32>
    %add3A_367 = vector.broadcast %mul3A_0 : i32 to vector<16xi32>
    %add3A_368 = arith.addi %get3A_366, %add3A_367 : vector<16xi32>
    %swap3A_369 = arith.constant 32 : index
    %swap3A_370 = tpu.vector_load %arg11[%swap3A_369] {strides = array<i32>} : memref<128xi32, #tpu.memory_space<vmem>>, vector<16xi32>,
    %swap3A_371 = vector.shape_cast %swap3A_370 : vector<16xi32> to vector<16xi32>
    %swap3A_372 = vector.shape_cast %add3A_368 : vector<16xi32> to vector<16xi32>
    tpu.vector_store %arg11[%swap3A_369], %swap3A_372 {strides = array<i32>} : memref<128xi32, #tpu.memory_space<vmem>>, vector<16xi32>,
    %get3A_373 = arith.constant 32 : index
    %get3A_374 = tpu.vector_load %arg9[%get3A_373] {strides = array<i32>} : memref<128xi32, #tpu.memory_space<vmem>>, vector<16xi32>,
    %get3A_375 = vector.shape_cast %get3A_374 : vector<16xi32> to vector<16xi32>
    %swap3A_376 = arith.constant 32 : index
    %swap3A_377 = tpu.vector_load %arg13[%swap3A_376] {strides = array<i32>} : memref<128xi32, #tpu.memory_space<vmem>>, vector<16xi32>,
    %swap3A_378 = vector.shape_cast %swap3A_377 : vector<16xi32> to vector<16xi32>
    %swap3A_379 = vector.shape_cast %get3A_375 : vector<16xi32> to vector<16xi32>
    tpu.vector_store %arg13[%swap3A_376], %swap3A_379 {strides = array<i32>} : memref<128xi32, #tpu.memory_space<vmem>>, vector<16xi32>,
    %get3A_380 = arith.constant 48 : index
    %get3A_381 = tpu.vector_load %arg7[%get3A_380] {strides = array<i32>} : memref<128xi32, #tpu.memory_space<vmem>>, vector<16xi32>,
    %get3A_382 = vector.shape_cast %get3A_381 : vector<16xi32> to vector<16xi32>
    %add3A_383 = vector.broadcast %mul3A_0 : i32 to vector<16xi32>
    %add3A_384 = arith.addi %get3A_382, %add3A_383 : vector<16xi32>
    %swap3A_385 = arith.constant 48 : index
    %swap3A_386 = tpu.vector_load %arg11[%swap3A_385] {strides = array<i32>} : memref<128xi32, #tpu.memory_space<vmem>>, vector<16xi32>,
    %swap3A_387 = vector.shape_cast %swap3A_386 : vector<16xi32> to vector<16xi32>
    %swap3A_388 = vector.shape_cast %add3A_384 : vector<16xi32> to vector<16xi32>
    tpu.vector_store %arg11[%swap3A_385], %swap3A_388 {strides = array<i32>} : memref<128xi32, #tpu.memory_space<vmem>>, vector<16xi32>,
    %get3A_389 = arith.constant 48 : index
    %get3A_390 = tpu.vector_load %arg9[%get3A_389] {strides = array<i32>} : memref<128xi32, #tpu.memory_space<vmem>>, vector<16xi32>,
    %get3A_391 = vector.shape_cast %get3A_390 : vector<16xi32> to vector<16xi32>
    %swap3A_392 = arith.constant 48 : index
    %swap3A_393 = tpu.vector_load %arg13[%swap3A_392] {strides = array<i32>} : memref<128xi32, #tpu.memory_space<vmem>>, vector<16xi32>,
    %swap3A_394 = vector.shape_cast %swap3A_393 : vector<16xi32> to vector<16xi32>
    %swap3A_395 = vector.shape_cast %get3A_391 : vector<16xi32> to vector<16xi32>
    tpu.vector_store %arg13[%swap3A_392], %swap3A_395 {strides = array<i32>} : memref<128xi32, #tpu.memory_space<vmem>>, vector<16xi32>,
    %get3A_396 = arith.constant 64 : index
    %get3A_397 = tpu.vector_load %arg7[%get3A_396] {strides = array<i32>} : memref<128xi32, #tpu.memory_space<vmem>>, vector<16xi32>,
    %get3A_398 = vector.shape_cast %get3A_397 : vector<16xi32> to vector<16xi32>
    %add3A_399 = vector.broadcast %mul3A_0 : i32 to vector<16xi32>
    %add3A_400 = arith.addi %get3A_398, %add3A_399 : vector<16xi32>
    %swap3A_401 = arith.constant 64 : index
    %swap3A_402 = tpu.vector_load %arg11[%swap3A_401] {strides = array<i32>} : memref<128xi32, #tpu.memory_space<vmem>>, vector<16xi32>,
    %swap3A_403 = vector.shape_cast %swap3A_402 : vector<16xi32> to vector<16xi32>
    %swap3A_404 = vector.shape_cast %add3A_400 : vector<16xi32> to vector<16xi32>
    tpu.vector_store %arg11[%swap3A_401], %swap3A_404 {strides = array<i32>} : memref<128xi32, #tpu.memory_space<vmem>>, vector<16xi32>,
    %get3A_405 = arith.constant 64 : index
    %get3A_406 = tpu.vector_load %arg9[%get3A_405] {strides = array<i32>} : memref<128xi32, #tpu.memory_space<vmem>>, vector<16xi32>,
    %get3A_407 = vector.shape_cast %get3A_406 : vector<16xi32> to vector<16xi32>
    %swap3A_408 = arith.constant 64 : index
    %swap3A_409 = tpu.vector_load %arg13[%swap3A_408] {strides = array<i32>} : memref<128xi32, #tpu.memory_space<vmem>>, vector<16xi32>,
    %swap3A_410 = vector.shape_cast %swap3A_409 : vector<16xi32> to vector<16xi32>
    %swap3A_411 = vector.shape_cast %get3A_407 : vector<16xi32> to vector<16xi32>
    tpu.vector_store %arg13[%swap3A_408], %swap3A_411 {strides = array<i32>} : memref<128xi32, #tpu.memory_space<vmem>>, vector<16xi32>,
    %get3A_412 = arith.constant 80 : index
    %get3A_413 = tpu.vector_load %arg7[%get3A_412] {strides = array<i32>} : memref<128xi32, #tpu.memory_space<vmem>>, vector<16xi32>,
    %get3A_414 = vector.shape_cast %get3A_413 : vector<16xi32> to vector<16xi32>
    %add3A_415 = vector.broadcast %mul3A_0 : i32 to vector<16xi32>
    %add3A_416 = arith.addi %get3A_414, %add3A_415 : vector<16xi32>
    %swap3A_417 = arith.constant 80 : index
    %swap3A_418 = tpu.vector_load %arg11[%swap3A_417] {strides = array<i32>} : memref<128xi32, #tpu.memory_space<vmem>>, vector<16xi32>,
    %swap3A_419 = vector.shape_cast %swap3A_418 : vector<16xi32> to vector<16xi32>
    %swap3A_420 = vector.shape_cast %add3A_416 : vector<16xi32> to vector<16xi32>
    tpu.vector_store %arg11[%swap3A_417], %swap3A_420 {strides = array<i32>} : memref<128xi32, #tpu.memory_space<vmem>>, vector<16xi32>,
    %get3A_421 = arith.constant 80 : index
    %get3A_422 = tpu.vector_load %arg9[%get3A_421] {strides = array<i32>} : memref<128xi32, #tpu.memory_space<vmem>>, vector<16xi32>,
    %get3A_423 = vector.shape_cast %get3A_422 : vector<16xi32> to vector<16xi32>
    %swap3A_424 = arith.constant 80 : index
    %swap3A_425 = tpu.vector_load %arg13[%swap3A_424] {strides = array<i32>} : memref<128xi32, #tpu.memory_space<vmem>>, vector<16xi32>,
    %swap3A_426 = vector.shape_cast %swap3A_425 : vector<16xi32> to vector<16xi32>
    %swap3A_427 = vector.shape_cast %get3A_423 : vector<16xi32> to vector<16xi32>
    tpu.vector_store %arg13[%swap3A_424], %swap3A_427 {strides = array<i32>} : memref<128xi32, #tpu.memory_space<vmem>>, vector<16xi32>,
    %get3A_428 = arith.constant 96 : index
    %get3A_429 = tpu.vector_load %arg7[%get3A_428] {strides = array<i32>} : memref<128xi32, #tpu.memory_space<vmem>>, vector<16xi32>,
    %get3A_430 = vector.shape_cast %get3A_429 : vector<16xi32> to vector<16xi32>
    %add3A_431 = vector.broadcast %mul3A_0 : i32 to vector<16xi32>
    %add3A_432 = arith.addi %get3A_430, %add3A_431 : vector<16xi32>
    %swap3A_433 = arith.constant 96 : index
    %swap3A_434 = tpu.vector_load %arg11[%swap3A_433] {strides = array<i32>} : memref<128xi32, #tpu.memory_space<vmem>>, vector<16xi32>,
    %swap3A_435 = vector.shape_cast %swap3A_434 : vector<16xi32> to vector<16xi32>
    %swap3A_436 = vector.shape_cast %add3A_432 : vector<16xi32> to vector<16xi32>
    tpu.vector_store %arg11[%swap3A_433], %swap3A_436 {strides = array<i32>} : memref<128xi32, #tpu.memory_space<vmem>>, vector<16xi32>,
    %get3A_437 = arith.constant 96 : index
    %get3A_438 = tpu.vector_load %arg9[%get3A_437] {strides = array<i32>} : memref<128xi32, #tpu.memory_space<vmem>>, vector<16xi32>,
    %get3A_439 = vector.shape_cast %get3A_438 : vector<16xi32> to vector<16xi32>
    %swap3A_440 = arith.constant 96 : index
    %swap3A_441 = tpu.vector_load %arg13[%swap3A_440] {strides = array<i32>} : memref<128xi32, #tpu.memory_space<vmem>>, vector<16xi32>,
    %swap3A_442 = vector.shape_cast %swap3A_441 : vector<16xi32> to vector<16xi32>
    %swap3A_443 = vector.shape_cast %get3A_439 : vector<16xi32> to vector<16xi32>
    tpu.vector_store %arg13[%swap3A_440], %swap3A_443 {strides = array<i32>} : memref<128xi32, #tpu.memory_space<vmem>>, vector<16xi32>,
    %get3A_444 = arith.constant 112 : index
    %get3A_445 = tpu.vector_load %arg7[%get3A_444] {strides = array<i32>} : memref<128xi32, #tpu.memory_space<vmem>>, vector<16xi32>,
    %get3A_446 = vector.shape_cast %get3A_445 : vector<16xi32> to vector<16xi32>
    %add3A_447 = vector.broadcast %mul3A_0 : i32 to vector<16xi32>
    %add3A_448 = arith.addi %get3A_446, %add3A_447 : vector<16xi32>
    %swap3A_449 = arith.constant 112 : index
    %swap3A_450 = tpu.vector_load %arg11[%swap3A_449] {strides = array<i32>} : memref<128xi32, #tpu.memory_space<vmem>>, vector<16xi32>,
    %swap3A_451 = vector.shape_cast %swap3A_450 : vector<16xi32> to vector<16xi32>
    %swap3A_452 = vector.shape_cast %add3A_448 : vector<16xi32> to vector<16xi32>
    tpu.vector_store %arg11[%swap3A_449], %swap3A_452 {strides = array<i32>} : memref<128xi32, #tpu.memory_space<vmem>>, vector<16xi32>,
    %get3A_453 = arith.constant 112 : index
    %get3A_454 = tpu.vector_load %arg9[%get3A_453] {strides = array<i32>} : memref<128xi32, #tpu.memory_space<vmem>>, vector<16xi32>,
    %get3A_455 = vector.shape_cast %get3A_454 : vector<16xi32> to vector<16xi32>
    %swap3A_456 = arith.constant 112 : index
    %swap3A_457 = tpu.vector_load %arg13[%swap3A_456] {strides = array<i32>} : memref<128xi32, #tpu.memory_space<vmem>>, vector<16xi32>,
    %swap3A_458 = vector.shape_cast %swap3A_457 : vector<16xi32> to vector<16xi32>
    %swap3A_459 = vector.shape_cast %get3A_455 : vector<16xi32> to vector<16xi32>
    tpu.vector_store %arg13[%swap3A_456], %swap3A_459 {strides = array<i32>} : memref<128xi32, #tpu.memory_space<vmem>>, vector<16xi32>,
    %dma_start3A_460 = arith.constant 0 : i32
    %dma_start3A_461 = arith.constant 0 : i32
    %dma_start3A_462 = tpu.memref_slice %arg2[%dma_start3A_460, %dma_start3A_461] : memref<20000x128xf32, #tpu.memory_space<hbm>> -> memref<20000x128xf32, #tpu.memory_space<hbm>>
    tpu.enqueue_indirect_dma source(%dma_start3A_462 : memref<20000x128xf32, #tpu.memory_space<hbm>>) target(%arg17 : memref<128x128xf32, #tpu.memory_space<vmem>>) offsets(%arg11 : memref<128xi32, #tpu.memory_space<vmem>>) semaphore(%arg22 : memref<!tpu.dma_semaphore, #tpu.memory_space<semaphore_mem>>)
    %dma_wait3A_463 = arith.constant 0 : i32
    %dma_wait3A_464 = arith.constant 0 : i32
    %dma_wait3A_465 = tpu.memref_slice %arg2[%dma_wait3A_463, %dma_wait3A_464] : memref<20000x128xf32, #tpu.memory_space<hbm>> -> memref<20000x128xf32, #tpu.memory_space<hbm>>
    tpu.wait_indirect_dma semaphore(%arg23 : memref<!tpu.dma_semaphore, #tpu.memory_space<semaphore_mem>>) src(%dma_wait3A_465 : memref<20000x128xf32, #tpu.memory_space<hbm>>) dst(%arg18 : memref<128x128xf32, #tpu.memory_space<vmem>>)
    %dma_start3A_466 = arith.constant 0 : i32
    %dma_start3A_467 = arith.constant 0 : i32
    %dma_start3A_468 = tpu.memref_slice %arg19[%dma_start3A_466, %dma_start3A_467] : memref<10240x128xf32, #tpu.memory_space<vmem_shared>> -> memref<10240x128xf32, #tpu.memory_space<vmem_shared>>
    tpu.enqueue_indirect_dma source(%arg18 : memref<128x128xf32, #tpu.memory_space<vmem>>) target(%dma_start3A_468 : memref<10240x128xf32, #tpu.memory_space<vmem_shared>>) offsets(%arg14 : memref<128xi32, #tpu.memory_space<vmem>>) semaphore(%arg25 : memref<!tpu.dma_semaphore, #tpu.memory_space<semaphore_mem>>) {add = true}
    %add3A_469 = arith.constant 19840 : i32
    %add3A_470 = arith.addi %mul3A_13, %add3A_469 : i32
    %dma_wait3A_471 = arith.constant 0 : i32
    %dma_wait3A_472 = arith.constant 0 : i32
    %dma_wait3A_473 = tpu.memref_slice %arg19[%dma_wait3A_471, %dma_wait3A_472] : memref<10240x128xf32, #tpu.memory_space<vmem_shared>> -> memref<10240x128xf32, #tpu.memory_space<vmem_shared>>
    tpu.wait_indirect_dma semaphore(%arg25 : memref<!tpu.dma_semaphore, #tpu.memory_space<semaphore_mem>>) src(%arg18 : memref<128x128xf32, #tpu.memory_space<vmem>>) dst(%dma_wait3A_473 : memref<10240x128xf32, #tpu.memory_space<vmem_shared>>)
    %dma_wait3A_474 = tpu.memref_slice %arg3[%add3A_470] : memref<320000xi32, #tpu.memory_space<hbm>> -> memref<128xi32, #tpu.memory_space<hbm>>
    %dma_wait3A_475 = tpu.memref_slice %arg3[%add3A_470] : memref<320000xi32, #tpu.memory_space<hbm>> -> memref<128xi32, #tpu.memory_space<hbm>>
    tpu.wait_dma2 semaphore(%arg21 : memref<!tpu.dma_semaphore, #tpu.memory_space<semaphore_mem>>) src(%dma_wait3A_475 : memref<128xi32, #tpu.memory_space<hbm>>) dst(%arg8 : memref<128xi32, #tpu.memory_space<vmem>>)
    %dma_wait3A_476 = tpu.memref_slice %arg4[%add3A_470] : memref<320000xi32, #tpu.memory_space<hbm>> -> memref<128xi32, #tpu.memory_space<hbm>>
    %dma_wait3A_477 = tpu.memref_slice %arg4[%add3A_470] : memref<320000xi32, #tpu.memory_space<hbm>> -> memref<128xi32, #tpu.memory_space<hbm>>
    tpu.wait_dma2 semaphore(%arg21 : memref<!tpu.dma_semaphore, #tpu.memory_space<semaphore_mem>>) src(%dma_wait3A_477 : memref<128xi32, #tpu.memory_space<hbm>>) dst(%arg10 : memref<128xi32, #tpu.memory_space<vmem>>)
    %get3A_478 = arith.constant 0 : index
    %get3A_479 = tpu.vector_load %arg8[%get3A_478] {strides = array<i32>} : memref<128xi32, #tpu.memory_space<vmem>>, vector<16xi32>,
    %get3A_480 = vector.shape_cast %get3A_479 : vector<16xi32> to vector<16xi32>
    %add3A_481 = vector.broadcast %mul3A_0 : i32 to vector<16xi32>
    %add3A_482 = arith.addi %get3A_480, %add3A_481 : vector<16xi32>
    %swap3A_483 = arith.constant 0 : index
    %swap3A_484 = tpu.vector_load %arg12[%swap3A_483] {strides = array<i32>} : memref<128xi32, #tpu.memory_space<vmem>>, vector<16xi32>,
    %swap3A_485 = vector.shape_cast %swap3A_484 : vector<16xi32> to vector<16xi32>
    %swap3A_486 = vector.shape_cast %add3A_482 : vector<16xi32> to vector<16xi32>
    tpu.vector_store %arg12[%swap3A_483], %swap3A_486 {strides = array<i32>} : memref<128xi32, #tpu.memory_space<vmem>>, vector<16xi32>,
    %get3A_487 = arith.constant 0 : index
    %get3A_488 = tpu.vector_load %arg10[%get3A_487] {strides = array<i32>} : memref<128xi32, #tpu.memory_space<vmem>>, vector<16xi32>,
    %get3A_489 = vector.shape_cast %get3A_488 : vector<16xi32> to vector<16xi32>
    %swap3A_490 = arith.constant 0 : index
    %swap3A_491 = tpu.vector_load %arg14[%swap3A_490] {strides = array<i32>} : memref<128xi32, #tpu.memory_space<vmem>>, vector<16xi32>,
    %swap3A_492 = vector.shape_cast %swap3A_491 : vector<16xi32> to vector<16xi32>
    %swap3A_493 = vector.shape_cast %get3A_489 : vector<16xi32> to vector<16xi32>
    tpu.vector_store %arg14[%swap3A_490], %swap3A_493 {strides = array<i32>} : memref<128xi32, #tpu.memory_space<vmem>>, vector<16xi32>,
    %get3A_494 = arith.constant 16 : index
    %get3A_495 = tpu.vector_load %arg8[%get3A_494] {strides = array<i32>} : memref<128xi32, #tpu.memory_space<vmem>>, vector<16xi32>,
    %get3A_496 = vector.shape_cast %get3A_495 : vector<16xi32> to vector<16xi32>
    %add3A_497 = vector.broadcast %mul3A_0 : i32 to vector<16xi32>
    %add3A_498 = arith.addi %get3A_496, %add3A_497 : vector<16xi32>
    %swap3A_499 = arith.constant 16 : index
    %swap3A_500 = tpu.vector_load %arg12[%swap3A_499] {strides = array<i32>} : memref<128xi32, #tpu.memory_space<vmem>>, vector<16xi32>,
    %swap3A_501 = vector.shape_cast %swap3A_500 : vector<16xi32> to vector<16xi32>
    %swap3A_502 = vector.shape_cast %add3A_498 : vector<16xi32> to vector<16xi32>
    tpu.vector_store %arg12[%swap3A_499], %swap3A_502 {strides = array<i32>} : memref<128xi32, #tpu.memory_space<vmem>>, vector<16xi32>,
    %get3A_503 = arith.constant 16 : index
    %get3A_504 = tpu.vector_load %arg10[%get3A_503] {strides = array<i32>} : memref<128xi32, #tpu.memory_space<vmem>>, vector<16xi32>,
    %get3A_505 = vector.shape_cast %get3A_504 : vector<16xi32> to vector<16xi32>
    %swap3A_506 = arith.constant 16 : index
    %swap3A_507 = tpu.vector_load %arg14[%swap3A_506] {strides = array<i32>} : memref<128xi32, #tpu.memory_space<vmem>>, vector<16xi32>,
    %swap3A_508 = vector.shape_cast %swap3A_507 : vector<16xi32> to vector<16xi32>
    %swap3A_509 = vector.shape_cast %get3A_505 : vector<16xi32> to vector<16xi32>
    tpu.vector_store %arg14[%swap3A_506], %swap3A_509 {strides = array<i32>} : memref<128xi32, #tpu.memory_space<vmem>>, vector<16xi32>,
    %get3A_510 = arith.constant 32 : index
    %get3A_511 = tpu.vector_load %arg8[%get3A_510] {strides = array<i32>} : memref<128xi32, #tpu.memory_space<vmem>>, vector<16xi32>,
    %get3A_512 = vector.shape_cast %get3A_511 : vector<16xi32> to vector<16xi32>
    %add3A_513 = vector.broadcast %mul3A_0 : i32 to vector<16xi32>
    %add3A_514 = arith.addi %get3A_512, %add3A_513 : vector<16xi32>
    %swap3A_515 = arith.constant 32 : index
    %swap3A_516 = tpu.vector_load %arg12[%swap3A_515] {strides = array<i32>} : memref<128xi32, #tpu.memory_space<vmem>>, vector<16xi32>,
    %swap3A_517 = vector.shape_cast %swap3A_516 : vector<16xi32> to vector<16xi32>
    %swap3A_518 = vector.shape_cast %add3A_514 : vector<16xi32> to vector<16xi32>
    tpu.vector_store %arg12[%swap3A_515], %swap3A_518 {strides = array<i32>} : memref<128xi32, #tpu.memory_space<vmem>>, vector<16xi32>,
    %get3A_519 = arith.constant 32 : index
    %get3A_520 = tpu.vector_load %arg10[%get3A_519] {strides = array<i32>} : memref<128xi32, #tpu.memory_space<vmem>>, vector<16xi32>,
    %get3A_521 = vector.shape_cast %get3A_520 : vector<16xi32> to vector<16xi32>
    %swap3A_522 = arith.constant 32 : index
    %swap3A_523 = tpu.vector_load %arg14[%swap3A_522] {strides = array<i32>} : memref<128xi32, #tpu.memory_space<vmem>>, vector<16xi32>,
    %swap3A_524 = vector.shape_cast %swap3A_523 : vector<16xi32> to vector<16xi32>
    %swap3A_525 = vector.shape_cast %get3A_521 : vector<16xi32> to vector<16xi32>
    tpu.vector_store %arg14[%swap3A_522], %swap3A_525 {strides = array<i32>} : memref<128xi32, #tpu.memory_space<vmem>>, vector<16xi32>,
    %get3A_526 = arith.constant 48 : index
    %get3A_527 = tpu.vector_load %arg8[%get3A_526] {strides = array<i32>} : memref<128xi32, #tpu.memory_space<vmem>>, vector<16xi32>,
    %get3A_528 = vector.shape_cast %get3A_527 : vector<16xi32> to vector<16xi32>
    %add3A_529 = vector.broadcast %mul3A_0 : i32 to vector<16xi32>
    %add3A_530 = arith.addi %get3A_528, %add3A_529 : vector<16xi32>
    %swap3A_531 = arith.constant 48 : index
    %swap3A_532 = tpu.vector_load %arg12[%swap3A_531] {strides = array<i32>} : memref<128xi32, #tpu.memory_space<vmem>>, vector<16xi32>,
    %swap3A_533 = vector.shape_cast %swap3A_532 : vector<16xi32> to vector<16xi32>
    %swap3A_534 = vector.shape_cast %add3A_530 : vector<16xi32> to vector<16xi32>
    tpu.vector_store %arg12[%swap3A_531], %swap3A_534 {strides = array<i32>} : memref<128xi32, #tpu.memory_space<vmem>>, vector<16xi32>,
    %get3A_535 = arith.constant 48 : index
    %get3A_536 = tpu.vector_load %arg10[%get3A_535] {strides = array<i32>} : memref<128xi32, #tpu.memory_space<vmem>>, vector<16xi32>,
    %get3A_537 = vector.shape_cast %get3A_536 : vector<16xi32> to vector<16xi32>
    %swap3A_538 = arith.constant 48 : index
    %swap3A_539 = tpu.vector_load %arg14[%swap3A_538] {strides = array<i32>} : memref<128xi32, #tpu.memory_space<vmem>>, vector<16xi32>,
    %swap3A_540 = vector.shape_cast %swap3A_539 : vector<16xi32> to vector<16xi32>
    %swap3A_541 = vector.shape_cast %get3A_537 : vector<16xi32> to vector<16xi32>
    tpu.vector_store %arg14[%swap3A_538], %swap3A_541 {strides = array<i32>} : memref<128xi32, #tpu.memory_space<vmem>>, vector<16xi32>,
    %get3A_542 = arith.constant 64 : index
    %get3A_543 = tpu.vector_load %arg8[%get3A_542] {strides = array<i32>} : memref<128xi32, #tpu.memory_space<vmem>>, vector<16xi32>,
    %get3A_544 = vector.shape_cast %get3A_543 : vector<16xi32> to vector<16xi32>
    %add3A_545 = vector.broadcast %mul3A_0 : i32 to vector<16xi32>
    %add3A_546 = arith.addi %get3A_544, %add3A_545 : vector<16xi32>
    %swap3A_547 = arith.constant 64 : index
    %swap3A_548 = tpu.vector_load %arg12[%swap3A_547] {strides = array<i32>} : memref<128xi32, #tpu.memory_space<vmem>>, vector<16xi32>,
    %swap3A_549 = vector.shape_cast %swap3A_548 : vector<16xi32> to vector<16xi32>
    %swap3A_550 = vector.shape_cast %add3A_546 : vector<16xi32> to vector<16xi32>
    tpu.vector_store %arg12[%swap3A_547], %swap3A_550 {strides = array<i32>} : memref<128xi32, #tpu.memory_space<vmem>>, vector<16xi32>,
    %get3A_551 = arith.constant 64 : index
    %get3A_552 = tpu.vector_load %arg10[%get3A_551] {strides = array<i32>} : memref<128xi32, #tpu.memory_space<vmem>>, vector<16xi32>,
    %get3A_553 = vector.shape_cast %get3A_552 : vector<16xi32> to vector<16xi32>
    %swap3A_554 = arith.constant 64 : index
    %swap3A_555 = tpu.vector_load %arg14[%swap3A_554] {strides = array<i32>} : memref<128xi32, #tpu.memory_space<vmem>>, vector<16xi32>,
    %swap3A_556 = vector.shape_cast %swap3A_555 : vector<16xi32> to vector<16xi32>
    %swap3A_557 = vector.shape_cast %get3A_553 : vector<16xi32> to vector<16xi32>
    tpu.vector_store %arg14[%swap3A_554], %swap3A_557 {strides = array<i32>} : memref<128xi32, #tpu.memory_space<vmem>>, vector<16xi32>,
    %get3A_558 = arith.constant 80 : index
    %get3A_559 = tpu.vector_load %arg8[%get3A_558] {strides = array<i32>} : memref<128xi32, #tpu.memory_space<vmem>>, vector<16xi32>,
    %get3A_560 = vector.shape_cast %get3A_559 : vector<16xi32> to vector<16xi32>
    %add3A_561 = vector.broadcast %mul3A_0 : i32 to vector<16xi32>
    %add3A_562 = arith.addi %get3A_560, %add3A_561 : vector<16xi32>
    %swap3A_563 = arith.constant 80 : index
    %swap3A_564 = tpu.vector_load %arg12[%swap3A_563] {strides = array<i32>} : memref<128xi32, #tpu.memory_space<vmem>>, vector<16xi32>,
    %swap3A_565 = vector.shape_cast %swap3A_564 : vector<16xi32> to vector<16xi32>
    %swap3A_566 = vector.shape_cast %add3A_562 : vector<16xi32> to vector<16xi32>
    tpu.vector_store %arg12[%swap3A_563], %swap3A_566 {strides = array<i32>} : memref<128xi32, #tpu.memory_space<vmem>>, vector<16xi32>,
    %get3A_567 = arith.constant 80 : index
    %get3A_568 = tpu.vector_load %arg10[%get3A_567] {strides = array<i32>} : memref<128xi32, #tpu.memory_space<vmem>>, vector<16xi32>,
    %get3A_569 = vector.shape_cast %get3A_568 : vector<16xi32> to vector<16xi32>
    %swap3A_570 = arith.constant 80 : index
    %swap3A_571 = tpu.vector_load %arg14[%swap3A_570] {strides = array<i32>} : memref<128xi32, #tpu.memory_space<vmem>>, vector<16xi32>,
    %swap3A_572 = vector.shape_cast %swap3A_571 : vector<16xi32> to vector<16xi32>
    %swap3A_573 = vector.shape_cast %get3A_569 : vector<16xi32> to vector<16xi32>
    tpu.vector_store %arg14[%swap3A_570], %swap3A_573 {strides = array<i32>} : memref<128xi32, #tpu.memory_space<vmem>>, vector<16xi32>,
    %get3A_574 = arith.constant 96 : index
    %get3A_575 = tpu.vector_load %arg8[%get3A_574] {strides = array<i32>} : memref<128xi32, #tpu.memory_space<vmem>>, vector<16xi32>,
    %get3A_576 = vector.shape_cast %get3A_575 : vector<16xi32> to vector<16xi32>
    %add3A_577 = vector.broadcast %mul3A_0 : i32 to vector<16xi32>
    %add3A_578 = arith.addi %get3A_576, %add3A_577 : vector<16xi32>
    %swap3A_579 = arith.constant 96 : index
    %swap3A_580 = tpu.vector_load %arg12[%swap3A_579] {strides = array<i32>} : memref<128xi32, #tpu.memory_space<vmem>>, vector<16xi32>,
    %swap3A_581 = vector.shape_cast %swap3A_580 : vector<16xi32> to vector<16xi32>
    %swap3A_582 = vector.shape_cast %add3A_578 : vector<16xi32> to vector<16xi32>
    tpu.vector_store %arg12[%swap3A_579], %swap3A_582 {strides = array<i32>} : memref<128xi32, #tpu.memory_space<vmem>>, vector<16xi32>,
    %get3A_583 = arith.constant 96 : index
    %get3A_584 = tpu.vector_load %arg10[%get3A_583] {strides = array<i32>} : memref<128xi32, #tpu.memory_space<vmem>>, vector<16xi32>,
    %get3A_585 = vector.shape_cast %get3A_584 : vector<16xi32> to vector<16xi32>
    %swap3A_586 = arith.constant 96 : index
    %swap3A_587 = tpu.vector_load %arg14[%swap3A_586] {strides = array<i32>} : memref<128xi32, #tpu.memory_space<vmem>>, vector<16xi32>,
    %swap3A_588 = vector.shape_cast %swap3A_587 : vector<16xi32> to vector<16xi32>
    %swap3A_589 = vector.shape_cast %get3A_585 : vector<16xi32> to vector<16xi32>
    tpu.vector_store %arg14[%swap3A_586], %swap3A_589 {strides = array<i32>} : memref<128xi32, #tpu.memory_space<vmem>>, vector<16xi32>,
    %get3A_590 = arith.constant 112 : index
    %get3A_591 = tpu.vector_load %arg8[%get3A_590] {strides = array<i32>} : memref<128xi32, #tpu.memory_space<vmem>>, vector<16xi32>,
    %get3A_592 = vector.shape_cast %get3A_591 : vector<16xi32> to vector<16xi32>
    %add3A_593 = vector.broadcast %mul3A_0 : i32 to vector<16xi32>
    %add3A_594 = arith.addi %get3A_592, %add3A_593 : vector<16xi32>
    %swap3A_595 = arith.constant 112 : index
    %swap3A_596 = tpu.vector_load %arg12[%swap3A_595] {strides = array<i32>} : memref<128xi32, #tpu.memory_space<vmem>>, vector<16xi32>,
    %swap3A_597 = vector.shape_cast %swap3A_596 : vector<16xi32> to vector<16xi32>
    %swap3A_598 = vector.shape_cast %add3A_594 : vector<16xi32> to vector<16xi32>
    tpu.vector_store %arg12[%swap3A_595], %swap3A_598 {strides = array<i32>} : memref<128xi32, #tpu.memory_space<vmem>>, vector<16xi32>,
    %get3A_599 = arith.constant 112 : index
    %get3A_600 = tpu.vector_load %arg10[%get3A_599] {strides = array<i32>} : memref<128xi32, #tpu.memory_space<vmem>>, vector<16xi32>,
    %get3A_601 = vector.shape_cast %get3A_600 : vector<16xi32> to vector<16xi32>
    %swap3A_602 = arith.constant 112 : index
    %swap3A_603 = tpu.vector_load %arg14[%swap3A_602] {strides = array<i32>} : memref<128xi32, #tpu.memory_space<vmem>>, vector<16xi32>,
    %swap3A_604 = vector.shape_cast %swap3A_603 : vector<16xi32> to vector<16xi32>
    %swap3A_605 = vector.shape_cast %get3A_601 : vector<16xi32> to vector<16xi32>
    tpu.vector_store %arg14[%swap3A_602], %swap3A_605 {strides = array<i32>} : memref<128xi32, #tpu.memory_space<vmem>>, vector<16xi32>,
    %dma_start3A_606 = arith.constant 0 : i32
    %dma_start3A_607 = arith.constant 0 : i32
    %dma_start3A_608 = tpu.memref_slice %arg2[%dma_start3A_606, %dma_start3A_607] : memref<20000x128xf32, #tpu.memory_space<hbm>> -> memref<20000x128xf32, #tpu.memory_space<hbm>>
    tpu.enqueue_indirect_dma source(%dma_start3A_608 : memref<20000x128xf32, #tpu.memory_space<hbm>>) target(%arg18 : memref<128x128xf32, #tpu.memory_space<vmem>>) offsets(%arg12 : memref<128xi32, #tpu.memory_space<vmem>>) semaphore(%arg23 : memref<!tpu.dma_semaphore, #tpu.memory_space<semaphore_mem>>)
    %dma_wait3A_609 = arith.constant 0 : i32
    %dma_wait3A_610 = arith.constant 0 : i32
    %dma_wait3A_611 = tpu.memref_slice %arg2[%dma_wait3A_609, %dma_wait3A_610] : memref<20000x128xf32, #tpu.memory_space<hbm>> -> memref<20000x128xf32, #tpu.memory_space<hbm>>
    tpu.wait_indirect_dma semaphore(%arg22 : memref<!tpu.dma_semaphore, #tpu.memory_space<semaphore_mem>>) src(%dma_wait3A_611 : memref<20000x128xf32, #tpu.memory_space<hbm>>) dst(%arg17 : memref<128x128xf32, #tpu.memory_space<vmem>>)
    %dma_start3A_612 = arith.constant 0 : i32
    %dma_start3A_613 = arith.constant 0 : i32
    %dma_start3A_614 = tpu.memref_slice %arg19[%dma_start3A_612, %dma_start3A_613] : memref<10240x128xf32, #tpu.memory_space<vmem_shared>> -> memref<10240x128xf32, #tpu.memory_space<vmem_shared>>
    tpu.enqueue_indirect_dma source(%arg17 : memref<128x128xf32, #tpu.memory_space<vmem>>) target(%dma_start3A_614 : memref<10240x128xf32, #tpu.memory_space<vmem_shared>>) offsets(%arg13 : memref<128xi32, #tpu.memory_space<vmem>>) semaphore(%arg24 : memref<!tpu.dma_semaphore, #tpu.memory_space<semaphore_mem>>) {add = true}
    %dma_wait3A_615 = arith.constant 0 : i32
    %dma_wait3A_616 = arith.constant 0 : i32
    %dma_wait3A_617 = tpu.memref_slice %arg2[%dma_wait3A_615, %dma_wait3A_616] : memref<20000x128xf32, #tpu.memory_space<hbm>> -> memref<20000x128xf32, #tpu.memory_space<hbm>>
    tpu.wait_indirect_dma semaphore(%arg23 : memref<!tpu.dma_semaphore, #tpu.memory_space<semaphore_mem>>) src(%dma_wait3A_617 : memref<20000x128xf32, #tpu.memory_space<hbm>>) dst(%arg18 : memref<128x128xf32, #tpu.memory_space<vmem>>)
    %dma_start3A_618 = arith.constant 0 : i32
    %dma_start3A_619 = arith.constant 0 : i32
    %dma_start3A_620 = tpu.memref_slice %arg19[%dma_start3A_618, %dma_start3A_619] : memref<10240x128xf32, #tpu.memory_space<vmem_shared>> -> memref<10240x128xf32, #tpu.memory_space<vmem_shared>>
    tpu.enqueue_indirect_dma source(%arg18 : memref<128x128xf32, #tpu.memory_space<vmem>>) target(%dma_start3A_620 : memref<10240x128xf32, #tpu.memory_space<vmem_shared>>) offsets(%arg14 : memref<128xi32, #tpu.memory_space<vmem>>) semaphore(%arg25 : memref<!tpu.dma_semaphore, #tpu.memory_space<semaphore_mem>>) {add = true}
    %dma_wait3A_621 = arith.constant 0 : i32
    %dma_wait3A_622 = arith.constant 0 : i32
    %dma_wait3A_623 = tpu.memref_slice %arg19[%dma_wait3A_621, %dma_wait3A_622] : memref<10240x128xf32, #tpu.memory_space<vmem_shared>> -> memref<10240x128xf32, #tpu.memory_space<vmem_shared>>
    tpu.wait_indirect_dma semaphore(%arg24 : memref<!tpu.dma_semaphore, #tpu.memory_space<semaphore_mem>>) src(%arg17 : memref<128x128xf32, #tpu.memory_space<vmem>>) dst(%dma_wait3A_623 : memref<10240x128xf32, #tpu.memory_space<vmem_shared>>)
    %dma_wait3A_624 = arith.constant 0 : i32
    %dma_wait3A_625 = arith.constant 0 : i32
    %dma_wait3A_626 = tpu.memref_slice %arg19[%dma_wait3A_624, %dma_wait3A_625] : memref<10240x128xf32, #tpu.memory_space<vmem_shared>> -> memref<10240x128xf32, #tpu.memory_space<vmem_shared>>
    tpu.wait_indirect_dma semaphore(%arg25 : memref<!tpu.dma_semaphore, #tpu.memory_space<semaphore_mem>>) src(%arg18 : memref<128x128xf32, #tpu.memory_space<vmem>>) dst(%dma_wait3A_626 : memref<10240x128xf32, #tpu.memory_space<vmem_shared>>)
    %add3A_627 = arith.constant 19968 : i32
    %add3A_628 = arith.addi %mul3A_13, %add3A_627 : i32
    "tpu.region"() ({
      %run_scoped3A = tpu.sem_alloc : memref<!tpu.dma_semaphore, #tpu.memory_space<semaphore_mem>>
      %dma_start3A_683 = tpu.memref_slice %arg3[%add3A_628] : memref<320000xi32, #tpu.memory_space<hbm>> -> memref<32xi32, #tpu.memory_space<hbm>>
      %dma_start3A_684 = tpu.memref_slice %arg3[%add3A_628] : memref<320000xi32, #tpu.memory_space<hbm>> -> memref<32xi32, #tpu.memory_space<hbm>>
      tpu.enqueue_dma source(%dma_start3A_684 : memref<32xi32, #tpu.memory_space<hbm>>) target(%arg15 : memref<32xi32, #tpu.memory_space<vmem>>) target_semaphore(%run_scoped3A : memref<!tpu.dma_semaphore, #tpu.memory_space<semaphore_mem>>)
      %dma_wait3A_685 = tpu.memref_slice %arg3[%add3A_628] : memref<320000xi32, #tpu.memory_space<hbm>> -> memref<32xi32, #tpu.memory_space<hbm>>
      %dma_wait3A_686 = tpu.memref_slice %arg3[%add3A_628] : memref<320000xi32, #tpu.memory_space<hbm>> -> memref<32xi32, #tpu.memory_space<hbm>>
      tpu.wait_dma2 semaphore(%run_scoped3A : memref<!tpu.dma_semaphore, #tpu.memory_space<semaphore_mem>>) src(%dma_wait3A_686 : memref<32xi32, #tpu.memory_space<hbm>>) dst(%arg15 : memref<32xi32, #tpu.memory_space<vmem>>)
      tpu.yield
    }) : () -> ()
    %get3A_629 = arith.constant 0 : index
    %get3A_630 = tpu.vector_load %arg15[%get3A_629] {strides = array<i32>} : memref<32xi32, #tpu.memory_space<vmem>>, vector<16xi32>,
    %get3A_631 = vector.shape_cast %get3A_630 : vector<16xi32> to vector<16xi32>
    %add3A_632 = vector.broadcast %mul3A_0 : i32 to vector<16xi32>
    %add3A_633 = arith.addi %get3A_631, %add3A_632 : vector<16xi32>
    %swap3A_634 = arith.constant 0 : index
    %swap3A_635 = tpu.vector_load %arg15[%swap3A_634] {strides = array<i32>} : memref<32xi32, #tpu.memory_space<vmem>>, vector<16xi32>,
    %swap3A_636 = vector.shape_cast %swap3A_635 : vector<16xi32> to vector<16xi32>
    %swap3A_637 = vector.shape_cast %add3A_633 : vector<16xi32> to vector<16xi32>
    tpu.vector_store %arg15[%swap3A_634], %swap3A_637 {strides = array<i32>} : memref<32xi32, #tpu.memory_space<vmem>>, vector<16xi32>,
    %get3A_638 = arith.constant 16 : index
    %get3A_639 = tpu.vector_load %arg15[%get3A_638] {strides = array<i32>} : memref<32xi32, #tpu.memory_space<vmem>>, vector<16xi32>,
    %get3A_640 = vector.shape_cast %get3A_639 : vector<16xi32> to vector<16xi32>
    %add3A_641 = vector.broadcast %mul3A_0 : i32 to vector<16xi32>
    %add3A_642 = arith.addi %get3A_640, %add3A_641 : vector<16xi32>
    %swap3A_643 = arith.constant 16 : index
    %swap3A_644 = tpu.vector_load %arg15[%swap3A_643] {strides = array<i32>} : memref<32xi32, #tpu.memory_space<vmem>>, vector<16xi32>,
    %swap3A_645 = vector.shape_cast %swap3A_644 : vector<16xi32> to vector<16xi32>
    %swap3A_646 = vector.shape_cast %add3A_642 : vector<16xi32> to vector<16xi32>
    tpu.vector_store %arg15[%swap3A_643], %swap3A_646 {strides = array<i32>} : memref<32xi32, #tpu.memory_space<vmem>>, vector<16xi32>,
    "tpu.region"() ({
      %run_scoped3A = tpu.sem_alloc : memref<!tpu.dma_semaphore, #tpu.memory_space<semaphore_mem>>
      %dma_start3A_683 = tpu.memref_slice %arg4[%add3A_628] : memref<320000xi32, #tpu.memory_space<hbm>> -> memref<32xi32, #tpu.memory_space<hbm>>
      %dma_start3A_684 = tpu.memref_slice %arg4[%add3A_628] : memref<320000xi32, #tpu.memory_space<hbm>> -> memref<32xi32, #tpu.memory_space<hbm>>
      tpu.enqueue_dma source(%dma_start3A_684 : memref<32xi32, #tpu.memory_space<hbm>>) target(%arg16 : memref<32xi32, #tpu.memory_space<vmem>>) target_semaphore(%run_scoped3A : memref<!tpu.dma_semaphore, #tpu.memory_space<semaphore_mem>>)
      %dma_wait3A_685 = tpu.memref_slice %arg4[%add3A_628] : memref<320000xi32, #tpu.memory_space<hbm>> -> memref<32xi32, #tpu.memory_space<hbm>>
      %dma_wait3A_686 = tpu.memref_slice %arg4[%add3A_628] : memref<320000xi32, #tpu.memory_space<hbm>> -> memref<32xi32, #tpu.memory_space<hbm>>
      tpu.wait_dma2 semaphore(%run_scoped3A : memref<!tpu.dma_semaphore, #tpu.memory_space<semaphore_mem>>) src(%dma_wait3A_686 : memref<32xi32, #tpu.memory_space<hbm>>) dst(%arg16 : memref<32xi32, #tpu.memory_space<vmem>>)
      tpu.yield
    }) : () -> ()
    %dma_start3A_647 = arith.constant 0 : i32
    %dma_start3A_648 = arith.constant 0 : i32
    %dma_start3A_649 = tpu.memref_slice %arg17[%dma_start3A_647, %dma_start3A_648] : memref<128x128xf32, #tpu.memory_space<vmem>> -> memref<32x128xf32, #tpu.memory_space<vmem>>
    %dma_start3A_650 = arith.constant 0 : i32
    %dma_start3A_651 = arith.constant 0 : i32
    %dma_start3A_652 = tpu.memref_slice %arg2[%dma_start3A_650, %dma_start3A_651] : memref<20000x128xf32, #tpu.memory_space<hbm>> -> memref<20000x128xf32, #tpu.memory_space<hbm>>
    tpu.enqueue_indirect_dma source(%dma_start3A_652 : memref<20000x128xf32, #tpu.memory_space<hbm>>) target(%dma_start3A_649 : memref<32x128xf32, #tpu.memory_space<vmem>>) offsets(%arg15 : memref<32xi32, #tpu.memory_space<vmem>>) semaphore(%arg22 : memref<!tpu.dma_semaphore, #tpu.memory_space<semaphore_mem>>)
    %dma_wait3A_653 = arith.constant 0 : i32
    %dma_wait3A_654 = arith.constant 0 : i32
    %dma_wait3A_655 = tpu.memref_slice %arg17[%dma_wait3A_653, %dma_wait3A_654] : memref<128x128xf32, #tpu.memory_space<vmem>> -> memref<32x128xf32, #tpu.memory_space<vmem>>
    %dma_wait3A_656 = arith.constant 0 : i32
    %dma_wait3A_657 = arith.constant 0 : i32
    %dma_wait3A_658 = tpu.memref_slice %arg2[%dma_wait3A_656, %dma_wait3A_657] : memref<20000x128xf32, #tpu.memory_space<hbm>> -> memref<20000x128xf32, #tpu.memory_space<hbm>>
    tpu.wait_indirect_dma semaphore(%arg22 : memref<!tpu.dma_semaphore, #tpu.memory_space<semaphore_mem>>) src(%dma_wait3A_658 : memref<20000x128xf32, #tpu.memory_space<hbm>>) dst(%dma_wait3A_655 : memref<32x128xf32, #tpu.memory_space<vmem>>)
    "tpu.region"() ({
      %run_scoped3A = tpu.sem_alloc : memref<!tpu.dma_semaphore, #tpu.memory_space<semaphore_mem>>
      %dma_start3A_683 = arith.constant 0 : i32
      %dma_start3A_684 = arith.constant 0 : i32
      %dma_start3A_685 = tpu.memref_slice %arg17[%dma_start3A_683, %dma_start3A_684] : memref<128x128xf32, #tpu.memory_space<vmem>> -> memref<32x128xf32, #tpu.memory_space<vmem>>
      %dma_start3A_686 = arith.constant 0 : i32
      %dma_start3A_687 = arith.constant 0 : i32
      %dma_start3A_688 = tpu.memref_slice %arg19[%dma_start3A_686, %dma_start3A_687] : memref<10240x128xf32, #tpu.memory_space<vmem_shared>> -> memref<10240x128xf32, #tpu.memory_space<vmem_shared>>
      tpu.enqueue_indirect_dma source(%dma_start3A_685 : memref<32x128xf32, #tpu.memory_space<vmem>>) target(%dma_start3A_688 : memref<10240x128xf32, #tpu.memory_space<vmem_shared>>) offsets(%arg16 : memref<32xi32, #tpu.memory_space<vmem>>) semaphore(%run_scoped3A : memref<!tpu.dma_semaphore, #tpu.memory_space<semaphore_mem>>) {add = true}
      %dma_wait3A_689 = arith.constant 0 : i32
      %dma_wait3A_690 = arith.constant 0 : i32
      %dma_wait3A_691 = tpu.memref_slice %arg17[%dma_wait3A_689, %dma_wait3A_690] : memref<128x128xf32, #tpu.memory_space<vmem>> -> memref<32x128xf32, #tpu.memory_space<vmem>>
      %dma_wait3A_692 = arith.constant 0 : i32
      %dma_wait3A_693 = arith.constant 0 : i32
      %dma_wait3A_694 = tpu.memref_slice %arg19[%dma_wait3A_692, %dma_wait3A_693] : memref<10240x128xf32, #tpu.memory_space<vmem_shared>> -> memref<10240x128xf32, #tpu.memory_space<vmem_shared>>
      tpu.wait_indirect_dma semaphore(%run_scoped3A : memref<!tpu.dma_semaphore, #tpu.memory_space<semaphore_mem>>) src(%dma_wait3A_691 : memref<32x128xf32, #tpu.memory_space<vmem>>) dst(%dma_wait3A_694 : memref<10240x128xf32, #tpu.memory_space<vmem_shared>>)
      tpu.yield
    }) : () -> ()
    %barrier3A_659 = arith.constant 0 : index
    tpu.barrier barrier_id(%barrier3A_659)
    %mul3A_660 = arith.constant 10240 : i32
    %mul3A_661 = arith.muli %arg0, %mul3A_660 : i32
    %add3A_662 = arith.addi %mul3A_661, %mul3A_2 : i32
    %add3A_663 = arith.constant 0 : i32
    %add3A_664 = arith.addi %mul3A_2, %add3A_663 : i32
    "tpu.region"() ({
      %run_scoped3A = tpu.sem_alloc : memref<!tpu.dma_semaphore, #tpu.memory_space<semaphore_mem>>
      %dma_start3A_683 = arith.constant 0 : i32
      %dma_start3A_684 = tpu.memref_slice %arg19[%add3A_664, %dma_start3A_683] : memref<10240x128xf32, #tpu.memory_space<vmem_shared>> -> memref<128x128xf32, #tpu.memory_space<vmem_shared>>
      %dma_start3A_685 = arith.constant 0 : i32
      %dma_start3A_686 = tpu.memref_slice %arg19[%add3A_664, %dma_start3A_685] : memref<10240x128xf32, #tpu.memory_space<vmem_shared>> -> memref<128x128xf32, #tpu.memory_space<vmem_shared>>
      tpu.enqueue_dma source(%dma_start3A_686 : memref<128x128xf32, #tpu.memory_space<vmem_shared>>) target(%arg17 : memref<128x128xf32, #tpu.memory_space<vmem>>) target_semaphore(%run_scoped3A : memref<!tpu.dma_semaphore, #tpu.memory_space<semaphore_mem>>)
      %dma_wait3A_687 = arith.constant 0 : i32
      %dma_wait3A_688 = tpu.memref_slice %arg19[%add3A_664, %dma_wait3A_687] : memref<10240x128xf32, #tpu.memory_space<vmem_shared>> -> memref<128x128xf32, #tpu.memory_space<vmem_shared>>
      %dma_wait3A_689 = arith.constant 0 : i32
      %dma_wait3A_690 = tpu.memref_slice %arg19[%add3A_664, %dma_wait3A_689] : memref<10240x128xf32, #tpu.memory_space<vmem_shared>> -> memref<128x128xf32, #tpu.memory_space<vmem_shared>>
      tpu.wait_dma2 semaphore(%run_scoped3A : memref<!tpu.dma_semaphore, #tpu.memory_space<semaphore_mem>>) src(%dma_wait3A_690 : memref<128x128xf32, #tpu.memory_space<vmem_shared>>) dst(%arg17 : memref<128x128xf32, #tpu.memory_space<vmem>>)
      tpu.yield
    }) : () -> ()
    %add3A_665 = arith.constant 0 : i32
    %add3A_666 = arith.addi %add3A_662, %add3A_665 : i32
    "tpu.region"() ({
      %run_scoped3A = tpu.sem_alloc : memref<!tpu.dma_semaphore, #tpu.memory_space<semaphore_mem>>
      %dma_start3A_683 = arith.constant 0 : i32
      %dma_start3A_684 = tpu.memref_slice %arg6[%add3A_666, %dma_start3A_683] : memref<20480x128xf32, #tpu.memory_space<hbm>> -> memref<128x128xf32, #tpu.memory_space<hbm>>
      %dma_start3A_685 = arith.constant 0 : i32
      %dma_start3A_686 = tpu.memref_slice %arg6[%add3A_666, %dma_start3A_685] : memref<20480x128xf32, #tpu.memory_space<hbm>> -> memref<128x128xf32, #tpu.memory_space<hbm>>
      tpu.enqueue_dma source(%arg17 : memref<128x128xf32, #tpu.memory_space<vmem>>) target(%dma_start3A_686 : memref<128x128xf32, #tpu.memory_space<hbm>>) target_semaphore(%run_scoped3A : memref<!tpu.dma_semaphore, #tpu.memory_space<semaphore_mem>>)
      %dma_wait3A_687 = arith.constant 0 : i32
      %dma_wait3A_688 = tpu.memref_slice %arg6[%add3A_666, %dma_wait3A_687] : memref<20480x128xf32, #tpu.memory_space<hbm>> -> memref<128x128xf32, #tpu.memory_space<hbm>>
      %dma_wait3A_689 = arith.constant 0 : i32
      %dma_wait3A_690 = tpu.memref_slice %arg6[%add3A_666, %dma_wait3A_689] : memref<20480x128xf32, #tpu.memory_space<hbm>> -> memref<128x128xf32, #tpu.memory_space<hbm>>
      tpu.wait_dma2 semaphore(%run_scoped3A : memref<!tpu.dma_semaphore, #tpu.memory_space<semaphore_mem>>) src(%arg17 : memref<128x128xf32, #tpu.memory_space<vmem>>) dst(%dma_wait3A_690 : memref<128x128xf32, #tpu.memory_space<hbm>>)
      tpu.yield
    }) : () -> ()
    %add3A_667 = arith.constant 128 : i32
    %add3A_668 = arith.addi %mul3A_2, %add3A_667 : i32
    "tpu.region"() ({
      %run_scoped3A = tpu.sem_alloc : memref<!tpu.dma_semaphore, #tpu.memory_space<semaphore_mem>>
      %dma_start3A_683 = arith.constant 0 : i32
      %dma_start3A_684 = tpu.memref_slice %arg19[%add3A_668, %dma_start3A_683] : memref<10240x128xf32, #tpu.memory_space<vmem_shared>> -> memref<128x128xf32, #tpu.memory_space<vmem_shared>>
      %dma_start3A_685 = arith.constant 0 : i32
      %dma_start3A_686 = tpu.memref_slice %arg19[%add3A_668, %dma_start3A_685] : memref<10240x128xf32, #tpu.memory_space<vmem_shared>> -> memref<128x128xf32, #tpu.memory_space<vmem_shared>>
      tpu.enqueue_dma source(%dma_start3A_686 : memref<128x128xf32, #tpu.memory_space<vmem_shared>>) target(%arg17 : memref<128x128xf32, #tpu.memory_space<vmem>>) target_semaphore(%run_scoped3A : memref<!tpu.dma_semaphore, #tpu.memory_space<semaphore_mem>>)
      %dma_wait3A_687 = arith.constant 0 : i32
      %dma_wait3A_688 = tpu.memref_slice %arg19[%add3A_668, %dma_wait3A_687] : memref<10240x128xf32, #tpu.memory_space<vmem_shared>> -> memref<128x128xf32, #tpu.memory_space<vmem_shared>>
      %dma_wait3A_689 = arith.constant 0 : i32
      %dma_wait3A_690 = tpu.memref_slice %arg19[%add3A_668, %dma_wait3A_689] : memref<10240x128xf32, #tpu.memory_space<vmem_shared>> -> memref<128x128xf32, #tpu.memory_space<vmem_shared>>
      tpu.wait_dma2 semaphore(%run_scoped3A : memref<!tpu.dma_semaphore, #tpu.memory_space<semaphore_mem>>) src(%dma_wait3A_690 : memref<128x128xf32, #tpu.memory_space<vmem_shared>>) dst(%arg17 : memref<128x128xf32, #tpu.memory_space<vmem>>)
      tpu.yield
    }) : () -> ()
    %add3A_669 = arith.constant 128 : i32
    %add3A_670 = arith.addi %add3A_662, %add3A_669 : i32
    "tpu.region"() ({
      %run_scoped3A = tpu.sem_alloc : memref<!tpu.dma_semaphore, #tpu.memory_space<semaphore_mem>>
      %dma_start3A_683 = arith.constant 0 : i32
      %dma_start3A_684 = tpu.memref_slice %arg6[%add3A_670, %dma_start3A_683] : memref<20480x128xf32, #tpu.memory_space<hbm>> -> memref<128x128xf32, #tpu.memory_space<hbm>>
      %dma_start3A_685 = arith.constant 0 : i32
      %dma_start3A_686 = tpu.memref_slice %arg6[%add3A_670, %dma_start3A_685] : memref<20480x128xf32, #tpu.memory_space<hbm>> -> memref<128x128xf32, #tpu.memory_space<hbm>>
      tpu.enqueue_dma source(%arg17 : memref<128x128xf32, #tpu.memory_space<vmem>>) target(%dma_start3A_686 : memref<128x128xf32, #tpu.memory_space<hbm>>) target_semaphore(%run_scoped3A : memref<!tpu.dma_semaphore, #tpu.memory_space<semaphore_mem>>)
      %dma_wait3A_687 = arith.constant 0 : i32
      %dma_wait3A_688 = tpu.memref_slice %arg6[%add3A_670, %dma_wait3A_687] : memref<20480x128xf32, #tpu.memory_space<hbm>> -> memref<128x128xf32, #tpu.memory_space<hbm>>
      %dma_wait3A_689 = arith.constant 0 : i32
      %dma_wait3A_690 = tpu.memref_slice %arg6[%add3A_670, %dma_wait3A_689] : memref<20480x128xf32, #tpu.memory_space<hbm>> -> memref<128x128xf32, #tpu.memory_space<hbm>>
      tpu.wait_dma2 semaphore(%run_scoped3A : memref<!tpu.dma_semaphore, #tpu.memory_space<semaphore_mem>>) src(%arg17 : memref<128x128xf32, #tpu.memory_space<vmem>>) dst(%dma_wait3A_690 : memref<128x128xf32, #tpu.memory_space<hbm>>)
      tpu.yield
    }) : () -> ()
    %add3A_671 = arith.constant 256 : i32
    %add3A_672 = arith.addi %mul3A_2, %add3A_671 : i32
    "tpu.region"() ({
      %run_scoped3A = tpu.sem_alloc : memref<!tpu.dma_semaphore, #tpu.memory_space<semaphore_mem>>
      %dma_start3A_683 = arith.constant 0 : i32
      %dma_start3A_684 = tpu.memref_slice %arg19[%add3A_672, %dma_start3A_683] : memref<10240x128xf32, #tpu.memory_space<vmem_shared>> -> memref<128x128xf32, #tpu.memory_space<vmem_shared>>
      %dma_start3A_685 = arith.constant 0 : i32
      %dma_start3A_686 = tpu.memref_slice %arg19[%add3A_672, %dma_start3A_685] : memref<10240x128xf32, #tpu.memory_space<vmem_shared>> -> memref<128x128xf32, #tpu.memory_space<vmem_shared>>
      tpu.enqueue_dma source(%dma_start3A_686 : memref<128x128xf32, #tpu.memory_space<vmem_shared>>) target(%arg17 : memref<128x128xf32, #tpu.memory_space<vmem>>) target_semaphore(%run_scoped3A : memref<!tpu.dma_semaphore, #tpu.memory_space<semaphore_mem>>)
      %dma_wait3A_687 = arith.constant 0 : i32
      %dma_wait3A_688 = tpu.memref_slice %arg19[%add3A_672, %dma_wait3A_687] : memref<10240x128xf32, #tpu.memory_space<vmem_shared>> -> memref<128x128xf32, #tpu.memory_space<vmem_shared>>
      %dma_wait3A_689 = arith.constant 0 : i32
      %dma_wait3A_690 = tpu.memref_slice %arg19[%add3A_672, %dma_wait3A_689] : memref<10240x128xf32, #tpu.memory_space<vmem_shared>> -> memref<128x128xf32, #tpu.memory_space<vmem_shared>>
      tpu.wait_dma2 semaphore(%run_scoped3A : memref<!tpu.dma_semaphore, #tpu.memory_space<semaphore_mem>>) src(%dma_wait3A_690 : memref<128x128xf32, #tpu.memory_space<vmem_shared>>) dst(%arg17 : memref<128x128xf32, #tpu.memory_space<vmem>>)
      tpu.yield
    }) : () -> ()
    %add3A_673 = arith.constant 256 : i32
    %add3A_674 = arith.addi %add3A_662, %add3A_673 : i32
    "tpu.region"() ({
      %run_scoped3A = tpu.sem_alloc : memref<!tpu.dma_semaphore, #tpu.memory_space<semaphore_mem>>
      %dma_start3A_683 = arith.constant 0 : i32
      %dma_start3A_684 = tpu.memref_slice %arg6[%add3A_674, %dma_start3A_683] : memref<20480x128xf32, #tpu.memory_space<hbm>> -> memref<128x128xf32, #tpu.memory_space<hbm>>
      %dma_start3A_685 = arith.constant 0 : i32
      %dma_start3A_686 = tpu.memref_slice %arg6[%add3A_674, %dma_start3A_685] : memref<20480x128xf32, #tpu.memory_space<hbm>> -> memref<128x128xf32, #tpu.memory_space<hbm>>
      tpu.enqueue_dma source(%arg17 : memref<128x128xf32, #tpu.memory_space<vmem>>) target(%dma_start3A_686 : memref<128x128xf32, #tpu.memory_space<hbm>>) target_semaphore(%run_scoped3A : memref<!tpu.dma_semaphore, #tpu.memory_space<semaphore_mem>>)
      %dma_wait3A_687 = arith.constant 0 : i32
      %dma_wait3A_688 = tpu.memref_slice %arg6[%add3A_674, %dma_wait3A_687] : memref<20480x128xf32, #tpu.memory_space<hbm>> -> memref<128x128xf32, #tpu.memory_space<hbm>>
      %dma_wait3A_689 = arith.constant 0 : i32
      %dma_wait3A_690 = tpu.memref_slice %arg6[%add3A_674, %dma_wait3A_689] : memref<20480x128xf32, #tpu.memory_space<hbm>> -> memref<128x128xf32, #tpu.memory_space<hbm>>
      tpu.wait_dma2 semaphore(%run_scoped3A : memref<!tpu.dma_semaphore, #tpu.memory_space<semaphore_mem>>) src(%arg17 : memref<128x128xf32, #tpu.memory_space<vmem>>) dst(%dma_wait3A_690 : memref<128x128xf32, #tpu.memory_space<hbm>>)
      tpu.yield
    }) : () -> ()
    %add3A_675 = arith.constant 384 : i32
    %add3A_676 = arith.addi %mul3A_2, %add3A_675 : i32
    "tpu.region"() ({
      %run_scoped3A = tpu.sem_alloc : memref<!tpu.dma_semaphore, #tpu.memory_space<semaphore_mem>>
      %dma_start3A_683 = arith.constant 0 : i32
      %dma_start3A_684 = tpu.memref_slice %arg19[%add3A_676, %dma_start3A_683] : memref<10240x128xf32, #tpu.memory_space<vmem_shared>> -> memref<128x128xf32, #tpu.memory_space<vmem_shared>>
      %dma_start3A_685 = arith.constant 0 : i32
      %dma_start3A_686 = tpu.memref_slice %arg19[%add3A_676, %dma_start3A_685] : memref<10240x128xf32, #tpu.memory_space<vmem_shared>> -> memref<128x128xf32, #tpu.memory_space<vmem_shared>>
      tpu.enqueue_dma source(%dma_start3A_686 : memref<128x128xf32, #tpu.memory_space<vmem_shared>>) target(%arg17 : memref<128x128xf32, #tpu.memory_space<vmem>>) target_semaphore(%run_scoped3A : memref<!tpu.dma_semaphore, #tpu.memory_space<semaphore_mem>>)
      %dma_wait3A_687 = arith.constant 0 : i32
      %dma_wait3A_688 = tpu.memref_slice %arg19[%add3A_676, %dma_wait3A_687] : memref<10240x128xf32, #tpu.memory_space<vmem_shared>> -> memref<128x128xf32, #tpu.memory_space<vmem_shared>>
      %dma_wait3A_689 = arith.constant 0 : i32
      %dma_wait3A_690 = tpu.memref_slice %arg19[%add3A_676, %dma_wait3A_689] : memref<10240x128xf32, #tpu.memory_space<vmem_shared>> -> memref<128x128xf32, #tpu.memory_space<vmem_shared>>
      tpu.wait_dma2 semaphore(%run_scoped3A : memref<!tpu.dma_semaphore, #tpu.memory_space<semaphore_mem>>) src(%dma_wait3A_690 : memref<128x128xf32, #tpu.memory_space<vmem_shared>>) dst(%arg17 : memref<128x128xf32, #tpu.memory_space<vmem>>)
      tpu.yield
    }) : () -> ()
    %add3A_677 = arith.constant 384 : i32
    %add3A_678 = arith.addi %add3A_662, %add3A_677 : i32
    "tpu.region"() ({
      %run_scoped3A = tpu.sem_alloc : memref<!tpu.dma_semaphore, #tpu.memory_space<semaphore_mem>>
      %dma_start3A_683 = arith.constant 0 : i32
      %dma_start3A_684 = tpu.memref_slice %arg6[%add3A_678, %dma_start3A_683] : memref<20480x128xf32, #tpu.memory_space<hbm>> -> memref<128x128xf32, #tpu.memory_space<hbm>>
      %dma_start3A_685 = arith.constant 0 : i32
      %dma_start3A_686 = tpu.memref_slice %arg6[%add3A_678, %dma_start3A_685] : memref<20480x128xf32, #tpu.memory_space<hbm>> -> memref<128x128xf32, #tpu.memory_space<hbm>>
      tpu.enqueue_dma source(%arg17 : memref<128x128xf32, #tpu.memory_space<vmem>>) target(%dma_start3A_686 : memref<128x128xf32, #tpu.memory_space<hbm>>) target_semaphore(%run_scoped3A : memref<!tpu.dma_semaphore, #tpu.memory_space<semaphore_mem>>)
      %dma_wait3A_687 = arith.constant 0 : i32
      %dma_wait3A_688 = tpu.memref_slice %arg6[%add3A_678, %dma_wait3A_687] : memref<20480x128xf32, #tpu.memory_space<hbm>> -> memref<128x128xf32, #tpu.memory_space<hbm>>
      %dma_wait3A_689 = arith.constant 0 : i32
      %dma_wait3A_690 = tpu.memref_slice %arg6[%add3A_678, %dma_wait3A_689] : memref<20480x128xf32, #tpu.memory_space<hbm>> -> memref<128x128xf32, #tpu.memory_space<hbm>>
      tpu.wait_dma2 semaphore(%run_scoped3A : memref<!tpu.dma_semaphore, #tpu.memory_space<semaphore_mem>>) src(%arg17 : memref<128x128xf32, #tpu.memory_space<vmem>>) dst(%dma_wait3A_690 : memref<128x128xf32, #tpu.memory_space<hbm>>)
      tpu.yield
    }) : () -> ()
    %add3A_679 = arith.constant 512 : i32
    %add3A_680 = arith.addi %mul3A_2, %add3A_679 : i32
    "tpu.region"() ({
      %run_scoped3A = tpu.sem_alloc : memref<!tpu.dma_semaphore, #tpu.memory_space<semaphore_mem>>
      %dma_start3A_683 = arith.constant 0 : i32
      %dma_start3A_684 = tpu.memref_slice %arg19[%add3A_680, %dma_start3A_683] : memref<10240x128xf32, #tpu.memory_space<vmem_shared>> -> memref<128x128xf32, #tpu.memory_space<vmem_shared>>
      %dma_start3A_685 = arith.constant 0 : i32
      %dma_start3A_686 = tpu.memref_slice %arg19[%add3A_680, %dma_start3A_685] : memref<10240x128xf32, #tpu.memory_space<vmem_shared>> -> memref<128x128xf32, #tpu.memory_space<vmem_shared>>
      tpu.enqueue_dma source(%dma_start3A_686 : memref<128x128xf32, #tpu.memory_space<vmem_shared>>) target(%arg17 : memref<128x128xf32, #tpu.memory_space<vmem>>) target_semaphore(%run_scoped3A : memref<!tpu.dma_semaphore, #tpu.memory_space<semaphore_mem>>)
      %dma_wait3A_687 = arith.constant 0 : i32
      %dma_wait3A_688 = tpu.memref_slice %arg19[%add3A_680, %dma_wait3A_687] : memref<10240x128xf32, #tpu.memory_space<vmem_shared>> -> memref<128x128xf32, #tpu.memory_space<vmem_shared>>
      %dma_wait3A_689 = arith.constant 0 : i32
      %dma_wait3A_690 = tpu.memref_slice %arg19[%add3A_680, %dma_wait3A_689] : memref<10240x128xf32, #tpu.memory_space<vmem_shared>> -> memref<128x128xf32, #tpu.memory_space<vmem_shared>>
      tpu.wait_dma2 semaphore(%run_scoped3A : memref<!tpu.dma_semaphore, #tpu.memory_space<semaphore_mem>>) src(%dma_wait3A_690 : memref<128x128xf32, #tpu.memory_space<vmem_shared>>) dst(%arg17 : memref<128x128xf32, #tpu.memory_space<vmem>>)
      tpu.yield
    }) : () -> ()
    %add3A_681 = arith.constant 512 : i32
    %add3A_682 = arith.addi %add3A_662, %add3A_681 : i32
    "tpu.region"() ({
      %run_scoped3A = tpu.sem_alloc : memref<!tpu.dma_semaphore, #tpu.memory_space<semaphore_mem>>
      %dma_start3A_683 = arith.constant 0 : i32
      %dma_start3A_684 = tpu.memref_slice %arg6[%add3A_682, %dma_start3A_683] : memref<20480x128xf32, #tpu.memory_space<hbm>> -> memref<128x128xf32, #tpu.memory_space<hbm>>
      %dma_start3A_685 = arith.constant 0 : i32
      %dma_start3A_686 = tpu.memref_slice %arg6[%add3A_682, %dma_start3A_685] : memref<20480x128xf32, #tpu.memory_space<hbm>> -> memref<128x128xf32, #tpu.memory_space<hbm>>
      tpu.enqueue_dma source(%arg17 : memref<128x128xf32, #tpu.memory_space<vmem>>) target(%dma_start3A_686 : memref<128x128xf32, #tpu.memory_space<hbm>>) target_semaphore(%run_scoped3A : memref<!tpu.dma_semaphore, #tpu.memory_space<semaphore_mem>>)
      %dma_wait3A_687 = arith.constant 0 : i32
      %dma_wait3A_688 = tpu.memref_slice %arg6[%add3A_682, %dma_wait3A_687] : memref<20480x128xf32, #tpu.memory_space<hbm>> -> memref<128x128xf32, #tpu.memory_space<hbm>>
      %dma_wait3A_689 = arith.constant 0 : i32
      %dma_wait3A_690 = tpu.memref_slice %arg6[%add3A_682, %dma_wait3A_689] : memref<20480x128xf32, #tpu.memory_space<hbm>> -> memref<128x128xf32, #tpu.memory_space<hbm>>
      tpu.wait_dma2 semaphore(%run_scoped3A : memref<!tpu.dma_semaphore, #tpu.memory_space<semaphore_mem>>) src(%arg17 : memref<128x128xf32, #tpu.memory_space<vmem>>) dst(%dma_wait3A_690 : memref<128x128xf32, #tpu.memory_space<hbm>>)
      tpu.yield
    }) : () -> ()
    return
  }
}

module attributes {stable_mosaic.version = 14 : i64} {
  func.func @body(%arg0: i32, %arg1: memref<1000x256xf32, #tpu.memory_space<vmem>>, %arg2: memref<2x1000x128xf32, #tpu.memory_space<vmem>>, %arg3: memref<2x1000x128xf32, #tpu.memory_space<vmem>>) attributes {dimension_semantics = [#tpu.dimension_semantics<arbitrary>], iteration_bounds = array<i64: 10>, scalar_prefetch = 0 : i64, scratch_operands = 0 : i64, tpu.core_type = #tpu.core_type<tc>, window_params = [{transform_indices = @transform_0, window_bounds = array<i64: 1000, 256>}, {transform_indices = @transform_1, window_bounds = array<i64: 2, 1000, 128>}, {transform_indices = @transform_2, window_bounds = array<i64: 2, 1000, 128>}]} {
    %get3A = arith.constant 0 : index
    %get3A_0 = arith.constant 0 : index
    %get3A_1 = arith.constant 0 : index
    %get3A_2 = vector.load %arg2[%get3A, %get3A_0, %get3A_1] : memref<2x1000x128xf32, #tpu.memory_space<vmem>>, vector<1x1000x1xf32>
    %get3A_3 = vector.shape_cast %get3A_2 : vector<1x1000x1xf32> to vector<1000x1xf32>
    %get3A_4 = arith.constant 1 : index
    %get3A_5 = arith.constant 0 : index
    %get3A_6 = arith.constant 0 : index
    %get3A_7 = vector.load %arg2[%get3A_4, %get3A_5, %get3A_6] : memref<2x1000x128xf32, #tpu.memory_space<vmem>>, vector<1x1000x1xf32>
    %get3A_8 = vector.shape_cast %get3A_7 : vector<1x1000x1xf32> to vector<1000x1xf32>
    %add3A = arith.addf %get3A_3, %get3A_8 : vector<1000x1xf32>
    %add3A_9 = arith.constant 1.000000e+00 : f32
    %add3A_10 = vector.broadcast %add3A_9 : f32 to vector<1000x1xf32>
    %add3A_11 = arith.addf %add3A, %add3A_10 : vector<1000x1xf32>
    %rsqrt3A = math.rsqrt %add3A_11 : vector<1000x1xf32>
    %get3A_12 = arith.constant 0 : index
    %get3A_13 = arith.constant 0 : index
    %get3A_14 = vector.load %arg1[%get3A_12, %get3A_13] : memref<1000x256xf32, #tpu.memory_space<vmem>>, vector<1000x256xf32>
    %mul3A = vector.broadcast %rsqrt3A : vector<1000x1xf32> to vector<1000x256xf32>
    %mul3A_15 = arith.mulf %get3A_14, %mul3A : vector<1000x256xf32>
    %slice3A = vector.extract_strided_slice %mul3A_15 {offsets = [0, 0], sizes = [1000, 128], strides = [1, 1]} : vector<1000x256xf32> to vector<1000x128xf32>
    %swap3A = arith.constant 0 : index
    %swap3A_16 = arith.constant 0 : index
    %swap3A_17 = arith.constant 0 : index
    %swap3A_18 = vector.load %arg3[%swap3A, %swap3A_16, %swap3A_17] : memref<2x1000x128xf32, #tpu.memory_space<vmem>>, vector<1x1000x128xf32>
    %swap3A_19 = vector.shape_cast %swap3A_18 : vector<1x1000x128xf32> to vector<1000x128xf32>
    %swap3A_20 = vector.shape_cast %slice3A : vector<1000x128xf32> to vector<1x1000x128xf32>
    tpu.vector_store %arg3[%swap3A, %swap3A_16, %swap3A_17], %swap3A_20 {strides = array<i32>} : memref<2x1000x128xf32, #tpu.memory_space<vmem>>, vector<1x1000x128xf32>,
    %slice3A_21 = vector.extract_strided_slice %mul3A_15 {offsets = [0, 128], sizes = [1000, 128], strides = [1, 1]} : vector<1000x256xf32> to vector<1000x128xf32>
    %swap3A_22 = arith.constant 1 : index
    %swap3A_23 = arith.constant 0 : index
    %swap3A_24 = arith.constant 0 : index
    %swap3A_25 = vector.load %arg3[%swap3A_22, %swap3A_23, %swap3A_24] : memref<2x1000x128xf32, #tpu.memory_space<vmem>>, vector<1x1000x128xf32>
    %swap3A_26 = vector.shape_cast %swap3A_25 : vector<1x1000x128xf32> to vector<1000x128xf32>
    %swap3A_27 = vector.shape_cast %slice3A_21 : vector<1000x128xf32> to vector<1x1000x128xf32>
    tpu.vector_store %arg3[%swap3A_22, %swap3A_23, %swap3A_24], %swap3A_27 {strides = array<i32>} : memref<2x1000x128xf32, #tpu.memory_space<vmem>>, vector<1x1000x128xf32>,
    return
  }
  func.func @transform_0(%arg0: i32) -> (i32, i32) {
    %c0_i32 = arith.constant 0 : i32
    %c0_i32_0 = arith.constant 0 : i32
    return %arg0, %c0_i32 : i32, i32
  }
  func.func @transform_1(%arg0: i32) -> (i32, i32, i32) {
    %c0_i32 = arith.constant 0 : i32
    %c0_i32_0 = arith.constant 0 : i32
    %c0_i32_1 = arith.constant 0 : i32
    return %c0_i32, %arg0, %c0_i32_0 : i32, i32, i32
  }
  func.func @transform_2(%arg0: i32) -> (i32, i32, i32) {
    %c0_i32 = arith.constant 0 : i32
    %c0_i32_0 = arith.constant 0 : i32
    %c0_i32_1 = arith.constant 0 : i32
    return %c0_i32, %arg0, %c0_i32_0 : i32, i32, i32
  }
}

module attributes {stable_mosaic.version = 14 : i64} {
  func.func @body(%arg0: i32, %arg1: memref<1000x128xf32, #tpu.memory_space<vmem>>, %arg2: memref<128x256xf32, #tpu.memory_space<vmem>>, %arg3: memref<128x256xf32, #tpu.memory_space<vmem>>, %arg4: memref<1x256xf32, #tpu.memory_space<vmem>>, %arg5: memref<1000x256xf32, #tpu.memory_space<vmem>>, %arg6: memref<1000x256xf32, #tpu.memory_space<vmem>>) attributes {dimension_semantics = [#tpu.dimension_semantics<arbitrary>], iteration_bounds = array<i64: 10>, scalar_prefetch = 0 : i64, scratch_operands = 0 : i64, tpu.core_type = #tpu.core_type<tc>, window_params = [{transform_indices = @transform_0, window_bounds = array<i64: 1000, 128>}, {pipeline_mode = #tpu.pipeline_mode<synchronous>, transform_indices = @transform_1, window_bounds = array<i64: 128, 256>}, {pipeline_mode = #tpu.pipeline_mode<synchronous>, transform_indices = @transform_2, window_bounds = array<i64: 128, 256>}, {pipeline_mode = #tpu.pipeline_mode<synchronous>, transform_indices = @transform_3, window_bounds = array<i64: 1, 256>}, {transform_indices = @transform_4, window_bounds = array<i64: 1000, 256>}, {transform_indices = @transform_5, window_bounds = array<i64: 1000, 256>}]} {
    %get3A = arith.constant 0 : index
    %get3A_0 = arith.constant 0 : index
    %get3A_1 = vector.load %arg1[%get3A, %get3A_0] : memref<1000x128xf32, #tpu.memory_space<vmem>>, vector<1000x128xf32>
    %get3A_2 = arith.constant 0 : index
    %get3A_3 = arith.constant 0 : index
    %get3A_4 = vector.load %arg2[%get3A_2, %get3A_3] : memref<128x256xf32, #tpu.memory_space<vmem>>, vector<128x256xf32>
    %dot_general3A = arith.constant dense<0.000000e+00> : vector<1000x256xf32>
    %dot_general3A_5 = tpu.matmul %get3A_1, %get3A_4, %dot_general3A {dimension_numbers = #tpu.dot_dimension_numbers<[1], [0], [0], [1], [0, 0, 1, 1], [], []>, transpose_lhs_hint = false} : vector<1000x128xf32>, vector<128x256xf32>, vector<1000x256xf32> -> vector<1000x256xf32>
    %swap3A = arith.constant 0 : index
    %swap3A_6 = arith.constant 0 : index
    %swap3A_7 = vector.load %arg5[%swap3A, %swap3A_6] : memref<1000x256xf32, #tpu.memory_space<vmem>>, vector<1000x256xf32>
    tpu.vector_store %arg5[%swap3A, %swap3A_6], %dot_general3A_5 {strides = array<i32>} : memref<1000x256xf32, #tpu.memory_space<vmem>>, vector<1000x256xf32>,
    %get3A_8 = arith.constant 0 : index
    %get3A_9 = arith.constant 0 : index
    %get3A_10 = vector.load %arg3[%get3A_8, %get3A_9] : memref<128x256xf32, #tpu.memory_space<vmem>>, vector<128x256xf32>
    %dot_general3A_11 = arith.constant dense<0.000000e+00> : vector<1000x256xf32>
    %dot_general3A_12 = tpu.matmul %get3A_1, %get3A_10, %dot_general3A_11 {dimension_numbers = #tpu.dot_dimension_numbers<[1], [0], [0], [1], [0, 0, 1, 1], [], []>, transpose_lhs_hint = false} : vector<1000x128xf32>, vector<128x256xf32>, vector<1000x256xf32> -> vector<1000x256xf32>
    %get3A_13 = arith.constant 0 : index
    %get3A_14 = arith.constant 0 : index
    %get3A_15 = vector.load %arg4[%get3A_13, %get3A_14] : memref<1x256xf32, #tpu.memory_space<vmem>>, vector<1x256xf32>
    %add3A = vector.broadcast %get3A_15 : vector<1x256xf32> to vector<1000x256xf32>
    %add3A_16 = arith.addf %dot_general3A_12, %add3A : vector<1000x256xf32>
    %swap3A_17 = arith.constant 0 : index
    %swap3A_18 = arith.constant 0 : index
    %swap3A_19 = vector.load %arg6[%swap3A_17, %swap3A_18] : memref<1000x256xf32, #tpu.memory_space<vmem>>, vector<1000x256xf32>
    tpu.vector_store %arg6[%swap3A_17, %swap3A_18], %add3A_16 {strides = array<i32>} : memref<1000x256xf32, #tpu.memory_space<vmem>>, vector<1000x256xf32>,
    return
  }
  func.func @transform_0(%arg0: i32) -> (i32, i32) {
    %c0_i32 = arith.constant 0 : i32
    %c0_i32_0 = arith.constant 0 : i32
    return %arg0, %c0_i32 : i32, i32
  }
  func.func @transform_1(%arg0: i32) -> (i32, i32) {
    %c0_i32 = arith.constant 0 : i32
    %c0_i32_0 = arith.constant 0 : i32
    %c0_i32_1 = arith.constant 0 : i32
    return %c0_i32, %c0_i32_0 : i32, i32
  }
  func.func @transform_2(%arg0: i32) -> (i32, i32) {
    %c0_i32 = arith.constant 0 : i32
    %c0_i32_0 = arith.constant 0 : i32
    %c0_i32_1 = arith.constant 0 : i32
    return %c0_i32, %c0_i32_0 : i32, i32
  }
  func.func @transform_3(%arg0: i32) -> (i32, i32) {
    %c0_i32 = arith.constant 0 : i32
    %c0_i32_0 = arith.constant 0 : i32
    %c0_i32_1 = arith.constant 0 : i32
    return %c0_i32, %c0_i32_0 : i32, i32
  }
  func.func @transform_4(%arg0: i32) -> (i32, i32) {
    %c0_i32 = arith.constant 0 : i32
    %c0_i32_0 = arith.constant 0 : i32
    return %arg0, %c0_i32 : i32, i32
  }
  func.func @transform_5(%arg0: i32) -> (i32, i32) {
    %c0_i32 = arith.constant 0 : i32
    %c0_i32_0 = arith.constant 0 : i32
    return %arg0, %c0_i32 : i32, i32
  }
}

module attributes {stable_mosaic.version = 14 : i64} {
  func.func @body(%arg0: i32, %arg1: i32, %arg2: memref<2x1000x128xf32, #tpu.memory_space<vmem>>, %arg3: memref<2x1000x128xf32, #tpu.memory_space<vmem>>, %arg4: memref<2x1000x128xf32, #tpu.memory_space<vmem>>, %arg5: memref<1000x256xf32, #tpu.memory_space<vmem>>, %arg6: memref<1x256xf32, #tpu.memory_space<vmem>>, %arg7: memref<1x256xf32, #tpu.memory_space<vmem>>, %arg8: memref<1x256xf32, #tpu.memory_space<vmem>>, %arg9: memref<256x256xf32, #tpu.memory_space<vmem>>, %arg10: memref<2x1000x128xf32, #tpu.memory_space<vmem>>, %arg11: memref<1000x256xf32, #tpu.memory_space<vmem>>, %arg12: memref<8x256xf32, #tpu.memory_space<vmem>>, %arg13: memref<10000x256xf32, #tpu.memory_space<vmem>>) attributes {dimension_semantics = [#tpu.dimension_semantics<arbitrary>, #tpu.dimension_semantics<arbitrary>], iteration_bounds = array<i64: 2, 10>, scalar_prefetch = 0 : i64, scratch_operands = 2 : i64, tpu.core_type = #tpu.core_type<tc>, window_params = [{transform_indices = @transform_0, window_bounds = array<i64: 2, 1000, 128>}, {transform_indices = @transform_1, window_bounds = array<i64: 2, 1000, 128>}, {transform_indices = @transform_2, window_bounds = array<i64: 2, 1000, 128>}, {transform_indices = @transform_3, window_bounds = array<i64: 1000, 256>}, {pipeline_mode = #tpu.pipeline_mode<synchronous>, transform_indices = @transform_4, window_bounds = array<i64: 1, 256>}, {pipeline_mode = #tpu.pipeline_mode<synchronous>, transform_indices = @transform_5, window_bounds = array<i64: 1, 256>}, {pipeline_mode = #tpu.pipeline_mode<synchronous>, transform_indices = @transform_6, window_bounds = array<i64: 1, 256>}, {pipeline_mode = #tpu.pipeline_mode<synchronous>, transform_indices = @transform_7, window_bounds = array<i64: 256, 256>}, {transform_indices = @transform_8, window_bounds = array<i64: 2, 1000, 128>}, {transform_indices = @transform_9, window_bounds = array<i64: 1000, 256>}]} {
    %get3A = arith.constant 0 : index
    %get3A_0 = arith.constant 0 : index
    %get3A_1 = arith.constant 0 : index
    %get3A_2 = vector.load %arg4[%get3A, %get3A_0, %get3A_1] : memref<2x1000x128xf32, #tpu.memory_space<vmem>>, vector<1x1000x1xf32>
    %get3A_3 = vector.shape_cast %get3A_2 : vector<1x1000x1xf32> to vector<1000x1xf32>
    %get3A_4 = arith.constant 1 : index
    %get3A_5 = arith.constant 0 : index
    %get3A_6 = arith.constant 0 : index
    %get3A_7 = vector.load %arg4[%get3A_4, %get3A_5, %get3A_6] : memref<2x1000x128xf32, #tpu.memory_space<vmem>>, vector<1x1000x1xf32>
    %get3A_8 = vector.shape_cast %get3A_7 : vector<1x1000x1xf32> to vector<1000x1xf32>
    %add3A = arith.addf %get3A_3, %get3A_8 : vector<1000x1xf32>
    %add3A_9 = arith.constant 1.000000e+00 : f32
    %add3A_10 = vector.broadcast %add3A_9 : f32 to vector<1000x1xf32>
    %add3A_11 = arith.addf %add3A, %add3A_10 : vector<1000x1xf32>
    %rsqrt3A = math.rsqrt %add3A_11 : vector<1000x1xf32>
    %eq3A = arith.constant 0 : i32
    %eq3A_12 = arith.cmpi eq, %arg0, %eq3A : i32
    %convert_element_type3A = arith.extui %eq3A_12 : i1 to i32
    %cond3A = arith.constant 0 : i32
    %cond3A_13 = arith.cmpi ne, %convert_element_type3A, %cond3A : i32
    scf.if %cond3A_13 {
      %get3A_19 = arith.constant 0 : index
      %get3A_20 = arith.constant 0 : index
      %get3A_21 = arith.constant 0 : index
      %get3A_22 = vector.load %arg2[%get3A_19, %get3A_20, %get3A_21] : memref<2x1000x128xf32, #tpu.memory_space<vmem>>, vector<1x1000x128xf32>
      %get3A_23 = vector.shape_cast %get3A_22 : vector<1x1000x128xf32> to vector<1000x128xf32>
      %get3A_24 = arith.constant 1 : index
      %get3A_25 = arith.constant 0 : index
      %get3A_26 = arith.constant 0 : index
      %get3A_27 = vector.load %arg2[%get3A_24, %get3A_25, %get3A_26] : memref<2x1000x128xf32, #tpu.memory_space<vmem>>, vector<1x1000x128xf32>
      %get3A_28 = vector.shape_cast %get3A_27 : vector<1x1000x128xf32> to vector<1000x128xf32>
      %concatenate3A = tpu.concatenate %get3A_23, %get3A_28 in 1 : vector<1000x128xf32>, vector<1000x128xf32> -> vector<1000x256xf32>
      %get3A_29 = arith.constant 0 : index
      %get3A_30 = arith.constant 0 : index
      %get3A_31 = arith.constant 0 : index
      %get3A_32 = vector.load %arg3[%get3A_29, %get3A_30, %get3A_31] : memref<2x1000x128xf32, #tpu.memory_space<vmem>>, vector<1x1000x128xf32>
      %get3A_33 = vector.shape_cast %get3A_32 : vector<1x1000x128xf32> to vector<1000x128xf32>
      %get3A_34 = arith.constant 1 : index
      %get3A_35 = arith.constant 0 : index
      %get3A_36 = arith.constant 0 : index
      %get3A_37 = vector.load %arg3[%get3A_34, %get3A_35, %get3A_36] : memref<2x1000x128xf32, #tpu.memory_space<vmem>>, vector<1x1000x128xf32>
      %get3A_38 = vector.shape_cast %get3A_37 : vector<1x1000x128xf32> to vector<1000x128xf32>
      %concatenate3A_39 = tpu.concatenate %get3A_33, %get3A_38 in 1 : vector<1000x128xf32>, vector<1000x128xf32> -> vector<1000x256xf32>
      %add3A_40 = arith.addf %concatenate3A, %concatenate3A_39 : vector<1000x256xf32>
      %mul3A = vector.broadcast %rsqrt3A : vector<1000x1xf32> to vector<1000x256xf32>
      %mul3A_41 = arith.mulf %mul3A, %add3A_40 : vector<1000x256xf32>
      %get3A_42 = arith.constant 0 : index
      %get3A_43 = arith.constant 0 : index
      %get3A_44 = vector.load %arg6[%get3A_42, %get3A_43] : memref<1x256xf32, #tpu.memory_space<vmem>>, vector<1x256xf32>
      %add3A_45 = vector.broadcast %get3A_44 : vector<1x256xf32> to vector<1000x256xf32>
      %add3A_46 = arith.addf %mul3A_41, %add3A_45 : vector<1000x256xf32>
      %get3A_47 = arith.constant 0 : index
      %get3A_48 = arith.constant 0 : index
      %get3A_49 = vector.load %arg5[%get3A_47, %get3A_48] : memref<1000x256xf32, #tpu.memory_space<vmem>>, vector<1000x256xf32>
      %add3A_50 = arith.addf %add3A_46, %get3A_49 : vector<1000x256xf32>
      %mul3A_51 = arith.constant 1000 : i32
      %mul3A_52 = arith.muli %arg1, %mul3A_51 : i32
      %swap3A = arith.index_cast %mul3A_52 : i32 to index
      %swap3A_53 = arith.constant 0 : index
      %swap3A_54 = vector.load %arg13[%swap3A, %swap3A_53] : memref<10000x256xf32, #tpu.memory_space<vmem>>, vector<1000x256xf32>
      tpu.vector_store %arg13[%swap3A, %swap3A_53], %add3A_50 {strides = array<i32>} : memref<10000x256xf32, #tpu.memory_space<vmem>>, vector<1000x256xf32>,
      %eq3A_55 = arith.constant 0 : i32
      %eq3A_56 = arith.cmpi eq, %arg1, %eq3A_55 : i32
      %convert_element_type3A_57 = arith.extui %eq3A_56 : i1 to i32
      %cond3A_58 = arith.constant 0 : i32
      %cond3A_59 = arith.cmpi ne, %convert_element_type3A_57, %cond3A_58 : i32
      scf.if %cond3A_59 {
        %broadcast_in_dim3A_79 = arith.constant 0.000000e+00 : f32
        %broadcast_in_dim3A_80 = vector.broadcast %broadcast_in_dim3A_79 : f32 to vector<8x256xf32>
        %swap3A_81 = arith.constant 0 : index
        %swap3A_82 = arith.constant 0 : index
        %swap3A_83 = vector.load %arg12[%swap3A_81, %swap3A_82] : memref<8x256xf32, #tpu.memory_space<vmem>>, vector<8x256xf32>
        tpu.vector_store %arg12[%swap3A_81, %swap3A_82], %broadcast_in_dim3A_80 {strides = array<i32>} : memref<8x256xf32, #tpu.memory_space<vmem>>, vector<8x256xf32>,
      } else {
      }
      %get3A_60 = arith.constant 0 : index
      %get3A_61 = arith.constant 0 : index
      %get3A_62 = vector.load %arg12[%get3A_60, %get3A_61] : memref<8x256xf32, #tpu.memory_space<vmem>>, vector<1x256xf32>
      %reduce_sum3A = arith.constant dense<0.000000e+00> : vector<256xf32>
      %reduce_sum3A_63 = vector.multi_reduction <add>, %add3A_50, %reduce_sum3A [0] : vector<1000x256xf32> to vector<256xf32>
      %broadcast_in_dim3A = vector.shape_cast %reduce_sum3A_63 : vector<256xf32> to vector<1x256xf32>
      %add3A_64 = arith.addf %get3A_62, %broadcast_in_dim3A : vector<1x256xf32>
      %swap3A_65 = arith.constant 0 : index
      %swap3A_66 = arith.constant 0 : index
      %swap3A_67 = vector.load %arg12[%swap3A_65, %swap3A_66] : memref<8x256xf32, #tpu.memory_space<vmem>>, vector<1x256xf32>
      tpu.vector_store %arg12[%swap3A_65, %swap3A_66], %add3A_64 {strides = array<i32>} : memref<8x256xf32, #tpu.memory_space<vmem>>, vector<1x256xf32>,
      %get3A_68 = arith.constant 1 : index
      %get3A_69 = arith.constant 0 : index
      %get3A_70 = vector.load %arg12[%get3A_68, %get3A_69] : memref<8x256xf32, #tpu.memory_space<vmem>>, vector<1x256xf32>
      %mul3A_71 = arith.mulf %add3A_50, %add3A_50 : vector<1000x256xf32>
      %reduce_sum3A_72 = arith.constant dense<0.000000e+00> : vector<256xf32>
      %reduce_sum3A_73 = vector.multi_reduction <add>, %mul3A_71, %reduce_sum3A_72 [0] : vector<1000x256xf32> to vector<256xf32>
      %broadcast_in_dim3A_74 = vector.shape_cast %reduce_sum3A_73 : vector<256xf32> to vector<1x256xf32>
      %add3A_75 = arith.addf %get3A_70, %broadcast_in_dim3A_74 : vector<1x256xf32>
      %swap3A_76 = arith.constant 1 : index
      %swap3A_77 = arith.constant 0 : index
      %swap3A_78 = vector.load %arg12[%swap3A_76, %swap3A_77] : memref<8x256xf32, #tpu.memory_space<vmem>>, vector<1x256xf32>
      tpu.vector_store %arg12[%swap3A_76, %swap3A_77], %add3A_75 {strides = array<i32>} : memref<8x256xf32, #tpu.memory_space<vmem>>, vector<1x256xf32>,
    } else {
    }
    %eq3A_14 = arith.constant 1 : i32
    %eq3A_15 = arith.cmpi eq, %arg0, %eq3A_14 : i32
    %convert_element_type3A_16 = arith.extui %eq3A_15 : i1 to i32
    %cond3A_17 = arith.constant 0 : i32
    %cond3A_18 = arith.cmpi ne, %convert_element_type3A_16, %cond3A_17 : i32
    scf.if %cond3A_18 {
      %mul3A = arith.constant 1000 : i32
      %mul3A_19 = arith.muli %arg1, %mul3A : i32
      %get3A_20 = arith.index_cast %mul3A_19 : i32 to index
      %get3A_21 = arith.constant 0 : index
      %get3A_22 = vector.load %arg13[%get3A_20, %get3A_21] : memref<10000x256xf32, #tpu.memory_space<vmem>>, vector<1000x256xf32>
      %get3A_23 = arith.constant 0 : index
      %get3A_24 = arith.constant 0 : index
      %get3A_25 = vector.load %arg12[%get3A_23, %get3A_24] : memref<8x256xf32, #tpu.memory_space<vmem>>, vector<1x256xf32>
      %mul3A_26 = arith.constant 9.99999974E-5 : f32
      %mul3A_27 = vector.broadcast %mul3A_26 : f32 to vector<1x256xf32>
      %mul3A_28 = arith.mulf %get3A_25, %mul3A_27 : vector<1x256xf32>
      %get3A_29 = arith.constant 1 : index
      %get3A_30 = arith.constant 0 : index
      %get3A_31 = vector.load %arg12[%get3A_29, %get3A_30] : memref<8x256xf32, #tpu.memory_space<vmem>>, vector<1x256xf32>
      %mul3A_32 = arith.constant 9.99999974E-5 : f32
      %mul3A_33 = vector.broadcast %mul3A_32 : f32 to vector<1x256xf32>
      %mul3A_34 = arith.mulf %get3A_31, %mul3A_33 : vector<1x256xf32>
      %mul3A_35 = arith.mulf %mul3A_28, %mul3A_28 : vector<1x256xf32>
      %sub3A = arith.subf %mul3A_34, %mul3A_35 : vector<1x256xf32>
      %sub3A_36 = vector.broadcast %mul3A_28 : vector<1x256xf32> to vector<1000x256xf32>
      %sub3A_37 = arith.subf %get3A_22, %sub3A_36 : vector<1000x256xf32>
      %add3A_38 = arith.constant 9.99999974E-6 : f32
      %add3A_39 = vector.broadcast %add3A_38 : f32 to vector<1x256xf32>
      %add3A_40 = arith.addf %sub3A, %add3A_39 : vector<1x256xf32>
      %rsqrt3A_41 = math.rsqrt %add3A_40 : vector<1x256xf32>
      %mul3A_42 = vector.broadcast %rsqrt3A_41 : vector<1x256xf32> to vector<1000x256xf32>
      %mul3A_43 = arith.mulf %sub3A_37, %mul3A_42 : vector<1000x256xf32>
      %get3A_44 = arith.constant 0 : index
      %get3A_45 = arith.constant 0 : index
      %get3A_46 = vector.load %arg7[%get3A_44, %get3A_45] : memref<1x256xf32, #tpu.memory_space<vmem>>, vector<1x256xf32>
      %mul3A_47 = vector.broadcast %get3A_46 : vector<1x256xf32> to vector<1000x256xf32>
      %mul3A_48 = arith.mulf %mul3A_43, %mul3A_47 : vector<1000x256xf32>
      %get3A_49 = arith.constant 0 : index
      %get3A_50 = arith.constant 0 : index
      %get3A_51 = vector.load %arg8[%get3A_49, %get3A_50] : memref<1x256xf32, #tpu.memory_space<vmem>>, vector<1x256xf32>
      %add3A_52 = vector.broadcast %get3A_51 : vector<1x256xf32> to vector<1000x256xf32>
      %add3A_53 = arith.addf %mul3A_48, %add3A_52 : vector<1000x256xf32>
      %max3A = arith.constant 0.000000e+00 : f32
      %max3A_54 = vector.broadcast %max3A : f32 to vector<1000x256xf32>
      %max3A_55 = arith.maximumf %add3A_53, %max3A_54 : vector<1000x256xf32>
      %get3A_56 = arith.constant 0 : index
      %get3A_57 = arith.constant 0 : index
      %get3A_58 = vector.load %arg9[%get3A_56, %get3A_57] : memref<256x256xf32, #tpu.memory_space<vmem>>, vector<256x256xf32>
      %dot_general3A = arith.constant dense<0.000000e+00> : vector<1000x256xf32>
      %dot_general3A_59 = tpu.matmul %max3A_55, %get3A_58, %dot_general3A {dimension_numbers = #tpu.dot_dimension_numbers<[1], [0], [0], [1], [0, 0, 1, 1], [], []>, transpose_lhs_hint = false} : vector<1000x256xf32>, vector<256x256xf32>, vector<1000x256xf32> -> vector<1000x256xf32>
      %mul3A_60 = vector.broadcast %rsqrt3A : vector<1000x1xf32> to vector<1000x256xf32>
      %mul3A_61 = arith.mulf %dot_general3A_59, %mul3A_60 : vector<1000x256xf32>
      %slice3A = vector.extract_strided_slice %mul3A_61 {offsets = [0, 0], sizes = [1000, 128], strides = [1, 1]} : vector<1000x256xf32> to vector<1000x128xf32>
      %swap3A = arith.constant 0 : index
      %swap3A_62 = arith.constant 0 : index
      %swap3A_63 = arith.constant 0 : index
      %swap3A_64 = vector.load %arg10[%swap3A, %swap3A_62, %swap3A_63] : memref<2x1000x128xf32, #tpu.memory_space<vmem>>, vector<1x1000x128xf32>
      %swap3A_65 = vector.shape_cast %swap3A_64 : vector<1x1000x128xf32> to vector<1000x128xf32>
      %swap3A_66 = vector.shape_cast %slice3A : vector<1000x128xf32> to vector<1x1000x128xf32>
      tpu.vector_store %arg10[%swap3A, %swap3A_62, %swap3A_63], %swap3A_66 {strides = array<i32>} : memref<2x1000x128xf32, #tpu.memory_space<vmem>>, vector<1x1000x128xf32>,
      %slice3A_67 = vector.extract_strided_slice %mul3A_61 {offsets = [0, 128], sizes = [1000, 128], strides = [1, 1]} : vector<1000x256xf32> to vector<1000x128xf32>
      %swap3A_68 = arith.constant 1 : index
      %swap3A_69 = arith.constant 0 : index
      %swap3A_70 = arith.constant 0 : index
      %swap3A_71 = vector.load %arg10[%swap3A_68, %swap3A_69, %swap3A_70] : memref<2x1000x128xf32, #tpu.memory_space<vmem>>, vector<1x1000x128xf32>
      %swap3A_72 = vector.shape_cast %swap3A_71 : vector<1x1000x128xf32> to vector<1000x128xf32>
      %swap3A_73 = vector.shape_cast %slice3A_67 : vector<1000x128xf32> to vector<1x1000x128xf32>
      tpu.vector_store %arg10[%swap3A_68, %swap3A_69, %swap3A_70], %swap3A_73 {strides = array<i32>} : memref<2x1000x128xf32, #tpu.memory_space<vmem>>, vector<1x1000x128xf32>,
      %swap3A_74 = arith.constant 0 : index
      %swap3A_75 = arith.constant 0 : index
      %swap3A_76 = vector.load %arg11[%swap3A_74, %swap3A_75] : memref<1000x256xf32, #tpu.memory_space<vmem>>, vector<1000x256xf32>
      tpu.vector_store %arg11[%swap3A_74, %swap3A_75], %max3A_55 {strides = array<i32>} : memref<1000x256xf32, #tpu.memory_space<vmem>>, vector<1000x256xf32>,
    } else {
    }
    return
  }
  func.func @transform_0(%arg0: i32, %arg1: i32) -> (i32, i32, i32) {
    %sub3A = arith.constant 1 : i32
    %sub3A_0 = arith.subi %sub3A, %arg0 : i32
    %mul3A = arith.muli %arg1, %sub3A_0 : i32
    %c0_i32 = arith.constant 0 : i32
    %c0_i32_1 = arith.constant 0 : i32
    %c0_i32_2 = arith.constant 0 : i32
    return %c0_i32, %mul3A, %c0_i32_1 : i32, i32, i32
  }
  func.func @transform_1(%arg0: i32, %arg1: i32) -> (i32, i32, i32) {
    %sub3A = arith.constant 1 : i32
    %sub3A_0 = arith.subi %sub3A, %arg0 : i32
    %mul3A = arith.muli %arg1, %sub3A_0 : i32
    %c0_i32 = arith.constant 0 : i32
    %c0_i32_1 = arith.constant 0 : i32
    %c0_i32_2 = arith.constant 0 : i32
    return %c0_i32, %mul3A, %c0_i32_1 : i32, i32, i32
  }
  func.func @transform_2(%arg0: i32, %arg1: i32) -> (i32, i32, i32) {
    %c0_i32 = arith.constant 0 : i32
    %c0_i32_0 = arith.constant 0 : i32
    %c0_i32_1 = arith.constant 0 : i32
    return %c0_i32, %arg1, %c0_i32_0 : i32, i32, i32
  }
  func.func @transform_3(%arg0: i32, %arg1: i32) -> (i32, i32) {
    %sub3A = arith.constant 1 : i32
    %sub3A_0 = arith.subi %sub3A, %arg0 : i32
    %mul3A = arith.muli %arg1, %sub3A_0 : i32
    %c0_i32 = arith.constant 0 : i32
    %c0_i32_1 = arith.constant 0 : i32
    return %mul3A, %c0_i32 : i32, i32
  }
  func.func @transform_4(%arg0: i32, %arg1: i32) -> (i32, i32) {
    %c0_i32 = arith.constant 0 : i32
    %c0_i32_0 = arith.constant 0 : i32
    %c0_i32_1 = arith.constant 0 : i32
    return %c0_i32, %c0_i32_0 : i32, i32
  }
  func.func @transform_5(%arg0: i32, %arg1: i32) -> (i32, i32) {
    %c0_i32 = arith.constant 0 : i32
    %c0_i32_0 = arith.constant 0 : i32
    %c0_i32_1 = arith.constant 0 : i32
    return %c0_i32, %c0_i32_0 : i32, i32
  }
  func.func @transform_6(%arg0: i32, %arg1: i32) -> (i32, i32) {
    %c0_i32 = arith.constant 0 : i32
    %c0_i32_0 = arith.constant 0 : i32
    %c0_i32_1 = arith.constant 0 : i32
    return %c0_i32, %c0_i32_0 : i32, i32
  }
  func.func @transform_7(%arg0: i32, %arg1: i32) -> (i32, i32) {
    %c0_i32 = arith.constant 0 : i32
    %c0_i32_0 = arith.constant 0 : i32
    %c0_i32_1 = arith.constant 0 : i32
    return %c0_i32, %c0_i32_0 : i32, i32
  }
  func.func @transform_8(%arg0: i32, %arg1: i32) -> (i32, i32, i32) {
    %c0_i32 = arith.constant 0 : i32
    %c0_i32_0 = arith.constant 0 : i32
    %c0_i32_1 = arith.constant 0 : i32
    return %c0_i32, %arg1, %c0_i32_0 : i32, i32, i32
  }
  func.func @transform_9(%arg0: i32, %arg1: i32) -> (i32, i32) {
    %c0_i32 = arith.constant 0 : i32
    %c0_i32_0 = arith.constant 0 : i32
    return %arg1, %c0_i32 : i32, i32
  }
}

module attributes {stable_mosaic.version = 14 : i64} {
  func.func @body(%arg0: i32, %arg1: i32, %arg2: memref<2x1000x128xf32, #tpu.memory_space<vmem>>, %arg3: memref<2x1000x128xf32, #tpu.memory_space<vmem>>, %arg4: memref<2x1000x128xf32, #tpu.memory_space<vmem>>, %arg5: memref<1000x256xf32, #tpu.memory_space<vmem>>, %arg6: memref<1x256xf32, #tpu.memory_space<vmem>>, %arg7: memref<1x256xf32, #tpu.memory_space<vmem>>, %arg8: memref<1x256xf32, #tpu.memory_space<vmem>>, %arg9: memref<256x128xf32, #tpu.memory_space<vmem>>, %arg10: memref<1x128xf32, #tpu.memory_space<vmem>>, %arg11: memref<1000x128xf32, #tpu.memory_space<vmem>>, %arg12: memref<8x256xf32, #tpu.memory_space<vmem>>, %arg13: memref<10000x256xf32, #tpu.memory_space<vmem>>) attributes {dimension_semantics = [#tpu.dimension_semantics<arbitrary>, #tpu.dimension_semantics<arbitrary>], iteration_bounds = array<i64: 2, 10>, scalar_prefetch = 0 : i64, scratch_operands = 2 : i64, tpu.core_type = #tpu.core_type<tc>, window_params = [{transform_indices = @transform_0, window_bounds = array<i64: 2, 1000, 128>}, {transform_indices = @transform_1, window_bounds = array<i64: 2, 1000, 128>}, {transform_indices = @transform_2, window_bounds = array<i64: 2, 1000, 128>}, {transform_indices = @transform_3, window_bounds = array<i64: 1000, 256>}, {pipeline_mode = #tpu.pipeline_mode<synchronous>, transform_indices = @transform_4, window_bounds = array<i64: 1, 256>}, {pipeline_mode = #tpu.pipeline_mode<synchronous>, transform_indices = @transform_5, window_bounds = array<i64: 1, 256>}, {pipeline_mode = #tpu.pipeline_mode<synchronous>, transform_indices = @transform_6, window_bounds = array<i64: 1, 256>}, {pipeline_mode = #tpu.pipeline_mode<synchronous>, transform_indices = @transform_7, window_bounds = array<i64: 256, 128>}, {pipeline_mode = #tpu.pipeline_mode<synchronous>, transform_indices = @transform_8, window_bounds = array<i64: 1, 128>}, {transform_indices = @transform_9, window_bounds = array<i64: 1000, 128>}]} {
    %eq3A = arith.constant 0 : i32
    %eq3A_0 = arith.cmpi eq, %arg0, %eq3A : i32
    %convert_element_type3A = arith.extui %eq3A_0 : i1 to i32
    %cond3A = arith.constant 0 : i32
    %cond3A_1 = arith.cmpi ne, %convert_element_type3A, %cond3A : i32
    scf.if %cond3A_1 {
      %get3A = arith.constant 0 : index
      %get3A_7 = arith.constant 0 : index
      %get3A_8 = arith.constant 0 : index
      %get3A_9 = vector.load %arg4[%get3A, %get3A_7, %get3A_8] : memref<2x1000x128xf32, #tpu.memory_space<vmem>>, vector<1x1000x1xf32>
      %get3A_10 = vector.shape_cast %get3A_9 : vector<1x1000x1xf32> to vector<1000x1xf32>
      %get3A_11 = arith.constant 1 : index
      %get3A_12 = arith.constant 0 : index
      %get3A_13 = arith.constant 0 : index
      %get3A_14 = vector.load %arg4[%get3A_11, %get3A_12, %get3A_13] : memref<2x1000x128xf32, #tpu.memory_space<vmem>>, vector<1x1000x1xf32>
      %get3A_15 = vector.shape_cast %get3A_14 : vector<1x1000x1xf32> to vector<1000x1xf32>
      %add3A = arith.addf %get3A_10, %get3A_15 : vector<1000x1xf32>
      %add3A_16 = arith.constant 1.000000e+00 : f32
      %add3A_17 = vector.broadcast %add3A_16 : f32 to vector<1000x1xf32>
      %add3A_18 = arith.addf %add3A, %add3A_17 : vector<1000x1xf32>
      %rsqrt3A = math.rsqrt %add3A_18 : vector<1000x1xf32>
      %get3A_19 = arith.constant 0 : index
      %get3A_20 = arith.constant 0 : index
      %get3A_21 = arith.constant 0 : index
      %get3A_22 = vector.load %arg2[%get3A_19, %get3A_20, %get3A_21] : memref<2x1000x128xf32, #tpu.memory_space<vmem>>, vector<1x1000x128xf32>
      %get3A_23 = vector.shape_cast %get3A_22 : vector<1x1000x128xf32> to vector<1000x128xf32>
      %get3A_24 = arith.constant 1 : index
      %get3A_25 = arith.constant 0 : index
      %get3A_26 = arith.constant 0 : index
      %get3A_27 = vector.load %arg2[%get3A_24, %get3A_25, %get3A_26] : memref<2x1000x128xf32, #tpu.memory_space<vmem>>, vector<1x1000x128xf32>
      %get3A_28 = vector.shape_cast %get3A_27 : vector<1x1000x128xf32> to vector<1000x128xf32>
      %concatenate3A = tpu.concatenate %get3A_23, %get3A_28 in 1 : vector<1000x128xf32>, vector<1000x128xf32> -> vector<1000x256xf32>
      %get3A_29 = arith.constant 0 : index
      %get3A_30 = arith.constant 0 : index
      %get3A_31 = arith.constant 0 : index
      %get3A_32 = vector.load %arg3[%get3A_29, %get3A_30, %get3A_31] : memref<2x1000x128xf32, #tpu.memory_space<vmem>>, vector<1x1000x128xf32>
      %get3A_33 = vector.shape_cast %get3A_32 : vector<1x1000x128xf32> to vector<1000x128xf32>
      %get3A_34 = arith.constant 1 : index
      %get3A_35 = arith.constant 0 : index
      %get3A_36 = arith.constant 0 : index
      %get3A_37 = vector.load %arg3[%get3A_34, %get3A_35, %get3A_36] : memref<2x1000x128xf32, #tpu.memory_space<vmem>>, vector<1x1000x128xf32>
      %get3A_38 = vector.shape_cast %get3A_37 : vector<1x1000x128xf32> to vector<1000x128xf32>
      %concatenate3A_39 = tpu.concatenate %get3A_33, %get3A_38 in 1 : vector<1000x128xf32>, vector<1000x128xf32> -> vector<1000x256xf32>
      %add3A_40 = arith.addf %concatenate3A, %concatenate3A_39 : vector<1000x256xf32>
      %mul3A = vector.broadcast %rsqrt3A : vector<1000x1xf32> to vector<1000x256xf32>
      %mul3A_41 = arith.mulf %mul3A, %add3A_40 : vector<1000x256xf32>
      %get3A_42 = arith.constant 0 : index
      %get3A_43 = arith.constant 0 : index
      %get3A_44 = vector.load %arg6[%get3A_42, %get3A_43] : memref<1x256xf32, #tpu.memory_space<vmem>>, vector<1x256xf32>
      %add3A_45 = vector.broadcast %get3A_44 : vector<1x256xf32> to vector<1000x256xf32>
      %add3A_46 = arith.addf %mul3A_41, %add3A_45 : vector<1000x256xf32>
      %get3A_47 = arith.constant 0 : index
      %get3A_48 = arith.constant 0 : index
      %get3A_49 = vector.load %arg5[%get3A_47, %get3A_48] : memref<1000x256xf32, #tpu.memory_space<vmem>>, vector<1000x256xf32>
      %add3A_50 = arith.addf %add3A_46, %get3A_49 : vector<1000x256xf32>
      %mul3A_51 = arith.constant 1000 : i32
      %mul3A_52 = arith.muli %arg1, %mul3A_51 : i32
      %swap3A = arith.index_cast %mul3A_52 : i32 to index
      %swap3A_53 = arith.constant 0 : index
      %swap3A_54 = vector.load %arg13[%swap3A, %swap3A_53] : memref<10000x256xf32, #tpu.memory_space<vmem>>, vector<1000x256xf32>
      tpu.vector_store %arg13[%swap3A, %swap3A_53], %add3A_50 {strides = array<i32>} : memref<10000x256xf32, #tpu.memory_space<vmem>>, vector<1000x256xf32>,
      %eq3A_55 = arith.constant 0 : i32
      %eq3A_56 = arith.cmpi eq, %arg1, %eq3A_55 : i32
      %convert_element_type3A_57 = arith.extui %eq3A_56 : i1 to i32
      %cond3A_58 = arith.constant 0 : i32
      %cond3A_59 = arith.cmpi ne, %convert_element_type3A_57, %cond3A_58 : i32
      scf.if %cond3A_59 {
        %broadcast_in_dim3A_79 = arith.constant 0.000000e+00 : f32
        %broadcast_in_dim3A_80 = vector.broadcast %broadcast_in_dim3A_79 : f32 to vector<8x256xf32>
        %swap3A_81 = arith.constant 0 : index
        %swap3A_82 = arith.constant 0 : index
        %swap3A_83 = vector.load %arg12[%swap3A_81, %swap3A_82] : memref<8x256xf32, #tpu.memory_space<vmem>>, vector<8x256xf32>
        tpu.vector_store %arg12[%swap3A_81, %swap3A_82], %broadcast_in_dim3A_80 {strides = array<i32>} : memref<8x256xf32, #tpu.memory_space<vmem>>, vector<8x256xf32>,
      } else {
      }
      %get3A_60 = arith.constant 0 : index
      %get3A_61 = arith.constant 0 : index
      %get3A_62 = vector.load %arg12[%get3A_60, %get3A_61] : memref<8x256xf32, #tpu.memory_space<vmem>>, vector<1x256xf32>
      %reduce_sum3A = arith.constant dense<0.000000e+00> : vector<256xf32>
      %reduce_sum3A_63 = vector.multi_reduction <add>, %add3A_50, %reduce_sum3A [0] : vector<1000x256xf32> to vector<256xf32>
      %broadcast_in_dim3A = vector.shape_cast %reduce_sum3A_63 : vector<256xf32> to vector<1x256xf32>
      %add3A_64 = arith.addf %get3A_62, %broadcast_in_dim3A : vector<1x256xf32>
      %swap3A_65 = arith.constant 0 : index
      %swap3A_66 = arith.constant 0 : index
      %swap3A_67 = vector.load %arg12[%swap3A_65, %swap3A_66] : memref<8x256xf32, #tpu.memory_space<vmem>>, vector<1x256xf32>
      tpu.vector_store %arg12[%swap3A_65, %swap3A_66], %add3A_64 {strides = array<i32>} : memref<8x256xf32, #tpu.memory_space<vmem>>, vector<1x256xf32>,
      %get3A_68 = arith.constant 1 : index
      %get3A_69 = arith.constant 0 : index
      %get3A_70 = vector.load %arg12[%get3A_68, %get3A_69] : memref<8x256xf32, #tpu.memory_space<vmem>>, vector<1x256xf32>
      %mul3A_71 = arith.mulf %add3A_50, %add3A_50 : vector<1000x256xf32>
      %reduce_sum3A_72 = arith.constant dense<0.000000e+00> : vector<256xf32>
      %reduce_sum3A_73 = vector.multi_reduction <add>, %mul3A_71, %reduce_sum3A_72 [0] : vector<1000x256xf32> to vector<256xf32>
      %broadcast_in_dim3A_74 = vector.shape_cast %reduce_sum3A_73 : vector<256xf32> to vector<1x256xf32>
      %add3A_75 = arith.addf %get3A_70, %broadcast_in_dim3A_74 : vector<1x256xf32>
      %swap3A_76 = arith.constant 1 : index
      %swap3A_77 = arith.constant 0 : index
      %swap3A_78 = vector.load %arg12[%swap3A_76, %swap3A_77] : memref<8x256xf32, #tpu.memory_space<vmem>>, vector<1x256xf32>
      tpu.vector_store %arg12[%swap3A_76, %swap3A_77], %add3A_75 {strides = array<i32>} : memref<8x256xf32, #tpu.memory_space<vmem>>, vector<1x256xf32>,
    } else {
    }
    %eq3A_2 = arith.constant 1 : i32
    %eq3A_3 = arith.cmpi eq, %arg0, %eq3A_2 : i32
    %convert_element_type3A_4 = arith.extui %eq3A_3 : i1 to i32
    %cond3A_5 = arith.constant 0 : i32
    %cond3A_6 = arith.cmpi ne, %convert_element_type3A_4, %cond3A_5 : i32
    scf.if %cond3A_6 {
      %mul3A = arith.constant 1000 : i32
      %mul3A_7 = arith.muli %arg1, %mul3A : i32
      %get3A = arith.index_cast %mul3A_7 : i32 to index
      %get3A_8 = arith.constant 0 : index
      %get3A_9 = vector.load %arg13[%get3A, %get3A_8] : memref<10000x256xf32, #tpu.memory_space<vmem>>, vector<1000x256xf32>
      %get3A_10 = arith.constant 0 : index
      %get3A_11 = arith.constant 0 : index
      %get3A_12 = vector.load %arg12[%get3A_10, %get3A_11] : memref<8x256xf32, #tpu.memory_space<vmem>>, vector<1x256xf32>
      %mul3A_13 = arith.constant 9.99999974E-5 : f32
      %mul3A_14 = vector.broadcast %mul3A_13 : f32 to vector<1x256xf32>
      %mul3A_15 = arith.mulf %get3A_12, %mul3A_14 : vector<1x256xf32>
      %get3A_16 = arith.constant 1 : index
      %get3A_17 = arith.constant 0 : index
      %get3A_18 = vector.load %arg12[%get3A_16, %get3A_17] : memref<8x256xf32, #tpu.memory_space<vmem>>, vector<1x256xf32>
      %mul3A_19 = arith.constant 9.99999974E-5 : f32
      %mul3A_20 = vector.broadcast %mul3A_19 : f32 to vector<1x256xf32>
      %mul3A_21 = arith.mulf %get3A_18, %mul3A_20 : vector<1x256xf32>
      %mul3A_22 = arith.mulf %mul3A_15, %mul3A_15 : vector<1x256xf32>
      %sub3A = arith.subf %mul3A_21, %mul3A_22 : vector<1x256xf32>
      %sub3A_23 = vector.broadcast %mul3A_15 : vector<1x256xf32> to vector<1000x256xf32>
      %sub3A_24 = arith.subf %get3A_9, %sub3A_23 : vector<1000x256xf32>
      %add3A = arith.constant 9.99999974E-6 : f32
      %add3A_25 = vector.broadcast %add3A : f32 to vector<1x256xf32>
      %add3A_26 = arith.addf %sub3A, %add3A_25 : vector<1x256xf32>
      %rsqrt3A = math.rsqrt %add3A_26 : vector<1x256xf32>
      %mul3A_27 = vector.broadcast %rsqrt3A : vector<1x256xf32> to vector<1000x256xf32>
      %mul3A_28 = arith.mulf %sub3A_24, %mul3A_27 : vector<1000x256xf32>
      %get3A_29 = arith.constant 0 : index
      %get3A_30 = arith.constant 0 : index
      %get3A_31 = vector.load %arg7[%get3A_29, %get3A_30] : memref<1x256xf32, #tpu.memory_space<vmem>>, vector<1x256xf32>
      %mul3A_32 = vector.broadcast %get3A_31 : vector<1x256xf32> to vector<1000x256xf32>
      %mul3A_33 = arith.mulf %mul3A_28, %mul3A_32 : vector<1000x256xf32>
      %get3A_34 = arith.constant 0 : index
      %get3A_35 = arith.constant 0 : index
      %get3A_36 = vector.load %arg8[%get3A_34, %get3A_35] : memref<1x256xf32, #tpu.memory_space<vmem>>, vector<1x256xf32>
      %add3A_37 = vector.broadcast %get3A_36 : vector<1x256xf32> to vector<1000x256xf32>
      %add3A_38 = arith.addf %mul3A_33, %add3A_37 : vector<1000x256xf32>
      %max3A = arith.constant 0.000000e+00 : f32
      %max3A_39 = vector.broadcast %max3A : f32 to vector<1000x256xf32>
      %max3A_40 = arith.maximumf %add3A_38, %max3A_39 : vector<1000x256xf32>
      %get3A_41 = arith.constant 0 : index
      %get3A_42 = arith.constant 0 : index
      %get3A_43 = vector.load %arg9[%get3A_41, %get3A_42] : memref<256x128xf32, #tpu.memory_space<vmem>>, vector<256x128xf32>
      %dot_general3A = arith.constant dense<0.000000e+00> : vector<1000x128xf32>
      %dot_general3A_44 = tpu.matmul %max3A_40, %get3A_43, %dot_general3A {dimension_numbers = #tpu.dot_dimension_numbers<[1], [0], [0], [1], [0, 0, 1, 1], [], []>, transpose_lhs_hint = false} : vector<1000x256xf32>, vector<256x128xf32>, vector<1000x128xf32> -> vector<1000x128xf32>
      %get3A_45 = arith.constant 0 : index
      %get3A_46 = arith.constant 0 : index
      %get3A_47 = vector.load %arg10[%get3A_45, %get3A_46] : memref<1x128xf32, #tpu.memory_space<vmem>>, vector<1x128xf32>
      %add3A_48 = vector.broadcast %get3A_47 : vector<1x128xf32> to vector<1000x128xf32>
      %add3A_49 = arith.addf %dot_general3A_44, %add3A_48 : vector<1000x128xf32>
      %swap3A = arith.constant 0 : index
      %swap3A_50 = arith.constant 0 : index
      %swap3A_51 = vector.load %arg11[%swap3A, %swap3A_50] : memref<1000x128xf32, #tpu.memory_space<vmem>>, vector<1000x128xf32>
      tpu.vector_store %arg11[%swap3A, %swap3A_50], %add3A_49 {strides = array<i32>} : memref<1000x128xf32, #tpu.memory_space<vmem>>, vector<1000x128xf32>,
    } else {
    }
    return
  }
  func.func @transform_0(%arg0: i32, %arg1: i32) -> (i32, i32, i32) {
    %sub3A = arith.constant 1 : i32
    %sub3A_0 = arith.subi %sub3A, %arg0 : i32
    %mul3A = arith.muli %arg1, %sub3A_0 : i32
    %c0_i32 = arith.constant 0 : i32
    %c0_i32_1 = arith.constant 0 : i32
    %c0_i32_2 = arith.constant 0 : i32
    return %c0_i32, %mul3A, %c0_i32_1 : i32, i32, i32
  }
  func.func @transform_1(%arg0: i32, %arg1: i32) -> (i32, i32, i32) {
    %sub3A = arith.constant 1 : i32
    %sub3A_0 = arith.subi %sub3A, %arg0 : i32
    %mul3A = arith.muli %arg1, %sub3A_0 : i32
    %c0_i32 = arith.constant 0 : i32
    %c0_i32_1 = arith.constant 0 : i32
    %c0_i32_2 = arith.constant 0 : i32
    return %c0_i32, %mul3A, %c0_i32_1 : i32, i32, i32
  }
  func.func @transform_2(%arg0: i32, %arg1: i32) -> (i32, i32, i32) {
    %c0_i32 = arith.constant 0 : i32
    %c0_i32_0 = arith.constant 0 : i32
    %c0_i32_1 = arith.constant 0 : i32
    return %c0_i32, %arg1, %c0_i32_0 : i32, i32, i32
  }
  func.func @transform_3(%arg0: i32, %arg1: i32) -> (i32, i32) {
    %sub3A = arith.constant 1 : i32
    %sub3A_0 = arith.subi %sub3A, %arg0 : i32
    %mul3A = arith.muli %arg1, %sub3A_0 : i32
    %c0_i32 = arith.constant 0 : i32
    %c0_i32_1 = arith.constant 0 : i32
    return %mul3A, %c0_i32 : i32, i32
  }
  func.func @transform_4(%arg0: i32, %arg1: i32) -> (i32, i32) {
    %c0_i32 = arith.constant 0 : i32
    %c0_i32_0 = arith.constant 0 : i32
    %c0_i32_1 = arith.constant 0 : i32
    return %c0_i32, %c0_i32_0 : i32, i32
  }
  func.func @transform_5(%arg0: i32, %arg1: i32) -> (i32, i32) {
    %c0_i32 = arith.constant 0 : i32
    %c0_i32_0 = arith.constant 0 : i32
    %c0_i32_1 = arith.constant 0 : i32
    return %c0_i32, %c0_i32_0 : i32, i32
  }
  func.func @transform_6(%arg0: i32, %arg1: i32) -> (i32, i32) {
    %c0_i32 = arith.constant 0 : i32
    %c0_i32_0 = arith.constant 0 : i32
    %c0_i32_1 = arith.constant 0 : i32
    return %c0_i32, %c0_i32_0 : i32, i32
  }
  func.func @transform_7(%arg0: i32, %arg1: i32) -> (i32, i32) {
    %c0_i32 = arith.constant 0 : i32
    %c0_i32_0 = arith.constant 0 : i32
    %c0_i32_1 = arith.constant 0 : i32
    return %c0_i32, %c0_i32_0 : i32, i32
  }
  func.func @transform_8(%arg0: i32, %arg1: i32) -> (i32, i32) {
    %c0_i32 = arith.constant 0 : i32
    %c0_i32_0 = arith.constant 0 : i32
    %c0_i32_1 = arith.constant 0 : i32
    return %c0_i32, %c0_i32_0 : i32, i32
  }
  func.func @transform_9(%arg0: i32, %arg1: i32) -> (i32, i32) {
    %c0_i32 = arith.constant 0 : i32
    %c0_i32_0 = arith.constant 0 : i32
    return %arg1, %c0_i32 : i32, i32
  }
}

</mosaic_0001>

<sc_bundles>
// kernel: kernel.12.cloned.1.call-start
scs
__scs_entry_jumppad:
0x0: {  	(pc) =	sbr.rel $0x88, $3  }
0x1: {  	(tag) =	ssettag $0x0;
	lr =	simm.s32 $0x1  }
0x2: {  	[smem:$0x3F93] =	sst lr;
	_ =	strace $0xD0000000  }
0x3: {  	_ = 	snop  }
0x4: {  	_ = 	snop  }
0x5: {  	_ = 	snop  }
0x6: {  	_ = 	snop  }
0x7: {  	_ = 	snop  }
__scs_overlays_trampoline_lowered:
0x8: {  	[smem:$0x3FA2] =	sst s0  }
0x9: {  	[smem:$0x3FA3] =	sst s1  }
0xa: {  	[smem:$0x3FA4] =	sst s2  }
0xb: {  	[smem:$0x3FA5] =	sst s3  }
0xc: {  	[smem:$0x3FA6] =	sst s4  }
0xd: {  	[smem:$0x3FA7] =	sst s5  }
0xe: {  	[smem:$0x3FA8] =	sst s6  }
0xf: {  	[smem:$0x3FA9] =	sst s7  }
0x10: {  	[smem:$0x3FAA] =	sst s8  }
0x11: {  	[smem:$0x3FAB] =	sst s9;
	s0 =	simm.s32 @!p0 $0x0  }
0x12: {  	s1 =	sld [smem:$0x3F91];
	s0 =	simm.s32 @p0 $0x1  }
0x13: {  	[smem:$0x3FAC] =	sst s0;
	s0 =	simm.s32 @!p1 $0x0  }
0x14: {  	s2 =	sld [smem:$0x3F90];
	s0 =	simm.s32 @p1 $0x1  }
0x15: {  	[smem:$0x3FAD] =	sst s0;
	s0 =	simm.s32 @!p2 $0x0  }
0x16: {  	s3 =	sld [smem:$0x3FDB];
	s0 =	simm.s32 @p2 $0x1  }
0x17: {  	s4 =	simm.s32 $0x1BF5;
	[smem:$0x3FAF] =	sst s0  }
0x18: {  	s0 =	sld [smem:$0x3F92];
	_ =	swait.ge [sflag:s4], $0x0  }
0x19: {  	s7 =	sld [smem:$0x3F93]  }
0x1a: {  	s8 =	sadd.s32 $0xFFFFE003, lr  }
0x1b: {  	s9 =	sadd.s32 $0xFFFFFEF7, lr;
	s5 =	simm.s32 $0xFFFFFFFF;
	p2 =	slt.u32 s8, $0xFFFFF086  }
0x1c: {  	p1 =	slt.u32 s9, $0xF7A;
	s5 =	simm.s32 @!p2 $0x0  }
0x1d: {  	s5 =	simm.s32 @p1 $0x1;
	p0 =	seq.s32 s7, s2  }
0x1e: {  	s7 =	smul.u32 @!p0 $0xF7A, s2;
	p2 =	seq.s32 @!p0 s5, $0x0  }
0x1f: {  	s9 =	smul.u32 $0xF7A, s1;
	s8 =	simm.s32 @!p0 $0x1BF5;
	p2 =	por !p2, p0  }
0x20: {  	[sflag:s8] =	ssyncset.s32 @!p0 $0xFFFFF086;
	s6 =	sadd.s32 @!p0 s3, s7;
	s7 =	simm.s32 @!p0 $0x108  }
0x21: {  	s3 =	sadd.s32 s3, s9;
	s6 =	sadd.s32 @!p0 $0x88, s6;
	s7 =	simm.s32 @p2 $0x1082  }
0x22: {  	[simem:s7], [sflag:s8] =	dma.local @!p0 [hbm:s6], $0xF7A  }
0x23: {  	s9 =	sor.u32 $0xD0000000, s2;
	s6 =	simm.s32 $0x108;
	_ =	swait.ge @!p0 [sflag:s8], $0x0  }
0x24: {  	s3 =	sadd.s32 $0x88, s3;
	s6 =	simm.s32 @!p1 $0x1082;
	[sflag:s4] =	ssyncset.s32 $0xFFFFF086  }
0x25: {  	[simem:s6], [sflag:s4] =	dma.local [hbm:s3], $0xF7A  }
0x26: {  	[smem:$0x3F93] =	sst s1;
	(tag) =	ssettag s2;
	_ =	strace s9  }
0x27: {  	s1 =	sld [smem:$0x3FA3]  }
0x28: {  	s2 =	sld [smem:$0x3FA4]  }
0x29: {  	s4 =	sld [smem:$0x3FA6]  }
0x2a: {  	p0 =	seq.s32 s5, $0x0;
	s5 =	sld [smem:$0x3FA7]  }
0x2b: {  	s6 =	sld [smem:$0x3FA8]  }
0x2c: {  	s7 =	sld [smem:$0x3FA9]  }
0x2d: {  	s3 =	simm.s32 $0x108;
	s8 =	sld [smem:$0x3FAA]  }
0x2e: {  	s3 =	simm.s32 @!p0 $0x1082;
	s9 =	sld [smem:$0x3FAB]  }
0x2f: {  	lr =	sadd.s32 s0, s3;
	s0 =	sld [smem:$0x3FA2]  }
0x30: {  	s3 =	sld [smem:$0x3FA5]  }
0x31: {  	[smem:$0x3FAE] =	sst s10  }
0x32: {  	s10 =	sld [smem:$0x3FAC];
	_ =	sdelay $0x3  }
0x33: {  	p0 =	seq.s32 s10, $0x1;
	s10 =	sld [smem:$0x3FAE];
	_ =	sdelay $0x3  }
0x34: {  	[smem:$0x3FAE] =	sst s10  }
0x35: {  	s10 =	sld [smem:$0x3FAD];
	_ =	sdelay $0x3  }
0x36: {  	p1 =	seq.s32 s10, $0x1;
	s10 =	sld [smem:$0x3FAE];
	_ =	sdelay $0x3  }
0x37: {  	[smem:$0x3FAE] =	sst s10  }
0x38: {  	s10 =	sld [smem:$0x3FAF]  }
0x39: {  	_ = 	snop;
	(pc) =	sbr.ind lr, $3  }
0x3a: {  	_ = 	snop  }
0x3b: {  	_ = 	snop  }
0x3c: {  	p2 =	seq.s32 s10, $0x1;
	s10 =	sld [smem:$0x3FAE]  }
0x3d: {  	_ =	shalt  }
0x3e: {  	_ =	shalt  }
0x3f: {  	_ =	shalt  }
0x40: {  	_ =	shalt  }
0x41: {  	_ =	shalt  }
0x42: {  	_ =	shalt  }
0x43: {  	_ =	shalt  }
0x44: {  	_ =	shalt  }
0x45: {  	_ =	shalt  }
0x46: {  	_ =	shalt  }
0x47: {  	_ =	shalt  }
0x48: {  	_ =	shalt  }
0x49: {  	_ =	shalt  }
0x4a: {  	_ =	shalt  }
0x4b: {  	_ =	shalt  }
0x4c: {  	_ =	shalt  }
0x4d: {  	_ =	shalt  }
0x4e: {  	_ =	shalt  }
0x4f: {  	_ =	shalt  }
0x50: {  	_ =	shalt  }
0x51: {  	_ =	shalt  }
0x52: {  	_ =	shalt  }
0x53: {  	_ =	shalt  }
0x54: {  	_ =	shalt  }
0x55: {  	_ =	shalt  }
0x56: {  	_ =	shalt  }
0x57: {  	_ =	shalt  }
0x58: {  	_ =	shalt  }
0x59: {  	_ =	shalt  }
0x5a: {  	_ =	shalt  }
0x5b: {  	_ =	shalt  }
0x5c: {  	_ =	shalt  }
0x5d: {  	_ =	shalt  }
0x5e: {  	_ =	shalt  }
0x5f: {  	_ =	shalt  }
0x60: {  	_ =	shalt  }
0x61: {  	_ =	shalt  }
0x62: {  	_ =	shalt  }
0x63: {  	_ =	shalt  }
0x64: {  	_ =	shalt  }
0x65: {  	_ =	shalt  }
0x66: {  	_ =	shalt  }
0x67: {  	_ =	shalt  }
0x68: {  	_ =	shalt  }
0x69: {  	_ =	shalt  }
0x6a: {  	_ =	shalt  }
0x6b: {  	_ =	shalt  }
0x6c: {  	_ =	shalt  }
0x6d: {  	_ =	shalt  }
0x6e: {  	_ =	shalt  }
0x6f: {  	_ =	shalt  }
0x70: {  	_ =	shalt  }
0x71: {  	_ =	shalt  }
0x72: {  	_ =	shalt  }
0x73: {  	_ =	shalt  }
0x74: {  	_ =	shalt  }
0x75: {  	_ =	shalt  }
0x76: {  	_ =	shalt  }
0x77: {  	_ =	shalt  }
0x78: {  	_ =	shalt  }
0x79: {  	_ =	shalt  }
0x7a: {  	_ =	shalt  }
0x7b: {  	_ =	shalt  }
0x7c: {  	_ =	shalt  }
0x7d: {  	_ =	shalt  }
0x7e: {  	_ =	shalt  }
0x7f: {  	_ =	shalt  }
0x80: {  	_ =	shalt  }
0x81: {  	_ =	shalt  }
0x82: {  	_ =	shalt  }
0x83: {  	_ =	shalt  }
0x84: {  	_ =	shalt  }
0x85: {  	_ =	shalt  }
0x86: {  	_ =	shalt  }
0x87: {  	_ =	shalt  }
.Lfunc_end0:
.L_simem_size_0:
called_computation.1_lowered:
.L_overlay_start_0:
0x88: {  	s2 =	sld [smem:$0x3FD9]  }
0x89: {  	s3 =	sld [smem:$0x3FFE];
	_ =	sdelay $0x1  }
0x8a: {  	s1 =	srdreg.scid  }
0x8b: {  	s0 =	sand.u32 $0x1, s1  }
0x8c: {  	s16 =	sshll.u32 s0, $0xA;
	s2 =	sadd.s32 s3, s2  }
0x8d: {  	s2 =	sadd.s32 s2, s16  }
0x8e: {  	[smem:$0x3FBA] =	sst s2  }
0x8f: {  	_ = 	snop  }
0x90: {  	(tm) =	ssettm $0x1  }
0x91: {  	s17 =	sld [smem:$0x3FFB];
	_ =	sdelay $0x3  }
0x92: {  	_ =	strace s17  }
0x93: {  	s2 =	sld [smem:$0x3FFC];
	_ =	sdelay $0x3  }
0x94: {  	_ =	strace s2  }
0x95: {  	s2 =	sld [smem:$0x3FFD];
	_ =	sdelay $0x3  }
0x96: {  	_ =	strace s2  }
0x97: {  	_ =	strace $0x8FFFFFFF  }
0x98: {  	s18 =	sld [smem:$0x3FDB];
	_ =	sdelay $0x1  }
0x99: {  	s19 =	simm.s32 $_scs_section_size  }
0x9a: {  	s4 =	simm.s32 $_size__tile_overlayer_lowered;
	s5 =	simm.s32 $_tile_overlayer_lowered  }
0x9b: {  	s22 =	simm.s32 $0x1BFF;
	s21 =	sshll.u32 s5, $0x1;
	s2 =	sadd.s32 s19, s18  }
0x9c: {  	s6 =	simm.s32 $0x0;
	s20 =	sshll.u32 s4, $0x1;
	s4 =	sadd.s32 s21, s2  }
0x9d: {  	[timem:s6], [sflag:s22] =	dma.local [hbm:s4], s20  }
0x9e: {  	_ =	swait.ge [sflag:s22], s20  }
0x9f: {  	s3 =	ssub.s32 $0x0, s20;
	[sflag:s22] =	ssyncset.done $0x0  }
0xa0: {  	[sflag:s22] =	ssyncadd.s32 s3;
	_ =	sdelay $0x1  }
0xa1: {  	s23 =	simm.s32 $0x1B8B  }
0xa2: {  	_ =	swait.ge [sflag:s23], $0x1  }
0xa3: {  	[sflag:s23] =	ssyncset.done $0x0  }
0xa4: {  	s25 =	simm.s32 $0x1B8E;
	s24 =	sld [smem:$0x3FFE];
	[sflag:s23] =	ssyncadd.s32 $0xFFFFFFFF  }
0xa5: {  	s26 =	simm.s32 $execute0_lowered;
	[smem:$0x3FD2] =	sst s25  }
0xa6: {  	s4 =	sshll.u32 s26, $0x1;
	_ =	strace $0x80000049;
	[dreg:$0x1] =	wrdreg $0xFFFFFFFF  }
0xa7: {  	s28 =	simm.s32 $_size_execute0_lowered;
	s2 =	sadd.s32 s2, s4;
	[dreg:$0x0] =	wrdreg $0x0  }
0xa8: {  	s4 =	sshll.u32 s28, $0x1;
	[dreg:$0x2] =	wrdreg s2  }
0xa9: {  	[dreg:$0x3] =	wrdreg s4  }
0xaa: {  	[dreg:$0x4] =	wrdreg $0xC0  }
0xab: {  	_ =	task [dreg:s6], $0x5FFFF  }
0xac: {  	[dreg:$0x1] =	wrdreg $0xFFFFFFFF  }
0xad: {  	[dreg:$0x0] =	wrdreg $0x60  }
0xae: {  	[dreg:$0x2] =	wrdreg s24  }
0xaf: {  	[dreg:$0x3] =	wrdreg $0x85000  }
0xb0: {  	[dreg:$0x4] =	wrdreg $0x9  }
0xb1: {  	_ =	task.clear_ibuf [dreg:s6], $0x5FFFF;
	_ =	strace $0x90000049  }
0xb2: {  	s29 =	simm.s32 $0x9;
	_ =	strace $0x8000004B  }
0xb3: {  	_ =	swait.ge [sflag:s29], $0x1  }
0xb4: {  	[sflag:s29] =	ssyncadd.s32 $0xFFFFFFFF  }
0xb5: {  	_ =	strace $0x9000004B  }
0xb6: {  	_ =	sfence  }
0xb7: {  	s30 =	sld [smem:$0x0];
	_ =	sdelay $0x2  }
0xb8: {  	s31 =	sshll.u32 s1, $0xD;
	s1 =	sshrl.u32 s1, $0x2  }
0xb9: {  	s3 =	sand.u32 $0x4000, s31;
	s1 =	sadd.s32 s1, s30  }
0xba: {  	s0 =	sor.u32 s3, s0;
	s1 =	sshll.u32 s1, $0x11  }
0xbb: {  	s0 =	sor.u32 s1, s0  }
0xbc: {  	s0 =	sadd.s32 $0x8F2B, s0  }
0xbd: {  	[sflag:s0] =	ssyncadd.remote.s32 $0x1  }
0xbe: {  	_ =	sfence.sel $0xFFFF  }
0xbf: {  	[dreg:$0x0] =	wrdreg $0xFFFFFFFF;
	(pc) =	sbr.abs _section_cstart, $3  }
0xc0: {  	[dreg:$0x1] =	wrdreg $0xFFFFFFFF  }
0xc1: {  	_ =	task.clear_ibuf [dreg:s6], $0x2FFFF;
	_ =	strace $0x9FFFFFFF  }
0xc2: {  	(tm) =	ssettm $0x7FFFFFFF  }
0xc3: {  	_ =	shalt  }
tec
execute0_lowered:
.L_overlay_start_1:
0x0: {  	(tag) =	ssettag $0x1  }
0x1: {  	s0 =	rddreg [dreg:$0x0]  }
0x2: {  	s2 =	rddreg [dreg:$0x1];
	s3 =	simm.s32 $0x0  }
0x3: {  	s1 =	srdreg.scid;
	s12 =	stileid.u32;
	s30 =	simm.s32 $0x500  }
0x4: {  	s31 =	simm.s32 $0x7;
	[smem:$0x7FF] =	sst s3;
	s5 =	smul.u32 $0x280, s12  }
0x5: {  	s1 =	sand.u32 $0x1, s1;
	s4 =	sadd.s32 $0xB6000, s0;
	s9 =	smul.u32 $0x50000, s12  }
0x6: {  	s7 =	sadd.s32 $0x3200, s0;
	s8 =	sadd.s32 $0xD000, s0;
	s11 =	smul.u32 $0x4E20, s12  }
0x7: {  	s13 =	sadd.s32 $0x16E00, s0;
	s21 =	smul.u32 $0x9C4, s12;
	s12 =	simm.s32 $0x3  }
0x8: {  	_ =	strace $0x8000004A;
	s6 =	smul.u32 $0x2800, s1;
	s24 =	ssub.s32 $0x2, s1  }
0x9: {  	[dreg:$0x3] =	wrdreg s13;
	s19 =	smul.u32 $0x2710, s1;
	s10 =	sshrl.u32 s24, $0x1  }
0xa: {  	s25 =	sshrl.u32 s9, $0x2;
	s26 =	sshrl.u32 s11, $0x3;
	s5 =	sadd.s32 s5, s6  }
0xb: {  	s6 =	sadd.s32 s25, s2;
	s11 =	sadd.s32 $0x10, s26;
	s13 =	sadd.s32 s8, s26  }
0xc: {  	s15 =	sadd.s32 $0x20, s26;
	s17 =	sadd.s32 $0x30, s26;
	s9 =	sadd.s32 $0x9C0, s26  }
0xd: {  	s5 =	sshll.u32 s5, $0x4;
	[dreg:$0x5] =	wrdreg s13;
	s14 =	sadd.s32 s7, s11  }
0xe: {  	s1 =	sadd.s32 s8, s11;
	s16 =	sadd.s32 s7, s15;
	s18 =	sadd.s32 s7, s17  }
0xf: {  	s20 =	sadd.s32 s7, s9;
	s9 =	sadd.s32 s8, s9;
	[dreg:$0x6] =	wrdreg s14  }
0x10: {  	s28 =	sadd.s32 $0xC000, s6;
	s29 =	sadd.s32 $0x10000, s6;
	[dreg:$0x7] =	wrdreg s1  }
0x11: {  	s11 =	simm.s32 $0x4500;
	s13 =	simm.s32 $0x300;
	[dreg:$0x8] =	wrdreg s16  }
0x12: {  	s0 =	sadd.s32 s5, s0;
	s5 =	ssub.s32 s24, s10;
	[dreg:$0xa] =	wrdreg s18  }
0x13: {  	s10 =	sadd.s32 s7, s26;
	s1 =	sadd.s32 s8, s17;
	[dreg:$0xc] =	wrdreg s20  }
0x14: {  	[dreg:$0xd] =	wrdreg s9;
	s20 =	sadd.s32 s21, s8;
	s21 =	sadd.s32 s21, s7  }
0x15: {  	s7 =	simm.s32 $0x1;
	s9 =	simm.s32 $0x2;
	[dreg:$0x4] =	wrdreg s10  }
0x16: {  	s14 =	simm.s32 $0x5;
	s10 =	sadd.s32 s8, s15;
	[dreg:$0xb] =	wrdreg s1  }
0x17: {  	s16 =	simm.s32 $0x380;
	s22 =	sadd.s32 $0x104200, s0;
	[dreg:$0x9] =	wrdreg s10  }
0x18: {  	s17 =	simm.s32 $0x6;
	s23 =	sadd.s32 $0x104A00, s0;
	[dreg:$0xe] =	wrdreg s22  }
0x19: {  	s24 =	sadd.s32 $0x105200, s0;
	s25 =	sadd.s32 $0x105A00, s0;
	[dreg:$0xf] =	wrdreg s23  }
0x1a: {  	s0 =	sadd.s32 $0x106200, s0;
	s26 =	smax.u32 s5, $0x1;
	[dreg:$0x10] =	wrdreg s24  }
0x1b: {  	s1 =	simm.s32 $0x80;
	s5 =	simm.s32 $0x180;
	[dreg:$0x11] =	wrdreg s25  }
0x1c: {  	s8 =	simm.s32 $0x200;
	s15 =	simm.s32 $0x4;
	[dreg:$0x12] =	wrdreg s0  }
0x1d: {  	[dreg:$0x13] =	wrdreg s26;
	s25 =	sadd.s32 $0x4000, s6;
	s26 =	sadd.s32 $0x8000, s6  }
0x1e: {  	v0 =	vmov s19;
	s0 =	simm.s32 $0x100;
	s10 =	simm.s32 $0x280;
	s23 =	simm.s32 $0x0  }
.LBB2_1:
0x1f: {  	s18 =	rddreg [dreg:$0x3]  }
0x20: {  	[tilespmem:s30], [sflag:$0x7] =	stream.linear.gather [hbm4b:s18+s3], $0x4000, $0x38;
	[tilespmem:$0x1C500] =	vst v63  }
0x21: {  	_ =	swait.ge [sflag:s31], $0x4000  }
0x22: {  	[sflag:s31] =	ssyncset.done $0x0  }
0x23: {  	[sflag:s31] =	ssyncadd.s32 $0xFFFFC000  }
0x24: {  	[spmem:s6] =	stream.linear.scatter [tilespmem:s30], [sflag:$0x7], $0x4000, $0x38;
	[tilespmem:$0x1C500] =	vst v63  }
0x25: {  	_ =	swait.ge [sflag:s31], $0x4000  }
0x26: {  	[sflag:s31] =	ssyncset.done $0x0  }
0x27: {  	[sflag:s31] =	ssyncadd.s32 $0xFFFFC000  }
0x28: {  	[spmem:s25] =	stream.linear.scatter [tilespmem:s30], [sflag:$0x7], $0x4000, $0x38;
	[tilespmem:$0x1C500] =	vst v63  }
0x29: {  	_ =	swait.ge [sflag:s31], $0x4000  }
0x2a: {  	[sflag:s31] =	ssyncset.done $0x0  }
0x2b: {  	[sflag:s31] =	ssyncadd.s32 $0xFFFFC000  }
0x2c: {  	[spmem:s26] =	stream.linear.scatter [tilespmem:s30], [sflag:$0x7], $0x4000, $0x38;
	[tilespmem:$0x1C500] =	vst v63  }
0x2d: {  	_ =	swait.ge [sflag:s31], $0x4000  }
0x2e: {  	[sflag:s31] =	ssyncset.done $0x0  }
0x2f: {  	[sflag:s31] =	ssyncadd.s32 $0xFFFFC000  }
0x30: {  	[spmem:s28] =	stream.linear.scatter [tilespmem:s30], [sflag:$0x7], $0x4000, $0x38;
	[tilespmem:$0x1C500] =	vst v63  }
0x31: {  	_ =	swait.ge [sflag:s31], $0x4000  }
0x32: {  	[sflag:s31] =	ssyncset.done $0x0  }
0x33: {  	[sflag:s31] =	ssyncadd.s32 $0xFFFFC000  }
0x34: {  	[spmem:s29] =	stream.linear.scatter [tilespmem:s30], [sflag:$0x7], $0x4000, $0x38;
	[tilespmem:$0x1C500] =	vst v63  }
0x35: {  	_ =	swait.ge [sflag:s31], $0x4000  }
0x36: {  	[sflag:s31] =	ssyncset.done $0x0  }
0x37: {  	[sflag:s31] =	ssyncadd.s32 $0xFFFFC000  }
0x38: {  	[bflag:$0x0] =	sbarrier.arrive $0xFFFF  }
0x39: {  	s22 =	rddreg [dreg:$0x4]  }
0x3a: {  	[tilespmem:s3], [sflag:$0x1] =	stream.linear.gather [hbm4b:s22+s3], $0x80, $0x38;
	[tilespmem:$0x1C500] =	vst v63  }
0x3b: {  	s24 =	rddreg [dreg:$0x5]  }
0x3c: {  	[tilespmem:s0], [sflag:$0x1] =	stream.linear.gather [hbm4b:s24+s3], $0x80, $0x38;
	[tilespmem:$0x1C500] =	vst v63  }
0x3d: {  	s19 =	rddreg [dreg:$0x6]  }
0x3e: {  	[tilespmem:s1], [sflag:$0x2] =	stream.linear.gather [hbm4b:s19+s3], $0x80, $0x38;
	[tilespmem:$0x1C500] =	vst v63  }
0x3f: {  	s22 =	rddreg [dreg:$0x7]  }
0x40: {  	[tilespmem:s5], [sflag:$0x2] =	stream.linear.gather [hbm4b:s22+s3], $0x80, $0x38;
	[tilespmem:$0x1C500] =	vst v63  }
0x41: {  	_ =	swait.ge [sflag:s7], $0x80  }
0x42: {  	[sflag:s7] =	ssyncset.done $0x0  }
0x43: {  	[sflag:s7] =	ssyncadd.s32 $0xFFFFFF80  }
0x44: {  	_ =	swait.ge [sflag:s7], $0x80  }
0x45: {  	[sflag:s7] =	ssyncset.done $0x0  }
0x46: {  	[sflag:s7] =	ssyncadd.s32 $0xFFFFFF80  }
0x47: {  	v1 =	vld [tilespmem:$0x0]  }
0x48: {  	v2 =	vld [tilespmem:$0x100]  }
0x49: {  	v3 =	vld [tilespmem:$0x10]  }
0x4a: {  	v4 =	vld [tilespmem:$0x110];
	_ =	sdelay $0x1  }
0x4b: {  	v6 =	vld [tilespmem:$0x120]  }
0x4c: {  	v52 =	vld [tilespmem:$0x140]  }
0x4d: {  	v54 =	vld [tilespmem:$0x150];
	[tilespmem:$0x300] =	vst v2  }
0x4e: {  	v1 =	vadd.s32 v0, v1;
	v2 =	vadd.s32 v0, v3;
	v3 =	vld [tilespmem:$0x130];
	[tilespmem:$0x310] =	vst v4  }
0x4f: {  	[tilespmem:$0x200] =	vst v1;
	v1 =	vld [tilespmem:$0x30]  }
0x50: {  	[tilespmem:$0x210] =	vst v2;
	v2 =	vld [tilespmem:$0x40]  }
0x51: {  	v5 =	vld [tilespmem:$0x20];
	[tilespmem:$0x320] =	vst v6  }
0x52: {  	v55 =	vld [tilespmem:$0x170];
	[tilespmem:$0x340] =	vst v52  }
0x53: {  	v53 =	vld [tilespmem:$0x50];
	[tilespmem:$0x350] =	vst v54  }
0x54: {  	[tilespmem:$0x330] =	vst v3;
	v3 =	vld [tilespmem:$0x160];
	v1 =	vadd.s32 v0, v1  }
0x55: {  	v2 =	vadd.s32 v0, v2;
	[tilespmem:$0x230] =	vst v1;
	v1 =	vld [tilespmem:$0x60]  }
0x56: {  	[tilespmem:$0x240] =	vst v2;
	v2 =	vld [tilespmem:$0x70]  }
0x57: {  	v51 =	vadd.s32 v0, v5;
	[tilespmem:$0x370] =	vst v55  }
0x58: {  	v4 =	vadd.s32 v0, v53;
	[tilespmem:$0x220] =	vst v51  }
0x59: {  	[tilespmem:$0x250] =	vst v4  }
0x5a: {  	[tilespmem:$0x360] =	vst v3;
	v1 =	vadd.s32 v0, v1  }
0x5b: {  	[tilespmem:$0x260] =	vst v1;
	v1 =	vadd.s32 v0, v2  }
0x5c: {  	s24 =	rddreg [dreg:$0x8];
	[tilespmem:$0x270] =	vst v1  }
0x5d: {  	[tilespmem:s3], [sflag:$0x1] =	stream.linear.gather [hbm4b:s24+s3], $0x80, $0x38;
	[tilespmem:$0x1C500] =	vst v63  }
0x5e: {  	s19 =	rddreg [dreg:$0x9]  }
0x5f: {  	[tilespmem:s0], [sflag:$0x1] =	stream.linear.gather [hbm4b:s19+s3], $0x80, $0x38;
	[tilespmem:$0x1C500] =	vst v63  }
0x60: {  	_ = 	snop  }
0x61: {  	[tilespmem:s30], [sflag:$0x3] =	stream.indirect.gather [hbm4b:s4+s1], $0x80, s8, s1, $0xb8;
	[tilespmem:$0x1C500] =	vst v63  }
0x62: {  	_ =	swait.ge [sflag:s9], $0x80  }
0x63: {  	[sflag:s9] =	ssyncset.done $0x0  }
0x64: {  	[sflag:s9] =	ssyncadd.s32 $0xFFFFFF80  }
0x65: {  	_ =	swait.ge [sflag:s9], $0x80  }
0x66: {  	[sflag:s9] =	ssyncset.done $0x0  }
0x67: {  	[sflag:s9] =	ssyncadd.s32 $0xFFFFFF80  }
0x68: {  	v1 =	vld [tilespmem:$0x80]  }
0x69: {  	v2 =	vld [tilespmem:$0x180]  }
0x6a: {  	v3 =	vld [tilespmem:$0x90]  }
0x6b: {  	v56 =	vld [tilespmem:$0x190];
	_ =	sdelay $0x1  }
0x6c: {  	v58 =	vld [tilespmem:$0x1A0]  }
0x6d: {  	v60 =	vld [tilespmem:$0x1C0]  }
0x6e: {  	v62 =	vld [tilespmem:$0x1D0];
	[tilespmem:$0x380] =	vst v2  }
0x6f: {  	v1 =	vadd.s32 v0, v1;
	v2 =	vadd.s32 v0, v3;
	v3 =	vld [tilespmem:$0x1B0];
	[tilespmem:$0x390] =	vst v56  }
0x70: {  	[tilespmem:$0x280] =	vst v1;
	v1 =	vld [tilespmem:$0xB0]  }
0x71: {  	[tilespmem:$0x290] =	vst v2;
	v2 =	vld [tilespmem:$0xC0]  }
0x72: {  	v57 =	vld [tilespmem:$0xA0];
	[tilespmem:$0x3A0] =	vst v58  }
0x73: {  	v63 =	vld [tilespmem:$0x1F0];
	[tilespmem:$0x3C0] =	vst v60  }
0x74: {  	v61 =	vld [tilespmem:$0xD0];
	[tilespmem:$0x3D0] =	vst v62  }
0x75: {  	[tilespmem:$0x3B0] =	vst v3;
	v3 =	vld [tilespmem:$0x1E0];
	v1 =	vadd.s32 v0, v1  }
0x76: {  	v2 =	vadd.s32 v0, v2;
	[tilespmem:$0x2B0] =	vst v1;
	v1 =	vld [tilespmem:$0xE0]  }
0x77: {  	[tilespmem:$0x2C0] =	vst v2;
	v2 =	vld [tilespmem:$0xF0]  }
0x78: {  	v59 =	vadd.s32 v0, v57;
	[tilespmem:$0x3F0] =	vst v63  }
0x79: {  	v4 =	vadd.s32 v0, v61;
	[tilespmem:$0x2A0] =	vst v59  }
0x7a: {  	[tilespmem:$0x2D0] =	vst v4  }
0x7b: {  	[tilespmem:$0x3E0] =	vst v3;
	v1 =	vadd.s32 v0, v1  }
0x7c: {  	[tilespmem:$0x2E0] =	vst v1;
	v1 =	vadd.s32 v0, v2  }
0x7d: {  	s22 =	rddreg [dreg:$0xa];
	[tilespmem:$0x2F0] =	vst v1  }
0x7e: {  	[tilespmem:s1], [sflag:$0x2] =	stream.linear.gather [hbm4b:s22+s3], $0x80, $0x38;
	[tilespmem:$0x1C500] =	vst v63  }
0x7f: {  	s24 =	rddreg [dreg:$0xb]  }
0x80: {  	[tilespmem:s5], [sflag:$0x2] =	stream.linear.gather [hbm4b:s24+s3], $0x80, $0x38;
	[tilespmem:$0x1C500] =	vst v63  }
0x81: {  	_ = 	snop  }
0x82: {  	[tilespmem:s11], [sflag:$0x4] =	stream.indirect.gather [hbm4b:s4+s1], $0x80, s10, s1, $0xb8;
	[tilespmem:$0x1C500] =	vst v63  }
0x83: {  	_ =	swait.ge [sflag:s12], $0x4000  }
0x84: {  	[sflag:s12] =	ssyncset.done $0x0  }
0x85: {  	s24 =	simm.s32 $0xFFFFF680;
	[sflag:s12] =	ssyncadd.s32 $0xFFFFC000  }
0x86: {  	[spmem:s2] =	stream.indirect.scatter.add.f32 [tilespmem:s30], [sflag:$0x5], $0x80, s13, s1, $0xb8;
	[tilespmem:$0x1C500] =	vst v63  }
.LBB2_2:
0x87: {  	_ =	swait.ge [sflag:s14], $0x4000  }
0x88: {  	[sflag:s14] =	ssyncset.done $0x0  }
0x89: {  	[sflag:s14] =	ssyncadd.s32 $0xFFFFC000  }
0x8a: {  	_ =	swait.ge [sflag:s7], $0x80  }
0x8b: {  	[sflag:s7] =	ssyncset.done $0x0  }
0x8c: {  	[sflag:s7] =	ssyncadd.s32 $0xFFFFFF80  }
0x8d: {  	_ =	swait.ge [sflag:s7], $0x80  }
0x8e: {  	[sflag:s7] =	ssyncset.done $0x0  }
0x8f: {  	[sflag:s7] =	ssyncadd.s32 $0xFFFFFF80  }
0x90: {  	v1 =	vld [tilespmem:$0x0]  }
0x91: {  	v2 =	vld [tilespmem:$0x100]  }
0x92: {  	v3 =	vld [tilespmem:$0x10]  }
0x93: {  	v4 =	vld [tilespmem:$0x110];
	_ =	sdelay $0x1  }
0x94: {  	v6 =	vld [tilespmem:$0x120]  }
0x95: {  	v52 =	vld [tilespmem:$0x140]  }
0x96: {  	v54 =	vld [tilespmem:$0x150];
	[tilespmem:$0x300] =	vst v2  }
0x97: {  	v1 =	vadd.s32 v0, v1;
	v2 =	vadd.s32 v0, v3;
	v3 =	vld [tilespmem:$0x130];
	[tilespmem:$0x310] =	vst v4  }
0x98: {  	[tilespmem:$0x200] =	vst v1;
	v1 =	vld [tilespmem:$0x30]  }
0x99: {  	[tilespmem:$0x210] =	vst v2;
	v2 =	vld [tilespmem:$0x40]  }
0x9a: {  	v5 =	vld [tilespmem:$0x20];
	[tilespmem:$0x320] =	vst v6  }
0x9b: {  	v55 =	vld [tilespmem:$0x170];
	[tilespmem:$0x340] =	vst v52  }
0x9c: {  	v53 =	vld [tilespmem:$0x50];
	[tilespmem:$0x350] =	vst v54  }
0x9d: {  	[tilespmem:$0x330] =	vst v3;
	v3 =	vld [tilespmem:$0x160];
	v1 =	vadd.s32 v0, v1  }
0x9e: {  	v2 =	vadd.s32 v0, v2;
	[tilespmem:$0x230] =	vst v1;
	v1 =	vld [tilespmem:$0x60]  }
0x9f: {  	[tilespmem:$0x240] =	vst v2;
	v2 =	vld [tilespmem:$0x70]  }
0xa0: {  	v51 =	vadd.s32 v0, v5;
	[tilespmem:$0x370] =	vst v55  }
0xa1: {  	v4 =	vadd.s32 v0, v53;
	[tilespmem:$0x220] =	vst v51  }
0xa2: {  	[tilespmem:$0x250] =	vst v4  }
0xa3: {  	[tilespmem:$0x360] =	vst v3;
	v1 =	vadd.s32 v0, v1  }
0xa4: {  	s18 =	sadd.s32 s24, s21;
	[tilespmem:$0x260] =	vst v1;
	v1 =	vadd.s32 v0, v2  }
0xa5: {  	s19 =	sadd.s32 $0x9C0, s18;
	[tilespmem:$0x270] =	vst v1  }
0xa6: {  	[tilespmem:s3], [sflag:$0x1] =	stream.linear.gather [hbm4b:s19+s3], $0x80, $0x38;
	[tilespmem:$0x1C500] =	vst v63  }
0xa7: {  	s19 =	sadd.s32 s24, s20  }
0xa8: {  	s22 =	sadd.s32 $0x9C0, s19  }
0xa9: {  	[tilespmem:s0], [sflag:$0x1] =	stream.linear.gather [hbm4b:s22+s3], $0x80, $0x38;
	[tilespmem:$0x1C500] =	vst v63  }
0xaa: {  	_ = 	snop  }
0xab: {  	[tilespmem:s30], [sflag:$0x3] =	stream.indirect.gather [hbm4b:s4+s1], $0x80, s8, s1, $0xb8;
	[tilespmem:$0x1C500] =	vst v63  }
0xac: {  	_ =	swait.ge [sflag:s15], $0x4000  }
0xad: {  	[sflag:s15] =	ssyncset.done $0x0  }
0xae: {  	[sflag:s15] =	ssyncadd.s32 $0xFFFFC000  }
0xaf: {  	[spmem:s2] =	stream.indirect.scatter.add.f32 [tilespmem:s11], [sflag:$0x6], $0x80, s16, s1, $0xb8;
	[tilespmem:$0x1C500] =	vst v63  }
0xb0: {  	_ =	swait.ge [sflag:s17], $0x4000  }
0xb1: {  	[sflag:s17] =	ssyncset.done $0x0  }
0xb2: {  	[sflag:s17] =	ssyncadd.s32 $0xFFFFC000  }
0xb3: {  	_ =	swait.ge [sflag:s9], $0x80  }
0xb4: {  	[sflag:s9] =	ssyncset.done $0x0  }
0xb5: {  	[sflag:s9] =	ssyncadd.s32 $0xFFFFFF80  }
0xb6: {  	_ =	swait.ge [sflag:s9], $0x80  }
0xb7: {  	[sflag:s9] =	ssyncset.done $0x0  }
0xb8: {  	[sflag:s9] =	ssyncadd.s32 $0xFFFFFF80  }
0xb9: {  	v1 =	vld [tilespmem:$0x80]  }
0xba: {  	v2 =	vld [tilespmem:$0x180]  }
0xbb: {  	v3 =	vld [tilespmem:$0x90]  }
0xbc: {  	v56 =	vld [tilespmem:$0x190];
	_ =	sdelay $0x1  }
0xbd: {  	v58 =	vld [tilespmem:$0x1A0]  }
0xbe: {  	v60 =	vld [tilespmem:$0x1C0]  }
0xbf: {  	v62 =	vld [tilespmem:$0x1D0];
	[tilespmem:$0x380] =	vst v2  }
0xc0: {  	v1 =	vadd.s32 v0, v1;
	v2 =	vadd.s32 v0, v3;
	v3 =	vld [tilespmem:$0x1B0];
	[tilespmem:$0x390] =	vst v56  }
0xc1: {  	[tilespmem:$0x280] =	vst v1;
	v1 =	vld [tilespmem:$0xB0]  }
0xc2: {  	[tilespmem:$0x290] =	vst v2;
	v2 =	vld [tilespmem:$0xC0]  }
0xc3: {  	v57 =	vld [tilespmem:$0xA0];
	[tilespmem:$0x3A0] =	vst v58  }
0xc4: {  	v63 =	vld [tilespmem:$0x1F0];
	[tilespmem:$0x3C0] =	vst v60  }
0xc5: {  	v61 =	vld [tilespmem:$0xD0];
	[tilespmem:$0x3D0] =	vst v62  }
0xc6: {  	[tilespmem:$0x3B0] =	vst v3;
	v3 =	vld [tilespmem:$0x1E0];
	v1 =	vadd.s32 v0, v1  }
0xc7: {  	v2 =	vadd.s32 v0, v2;
	[tilespmem:$0x2B0] =	vst v1;
	v1 =	vld [tilespmem:$0xE0]  }
0xc8: {  	[tilespmem:$0x2C0] =	vst v2;
	v2 =	vld [tilespmem:$0xF0]  }
0xc9: {  	v59 =	vadd.s32 v0, v57;
	[tilespmem:$0x3F0] =	vst v63  }
0xca: {  	v4 =	vadd.s32 v0, v61;
	[tilespmem:$0x2A0] =	vst v59  }
0xcb: {  	[tilespmem:$0x2D0] =	vst v4  }
0xcc: {  	[tilespmem:$0x3E0] =	vst v3;
	v1 =	vadd.s32 v0, v1  }
0xcd: {  	[tilespmem:$0x2E0] =	vst v1;
	v1 =	vadd.s32 v0, v2  }
0xce: {  	s18 =	sadd.s32 $0x9D0, s18;
	[tilespmem:$0x2F0] =	vst v1  }
0xcf: {  	[tilespmem:s1], [sflag:$0x2] =	stream.linear.gather [hbm4b:s18+s3], $0x80, $0x38;
	[tilespmem:$0x1C500] =	vst v63  }
0xd0: {  	s22 =	sadd.s32 $0x9D0, s19  }
0xd1: {  	[tilespmem:s5], [sflag:$0x2] =	stream.linear.gather [hbm4b:s22+s3], $0x80, $0x38;
	[tilespmem:$0x1C500] =	vst v63  }
0xd2: {  	p0 =	sne.s32 s24, $0xFFFFFFE0  }
0xd3: {  	[tilespmem:s11], [sflag:$0x4] =	stream.indirect.gather [hbm4b:s4+s1], $0x80, s10, s1, $0xb8;
	[tilespmem:$0x1C500] =	vst v63  }
.Ltmp0:
0xd4: {  	_ = 	snop;
	(pc) =	sbr.rel @p0 .LBB2_2-.Ltmp0, $4  }
0xd5: {  	_ =	swait.ge [sflag:s12], $0x4000  }
0xd6: {  	[sflag:s12] =	ssyncset.done $0x0  }
0xd7: {  	s24 =	sadd.s32 $0x20, s24;
	[sflag:s12] =	ssyncadd.s32 $0xFFFFC000  }
0xd8: {  	[spmem:s2] =	stream.indirect.scatter.add.f32 [tilespmem:s30], [sflag:$0x5], $0x80, s13, s1, $0xb8;
	[tilespmem:$0x1C500] =	vst v63  }
0xd9: {  	_ =	swait.ge [sflag:s14], $0x4000  }
0xda: {  	[sflag:s14] =	ssyncset.done $0x0  }
0xdb: {  	[sflag:s14] =	ssyncadd.s32 $0xFFFFC000  }
0xdc: {  	_ =	swait.ge [sflag:s7], $0x80  }
0xdd: {  	[sflag:s7] =	ssyncset.done $0x0  }
0xde: {  	[sflag:s7] =	ssyncadd.s32 $0xFFFFFF80  }
0xdf: {  	_ =	swait.ge [sflag:s7], $0x80  }
0xe0: {  	[sflag:s7] =	ssyncset.done $0x0  }
0xe1: {  	[sflag:s7] =	ssyncadd.s32 $0xFFFFFF80  }
0xe2: {  	v1 =	vld [tilespmem:$0x0]  }
0xe3: {  	v2 =	vld [tilespmem:$0x100]  }
0xe4: {  	v3 =	vld [tilespmem:$0x10]  }
0xe5: {  	v4 =	vld [tilespmem:$0x110];
	_ =	sdelay $0x1  }
0xe6: {  	v6 =	vld [tilespmem:$0x120]  }
0xe7: {  	v52 =	vld [tilespmem:$0x140]  }
0xe8: {  	v54 =	vld [tilespmem:$0x150];
	[tilespmem:$0x300] =	vst v2  }
0xe9: {  	v1 =	vadd.s32 v0, v1;
	v2 =	vadd.s32 v0, v3;
	v3 =	vld [tilespmem:$0x130];
	[tilespmem:$0x310] =	vst v4  }
0xea: {  	[tilespmem:$0x200] =	vst v1;
	v1 =	vld [tilespmem:$0x30]  }
0xeb: {  	[tilespmem:$0x210] =	vst v2;
	v2 =	vld [tilespmem:$0x40]  }
0xec: {  	v5 =	vld [tilespmem:$0x20];
	[tilespmem:$0x320] =	vst v6  }
0xed: {  	v55 =	vld [tilespmem:$0x170];
	[tilespmem:$0x340] =	vst v52  }
0xee: {  	v53 =	vld [tilespmem:$0x50];
	[tilespmem:$0x350] =	vst v54  }
0xef: {  	[tilespmem:$0x330] =	vst v3;
	v3 =	vld [tilespmem:$0x160];
	v1 =	vadd.s32 v0, v1  }
0xf0: {  	v2 =	vadd.s32 v0, v2;
	[tilespmem:$0x230] =	vst v1;
	v1 =	vld [tilespmem:$0x60]  }
0xf1: {  	[tilespmem:$0x240] =	vst v2;
	v2 =	vld [tilespmem:$0x70]  }
0xf2: {  	v51 =	vadd.s32 v0, v5;
	[tilespmem:$0x370] =	vst v55  }
0xf3: {  	v4 =	vadd.s32 v0, v53;
	[tilespmem:$0x220] =	vst v51  }
0xf4: {  	[tilespmem:$0x250] =	vst v4  }
0xf5: {  	[tilespmem:$0x360] =	vst v3;
	v1 =	vadd.s32 v0, v1  }
0xf6: {  	[tilespmem:$0x260] =	vst v1;
	v1 =	vadd.s32 v0, v2  }
0xf7: {  	[tilespmem:$0x270] =	vst v1  }
0xf8: {  	[tilespmem:s30], [sflag:$0x3] =	stream.indirect.gather [hbm4b:s4+s1], $0x80, s8, s1, $0xb8;
	[tilespmem:$0x1C500] =	vst v63  }
0xf9: {  	_ =	swait.ge [sflag:s15], $0x4000  }
0xfa: {  	[sflag:s15] =	ssyncset.done $0x0  }
0xfb: {  	[sflag:s15] =	ssyncadd.s32 $0xFFFFC000  }
0xfc: {  	[spmem:s2] =	stream.indirect.scatter.add.f32 [tilespmem:s11], [sflag:$0x6], $0x80, s16, s1, $0xb8;
	[tilespmem:$0x1C500] =	vst v63  }
0xfd: {  	_ =	swait.ge [sflag:s17], $0x4000  }
0xfe: {  	[sflag:s17] =	ssyncset.done $0x0  }
0xff: {  	[sflag:s17] =	ssyncadd.s32 $0xFFFFC000  }
0x100: {  	_ =	swait.ge [sflag:s9], $0x80  }
0x101: {  	[sflag:s9] =	ssyncset.done $0x0  }
0x102: {  	[sflag:s9] =	ssyncadd.s32 $0xFFFFFF80  }
0x103: {  	_ =	swait.ge [sflag:s9], $0x80  }
0x104: {  	[sflag:s9] =	ssyncset.done $0x0  }
0x105: {  	[sflag:s9] =	ssyncadd.s32 $0xFFFFFF80  }
0x106: {  	v1 =	vld [tilespmem:$0x80]  }
0x107: {  	v2 =	vld [tilespmem:$0x180]  }
0x108: {  	v3 =	vld [tilespmem:$0x90]  }
0x109: {  	v56 =	vld [tilespmem:$0x190];
	_ =	sdelay $0x1  }
0x10a: {  	v58 =	vld [tilespmem:$0x1A0]  }
0x10b: {  	v60 =	vld [tilespmem:$0x1C0]  }
0x10c: {  	v62 =	vld [tilespmem:$0x1D0];
	[tilespmem:$0x380] =	vst v2  }
0x10d: {  	v1 =	vadd.s32 v0, v1;
	v2 =	vadd.s32 v0, v3;
	v3 =	vld [tilespmem:$0x1B0];
	[tilespmem:$0x390] =	vst v56  }
0x10e: {  	[tilespmem:$0x280] =	vst v1;
	v1 =	vld [tilespmem:$0xB0]  }
0x10f: {  	[tilespmem:$0x290] =	vst v2;
	v2 =	vld [tilespmem:$0xC0]  }
0x110: {  	v57 =	vld [tilespmem:$0xA0];
	[tilespmem:$0x3A0] =	vst v58  }
0x111: {  	v63 =	vld [tilespmem:$0x1F0];
	[tilespmem:$0x3C0] =	vst v60  }
0x112: {  	v61 =	vld [tilespmem:$0xD0];
	[tilespmem:$0x3D0] =	vst v62  }
0x113: {  	[tilespmem:$0x3B0] =	vst v3;
	v3 =	vld [tilespmem:$0x1E0];
	v1 =	vadd.s32 v0, v1  }
0x114: {  	v2 =	vadd.s32 v0, v2;
	[tilespmem:$0x2B0] =	vst v1;
	v1 =	vld [tilespmem:$0xE0]  }
0x115: {  	[tilespmem:$0x2C0] =	vst v2;
	v2 =	vld [tilespmem:$0xF0]  }
0x116: {  	v59 =	vadd.s32 v0, v57;
	[tilespmem:$0x3F0] =	vst v63  }
0x117: {  	v4 =	vadd.s32 v0, v61;
	[tilespmem:$0x2A0] =	vst v59  }
0x118: {  	[tilespmem:$0x2D0] =	vst v4  }
0x119: {  	[tilespmem:$0x3E0] =	vst v3;
	v1 =	vadd.s32 v0, v1  }
0x11a: {  	[tilespmem:$0x2E0] =	vst v1;
	v1 =	vadd.s32 v0, v2  }
0x11b: {  	[tilespmem:$0x2F0] =	vst v1  }
0x11c: {  	[tilespmem:s11], [sflag:$0x4] =	stream.indirect.gather [hbm4b:s4+s1], $0x80, s10, s1, $0xb8;
	[tilespmem:$0x1C500] =	vst v63  }
0x11d: {  	_ =	swait.ge [sflag:s12], $0x4000  }
0x11e: {  	[sflag:s12] =	ssyncset.done $0x0  }
0x11f: {  	[sflag:s12] =	ssyncadd.s32 $0xFFFFC000  }
0x120: {  	[spmem:s2] =	stream.indirect.scatter.add.f32 [tilespmem:s30], [sflag:$0x5], $0x80, s13, s1, $0xb8;
	[tilespmem:$0x1C500] =	vst v63  }
0x121: {  	_ =	swait.ge [sflag:s15], $0x4000  }
0x122: {  	[sflag:s15] =	ssyncset.done $0x0  }
0x123: {  	[sflag:s15] =	ssyncadd.s32 $0xFFFFC000  }
0x124: {  	[spmem:s2] =	stream.indirect.scatter.add.f32 [tilespmem:s11], [sflag:$0x6], $0x80, s16, s1, $0xb8;
	[tilespmem:$0x1C500] =	vst v63  }
0x125: {  	_ =	swait.ge [sflag:s14], $0x4000  }
0x126: {  	[sflag:s14] =	ssyncset.done $0x0  }
0x127: {  	[sflag:s14] =	ssyncadd.s32 $0xFFFFC000  }
0x128: {  	_ =	swait.ge [sflag:s17], $0x4000  }
0x129: {  	[sflag:s17] =	ssyncset.done $0x0  }
0x12a: {  	s19 =	simm.s32 $0x400;
	s18 =	rddreg [dreg:$0xc];
	[sflag:s17] =	ssyncadd.s32 $0xFFFFC000  }
0x12b: {  	[tilespmem:s19], [sflag:$0x7] =	stream.linear.gather [hbm4b:s18+s3], $0x20, $0x38;
	[tilespmem:$0x1C500] =	vst v63  }
0x12c: {  	_ =	swait.ge [sflag:s31], $0x20  }
0x12d: {  	[sflag:s31] =	ssyncset.done $0x0  }
0x12e: {  	[sflag:s31] =	ssyncadd.s32 $0xFFFFFFE0  }
0x12f: {  	v1 =	vld [tilespmem:$0x400]  }
0x130: {  	v2 =	vld [tilespmem:$0x410];
	_ =	sdelay $0x3  }
0x131: {  	v1 =	vadd.s32 v0, v1  }
0x132: {  	[tilespmem:$0x400] =	vst v1;
	v1 =	vadd.s32 v0, v2  }
0x133: {  	s22 =	simm.s32 $0x480;
	s24 =	rddreg [dreg:$0xd];
	[tilespmem:$0x410] =	vst v1  }
0x134: {  	[tilespmem:s22], [sflag:$0x7] =	stream.linear.gather [hbm4b:s24+s3], $0x20, $0x38;
	[tilespmem:$0x1C500] =	vst v63  }
0x135: {  	_ =	swait.ge [sflag:s31], $0x20  }
0x136: {  	[sflag:s31] =	ssyncset.done $0x0  }
0x137: {  	s24 =	simm.s32 $0x20;
	[sflag:s31] =	ssyncadd.s32 $0xFFFFFFE0  }
0x138: {  	[tilespmem:s30], [sflag:$0x3] =	stream.indirect.gather [hbm4b:s4+s24], $0x80, s19, s24, $0xb8;
	[tilespmem:$0x1C500] =	vst v63  }
0x139: {  	_ =	swait.ge [sflag:s12], $0x1000  }
0x13a: {  	[sflag:s12] =	ssyncset.done $0x0  }
0x13b: {  	[sflag:s12] =	ssyncadd.s32 $0xFFFFF000  }
0x13c: {  	[spmem:s2] =	stream.indirect.scatter.add.f32 [tilespmem:s30], [sflag:$0x7], $0x80, s22, s24, $0xb8;
	[tilespmem:$0x1C500] =	vst v63  }
0x13d: {  	_ =	swait.ge [sflag:s31], $0x1000  }
0x13e: {  	[sflag:s31] =	ssyncset.done $0x0  }
0x13f: {  	[sflag:s31] =	ssyncadd.s32 $0xFFFFF000  }
0x140: {  	[bflag:$0x0] =	sbarrier.arrive $0xFFFF  }
0x141: {  	[tilespmem:s30], [sflag:$0x7] =	stream.linear.gather [spmem:s6], $0x4000, $0x38;
	[tilespmem:$0x1C500] =	vst v63  }
0x142: {  	_ =	swait.ge [sflag:s31], $0x4000  }
0x143: {  	[sflag:s31] =	ssyncset.done $0x0  }
0x144: {  	s19 =	rddreg [dreg:$0xe];
	[sflag:s31] =	ssyncadd.s32 $0xFFFFC000  }
0x145: {  	[hbm4b:s19+s3] =	stream.linear.scatter [tilespmem:s30], [sflag:$0x7], $0x4000, $0x38;
	[tilespmem:$0x1C500] =	vst v63  }
0x146: {  	_ =	swait.ge [sflag:s31], $0x4000  }
0x147: {  	[sflag:s31] =	ssyncset.done $0x0  }
0x148: {  	[sflag:s31] =	ssyncadd.s32 $0xFFFFC000  }
0x149: {  	[tilespmem:s30], [sflag:$0x7] =	stream.linear.gather [spmem:s25], $0x4000, $0x38;
	[tilespmem:$0x1C500] =	vst v63  }
0x14a: {  	_ =	swait.ge [sflag:s31], $0x4000  }
0x14b: {  	[sflag:s31] =	ssyncset.done $0x0  }
0x14c: {  	s22 =	rddreg [dreg:$0xf];
	[sflag:s31] =	ssyncadd.s32 $0xFFFFC000  }
0x14d: {  	[hbm4b:s22+s3] =	stream.linear.scatter [tilespmem:s30], [sflag:$0x7], $0x4000, $0x38;
	[tilespmem:$0x1C500] =	vst v63  }
0x14e: {  	_ =	swait.ge [sflag:s31], $0x4000  }
0x14f: {  	[sflag:s31] =	ssyncset.done $0x0  }
0x150: {  	[sflag:s31] =	ssyncadd.s32 $0xFFFFC000  }
0x151: {  	[tilespmem:s30], [sflag:$0x7] =	stream.linear.gather [spmem:s26], $0x4000, $0x38;
	[tilespmem:$0x1C500] =	vst v63  }
0x152: {  	_ =	swait.ge [sflag:s31], $0x4000  }
0x153: {  	[sflag:s31] =	ssyncset.done $0x0  }
0x154: {  	s24 =	rddreg [dreg:$0x10];
	[sflag:s31] =	ssyncadd.s32 $0xFFFFC000  }
0x155: {  	[hbm4b:s24+s3] =	stream.linear.scatter [tilespmem:s30], [sflag:$0x7], $0x4000, $0x38;
	[tilespmem:$0x1C500] =	vst v63  }
0x156: {  	_ =	swait.ge [sflag:s31], $0x4000  }
0x157: {  	[sflag:s31] =	ssyncset.done $0x0  }
0x158: {  	[sflag:s31] =	ssyncadd.s32 $0xFFFFC000  }
0x159: {  	[tilespmem:s30], [sflag:$0x7] =	stream.linear.gather [spmem:s28], $0x4000, $0x38;
	[tilespmem:$0x1C500] =	vst v63  }
0x15a: {  	_ =	swait.ge [sflag:s31], $0x4000  }
0x15b: {  	[sflag:s31] =	ssyncset.done $0x0  }
0x15c: {  	s19 =	rddreg [dreg:$0x11];
	[sflag:s31] =	ssyncadd.s32 $0xFFFFC000  }
0x15d: {  	[hbm4b:s19+s3] =	stream.linear.scatter [tilespmem:s30], [sflag:$0x7], $0x4000, $0x38;
	[tilespmem:$0x1C500] =	vst v63  }
0x15e: {  	_ =	swait.ge [sflag:s31], $0x4000  }
0x15f: {  	[sflag:s31] =	ssyncset.done $0x0  }
0x160: {  	[sflag:s31] =	ssyncadd.s32 $0xFFFFC000  }
0x161: {  	[tilespmem:s30], [sflag:$0x7] =	stream.linear.gather [spmem:s29], $0x4000, $0x38;
	[tilespmem:$0x1C500] =	vst v63  }
0x162: {  	_ =	swait.ge [sflag:s31], $0x4000  }
0x163: {  	[sflag:s31] =	ssyncset.done $0x0  }
0x164: {  	s22 =	rddreg [dreg:$0x12];
	[sflag:s31] =	ssyncadd.s32 $0xFFFFC000  }
0x165: {  	[hbm4b:s22+s3] =	stream.linear.scatter [tilespmem:s30], [sflag:$0x7], $0x4000, $0x38;
	[tilespmem:$0x1C500] =	vst v63  }
0x166: {  	_ =	swait.ge [sflag:s31], $0x4000  }
0x167: {  	s23 =	sadd.s32 $0x1, s23;
	s24 =	rddreg [dreg:$0x13]  }
0x168: {  	p0 =	sne.s32 s23, s24  }
.Ltmp1:
0x169: {  	_ = 	snop;
	(pc) =	sbr.rel @p0 .LBB2_1-.Ltmp1, $3  }
0x16a: {  	_ =	sdelay $0x1  }
0x16b: {  	[sflag:s31] =	ssyncset.done $0x0  }
0x16c: {  	[sflag:s31] =	ssyncadd.s32 $0xFFFFC000  }
0x16d: {  	_ =	sfence.sel $0x180000  }
0x16e: {  	[bflag:$0x0] =	sbarrier.arrive $0xFFFF  }
0x16f: {  	_ =	strace $0x9000004A  }
0x170: {  	s0 =	stileid.u32;
	[bflag:$0x2] =	sbarrier.arrive $0xFFFF  }
0x171: {  	p0 =	sne.s32 s0, $0x0;
	s0 =	rddreg [dreg:$0x2]  }
0x172: {  	s0 =	sadd.s32 @!p0 $0x100000, s0  }
0x173: {  	[sflag:s0] =	ssyncadd.tile.s32 @!p0 $0x1;
	_ =	shalt  }
.Lfunc_end2:
_tile_overlayer_lowered:
.L_overlay_start_2:
0x174: {  	(tag) =	ssettag $0x2  }
0x175: {  	s0 =	rddreg [dreg:$0x0];
	s2 =	stileid.u32  }
0x176: {  	s1 =	rddreg [dreg:$0x1];
	p0 =	sne.s32 s2, $0x0  }
0x177: {  	s3 =	rddreg [dreg:$0x2];
	[bflag:$0x3] =	sbarrier.arrive $0xFFFF;
	s2 =	simm.s32 @!p0 $0x1C07  }
0x178: {  	[timem:s3], [sflag:s2] =	dma.local @!p0 [hbm:s0], s1  }
0x179: {  	s0 =	simm.s32 @!p0 $0x7  }
0x17a: {  	_ =	swait.ge @!p0 [sflag:s0], s1  }
0x17b: {  	s1 =	ssub.s32 @!p0 $0x0, s1;
	[sflag:s0] =	ssyncset.done @!p0 $0x0  }
0x17c: {  	[sflag:s0] =	ssyncadd.s32 @!p0 s1  }
0x17d: {  	[bflag:$0x3] =	sbarrier.arrive $0xFFFF  }
0x17e: {  	_ =	shalt  }

// kernel: kernel.15.cloned.1.call-start
scs
__scs_entry_jumppad:
0x0: {  	(pc) =	sbr.rel $0x88, $3  }
0x1: {  	(tag) =	ssettag $0x0;
	lr =	simm.s32 $0x1  }
0x2: {  	[smem:$0x3F93] =	sst lr;
	_ =	strace $0xD0000000  }
0x3: {  	_ = 	snop  }
0x4: {  	_ = 	snop  }
0x5: {  	_ = 	snop  }
0x6: {  	_ = 	snop  }
0x7: {  	_ = 	snop  }
__scs_overlays_trampoline_lowered:
0x8: {  	[smem:$0x3FA2] =	sst s0  }
0x9: {  	[smem:$0x3FA3] =	sst s1  }
0xa: {  	[smem:$0x3FA4] =	sst s2  }
0xb: {  	[smem:$0x3FA5] =	sst s3  }
0xc: {  	[smem:$0x3FA6] =	sst s4  }
0xd: {  	[smem:$0x3FA7] =	sst s5  }
0xe: {  	[smem:$0x3FA8] =	sst s6  }
0xf: {  	[smem:$0x3FA9] =	sst s7  }
0x10: {  	[smem:$0x3FAA] =	sst s8  }
0x11: {  	[smem:$0x3FAB] =	sst s9;
	s0 =	simm.s32 @!p0 $0x0  }
0x12: {  	s1 =	sld [smem:$0x3F91];
	s0 =	simm.s32 @p0 $0x1  }
0x13: {  	[smem:$0x3FAC] =	sst s0;
	s0 =	simm.s32 @!p1 $0x0  }
0x14: {  	s2 =	sld [smem:$0x3F90];
	s0 =	simm.s32 @p1 $0x1  }
0x15: {  	[smem:$0x3FAD] =	sst s0;
	s0 =	simm.s32 @!p2 $0x0  }
0x16: {  	s3 =	sld [smem:$0x3FDB];
	s0 =	simm.s32 @p2 $0x1  }
0x17: {  	s4 =	simm.s32 $0x1BF5;
	[smem:$0x3FAF] =	sst s0  }
0x18: {  	s0 =	sld [smem:$0x3F92];
	_ =	swait.ge [sflag:s4], $0x0  }
0x19: {  	s7 =	sld [smem:$0x3F93]  }
0x1a: {  	s8 =	sadd.s32 $0xFFFFE003, lr  }
0x1b: {  	s9 =	sadd.s32 $0xFFFFFEF7, lr;
	s5 =	simm.s32 $0xFFFFFFFF;
	p2 =	slt.u32 s8, $0xFFFFF086  }
0x1c: {  	p1 =	slt.u32 s9, $0xF7A;
	s5 =	simm.s32 @!p2 $0x0  }
0x1d: {  	s5 =	simm.s32 @p1 $0x1;
	p0 =	seq.s32 s7, s2  }
0x1e: {  	s7 =	smul.u32 @!p0 $0xF7A, s2;
	p2 =	seq.s32 @!p0 s5, $0x0  }
0x1f: {  	s9 =	smul.u32 $0xF7A, s1;
	s8 =	simm.s32 @!p0 $0x1BF5;
	p2 =	por !p2, p0  }
0x20: {  	[sflag:s8] =	ssyncset.s32 @!p0 $0xFFFFF086;
	s6 =	sadd.s32 @!p0 s3, s7;
	s7 =	simm.s32 @!p0 $0x108  }
0x21: {  	s3 =	sadd.s32 s3, s9;
	s6 =	sadd.s32 @!p0 $0x88, s6;
	s7 =	simm.s32 @p2 $0x1082  }
0x22: {  	[simem:s7], [sflag:s8] =	dma.local @!p0 [hbm:s6], $0xF7A  }
0x23: {  	s9 =	sor.u32 $0xD0000000, s2;
	s6 =	simm.s32 $0x108;
	_ =	swait.ge @!p0 [sflag:s8], $0x0  }
0x24: {  	s3 =	sadd.s32 $0x88, s3;
	s6 =	simm.s32 @!p1 $0x1082;
	[sflag:s4] =	ssyncset.s32 $0xFFFFF086  }
0x25: {  	[simem:s6], [sflag:s4] =	dma.local [hbm:s3], $0xF7A  }
0x26: {  	[smem:$0x3F93] =	sst s1;
	(tag) =	ssettag s2;
	_ =	strace s9  }
0x27: {  	s1 =	sld [smem:$0x3FA3]  }
0x28: {  	s2 =	sld [smem:$0x3FA4]  }
0x29: {  	s4 =	sld [smem:$0x3FA6]  }
0x2a: {  	p0 =	seq.s32 s5, $0x0;
	s5 =	sld [smem:$0x3FA7]  }
0x2b: {  	s6 =	sld [smem:$0x3FA8]  }
0x2c: {  	s7 =	sld [smem:$0x3FA9]  }
0x2d: {  	s3 =	simm.s32 $0x108;
	s8 =	sld [smem:$0x3FAA]  }
0x2e: {  	s3 =	simm.s32 @!p0 $0x1082;
	s9 =	sld [smem:$0x3FAB]  }
0x2f: {  	lr =	sadd.s32 s0, s3;
	s0 =	sld [smem:$0x3FA2]  }
0x30: {  	s3 =	sld [smem:$0x3FA5]  }
0x31: {  	[smem:$0x3FAE] =	sst s10  }
0x32: {  	s10 =	sld [smem:$0x3FAC];
	_ =	sdelay $0x3  }
0x33: {  	p0 =	seq.s32 s10, $0x1;
	s10 =	sld [smem:$0x3FAE];
	_ =	sdelay $0x3  }
0x34: {  	[smem:$0x3FAE] =	sst s10  }
0x35: {  	s10 =	sld [smem:$0x3FAD];
	_ =	sdelay $0x3  }
0x36: {  	p1 =	seq.s32 s10, $0x1;
	s10 =	sld [smem:$0x3FAE];
	_ =	sdelay $0x3  }
0x37: {  	[smem:$0x3FAE] =	sst s10  }
0x38: {  	s10 =	sld [smem:$0x3FAF]  }
0x39: {  	_ = 	snop;
	(pc) =	sbr.ind lr, $3  }
0x3a: {  	_ = 	snop  }
0x3b: {  	_ = 	snop  }
0x3c: {  	p2 =	seq.s32 s10, $0x1;
	s10 =	sld [smem:$0x3FAE]  }
0x3d: {  	_ =	shalt  }
0x3e: {  	_ =	shalt  }
0x3f: {  	_ =	shalt  }
0x40: {  	_ =	shalt  }
0x41: {  	_ =	shalt  }
0x42: {  	_ =	shalt  }
0x43: {  	_ =	shalt  }
0x44: {  	_ =	shalt  }
0x45: {  	_ =	shalt  }
0x46: {  	_ =	shalt  }
0x47: {  	_ =	shalt  }
0x48: {  	_ =	shalt  }
0x49: {  	_ =	shalt  }
0x4a: {  	_ =	shalt  }
0x4b: {  	_ =	shalt  }
0x4c: {  	_ =	shalt  }
0x4d: {  	_ =	shalt  }
0x4e: {  	_ =	shalt  }
0x4f: {  	_ =	shalt  }
0x50: {  	_ =	shalt  }
0x51: {  	_ =	shalt  }
0x52: {  	_ =	shalt  }
0x53: {  	_ =	shalt  }
0x54: {  	_ =	shalt  }
0x55: {  	_ =	shalt  }
0x56: {  	_ =	shalt  }
0x57: {  	_ =	shalt  }
0x58: {  	_ =	shalt  }
0x59: {  	_ =	shalt  }
0x5a: {  	_ =	shalt  }
0x5b: {  	_ =	shalt  }
0x5c: {  	_ =	shalt  }
0x5d: {  	_ =	shalt  }
0x5e: {  	_ =	shalt  }
0x5f: {  	_ =	shalt  }
0x60: {  	_ =	shalt  }
0x61: {  	_ =	shalt  }
0x62: {  	_ =	shalt  }
0x63: {  	_ =	shalt  }
0x64: {  	_ =	shalt  }
0x65: {  	_ =	shalt  }
0x66: {  	_ =	shalt  }
0x67: {  	_ =	shalt  }
0x68: {  	_ =	shalt  }
0x69: {  	_ =	shalt  }
0x6a: {  	_ =	shalt  }
0x6b: {  	_ =	shalt  }
0x6c: {  	_ =	shalt  }
0x6d: {  	_ =	shalt  }
0x6e: {  	_ =	shalt  }
0x6f: {  	_ =	shalt  }
0x70: {  	_ =	shalt  }
0x71: {  	_ =	shalt  }
0x72: {  	_ =	shalt  }
0x73: {  	_ =	shalt  }
0x74: {  	_ =	shalt  }
0x75: {  	_ =	shalt  }
0x76: {  	_ =	shalt  }
0x77: {  	_ =	shalt  }
0x78: {  	_ =	shalt  }
0x79: {  	_ =	shalt  }
0x7a: {  	_ =	shalt  }
0x7b: {  	_ =	shalt  }
0x7c: {  	_ =	shalt  }
0x7d: {  	_ =	shalt  }
0x7e: {  	_ =	shalt  }
0x7f: {  	_ =	shalt  }
0x80: {  	_ =	shalt  }
0x81: {  	_ =	shalt  }
0x82: {  	_ =	shalt  }
0x83: {  	_ =	shalt  }
0x84: {  	_ =	shalt  }
0x85: {  	_ =	shalt  }
0x86: {  	_ =	shalt  }
0x87: {  	_ =	shalt  }
.Lfunc_end0:
.L_simem_size_0:
called_computation.2_lowered:
.L_overlay_start_0:
0x88: {  	s2 =	sld [smem:$0x3FD9]  }
0x89: {  	s3 =	sld [smem:$0x3FFE];
	_ =	sdelay $0x1  }
0x8a: {  	s1 =	srdreg.scid  }
0x8b: {  	s0 =	sand.u32 $0x1, s1  }
0x8c: {  	s16 =	sshll.u32 s0, $0xA;
	s2 =	sadd.s32 s3, s2  }
0x8d: {  	s2 =	sadd.s32 s2, s16  }
0x8e: {  	[smem:$0x3FBA] =	sst s2  }
0x8f: {  	_ = 	snop  }
0x90: {  	(tm) =	ssettm $0x1  }
0x91: {  	s17 =	sld [smem:$0x3FFB];
	_ =	sdelay $0x3  }
0x92: {  	_ =	strace s17  }
0x93: {  	s2 =	sld [smem:$0x3FFC];
	_ =	sdelay $0x3  }
0x94: {  	_ =	strace s2  }
0x95: {  	s2 =	sld [smem:$0x3FFD];
	_ =	sdelay $0x3  }
0x96: {  	_ =	strace s2  }
0x97: {  	_ =	strace $0x8FFFFFFF  }
0x98: {  	s18 =	sld [smem:$0x3FDB];
	_ =	sdelay $0x1  }
0x99: {  	s19 =	simm.s32 $_scs_section_size  }
0x9a: {  	s4 =	simm.s32 $_size__tile_overlayer_lowered;
	s5 =	simm.s32 $_tile_overlayer_lowered  }
0x9b: {  	s22 =	simm.s32 $0x1BFF;
	s21 =	sshll.u32 s5, $0x1;
	s2 =	sadd.s32 s19, s18  }
0x9c: {  	s6 =	simm.s32 $0x0;
	s20 =	sshll.u32 s4, $0x1;
	s4 =	sadd.s32 s21, s2  }
0x9d: {  	[timem:s6], [sflag:s22] =	dma.local [hbm:s4], s20  }
0x9e: {  	_ =	swait.ge [sflag:s22], s20  }
0x9f: {  	s3 =	ssub.s32 $0x0, s20;
	[sflag:s22] =	ssyncset.done $0x0  }
0xa0: {  	[sflag:s22] =	ssyncadd.s32 s3;
	_ =	sdelay $0x1  }
0xa1: {  	s23 =	simm.s32 $0x1B8B  }
0xa2: {  	_ =	swait.ge [sflag:s23], $0x1  }
0xa3: {  	[sflag:s23] =	ssyncset.done $0x0  }
0xa4: {  	s25 =	simm.s32 $0x1B8E;
	s24 =	sld [smem:$0x3FFE];
	[sflag:s23] =	ssyncadd.s32 $0xFFFFFFFF  }
0xa5: {  	s26 =	simm.s32 $execute0_lowered;
	[smem:$0x3FD2] =	sst s25  }
0xa6: {  	s4 =	sshll.u32 s26, $0x1;
	_ =	strace $0x8000004C;
	[dreg:$0x1] =	wrdreg $0xFFFFFFFF  }
0xa7: {  	s28 =	simm.s32 $_size_execute0_lowered;
	s2 =	sadd.s32 s2, s4;
	[dreg:$0x0] =	wrdreg $0x0  }
0xa8: {  	s4 =	sshll.u32 s28, $0x1;
	[dreg:$0x2] =	wrdreg s2  }
0xa9: {  	[dreg:$0x3] =	wrdreg s4  }
0xaa: {  	[dreg:$0x4] =	wrdreg $0xC0  }
0xab: {  	_ =	task [dreg:s6], $0x5FFFF  }
0xac: {  	[dreg:$0x1] =	wrdreg $0xFFFFFFFF  }
0xad: {  	[dreg:$0x0] =	wrdreg $0x60  }
0xae: {  	[dreg:$0x2] =	wrdreg s24  }
0xaf: {  	[dreg:$0x3] =	wrdreg $0x85000  }
0xb0: {  	[dreg:$0x4] =	wrdreg $0x9  }
0xb1: {  	_ =	task.clear_ibuf [dreg:s6], $0x5FFFF;
	_ =	strace $0x9000004C  }
0xb2: {  	s29 =	simm.s32 $0x9;
	_ =	strace $0x8000004E  }
0xb3: {  	_ =	swait.ge [sflag:s29], $0x1  }
0xb4: {  	[sflag:s29] =	ssyncadd.s32 $0xFFFFFFFF  }
0xb5: {  	_ =	strace $0x9000004E  }
0xb6: {  	_ =	sfence  }
0xb7: {  	s30 =	sld [smem:$0x0];
	_ =	sdelay $0x2  }
0xb8: {  	s31 =	sshll.u32 s1, $0xD;
	s1 =	sshrl.u32 s1, $0x2  }
0xb9: {  	s3 =	sand.u32 $0x4000, s31;
	s1 =	sadd.s32 s1, s30  }
0xba: {  	s0 =	sor.u32 s3, s0;
	s1 =	sshll.u32 s1, $0x11  }
0xbb: {  	s0 =	sor.u32 s1, s0  }
0xbc: {  	s0 =	sadd.s32 $0x8F2B, s0  }
0xbd: {  	[sflag:s0] =	ssyncadd.remote.s32 $0x1  }
0xbe: {  	_ =	sfence.sel $0xFFFF  }
0xbf: {  	[dreg:$0x0] =	wrdreg $0xFFFFFFFF;
	(pc) =	sbr.abs _section_cstart, $3  }
0xc0: {  	[dreg:$0x1] =	wrdreg $0xFFFFFFFF  }
0xc1: {  	_ =	task.clear_ibuf [dreg:s6], $0x2FFFF;
	_ =	strace $0x9FFFFFFF  }
0xc2: {  	(tm) =	ssettm $0x7FFFFFFF  }
0xc3: {  	_ =	shalt  }
tec
execute0_lowered:
.L_overlay_start_1:
0x0: {  	(tag) =	ssettag $0x1  }
0x1: {  	s0 =	rddreg [dreg:$0x0]  }
0x2: {  	s2 =	rddreg [dreg:$0x1];
	s3 =	simm.s32 $0x0  }
0x3: {  	s1 =	srdreg.scid;
	s12 =	stileid.u32;
	s30 =	simm.s32 $0x500  }
0x4: {  	s31 =	simm.s32 $0x7;
	[smem:$0x7FF] =	sst s3;
	s5 =	smul.u32 $0x280, s12  }
0x5: {  	s1 =	sand.u32 $0x1, s1;
	s4 =	sadd.s32 $0x67E00, s0;
	s9 =	smul.u32 $0x50000, s12  }
0x6: {  	s7 =	sadd.s32 $0x3200, s0;
	s8 =	sadd.s32 $0xD000, s0;
	s11 =	smul.u32 $0x4E20, s12  }
0x7: {  	s13 =	sadd.s32 $0x16E00, s0;
	s21 =	smul.u32 $0x9C4, s12;
	s12 =	simm.s32 $0x3  }
0x8: {  	_ =	strace $0x8000004D;
	s6 =	smul.u32 $0x2800, s1;
	s24 =	ssub.s32 $0x2, s1  }
0x9: {  	[dreg:$0x3] =	wrdreg s13;
	s19 =	smul.u32 $0x2710, s1;
	s10 =	sshrl.u32 s24, $0x1  }
0xa: {  	s25 =	sshrl.u32 s9, $0x2;
	s26 =	sshrl.u32 s11, $0x3;
	s5 =	sadd.s32 s5, s6  }
0xb: {  	s6 =	sadd.s32 s25, s2;
	s11 =	sadd.s32 $0x10, s26;
	s13 =	sadd.s32 s8, s26  }
0xc: {  	s15 =	sadd.s32 $0x20, s26;
	s17 =	sadd.s32 $0x30, s26;
	s9 =	sadd.s32 $0x9C0, s26  }
0xd: {  	s5 =	sshll.u32 s5, $0x4;
	[dreg:$0x5] =	wrdreg s13;
	s14 =	sadd.s32 s7, s11  }
0xe: {  	s1 =	sadd.s32 s8, s11;
	s16 =	sadd.s32 s7, s15;
	s18 =	sadd.s32 s7, s17  }
0xf: {  	s20 =	sadd.s32 s7, s9;
	s9 =	sadd.s32 s8, s9;
	[dreg:$0x6] =	wrdreg s14  }
0x10: {  	s28 =	sadd.s32 $0xC000, s6;
	s29 =	sadd.s32 $0x10000, s6;
	[dreg:$0x7] =	wrdreg s1  }
0x11: {  	s11 =	simm.s32 $0x4500;
	s13 =	simm.s32 $0x300;
	[dreg:$0x8] =	wrdreg s16  }
0x12: {  	s0 =	sadd.s32 s5, s0;
	s5 =	ssub.s32 s24, s10;
	[dreg:$0xa] =	wrdreg s18  }
0x13: {  	s10 =	sadd.s32 s7, s26;
	s1 =	sadd.s32 s8, s17;
	[dreg:$0xc] =	wrdreg s20  }
0x14: {  	[dreg:$0xd] =	wrdreg s9;
	s20 =	sadd.s32 s21, s8;
	s21 =	sadd.s32 s21, s7  }
0x15: {  	s7 =	simm.s32 $0x1;
	s9 =	simm.s32 $0x2;
	[dreg:$0x4] =	wrdreg s10  }
0x16: {  	s14 =	simm.s32 $0x5;
	s10 =	sadd.s32 s8, s15;
	[dreg:$0xb] =	wrdreg s1  }
0x17: {  	s16 =	simm.s32 $0x380;
	s22 =	sadd.s32 $0x104200, s0;
	[dreg:$0x9] =	wrdreg s10  }
0x18: {  	s17 =	simm.s32 $0x6;
	s23 =	sadd.s32 $0x104A00, s0;
	[dreg:$0xe] =	wrdreg s22  }
0x19: {  	s24 =	sadd.s32 $0x105200, s0;
	s25 =	sadd.s32 $0x105A00, s0;
	[dreg:$0xf] =	wrdreg s23  }
0x1a: {  	s0 =	sadd.s32 $0x106200, s0;
	s26 =	smax.u32 s5, $0x1;
	[dreg:$0x10] =	wrdreg s24  }
0x1b: {  	s1 =	simm.s32 $0x80;
	s5 =	simm.s32 $0x180;
	[dreg:$0x11] =	wrdreg s25  }
0x1c: {  	s8 =	simm.s32 $0x200;
	s15 =	simm.s32 $0x4;
	[dreg:$0x12] =	wrdreg s0  }
0x1d: {  	[dreg:$0x13] =	wrdreg s26;
	s25 =	sadd.s32 $0x4000, s6;
	s26 =	sadd.s32 $0x8000, s6  }
0x1e: {  	v0 =	vmov s19;
	s0 =	simm.s32 $0x100;
	s10 =	simm.s32 $0x280;
	s23 =	simm.s32 $0x0  }
.LBB2_1:
0x1f: {  	s18 =	rddreg [dreg:$0x3]  }
0x20: {  	[tilespmem:s30], [sflag:$0x7] =	stream.linear.gather [hbm4b:s18+s3], $0x4000, $0x38;
	[tilespmem:$0x1C500] =	vst v63  }
0x21: {  	_ =	swait.ge [sflag:s31], $0x4000  }
0x22: {  	[sflag:s31] =	ssyncset.done $0x0  }
0x23: {  	[sflag:s31] =	ssyncadd.s32 $0xFFFFC000  }
0x24: {  	[spmem:s6] =	stream.linear.scatter [tilespmem:s30], [sflag:$0x7], $0x4000, $0x38;
	[tilespmem:$0x1C500] =	vst v63  }
0x25: {  	_ =	swait.ge [sflag:s31], $0x4000  }
0x26: {  	[sflag:s31] =	ssyncset.done $0x0  }
0x27: {  	[sflag:s31] =	ssyncadd.s32 $0xFFFFC000  }
0x28: {  	[spmem:s25] =	stream.linear.scatter [tilespmem:s30], [sflag:$0x7], $0x4000, $0x38;
	[tilespmem:$0x1C500] =	vst v63  }
0x29: {  	_ =	swait.ge [sflag:s31], $0x4000  }
0x2a: {  	[sflag:s31] =	ssyncset.done $0x0  }
0x2b: {  	[sflag:s31] =	ssyncadd.s32 $0xFFFFC000  }
0x2c: {  	[spmem:s26] =	stream.linear.scatter [tilespmem:s30], [sflag:$0x7], $0x4000, $0x38;
	[tilespmem:$0x1C500] =	vst v63  }
0x2d: {  	_ =	swait.ge [sflag:s31], $0x4000  }
0x2e: {  	[sflag:s31] =	ssyncset.done $0x0  }
0x2f: {  	[sflag:s31] =	ssyncadd.s32 $0xFFFFC000  }
0x30: {  	[spmem:s28] =	stream.linear.scatter [tilespmem:s30], [sflag:$0x7], $0x4000, $0x38;
	[tilespmem:$0x1C500] =	vst v63  }
0x31: {  	_ =	swait.ge [sflag:s31], $0x4000  }
0x32: {  	[sflag:s31] =	ssyncset.done $0x0  }
0x33: {  	[sflag:s31] =	ssyncadd.s32 $0xFFFFC000  }
0x34: {  	[spmem:s29] =	stream.linear.scatter [tilespmem:s30], [sflag:$0x7], $0x4000, $0x38;
	[tilespmem:$0x1C500] =	vst v63  }
0x35: {  	_ =	swait.ge [sflag:s31], $0x4000  }
0x36: {  	[sflag:s31] =	ssyncset.done $0x0  }
0x37: {  	[sflag:s31] =	ssyncadd.s32 $0xFFFFC000  }
0x38: {  	[bflag:$0x0] =	sbarrier.arrive $0xFFFF  }
0x39: {  	s22 =	rddreg [dreg:$0x4]  }
0x3a: {  	[tilespmem:s3], [sflag:$0x1] =	stream.linear.gather [hbm4b:s22+s3], $0x80, $0x38;
	[tilespmem:$0x1C500] =	vst v63  }
0x3b: {  	s24 =	rddreg [dreg:$0x5]  }
0x3c: {  	[tilespmem:s0], [sflag:$0x1] =	stream.linear.gather [hbm4b:s24+s3], $0x80, $0x38;
	[tilespmem:$0x1C500] =	vst v63  }
0x3d: {  	s19 =	rddreg [dreg:$0x6]  }
0x3e: {  	[tilespmem:s1], [sflag:$0x2] =	stream.linear.gather [hbm4b:s19+s3], $0x80, $0x38;
	[tilespmem:$0x1C500] =	vst v63  }
0x3f: {  	s22 =	rddreg [dreg:$0x7]  }
0x40: {  	[tilespmem:s5], [sflag:$0x2] =	stream.linear.gather [hbm4b:s22+s3], $0x80, $0x38;
	[tilespmem:$0x1C500] =	vst v63  }
0x41: {  	_ =	swait.ge [sflag:s7], $0x80  }
0x42: {  	[sflag:s7] =	ssyncset.done $0x0  }
0x43: {  	[sflag:s7] =	ssyncadd.s32 $0xFFFFFF80  }
0x44: {  	_ =	swait.ge [sflag:s7], $0x80  }
0x45: {  	[sflag:s7] =	ssyncset.done $0x0  }
0x46: {  	[sflag:s7] =	ssyncadd.s32 $0xFFFFFF80  }
0x47: {  	v1 =	vld [tilespmem:$0x0]  }
0x48: {  	v2 =	vld [tilespmem:$0x100]  }
0x49: {  	v3 =	vld [tilespmem:$0x10]  }
0x4a: {  	v4 =	vld [tilespmem:$0x110];
	_ =	sdelay $0x1  }
0x4b: {  	v6 =	vld [tilespmem:$0x120]  }
0x4c: {  	v52 =	vld [tilespmem:$0x140]  }
0x4d: {  	v54 =	vld [tilespmem:$0x150];
	[tilespmem:$0x300] =	vst v2  }
0x4e: {  	v1 =	vadd.s32 v0, v1;
	v2 =	vadd.s32 v0, v3;
	v3 =	vld [tilespmem:$0x130];
	[tilespmem:$0x310] =	vst v4  }
0x4f: {  	[tilespmem:$0x200] =	vst v1;
	v1 =	vld [tilespmem:$0x30]  }
0x50: {  	[tilespmem:$0x210] =	vst v2;
	v2 =	vld [tilespmem:$0x40]  }
0x51: {  	v5 =	vld [tilespmem:$0x20];
	[tilespmem:$0x320] =	vst v6  }
0x52: {  	v55 =	vld [tilespmem:$0x170];
	[tilespmem:$0x340] =	vst v52  }
0x53: {  	v53 =	vld [tilespmem:$0x50];
	[tilespmem:$0x350] =	vst v54  }
0x54: {  	[tilespmem:$0x330] =	vst v3;
	v3 =	vld [tilespmem:$0x160];
	v1 =	vadd.s32 v0, v1  }
0x55: {  	v2 =	vadd.s32 v0, v2;
	[tilespmem:$0x230] =	vst v1;
	v1 =	vld [tilespmem:$0x60]  }
0x56: {  	[tilespmem:$0x240] =	vst v2;
	v2 =	vld [tilespmem:$0x70]  }
0x57: {  	v51 =	vadd.s32 v0, v5;
	[tilespmem:$0x370] =	vst v55  }
0x58: {  	v4 =	vadd.s32 v0, v53;
	[tilespmem:$0x220] =	vst v51  }
0x59: {  	[tilespmem:$0x250] =	vst v4  }
0x5a: {  	[tilespmem:$0x360] =	vst v3;
	v1 =	vadd.s32 v0, v1  }
0x5b: {  	[tilespmem:$0x260] =	vst v1;
	v1 =	vadd.s32 v0, v2  }
0x5c: {  	s24 =	rddreg [dreg:$0x8];
	[tilespmem:$0x270] =	vst v1  }
0x5d: {  	[tilespmem:s3], [sflag:$0x1] =	stream.linear.gather [hbm4b:s24+s3], $0x80, $0x38;
	[tilespmem:$0x1C500] =	vst v63  }
0x5e: {  	s19 =	rddreg [dreg:$0x9]  }
0x5f: {  	[tilespmem:s0], [sflag:$0x1] =	stream.linear.gather [hbm4b:s19+s3], $0x80, $0x38;
	[tilespmem:$0x1C500] =	vst v63  }
0x60: {  	_ = 	snop  }
0x61: {  	[tilespmem:s30], [sflag:$0x3] =	stream.indirect.gather [hbm4b:s4+s1], $0x80, s8, s1, $0xb8;
	[tilespmem:$0x1C500] =	vst v63  }
0x62: {  	_ =	swait.ge [sflag:s9], $0x80  }
0x63: {  	[sflag:s9] =	ssyncset.done $0x0  }
0x64: {  	[sflag:s9] =	ssyncadd.s32 $0xFFFFFF80  }
0x65: {  	_ =	swait.ge [sflag:s9], $0x80  }
0x66: {  	[sflag:s9] =	ssyncset.done $0x0  }
0x67: {  	[sflag:s9] =	ssyncadd.s32 $0xFFFFFF80  }
0x68: {  	v1 =	vld [tilespmem:$0x80]  }
0x69: {  	v2 =	vld [tilespmem:$0x180]  }
0x6a: {  	v3 =	vld [tilespmem:$0x90]  }
0x6b: {  	v56 =	vld [tilespmem:$0x190];
	_ =	sdelay $0x1  }
0x6c: {  	v58 =	vld [tilespmem:$0x1A0]  }
0x6d: {  	v60 =	vld [tilespmem:$0x1C0]  }
0x6e: {  	v62 =	vld [tilespmem:$0x1D0];
	[tilespmem:$0x380] =	vst v2  }
0x6f: {  	v1 =	vadd.s32 v0, v1;
	v2 =	vadd.s32 v0, v3;
	v3 =	vld [tilespmem:$0x1B0];
	[tilespmem:$0x390] =	vst v56  }
0x70: {  	[tilespmem:$0x280] =	vst v1;
	v1 =	vld [tilespmem:$0xB0]  }
0x71: {  	[tilespmem:$0x290] =	vst v2;
	v2 =	vld [tilespmem:$0xC0]  }
0x72: {  	v57 =	vld [tilespmem:$0xA0];
	[tilespmem:$0x3A0] =	vst v58  }
0x73: {  	v63 =	vld [tilespmem:$0x1F0];
	[tilespmem:$0x3C0] =	vst v60  }
0x74: {  	v61 =	vld [tilespmem:$0xD0];
	[tilespmem:$0x3D0] =	vst v62  }
0x75: {  	[tilespmem:$0x3B0] =	vst v3;
	v3 =	vld [tilespmem:$0x1E0];
	v1 =	vadd.s32 v0, v1  }
0x76: {  	v2 =	vadd.s32 v0, v2;
	[tilespmem:$0x2B0] =	vst v1;
	v1 =	vld [tilespmem:$0xE0]  }
0x77: {  	[tilespmem:$0x2C0] =	vst v2;
	v2 =	vld [tilespmem:$0xF0]  }
0x78: {  	v59 =	vadd.s32 v0, v57;
	[tilespmem:$0x3F0] =	vst v63  }
0x79: {  	v4 =	vadd.s32 v0, v61;
	[tilespmem:$0x2A0] =	vst v59  }
0x7a: {  	[tilespmem:$0x2D0] =	vst v4  }
0x7b: {  	[tilespmem:$0x3E0] =	vst v3;
	v1 =	vadd.s32 v0, v1  }
0x7c: {  	[tilespmem:$0x2E0] =	vst v1;
	v1 =	vadd.s32 v0, v2  }
0x7d: {  	s22 =	rddreg [dreg:$0xa];
	[tilespmem:$0x2F0] =	vst v1  }
0x7e: {  	[tilespmem:s1], [sflag:$0x2] =	stream.linear.gather [hbm4b:s22+s3], $0x80, $0x38;
	[tilespmem:$0x1C500] =	vst v63  }
0x7f: {  	s24 =	rddreg [dreg:$0xb]  }
0x80: {  	[tilespmem:s5], [sflag:$0x2] =	stream.linear.gather [hbm4b:s24+s3], $0x80, $0x38;
	[tilespmem:$0x1C500] =	vst v63  }
0x81: {  	_ = 	snop  }
0x82: {  	[tilespmem:s11], [sflag:$0x4] =	stream.indirect.gather [hbm4b:s4+s1], $0x80, s10, s1, $0xb8;
	[tilespmem:$0x1C500] =	vst v63  }
0x83: {  	_ =	swait.ge [sflag:s12], $0x4000  }
0x84: {  	[sflag:s12] =	ssyncset.done $0x0  }
0x85: {  	s24 =	simm.s32 $0xFFFFF680;
	[sflag:s12] =	ssyncadd.s32 $0xFFFFC000  }
0x86: {  	[spmem:s2] =	stream.indirect.scatter.add.f32 [tilespmem:s30], [sflag:$0x5], $0x80, s13, s1, $0xb8;
	[tilespmem:$0x1C500] =	vst v63  }
.LBB2_2:
0x87: {  	_ =	swait.ge [sflag:s14], $0x4000  }
0x88: {  	[sflag:s14] =	ssyncset.done $0x0  }
0x89: {  	[sflag:s14] =	ssyncadd.s32 $0xFFFFC000  }
0x8a: {  	_ =	swait.ge [sflag:s7], $0x80  }
0x8b: {  	[sflag:s7] =	ssyncset.done $0x0  }
0x8c: {  	[sflag:s7] =	ssyncadd.s32 $0xFFFFFF80  }
0x8d: {  	_ =	swait.ge [sflag:s7], $0x80  }
0x8e: {  	[sflag:s7] =	ssyncset.done $0x0  }
0x8f: {  	[sflag:s7] =	ssyncadd.s32 $0xFFFFFF80  }
0x90: {  	v1 =	vld [tilespmem:$0x0]  }
0x91: {  	v2 =	vld [tilespmem:$0x100]  }
0x92: {  	v3 =	vld [tilespmem:$0x10]  }
0x93: {  	v4 =	vld [tilespmem:$0x110];
	_ =	sdelay $0x1  }
0x94: {  	v6 =	vld [tilespmem:$0x120]  }
0x95: {  	v52 =	vld [tilespmem:$0x140]  }
0x96: {  	v54 =	vld [tilespmem:$0x150];
	[tilespmem:$0x300] =	vst v2  }
0x97: {  	v1 =	vadd.s32 v0, v1;
	v2 =	vadd.s32 v0, v3;
	v3 =	vld [tilespmem:$0x130];
	[tilespmem:$0x310] =	vst v4  }
0x98: {  	[tilespmem:$0x200] =	vst v1;
	v1 =	vld [tilespmem:$0x30]  }
0x99: {  	[tilespmem:$0x210] =	vst v2;
	v2 =	vld [tilespmem:$0x40]  }
0x9a: {  	v5 =	vld [tilespmem:$0x20];
	[tilespmem:$0x320] =	vst v6  }
0x9b: {  	v55 =	vld [tilespmem:$0x170];
	[tilespmem:$0x340] =	vst v52  }
0x9c: {  	v53 =	vld [tilespmem:$0x50];
	[tilespmem:$0x350] =	vst v54  }
0x9d: {  	[tilespmem:$0x330] =	vst v3;
	v3 =	vld [tilespmem:$0x160];
	v1 =	vadd.s32 v0, v1  }
0x9e: {  	v2 =	vadd.s32 v0, v2;
	[tilespmem:$0x230] =	vst v1;
	v1 =	vld [tilespmem:$0x60]  }
0x9f: {  	[tilespmem:$0x240] =	vst v2;
	v2 =	vld [tilespmem:$0x70]  }
0xa0: {  	v51 =	vadd.s32 v0, v5;
	[tilespmem:$0x370] =	vst v55  }
0xa1: {  	v4 =	vadd.s32 v0, v53;
	[tilespmem:$0x220] =	vst v51  }
0xa2: {  	[tilespmem:$0x250] =	vst v4  }
0xa3: {  	[tilespmem:$0x360] =	vst v3;
	v1 =	vadd.s32 v0, v1  }
0xa4: {  	s18 =	sadd.s32 s24, s21;
	[tilespmem:$0x260] =	vst v1;
	v1 =	vadd.s32 v0, v2  }
0xa5: {  	s19 =	sadd.s32 $0x9C0, s18;
	[tilespmem:$0x270] =	vst v1  }
0xa6: {  	[tilespmem:s3], [sflag:$0x1] =	stream.linear.gather [hbm4b:s19+s3], $0x80, $0x38;
	[tilespmem:$0x1C500] =	vst v63  }
0xa7: {  	s19 =	sadd.s32 s24, s20  }
0xa8: {  	s22 =	sadd.s32 $0x9C0, s19  }
0xa9: {  	[tilespmem:s0], [sflag:$0x1] =	stream.linear.gather [hbm4b:s22+s3], $0x80, $0x38;
	[tilespmem:$0x1C500] =	vst v63  }
0xaa: {  	_ = 	snop  }
0xab: {  	[tilespmem:s30], [sflag:$0x3] =	stream.indirect.gather [hbm4b:s4+s1], $0x80, s8, s1, $0xb8;
	[tilespmem:$0x1C500] =	vst v63  }
0xac: {  	_ =	swait.ge [sflag:s15], $0x4000  }
0xad: {  	[sflag:s15] =	ssyncset.done $0x0  }
0xae: {  	[sflag:s15] =	ssyncadd.s32 $0xFFFFC000  }
0xaf: {  	[spmem:s2] =	stream.indirect.scatter.add.f32 [tilespmem:s11], [sflag:$0x6], $0x80, s16, s1, $0xb8;
	[tilespmem:$0x1C500] =	vst v63  }
0xb0: {  	_ =	swait.ge [sflag:s17], $0x4000  }
0xb1: {  	[sflag:s17] =	ssyncset.done $0x0  }
0xb2: {  	[sflag:s17] =	ssyncadd.s32 $0xFFFFC000  }
0xb3: {  	_ =	swait.ge [sflag:s9], $0x80  }
0xb4: {  	[sflag:s9] =	ssyncset.done $0x0  }
0xb5: {  	[sflag:s9] =	ssyncadd.s32 $0xFFFFFF80  }
0xb6: {  	_ =	swait.ge [sflag:s9], $0x80  }
0xb7: {  	[sflag:s9] =	ssyncset.done $0x0  }
0xb8: {  	[sflag:s9] =	ssyncadd.s32 $0xFFFFFF80  }
0xb9: {  	v1 =	vld [tilespmem:$0x80]  }
0xba: {  	v2 =	vld [tilespmem:$0x180]  }
0xbb: {  	v3 =	vld [tilespmem:$0x90]  }
0xbc: {  	v56 =	vld [tilespmem:$0x190];
	_ =	sdelay $0x1  }
0xbd: {  	v58 =	vld [tilespmem:$0x1A0]  }
0xbe: {  	v60 =	vld [tilespmem:$0x1C0]  }
0xbf: {  	v62 =	vld [tilespmem:$0x1D0];
	[tilespmem:$0x380] =	vst v2  }
0xc0: {  	v1 =	vadd.s32 v0, v1;
	v2 =	vadd.s32 v0, v3;
	v3 =	vld [tilespmem:$0x1B0];
	[tilespmem:$0x390] =	vst v56  }
0xc1: {  	[tilespmem:$0x280] =	vst v1;
	v1 =	vld [tilespmem:$0xB0]  }
0xc2: {  	[tilespmem:$0x290] =	vst v2;
	v2 =	vld [tilespmem:$0xC0]  }
0xc3: {  	v57 =	vld [tilespmem:$0xA0];
	[tilespmem:$0x3A0] =	vst v58  }
0xc4: {  	v63 =	vld [tilespmem:$0x1F0];
	[tilespmem:$0x3C0] =	vst v60  }
0xc5: {  	v61 =	vld [tilespmem:$0xD0];
	[tilespmem:$0x3D0] =	vst v62  }
0xc6: {  	[tilespmem:$0x3B0] =	vst v3;
	v3 =	vld [tilespmem:$0x1E0];
	v1 =	vadd.s32 v0, v1  }
0xc7: {  	v2 =	vadd.s32 v0, v2;
	[tilespmem:$0x2B0] =	vst v1;
	v1 =	vld [tilespmem:$0xE0]  }
0xc8: {  	[tilespmem:$0x2C0] =	vst v2;
	v2 =	vld [tilespmem:$0xF0]  }
0xc9: {  	v59 =	vadd.s32 v0, v57;
	[tilespmem:$0x3F0] =	vst v63  }
0xca: {  	v4 =	vadd.s32 v0, v61;
	[tilespmem:$0x2A0] =	vst v59  }
0xcb: {  	[tilespmem:$0x2D0] =	vst v4  }
0xcc: {  	[tilespmem:$0x3E0] =	vst v3;
	v1 =	vadd.s32 v0, v1  }
0xcd: {  	[tilespmem:$0x2E0] =	vst v1;
	v1 =	vadd.s32 v0, v2  }
0xce: {  	s18 =	sadd.s32 $0x9D0, s18;
	[tilespmem:$0x2F0] =	vst v1  }
0xcf: {  	[tilespmem:s1], [sflag:$0x2] =	stream.linear.gather [hbm4b:s18+s3], $0x80, $0x38;
	[tilespmem:$0x1C500] =	vst v63  }
0xd0: {  	s22 =	sadd.s32 $0x9D0, s19  }
0xd1: {  	[tilespmem:s5], [sflag:$0x2] =	stream.linear.gather [hbm4b:s22+s3], $0x80, $0x38;
	[tilespmem:$0x1C500] =	vst v63  }
0xd2: {  	p0 =	sne.s32 s24, $0xFFFFFFE0  }
0xd3: {  	[tilespmem:s11], [sflag:$0x4] =	stream.indirect.gather [hbm4b:s4+s1], $0x80, s10, s1, $0xb8;
	[tilespmem:$0x1C500] =	vst v63  }
.Ltmp0:
0xd4: {  	_ = 	snop;
	(pc) =	sbr.rel @p0 .LBB2_2-.Ltmp0, $4  }
0xd5: {  	_ =	swait.ge [sflag:s12], $0x4000  }
0xd6: {  	[sflag:s12] =	ssyncset.done $0x0  }
0xd7: {  	s24 =	sadd.s32 $0x20, s24;
	[sflag:s12] =	ssyncadd.s32 $0xFFFFC000  }
0xd8: {  	[spmem:s2] =	stream.indirect.scatter.add.f32 [tilespmem:s30], [sflag:$0x5], $0x80, s13, s1, $0xb8;
	[tilespmem:$0x1C500] =	vst v63  }
0xd9: {  	_ =	swait.ge [sflag:s14], $0x4000  }
0xda: {  	[sflag:s14] =	ssyncset.done $0x0  }
0xdb: {  	[sflag:s14] =	ssyncadd.s32 $0xFFFFC000  }
0xdc: {  	_ =	swait.ge [sflag:s7], $0x80  }
0xdd: {  	[sflag:s7] =	ssyncset.done $0x0  }
0xde: {  	[sflag:s7] =	ssyncadd.s32 $0xFFFFFF80  }
0xdf: {  	_ =	swait.ge [sflag:s7], $0x80  }
0xe0: {  	[sflag:s7] =	ssyncset.done $0x0  }
0xe1: {  	[sflag:s7] =	ssyncadd.s32 $0xFFFFFF80  }
0xe2: {  	v1 =	vld [tilespmem:$0x0]  }
0xe3: {  	v2 =	vld [tilespmem:$0x100]  }
0xe4: {  	v3 =	vld [tilespmem:$0x10]  }
0xe5: {  	v4 =	vld [tilespmem:$0x110];
	_ =	sdelay $0x1  }
0xe6: {  	v6 =	vld [tilespmem:$0x120]  }
0xe7: {  	v52 =	vld [tilespmem:$0x140]  }
0xe8: {  	v54 =	vld [tilespmem:$0x150];
	[tilespmem:$0x300] =	vst v2  }
0xe9: {  	v1 =	vadd.s32 v0, v1;
	v2 =	vadd.s32 v0, v3;
	v3 =	vld [tilespmem:$0x130];
	[tilespmem:$0x310] =	vst v4  }
0xea: {  	[tilespmem:$0x200] =	vst v1;
	v1 =	vld [tilespmem:$0x30]  }
0xeb: {  	[tilespmem:$0x210] =	vst v2;
	v2 =	vld [tilespmem:$0x40]  }
0xec: {  	v5 =	vld [tilespmem:$0x20];
	[tilespmem:$0x320] =	vst v6  }
0xed: {  	v55 =	vld [tilespmem:$0x170];
	[tilespmem:$0x340] =	vst v52  }
0xee: {  	v53 =	vld [tilespmem:$0x50];
	[tilespmem:$0x350] =	vst v54  }
0xef: {  	[tilespmem:$0x330] =	vst v3;
	v3 =	vld [tilespmem:$0x160];
	v1 =	vadd.s32 v0, v1  }
0xf0: {  	v2 =	vadd.s32 v0, v2;
	[tilespmem:$0x230] =	vst v1;
	v1 =	vld [tilespmem:$0x60]  }
0xf1: {  	[tilespmem:$0x240] =	vst v2;
	v2 =	vld [tilespmem:$0x70]  }
0xf2: {  	v51 =	vadd.s32 v0, v5;
	[tilespmem:$0x370] =	vst v55  }
0xf3: {  	v4 =	vadd.s32 v0, v53;
	[tilespmem:$0x220] =	vst v51  }
0xf4: {  	[tilespmem:$0x250] =	vst v4  }
0xf5: {  	[tilespmem:$0x360] =	vst v3;
	v1 =	vadd.s32 v0, v1  }
0xf6: {  	[tilespmem:$0x260] =	vst v1;
	v1 =	vadd.s32 v0, v2  }
0xf7: {  	[tilespmem:$0x270] =	vst v1  }
0xf8: {  	[tilespmem:s30], [sflag:$0x3] =	stream.indirect.gather [hbm4b:s4+s1], $0x80, s8, s1, $0xb8;
	[tilespmem:$0x1C500] =	vst v63  }
0xf9: {  	_ =	swait.ge [sflag:s15], $0x4000  }
0xfa: {  	[sflag:s15] =	ssyncset.done $0x0  }
0xfb: {  	[sflag:s15] =	ssyncadd.s32 $0xFFFFC000  }
0xfc: {  	[spmem:s2] =	stream.indirect.scatter.add.f32 [tilespmem:s11], [sflag:$0x6], $0x80, s16, s1, $0xb8;
	[tilespmem:$0x1C500] =	vst v63  }
0xfd: {  	_ =	swait.ge [sflag:s17], $0x4000  }
0xfe: {  	[sflag:s17] =	ssyncset.done $0x0  }
0xff: {  	[sflag:s17] =	ssyncadd.s32 $0xFFFFC000  }
0x100: {  	_ =	swait.ge [sflag:s9], $0x80  }
0x101: {  	[sflag:s9] =	ssyncset.done $0x0  }
0x102: {  	[sflag:s9] =	ssyncadd.s32 $0xFFFFFF80  }
0x103: {  	_ =	swait.ge [sflag:s9], $0x80  }
0x104: {  	[sflag:s9] =	ssyncset.done $0x0  }
0x105: {  	[sflag:s9] =	ssyncadd.s32 $0xFFFFFF80  }
0x106: {  	v1 =	vld [tilespmem:$0x80]  }
0x107: {  	v2 =	vld [tilespmem:$0x180]  }
0x108: {  	v3 =	vld [tilespmem:$0x90]  }
0x109: {  	v56 =	vld [tilespmem:$0x190];
	_ =	sdelay $0x1  }
0x10a: {  	v58 =	vld [tilespmem:$0x1A0]  }
0x10b: {  	v60 =	vld [tilespmem:$0x1C0]  }
0x10c: {  	v62 =	vld [tilespmem:$0x1D0];
	[tilespmem:$0x380] =	vst v2  }
0x10d: {  	v1 =	vadd.s32 v0, v1;
	v2 =	vadd.s32 v0, v3;
	v3 =	vld [tilespmem:$0x1B0];
	[tilespmem:$0x390] =	vst v56  }
0x10e: {  	[tilespmem:$0x280] =	vst v1;
	v1 =	vld [tilespmem:$0xB0]  }
0x10f: {  	[tilespmem:$0x290] =	vst v2;
	v2 =	vld [tilespmem:$0xC0]  }
0x110: {  	v57 =	vld [tilespmem:$0xA0];
	[tilespmem:$0x3A0] =	vst v58  }
0x111: {  	v63 =	vld [tilespmem:$0x1F0];
	[tilespmem:$0x3C0] =	vst v60  }
0x112: {  	v61 =	vld [tilespmem:$0xD0];
	[tilespmem:$0x3D0] =	vst v62  }
0x113: {  	[tilespmem:$0x3B0] =	vst v3;
	v3 =	vld [tilespmem:$0x1E0];
	v1 =	vadd.s32 v0, v1  }
0x114: {  	v2 =	vadd.s32 v0, v2;
	[tilespmem:$0x2B0] =	vst v1;
	v1 =	vld [tilespmem:$0xE0]  }
0x115: {  	[tilespmem:$0x2C0] =	vst v2;
	v2 =	vld [tilespmem:$0xF0]  }
0x116: {  	v59 =	vadd.s32 v0, v57;
	[tilespmem:$0x3F0] =	vst v63  }
0x117: {  	v4 =	vadd.s32 v0, v61;
	[tilespmem:$0x2A0] =	vst v59  }
0x118: {  	[tilespmem:$0x2D0] =	vst v4  }
0x119: {  	[tilespmem:$0x3E0] =	vst v3;
	v1 =	vadd.s32 v0, v1  }
0x11a: {  	[tilespmem:$0x2E0] =	vst v1;
	v1 =	vadd.s32 v0, v2  }
0x11b: {  	[tilespmem:$0x2F0] =	vst v1  }
0x11c: {  	[tilespmem:s11], [sflag:$0x4] =	stream.indirect.gather [hbm4b:s4+s1], $0x80, s10, s1, $0xb8;
	[tilespmem:$0x1C500] =	vst v63  }
0x11d: {  	_ =	swait.ge [sflag:s12], $0x4000  }
0x11e: {  	[sflag:s12] =	ssyncset.done $0x0  }
0x11f: {  	[sflag:s12] =	ssyncadd.s32 $0xFFFFC000  }
0x120: {  	[spmem:s2] =	stream.indirect.scatter.add.f32 [tilespmem:s30], [sflag:$0x5], $0x80, s13, s1, $0xb8;
	[tilespmem:$0x1C500] =	vst v63  }
0x121: {  	_ =	swait.ge [sflag:s15], $0x4000  }
0x122: {  	[sflag:s15] =	ssyncset.done $0x0  }
0x123: {  	[sflag:s15] =	ssyncadd.s32 $0xFFFFC000  }
0x124: {  	[spmem:s2] =	stream.indirect.scatter.add.f32 [tilespmem:s11], [sflag:$0x6], $0x80, s16, s1, $0xb8;
	[tilespmem:$0x1C500] =	vst v63  }
0x125: {  	_ =	swait.ge [sflag:s14], $0x4000  }
0x126: {  	[sflag:s14] =	ssyncset.done $0x0  }
0x127: {  	[sflag:s14] =	ssyncadd.s32 $0xFFFFC000  }
0x128: {  	_ =	swait.ge [sflag:s17], $0x4000  }
0x129: {  	[sflag:s17] =	ssyncset.done $0x0  }
0x12a: {  	s19 =	simm.s32 $0x400;
	s18 =	rddreg [dreg:$0xc];
	[sflag:s17] =	ssyncadd.s32 $0xFFFFC000  }
0x12b: {  	[tilespmem:s19], [sflag:$0x7] =	stream.linear.gather [hbm4b:s18+s3], $0x20, $0x38;
	[tilespmem:$0x1C500] =	vst v63  }
0x12c: {  	_ =	swait.ge [sflag:s31], $0x20  }
0x12d: {  	[sflag:s31] =	ssyncset.done $0x0  }
0x12e: {  	[sflag:s31] =	ssyncadd.s32 $0xFFFFFFE0  }
0x12f: {  	v1 =	vld [tilespmem:$0x400]  }
0x130: {  	v2 =	vld [tilespmem:$0x410];
	_ =	sdelay $0x3  }
0x131: {  	v1 =	vadd.s32 v0, v1  }
0x132: {  	[tilespmem:$0x400] =	vst v1;
	v1 =	vadd.s32 v0, v2  }
0x133: {  	s22 =	simm.s32 $0x480;
	s24 =	rddreg [dreg:$0xd];
	[tilespmem:$0x410] =	vst v1  }
0x134: {  	[tilespmem:s22], [sflag:$0x7] =	stream.linear.gather [hbm4b:s24+s3], $0x20, $0x38;
	[tilespmem:$0x1C500] =	vst v63  }
0x135: {  	_ =	swait.ge [sflag:s31], $0x20  }
0x136: {  	[sflag:s31] =	ssyncset.done $0x0  }
0x137: {  	s24 =	simm.s32 $0x20;
	[sflag:s31] =	ssyncadd.s32 $0xFFFFFFE0  }
0x138: {  	[tilespmem:s30], [sflag:$0x3] =	stream.indirect.gather [hbm4b:s4+s24], $0x80, s19, s24, $0xb8;
	[tilespmem:$0x1C500] =	vst v63  }
0x139: {  	_ =	swait.ge [sflag:s12], $0x1000  }
0x13a: {  	[sflag:s12] =	ssyncset.done $0x0  }
0x13b: {  	[sflag:s12] =	ssyncadd.s32 $0xFFFFF000  }
0x13c: {  	[spmem:s2] =	stream.indirect.scatter.add.f32 [tilespmem:s30], [sflag:$0x7], $0x80, s22, s24, $0xb8;
	[tilespmem:$0x1C500] =	vst v63  }
0x13d: {  	_ =	swait.ge [sflag:s31], $0x1000  }
0x13e: {  	[sflag:s31] =	ssyncset.done $0x0  }
0x13f: {  	[sflag:s31] =	ssyncadd.s32 $0xFFFFF000  }
0x140: {  	[bflag:$0x0] =	sbarrier.arrive $0xFFFF  }
0x141: {  	[tilespmem:s30], [sflag:$0x7] =	stream.linear.gather [spmem:s6], $0x4000, $0x38;
	[tilespmem:$0x1C500] =	vst v63  }
0x142: {  	_ =	swait.ge [sflag:s31], $0x4000  }
0x143: {  	[sflag:s31] =	ssyncset.done $0x0  }
0x144: {  	s19 =	rddreg [dreg:$0xe];
	[sflag:s31] =	ssyncadd.s32 $0xFFFFC000  }
0x145: {  	[hbm4b:s19+s3] =	stream.linear.scatter [tilespmem:s30], [sflag:$0x7], $0x4000, $0x38;
	[tilespmem:$0x1C500] =	vst v63  }
0x146: {  	_ =	swait.ge [sflag:s31], $0x4000  }
0x147: {  	[sflag:s31] =	ssyncset.done $0x0  }
0x148: {  	[sflag:s31] =	ssyncadd.s32 $0xFFFFC000  }
0x149: {  	[tilespmem:s30], [sflag:$0x7] =	stream.linear.gather [spmem:s25], $0x4000, $0x38;
	[tilespmem:$0x1C500] =	vst v63  }
0x14a: {  	_ =	swait.ge [sflag:s31], $0x4000  }
0x14b: {  	[sflag:s31] =	ssyncset.done $0x0  }
0x14c: {  	s22 =	rddreg [dreg:$0xf];
	[sflag:s31] =	ssyncadd.s32 $0xFFFFC000  }
0x14d: {  	[hbm4b:s22+s3] =	stream.linear.scatter [tilespmem:s30], [sflag:$0x7], $0x4000, $0x38;
	[tilespmem:$0x1C500] =	vst v63  }
0x14e: {  	_ =	swait.ge [sflag:s31], $0x4000  }
0x14f: {  	[sflag:s31] =	ssyncset.done $0x0  }
0x150: {  	[sflag:s31] =	ssyncadd.s32 $0xFFFFC000  }
0x151: {  	[tilespmem:s30], [sflag:$0x7] =	stream.linear.gather [spmem:s26], $0x4000, $0x38;
	[tilespmem:$0x1C500] =	vst v63  }
0x152: {  	_ =	swait.ge [sflag:s31], $0x4000  }
0x153: {  	[sflag:s31] =	ssyncset.done $0x0  }
0x154: {  	s24 =	rddreg [dreg:$0x10];
	[sflag:s31] =	ssyncadd.s32 $0xFFFFC000  }
0x155: {  	[hbm4b:s24+s3] =	stream.linear.scatter [tilespmem:s30], [sflag:$0x7], $0x4000, $0x38;
	[tilespmem:$0x1C500] =	vst v63  }
0x156: {  	_ =	swait.ge [sflag:s31], $0x4000  }
0x157: {  	[sflag:s31] =	ssyncset.done $0x0  }
0x158: {  	[sflag:s31] =	ssyncadd.s32 $0xFFFFC000  }
0x159: {  	[tilespmem:s30], [sflag:$0x7] =	stream.linear.gather [spmem:s28], $0x4000, $0x38;
	[tilespmem:$0x1C500] =	vst v63  }
0x15a: {  	_ =	swait.ge [sflag:s31], $0x4000  }
0x15b: {  	[sflag:s31] =	ssyncset.done $0x0  }
0x15c: {  	s19 =	rddreg [dreg:$0x11];
	[sflag:s31] =	ssyncadd.s32 $0xFFFFC000  }
0x15d: {  	[hbm4b:s19+s3] =	stream.linear.scatter [tilespmem:s30], [sflag:$0x7], $0x4000, $0x38;
	[tilespmem:$0x1C500] =	vst v63  }
0x15e: {  	_ =	swait.ge [sflag:s31], $0x4000  }
0x15f: {  	[sflag:s31] =	ssyncset.done $0x0  }
0x160: {  	[sflag:s31] =	ssyncadd.s32 $0xFFFFC000  }
0x161: {  	[tilespmem:s30], [sflag:$0x7] =	stream.linear.gather [spmem:s29], $0x4000, $0x38;
	[tilespmem:$0x1C500] =	vst v63  }
0x162: {  	_ =	swait.ge [sflag:s31], $0x4000  }
0x163: {  	[sflag:s31] =	ssyncset.done $0x0  }
0x164: {  	s22 =	rddreg [dreg:$0x12];
	[sflag:s31] =	ssyncadd.s32 $0xFFFFC000  }
0x165: {  	[hbm4b:s22+s3] =	stream.linear.scatter [tilespmem:s30], [sflag:$0x7], $0x4000, $0x38;
	[tilespmem:$0x1C500] =	vst v63  }
0x166: {  	_ =	swait.ge [sflag:s31], $0x4000  }
0x167: {  	s23 =	sadd.s32 $0x1, s23;
	s24 =	rddreg [dreg:$0x13]  }
0x168: {  	p0 =	sne.s32 s23, s24  }
.Ltmp1:
0x169: {  	_ = 	snop;
	(pc) =	sbr.rel @p0 .LBB2_1-.Ltmp1, $3  }
0x16a: {  	_ =	sdelay $0x1  }
0x16b: {  	[sflag:s31] =	ssyncset.done $0x0  }
0x16c: {  	[sflag:s31] =	ssyncadd.s32 $0xFFFFC000  }
0x16d: {  	_ =	sfence.sel $0x180000  }
0x16e: {  	[bflag:$0x0] =	sbarrier.arrive $0xFFFF  }
0x16f: {  	_ =	strace $0x9000004D  }
0x170: {  	s0 =	stileid.u32;
	[bflag:$0x2] =	sbarrier.arrive $0xFFFF  }
0x171: {  	p0 =	sne.s32 s0, $0x0;
	s0 =	rddreg [dreg:$0x2]  }
0x172: {  	s0 =	sadd.s32 @!p0 $0x100000, s0  }
0x173: {  	[sflag:s0] =	ssyncadd.tile.s32 @!p0 $0x1;
	_ =	shalt  }
.Lfunc_end2:
_tile_overlayer_lowered:
.L_overlay_start_2:
0x174: {  	(tag) =	ssettag $0x2  }
0x175: {  	s0 =	rddreg [dreg:$0x0];
	s2 =	stileid.u32  }
0x176: {  	s1 =	rddreg [dreg:$0x1];
	p0 =	sne.s32 s2, $0x0  }
0x177: {  	s3 =	rddreg [dreg:$0x2];
	[bflag:$0x3] =	sbarrier.arrive $0xFFFF;
	s2 =	simm.s32 @!p0 $0x1C07  }
0x178: {  	[timem:s3], [sflag:s2] =	dma.local @!p0 [hbm:s0], s1  }
0x179: {  	s0 =	simm.s32 @!p0 $0x7  }
0x17a: {  	_ =	swait.ge @!p0 [sflag:s0], s1  }
0x17b: {  	s1 =	ssub.s32 @!p0 $0x0, s1;
	[sflag:s0] =	ssyncset.done @!p0 $0x0  }
0x17c: {  	[sflag:s0] =	ssyncadd.s32 @!p0 s1  }
0x17d: {  	[bflag:$0x3] =	sbarrier.arrive $0xFFFF  }
0x17e: {  	_ =	shalt  }

// kernel: kernel.9.cloned.1.call-start
scs
__scs_entry_jumppad:
0x0: {  	(pc) =	sbr.rel $0x88, $3  }
0x1: {  	(tag) =	ssettag $0x0;
	lr =	simm.s32 $0x1  }
0x2: {  	[smem:$0x3F93] =	sst lr;
	_ =	strace $0xD0000000  }
0x3: {  	_ = 	snop  }
0x4: {  	_ = 	snop  }
0x5: {  	_ = 	snop  }
0x6: {  	_ = 	snop  }
0x7: {  	_ = 	snop  }
__scs_overlays_trampoline_lowered:
0x8: {  	[smem:$0x3FA2] =	sst s0  }
0x9: {  	[smem:$0x3FA3] =	sst s1  }
0xa: {  	[smem:$0x3FA4] =	sst s2  }
0xb: {  	[smem:$0x3FA5] =	sst s3  }
0xc: {  	[smem:$0x3FA6] =	sst s4  }
0xd: {  	[smem:$0x3FA7] =	sst s5  }
0xe: {  	[smem:$0x3FA8] =	sst s6  }
0xf: {  	[smem:$0x3FA9] =	sst s7  }
0x10: {  	[smem:$0x3FAA] =	sst s8  }
0x11: {  	[smem:$0x3FAB] =	sst s9;
	s0 =	simm.s32 @!p0 $0x0  }
0x12: {  	s1 =	sld [smem:$0x3F91];
	s0 =	simm.s32 @p0 $0x1  }
0x13: {  	[smem:$0x3FAC] =	sst s0;
	s0 =	simm.s32 @!p1 $0x0  }
0x14: {  	s2 =	sld [smem:$0x3F90];
	s0 =	simm.s32 @p1 $0x1  }
0x15: {  	[smem:$0x3FAD] =	sst s0;
	s0 =	simm.s32 @!p2 $0x0  }
0x16: {  	s3 =	sld [smem:$0x3FDB];
	s0 =	simm.s32 @p2 $0x1  }
0x17: {  	s4 =	simm.s32 $0x1BF5;
	[smem:$0x3FAF] =	sst s0  }
0x18: {  	s0 =	sld [smem:$0x3F92];
	_ =	swait.ge [sflag:s4], $0x0  }
0x19: {  	s7 =	sld [smem:$0x3F93]  }
0x1a: {  	s8 =	sadd.s32 $0xFFFFE003, lr  }
0x1b: {  	s9 =	sadd.s32 $0xFFFFFEF7, lr;
	s5 =	simm.s32 $0xFFFFFFFF;
	p2 =	slt.u32 s8, $0xFFFFF086  }
0x1c: {  	p1 =	slt.u32 s9, $0xF7A;
	s5 =	simm.s32 @!p2 $0x0  }
0x1d: {  	s5 =	simm.s32 @p1 $0x1;
	p0 =	seq.s32 s7, s2  }
0x1e: {  	s7 =	smul.u32 @!p0 $0xF7A, s2;
	p2 =	seq.s32 @!p0 s5, $0x0  }
0x1f: {  	s9 =	smul.u32 $0xF7A, s1;
	s8 =	simm.s32 @!p0 $0x1BF5;
	p2 =	por !p2, p0  }
0x20: {  	[sflag:s8] =	ssyncset.s32 @!p0 $0xFFFFF086;
	s6 =	sadd.s32 @!p0 s3, s7;
	s7 =	simm.s32 @!p0 $0x108  }
0x21: {  	s3 =	sadd.s32 s3, s9;
	s6 =	sadd.s32 @!p0 $0x88, s6;
	s7 =	simm.s32 @p2 $0x1082  }
0x22: {  	[simem:s7], [sflag:s8] =	dma.local @!p0 [hbm:s6], $0xF7A  }
0x23: {  	s9 =	sor.u32 $0xD0000000, s2;
	s6 =	simm.s32 $0x108;
	_ =	swait.ge @!p0 [sflag:s8], $0x0  }
0x24: {  	s3 =	sadd.s32 $0x88, s3;
	s6 =	simm.s32 @!p1 $0x1082;
	[sflag:s4] =	ssyncset.s32 $0xFFFFF086  }
0x25: {  	[simem:s6], [sflag:s4] =	dma.local [hbm:s3], $0xF7A  }
0x26: {  	[smem:$0x3F93] =	sst s1;
	(tag) =	ssettag s2;
	_ =	strace s9  }
0x27: {  	s1 =	sld [smem:$0x3FA3]  }
0x28: {  	s2 =	sld [smem:$0x3FA4]  }
0x29: {  	s4 =	sld [smem:$0x3FA6]  }
0x2a: {  	p0 =	seq.s32 s5, $0x0;
	s5 =	sld [smem:$0x3FA7]  }
0x2b: {  	s6 =	sld [smem:$0x3FA8]  }
0x2c: {  	s7 =	sld [smem:$0x3FA9]  }
0x2d: {  	s3 =	simm.s32 $0x108;
	s8 =	sld [smem:$0x3FAA]  }
0x2e: {  	s3 =	simm.s32 @!p0 $0x1082;
	s9 =	sld [smem:$0x3FAB]  }
0x2f: {  	lr =	sadd.s32 s0, s3;
	s0 =	sld [smem:$0x3FA2]  }
0x30: {  	s3 =	sld [smem:$0x3FA5]  }
0x31: {  	[smem:$0x3FAE] =	sst s10  }
0x32: {  	s10 =	sld [smem:$0x3FAC];
	_ =	sdelay $0x3  }
0x33: {  	p0 =	seq.s32 s10, $0x1;
	s10 =	sld [smem:$0x3FAE];
	_ =	sdelay $0x3  }
0x34: {  	[smem:$0x3FAE] =	sst s10  }
0x35: {  	s10 =	sld [smem:$0x3FAD];
	_ =	sdelay $0x3  }
0x36: {  	p1 =	seq.s32 s10, $0x1;
	s10 =	sld [smem:$0x3FAE];
	_ =	sdelay $0x3  }
0x37: {  	[smem:$0x3FAE] =	sst s10  }
0x38: {  	s10 =	sld [smem:$0x3FAF]  }
0x39: {  	_ = 	snop;
	(pc) =	sbr.ind lr, $3  }
0x3a: {  	_ = 	snop  }
0x3b: {  	_ = 	snop  }
0x3c: {  	p2 =	seq.s32 s10, $0x1;
	s10 =	sld [smem:$0x3FAE]  }
0x3d: {  	_ =	shalt  }
0x3e: {  	_ =	shalt  }
0x3f: {  	_ =	shalt  }
0x40: {  	_ =	shalt  }
0x41: {  	_ =	shalt  }
0x42: {  	_ =	shalt  }
0x43: {  	_ =	shalt  }
0x44: {  	_ =	shalt  }
0x45: {  	_ =	shalt  }
0x46: {  	_ =	shalt  }
0x47: {  	_ =	shalt  }
0x48: {  	_ =	shalt  }
0x49: {  	_ =	shalt  }
0x4a: {  	_ =	shalt  }
0x4b: {  	_ =	shalt  }
0x4c: {  	_ =	shalt  }
0x4d: {  	_ =	shalt  }
0x4e: {  	_ =	shalt  }
0x4f: {  	_ =	shalt  }
0x50: {  	_ =	shalt  }
0x51: {  	_ =	shalt  }
0x52: {  	_ =	shalt  }
0x53: {  	_ =	shalt  }
0x54: {  	_ =	shalt  }
0x55: {  	_ =	shalt  }
0x56: {  	_ =	shalt  }
0x57: {  	_ =	shalt  }
0x58: {  	_ =	shalt  }
0x59: {  	_ =	shalt  }
0x5a: {  	_ =	shalt  }
0x5b: {  	_ =	shalt  }
0x5c: {  	_ =	shalt  }
0x5d: {  	_ =	shalt  }
0x5e: {  	_ =	shalt  }
0x5f: {  	_ =	shalt  }
0x60: {  	_ =	shalt  }
0x61: {  	_ =	shalt  }
0x62: {  	_ =	shalt  }
0x63: {  	_ =	shalt  }
0x64: {  	_ =	shalt  }
0x65: {  	_ =	shalt  }
0x66: {  	_ =	shalt  }
0x67: {  	_ =	shalt  }
0x68: {  	_ =	shalt  }
0x69: {  	_ =	shalt  }
0x6a: {  	_ =	shalt  }
0x6b: {  	_ =	shalt  }
0x6c: {  	_ =	shalt  }
0x6d: {  	_ =	shalt  }
0x6e: {  	_ =	shalt  }
0x6f: {  	_ =	shalt  }
0x70: {  	_ =	shalt  }
0x71: {  	_ =	shalt  }
0x72: {  	_ =	shalt  }
0x73: {  	_ =	shalt  }
0x74: {  	_ =	shalt  }
0x75: {  	_ =	shalt  }
0x76: {  	_ =	shalt  }
0x77: {  	_ =	shalt  }
0x78: {  	_ =	shalt  }
0x79: {  	_ =	shalt  }
0x7a: {  	_ =	shalt  }
0x7b: {  	_ =	shalt  }
0x7c: {  	_ =	shalt  }
0x7d: {  	_ =	shalt  }
0x7e: {  	_ =	shalt  }
0x7f: {  	_ =	shalt  }
0x80: {  	_ =	shalt  }
0x81: {  	_ =	shalt  }
0x82: {  	_ =	shalt  }
0x83: {  	_ =	shalt  }
0x84: {  	_ =	shalt  }
0x85: {  	_ =	shalt  }
0x86: {  	_ =	shalt  }
0x87: {  	_ =	shalt  }
.Lfunc_end0:
.L_simem_size_0:
called_computation_lowered:
.L_overlay_start_0:
0x88: {  	s2 =	sld [smem:$0x3FD9]  }
0x89: {  	s3 =	sld [smem:$0x3FFE];
	_ =	sdelay $0x1  }
0x8a: {  	s1 =	srdreg.scid  }
0x8b: {  	s0 =	sand.u32 $0x1, s1  }
0x8c: {  	s16 =	sshll.u32 s0, $0xA;
	s2 =	sadd.s32 s3, s2  }
0x8d: {  	s2 =	sadd.s32 s2, s16  }
0x8e: {  	[smem:$0x3FBA] =	sst s2  }
0x8f: {  	_ = 	snop  }
0x90: {  	(tm) =	ssettm $0x1  }
0x91: {  	s17 =	sld [smem:$0x3FFB];
	_ =	sdelay $0x3  }
0x92: {  	_ =	strace s17  }
0x93: {  	s2 =	sld [smem:$0x3FFC];
	_ =	sdelay $0x3  }
0x94: {  	_ =	strace s2  }
0x95: {  	s2 =	sld [smem:$0x3FFD];
	_ =	sdelay $0x3  }
0x96: {  	_ =	strace s2  }
0x97: {  	_ =	strace $0x8FFFFFFF  }
0x98: {  	s18 =	sld [smem:$0x3FDB];
	_ =	sdelay $0x1  }
0x99: {  	s19 =	simm.s32 $_scs_section_size  }
0x9a: {  	s4 =	simm.s32 $_size__tile_overlayer_lowered;
	s5 =	simm.s32 $_tile_overlayer_lowered  }
0x9b: {  	s22 =	simm.s32 $0x1BFF;
	s21 =	sshll.u32 s5, $0x1;
	s2 =	sadd.s32 s19, s18  }
0x9c: {  	s6 =	simm.s32 $0x0;
	s20 =	sshll.u32 s4, $0x1;
	s4 =	sadd.s32 s21, s2  }
0x9d: {  	[timem:s6], [sflag:s22] =	dma.local [hbm:s4], s20  }
0x9e: {  	_ =	swait.ge [sflag:s22], s20  }
0x9f: {  	s3 =	ssub.s32 $0x0, s20;
	[sflag:s22] =	ssyncset.done $0x0  }
0xa0: {  	[sflag:s22] =	ssyncadd.s32 s3;
	_ =	sdelay $0x1  }
0xa1: {  	s23 =	simm.s32 $0x1B8B  }
0xa2: {  	_ =	swait.ge [sflag:s23], $0x1  }
0xa3: {  	[sflag:s23] =	ssyncset.done $0x0  }
0xa4: {  	s25 =	simm.s32 $0x1B8E;
	s24 =	sld [smem:$0x3FFE];
	[sflag:s23] =	ssyncadd.s32 $0xFFFFFFFF  }
0xa5: {  	s26 =	simm.s32 $execute0_lowered;
	[smem:$0x3FD2] =	sst s25  }
0xa6: {  	s4 =	sshll.u32 s26, $0x1;
	_ =	strace $0x80000046;
	[dreg:$0x1] =	wrdreg $0xFFFFFFFF  }
0xa7: {  	s28 =	simm.s32 $_size_execute0_lowered;
	s2 =	sadd.s32 s2, s4;
	[dreg:$0x0] =	wrdreg $0x0  }
0xa8: {  	s4 =	sshll.u32 s28, $0x1;
	[dreg:$0x2] =	wrdreg s2  }
0xa9: {  	[dreg:$0x3] =	wrdreg s4  }
0xaa: {  	[dreg:$0x4] =	wrdreg $0xC0  }
0xab: {  	_ =	task [dreg:s6], $0x5FFFF  }
0xac: {  	[dreg:$0x1] =	wrdreg $0xFFFFFFFF  }
0xad: {  	[dreg:$0x0] =	wrdreg $0x60  }
0xae: {  	[dreg:$0x2] =	wrdreg s24  }
0xaf: {  	[dreg:$0x3] =	wrdreg $0x82800  }
0xb0: {  	[dreg:$0x4] =	wrdreg $0x9  }
0xb1: {  	_ =	task.clear_ibuf [dreg:s6], $0x5FFFF;
	_ =	strace $0x90000046  }
0xb2: {  	s29 =	simm.s32 $0x9;
	_ =	strace $0x80000048  }
0xb3: {  	_ =	swait.ge [sflag:s29], $0x1  }
0xb4: {  	[sflag:s29] =	ssyncadd.s32 $0xFFFFFFFF  }
0xb5: {  	_ =	strace $0x90000048  }
0xb6: {  	_ =	sfence  }
0xb7: {  	s30 =	sld [smem:$0x0];
	_ =	sdelay $0x2  }
0xb8: {  	s31 =	sshll.u32 s1, $0xD;
	s1 =	sshrl.u32 s1, $0x2  }
0xb9: {  	s3 =	sand.u32 $0x4000, s31;
	s1 =	sadd.s32 s1, s30  }
0xba: {  	s0 =	sor.u32 s3, s0;
	s1 =	sshll.u32 s1, $0x11  }
0xbb: {  	s0 =	sor.u32 s1, s0  }
0xbc: {  	s0 =	sadd.s32 $0x8F2B, s0  }
0xbd: {  	[sflag:s0] =	ssyncadd.remote.s32 $0x1  }
0xbe: {  	_ =	sfence.sel $0xFFFF  }
0xbf: {  	[dreg:$0x0] =	wrdreg $0xFFFFFFFF;
	(pc) =	sbr.abs _section_cstart, $3  }
0xc0: {  	[dreg:$0x1] =	wrdreg $0xFFFFFFFF  }
0xc1: {  	_ =	task.clear_ibuf [dreg:s6], $0x2FFFF;
	_ =	strace $0x9FFFFFFF  }
0xc2: {  	(tm) =	ssettm $0x7FFFFFFF  }
0xc3: {  	_ =	shalt  }
tec
execute0_lowered:
.L_overlay_start_1:
0x0: {  	(tag) =	ssettag $0x1  }
0x1: {  	s0 =	rddreg [dreg:$0x0]  }
0x2: {  	s2 =	rddreg [dreg:$0x1];
	s1 =	srdreg.scid  }
0x3: {  	s13 =	stileid.u32;
	s3 =	simm.s32 $0x0;
	s28 =	simm.s32 $0x80  }
0x4: {  	s29 =	simm.s32 $0x1;
	s30 =	simm.s32 $0x100;
	s4 =	smul.u32 $0x280, s13  }
0x5: {  	s31 =	simm.s32 $0x2;
	s1 =	sand.u32 $0x1, s1;
	s18 =	smul.u32 $0x50000, s13  }
0x6: {  	[smem:$0x7FF] =	sst s3;
	s12 =	sadd.s32 $0xD000, s0;
	s23 =	smul.u32 $0x2710, s13  }
0x7: {  	s6 =	sadd.s32 $0x17600, s0;
	s7 =	sadd.s32 $0x16E00, s0;
	s5 =	smul.u32 $0x2800, s1  }
0x8: {  	_ =	strace $0x80000047;
	[dreg:$0x3] =	wrdreg s6;
	s17 =	sshll.u32 s1, $0x4  }
0x9: {  	[dreg:$0x4] =	wrdreg s7;
	s19 =	ssub.s32 $0x2, s1;
	s1 =	smul.u32 $0x27100, s1  }
0xa: {  	s6 =	sshrl.u32 s18, $0x2;
	s20 =	sshrl.u32 s19, $0x1;
	s4 =	sadd.s32 s4, s5  }
0xb: {  	s5 =	sor.u32 s13, s17;
	s6 =	sadd.s32 s6, s2;
	s1 =	sadd.s32 s23, s1  }
0xc: {  	s4 =	sshll.u32 s4, $0x4;
	s5 =	smul.u32 $0x2710, s5;
	s7 =	sadd.s32 $0x4000, s6  }
0xd: {  	s8 =	sadd.s32 $0x8000, s6;
	s9 =	sadd.s32 $0xC000, s6;
	s11 =	sadd.s32 $0x10000, s6  }
0xe: {  	s26 =	sadd.s32 $0x280, s1;
	s1 =	sadd.s32 $0x200, s1;
	s0 =	sadd.s32 s4, s0  }
0xf: {  	s4 =	ssub.s32 s19, s20;
	s1 =	sshrl.u32 s1, $0x3;
	s5 =	sshrl.u32 s5, $0x3  }
0x10: {  	s25 =	sadd.s32 $0x17E00, s0;
	s17 =	sadd.s32 $0x18600, s0;
	s18 =	sadd.s32 $0x18E00, s0  }
0x11: {  	s19 =	sadd.s32 $0x19600, s0;
	s20 =	sadd.s32 $0x19E00, s0;
	s10 =	sadd.s32 s12, s5  }
0x12: {  	s0 =	sshrl.u32 s26, $0x3;
	[dreg:$0x9] =	wrdreg s25;
	s5 =	sadd.s32 $0x10, s10  }
0x13: {  	s23 =	sadd.s32 s1, s12;
	s21 =	sadd.s32 $0x20, s10;
	[dreg:$0x5] =	wrdreg s5  }
0x14: {  	s26 =	simm.s32 $0x4280;
	s22 =	sadd.s32 $0x30, s10;
	[dreg:$0x6] =	wrdreg s21  }
0x15: {  	s1 =	simm.s32 $0x3;
	s24 =	sadd.s32 $0x4E0, s10;
	[dreg:$0x7] =	wrdreg s22  }
0x16: {  	s25 =	simm.s32 $0x5;
	[dreg:$0x8] =	wrdreg s24;
	s21 =	smax.u32 s4, $0x1  }
0x17: {  	s22 =	sadd.s32 s0, s12;
	s24 =	simm.s32 $0x280;
	s0 =	simm.s32 $0x180  }
0x18: {  	s4 =	simm.s32 $0x4;
	s5 =	simm.s32 $0x200;
	s12 =	simm.s32 $0x0  }
.LBB2_1:
0x19: {  	s13 =	rddreg [dreg:$0x3]  }
0x1a: {  	[tilespmem:s24], [sflag:$0x5] =	stream.linear.gather [hbm4b:s13+s3], $0x4000, $0x38;
	[tilespmem:$0x1C280] =	vst v63  }
0x1b: {  	_ =	swait.ge [sflag:s25], $0x4000  }
0x1c: {  	[sflag:s25] =	ssyncset.done $0x0  }
0x1d: {  	s15 =	rddreg [dreg:$0x4];
	[sflag:s25] =	ssyncadd.s32 $0xFFFFC000  }
0x1e: {  	[tilespmem:s26], [sflag:$0x5] =	stream.linear.gather [hbm4b:s15+s3], $0x4000, $0x38;
	[tilespmem:$0x1C280] =	vst v63  }
0x1f: {  	_ =	swait.ge [sflag:s25], $0x4000  }
0x20: {  	[sflag:s25] =	ssyncset.done $0x0  }
0x21: {  	[sflag:s25] =	ssyncadd.s32 $0xFFFFC000  }
0x22: {  	[spmem:s6] =	stream.linear.scatter [tilespmem:s26], [sflag:$0x5], $0x4000, $0x38;
	[tilespmem:$0x1C280] =	vst v63  }
0x23: {  	_ =	swait.ge [sflag:s25], $0x4000  }
0x24: {  	[sflag:s25] =	ssyncset.done $0x0  }
0x25: {  	[sflag:s25] =	ssyncadd.s32 $0xFFFFC000  }
0x26: {  	[spmem:s7] =	stream.linear.scatter [tilespmem:s26], [sflag:$0x5], $0x4000, $0x38;
	[tilespmem:$0x1C280] =	vst v63  }
0x27: {  	_ =	swait.ge [sflag:s25], $0x4000  }
0x28: {  	[sflag:s25] =	ssyncset.done $0x0  }
0x29: {  	[sflag:s25] =	ssyncadd.s32 $0xFFFFC000  }
0x2a: {  	[spmem:s8] =	stream.linear.scatter [tilespmem:s26], [sflag:$0x5], $0x4000, $0x38;
	[tilespmem:$0x1C280] =	vst v63  }
0x2b: {  	_ =	swait.ge [sflag:s25], $0x4000  }
0x2c: {  	[sflag:s25] =	ssyncset.done $0x0  }
0x2d: {  	[sflag:s25] =	ssyncadd.s32 $0xFFFFC000  }
0x2e: {  	[spmem:s9] =	stream.linear.scatter [tilespmem:s26], [sflag:$0x5], $0x4000, $0x38;
	[tilespmem:$0x1C280] =	vst v63  }
0x2f: {  	_ =	swait.ge [sflag:s25], $0x4000  }
0x30: {  	[sflag:s25] =	ssyncset.done $0x0  }
0x31: {  	[sflag:s25] =	ssyncadd.s32 $0xFFFFC000  }
0x32: {  	[spmem:s11] =	stream.linear.scatter [tilespmem:s26], [sflag:$0x5], $0x4000, $0x38;
	[tilespmem:$0x1C280] =	vst v63  }
0x33: {  	_ =	swait.ge [sflag:s25], $0x4000  }
0x34: {  	[sflag:s25] =	ssyncset.done $0x0  }
0x35: {  	[sflag:s25] =	ssyncadd.s32 $0xFFFFC000  }
0x36: {  	[bflag:$0x0] =	sbarrier.arrive $0xFFFF  }
0x37: {  	[tilespmem:s3], [sflag:$0x1] =	stream.linear.gather [hbm4b:s10+s3], $0x80, $0x38;
	[tilespmem:$0x1C280] =	vst v63  }
0x38: {  	s16 =	rddreg [dreg:$0x5]  }
0x39: {  	[tilespmem:s28], [sflag:$0x2] =	stream.linear.gather [hbm4b:s16+s3], $0x80, $0x38;
	[tilespmem:$0x1C280] =	vst v63  }
0x3a: {  	_ =	swait.ge [sflag:s29], $0x80  }
0x3b: {  	[sflag:s29] =	ssyncset.done $0x0  }
0x3c: {  	[sflag:s29] =	ssyncadd.s32 $0xFFFFFF80  }
0x3d: {  	v0 =	vld [tilespmem:$0x0]  }
0x3e: {  	v1 =	vld [tilespmem:$0x10]  }
0x3f: {  	v2 =	vld [tilespmem:$0x20]  }
0x40: {  	v3 =	vld [tilespmem:$0x30]  }
0x41: {  	v4 =	vld [tilespmem:$0x40]  }
0x42: {  	[tilespmem:$0x100] =	vst v0;
	v0 =	vld [tilespmem:$0x50]  }
0x43: {  	[tilespmem:$0x110] =	vst v1;
	v1 =	vld [tilespmem:$0x60]  }
0x44: {  	[tilespmem:$0x120] =	vst v2;
	v2 =	vld [tilespmem:$0x70]  }
0x45: {  	[tilespmem:$0x130] =	vst v3  }
0x46: {  	[tilespmem:$0x140] =	vst v4  }
0x47: {  	[tilespmem:$0x150] =	vst v0  }
0x48: {  	[tilespmem:$0x160] =	vst v1  }
0x49: {  	s14 =	rddreg [dreg:$0x6];
	[tilespmem:$0x170] =	vst v2  }
0x4a: {  	[tilespmem:s3], [sflag:$0x1] =	stream.linear.gather [hbm4b:s14+s3], $0x80, $0x38;
	[tilespmem:$0x1C280] =	vst v63  }
0x4b: {  	_ = 	snop  }
0x4c: {  	[spmem:s2] =	stream.indirect.scatter.add.f32 [tilespmem:s24], [sflag:$0x3], $0x80, s30, s28, $0xb8;
	[tilespmem:$0x1C280] =	vst v63  }
0x4d: {  	_ =	swait.ge [sflag:s31], $0x80  }
0x4e: {  	[sflag:s31] =	ssyncset.done $0x0  }
0x4f: {  	[sflag:s31] =	ssyncadd.s32 $0xFFFFFF80  }
0x50: {  	v0 =	vld [tilespmem:$0x80]  }
0x51: {  	v1 =	vld [tilespmem:$0x90]  }
0x52: {  	v2 =	vld [tilespmem:$0xA0]  }
0x53: {  	v3 =	vld [tilespmem:$0xB0]  }
0x54: {  	v62 =	vld [tilespmem:$0xC0]  }
0x55: {  	[tilespmem:$0x180] =	vst v0;
	v0 =	vld [tilespmem:$0xD0]  }
0x56: {  	[tilespmem:$0x190] =	vst v1;
	v1 =	vld [tilespmem:$0xE0]  }
0x57: {  	[tilespmem:$0x1A0] =	vst v2;
	v2 =	vld [tilespmem:$0xF0]  }
0x58: {  	[tilespmem:$0x1B0] =	vst v3  }
0x59: {  	[tilespmem:$0x1C0] =	vst v62  }
0x5a: {  	[tilespmem:$0x1D0] =	vst v0  }
0x5b: {  	[tilespmem:$0x1E0] =	vst v1  }
0x5c: {  	s15 =	rddreg [dreg:$0x7];
	[tilespmem:$0x1F0] =	vst v2  }
0x5d: {  	[tilespmem:s28], [sflag:$0x2] =	stream.linear.gather [hbm4b:s15+s3], $0x80, $0x38;
	[tilespmem:$0x1C280] =	vst v63  }
0x5e: {  	_ = 	snop  }
0x5f: {  	[spmem:s2] =	stream.indirect.scatter.add.f32 [tilespmem:s24], [sflag:$0x4], $0x80, s0, s28, $0xb8;
	[tilespmem:$0x1C280] =	vst v63  }
0x60: {  	_ =	swait.ge [sflag:s1], $0x4000  }
0x61: {  	[sflag:s1] =	ssyncset.done $0x0  }
0x62: {  	[sflag:s1] =	ssyncadd.s32 $0xFFFFC000  }
0x63: {  	_ =	swait.ge [sflag:s29], $0x80  }
0x64: {  	[sflag:s29] =	ssyncset.done $0x0  }
0x65: {  	[sflag:s29] =	ssyncadd.s32 $0xFFFFFF80  }
0x66: {  	v0 =	vld [tilespmem:$0x70]  }
0x67: {  	v1 =	vld [tilespmem:$0x50]  }
0x68: {  	v2 =	vld [tilespmem:$0x60]  }
0x69: {  	v3 =	vld [tilespmem:$0x30]  }
0x6a: {  	v63 =	vld [tilespmem:$0x40]  }
0x6b: {  	v5 =	vld [tilespmem:$0x0];
	[tilespmem:$0x170] =	vst v0  }
0x6c: {  	v0 =	vld [tilespmem:$0x20];
	[tilespmem:$0x150] =	vst v1  }
0x6d: {  	v1 =	vld [tilespmem:$0x10];
	[tilespmem:$0x160] =	vst v2  }
0x6e: {  	[tilespmem:$0x130] =	vst v3  }
0x6f: {  	[tilespmem:$0x140] =	vst v63  }
0x70: {  	[tilespmem:$0x100] =	vst v5  }
0x71: {  	[tilespmem:$0x120] =	vst v0  }
0x72: {  	s16 =	sadd.s32 $0x0, s23;
	[tilespmem:$0x110] =	vst v1  }
0x73: {  	[tilespmem:s3], [sflag:$0x1] =	stream.linear.gather [hbm4b:s16+s3], $0x80, $0x38;
	[tilespmem:$0x1C280] =	vst v63  }
0x74: {  	_ = 	snop  }
0x75: {  	[spmem:s2] =	stream.indirect.scatter.add.f32 [tilespmem:s24], [sflag:$0x3], $0x80, s30, s28, $0xb8;
	[tilespmem:$0x1C280] =	vst v63  }
0x76: {  	_ =	swait.ge [sflag:s4], $0x4000  }
0x77: {  	[sflag:s4] =	ssyncset.done $0x0  }
0x78: {  	[sflag:s4] =	ssyncadd.s32 $0xFFFFC000  }
0x79: {  	_ =	swait.ge [sflag:s31], $0x80  }
0x7a: {  	[sflag:s31] =	ssyncset.done $0x0  }
0x7b: {  	[sflag:s31] =	ssyncadd.s32 $0xFFFFFF80  }
0x7c: {  	s13 =	simm.s32 $0x0;
	s14 =	simm.s32 $0x20;
	v0 =	vld [tilespmem:$0x80]  }
.LBB2_2:
0x7d: {  	p0 =	sne.s32 s14, $0x480;
	v1 =	vld [tilespmem:$0xD0];
	s15 =	smov.u32 s14;
	s14 =	sadd.s32 $0x20, s14  }
0x7e: {  	v2 =	vld [tilespmem:$0xF0]  }
0x7f: {  	v3 =	vld [tilespmem:$0xE0]  }
0x80: {  	v4 =	vld [tilespmem:$0xA0]  }
0x81: {  	[tilespmem:$0x180] =	vst v0;
	v0 =	vld [tilespmem:$0x90]  }
0x82: {  	v5 =	vld [tilespmem:$0xB0];
	[tilespmem:$0x1D0] =	vst v1  }
0x83: {  	v1 =	vld [tilespmem:$0xC0];
	[tilespmem:$0x1F0] =	vst v2  }
0x84: {  	[tilespmem:$0x1E0] =	vst v3  }
0x85: {  	[tilespmem:$0x1A0] =	vst v4  }
0x86: {  	[tilespmem:$0x190] =	vst v0  }
0x87: {  	s16 =	sadd.s32 s13, s22;
	s13 =	smov.u32 s15;
	[tilespmem:$0x1B0] =	vst v5  }
0x88: {  	[tilespmem:$0x1C0] =	vst v1  }
0x89: {  	[tilespmem:s28], [sflag:$0x2] =	stream.linear.gather [hbm4b:s16+s3], $0x80, $0x38;
	[tilespmem:$0x1C280] =	vst v63  }
0x8a: {  	_ = 	snop  }
0x8b: {  	[spmem:s2] =	stream.indirect.scatter.add.f32 [tilespmem:s24], [sflag:$0x4], $0x80, s0, s28, $0xb8;
	[tilespmem:$0x1C280] =	vst v63  }
0x8c: {  	_ =	swait.ge [sflag:s1], $0x4000  }
0x8d: {  	[sflag:s1] =	ssyncset.done $0x0  }
0x8e: {  	[sflag:s1] =	ssyncadd.s32 $0xFFFFC000  }
0x8f: {  	_ =	swait.ge [sflag:s29], $0x80  }
0x90: {  	[sflag:s29] =	ssyncset.done $0x0  }
0x91: {  	[sflag:s29] =	ssyncadd.s32 $0xFFFFFF80  }
0x92: {  	v0 =	vld [tilespmem:$0x70]  }
0x93: {  	v1 =	vld [tilespmem:$0x50]  }
0x94: {  	v2 =	vld [tilespmem:$0x60]  }
0x95: {  	v3 =	vld [tilespmem:$0x30]  }
0x96: {  	v4 =	vld [tilespmem:$0x40]  }
0x97: {  	v5 =	vld [tilespmem:$0x0];
	[tilespmem:$0x170] =	vst v0  }
0x98: {  	v0 =	vld [tilespmem:$0x20];
	[tilespmem:$0x150] =	vst v1  }
0x99: {  	v1 =	vld [tilespmem:$0x10];
	[tilespmem:$0x160] =	vst v2  }
0x9a: {  	[tilespmem:$0x130] =	vst v3  }
0x9b: {  	[tilespmem:$0x140] =	vst v4  }
0x9c: {  	[tilespmem:$0x100] =	vst v5  }
0x9d: {  	[tilespmem:$0x120] =	vst v0  }
0x9e: {  	s15 =	sadd.s32 s13, s23;
	[tilespmem:$0x110] =	vst v1  }
0x9f: {  	[tilespmem:s3], [sflag:$0x1] =	stream.linear.gather [hbm4b:s15+s3], $0x80, $0x38;
	[tilespmem:$0x1C280] =	vst v63  }
0xa0: {  	_ = 	snop  }
0xa1: {  	[spmem:s2] =	stream.indirect.scatter.add.f32 [tilespmem:s24], [sflag:$0x3], $0x80, s30, s28, $0xb8;
	[tilespmem:$0x1C280] =	vst v63  }
0xa2: {  	_ =	swait.ge [sflag:s4], $0x4000  }
0xa3: {  	[sflag:s4] =	ssyncset.done $0x0  }
.Ltmp0:
0xa4: {  	[sflag:s4] =	ssyncadd.s32 $0xFFFFC000;
	(pc) =	sbr.rel @p0 .LBB2_2-.Ltmp0, $4  }
0xa5: {  	_ =	swait.ge [sflag:s31], $0x80  }
0xa6: {  	[sflag:s31] =	ssyncset.done $0x0  }
0xa7: {  	[sflag:s31] =	ssyncadd.s32 $0xFFFFFF80  }
0xa8: {  	v0 =	vld [tilespmem:$0x80]  }
0xa9: {  	v1 =	vld [tilespmem:$0xD0]  }
0xaa: {  	v2 =	vld [tilespmem:$0xF0]  }
0xab: {  	v3 =	vld [tilespmem:$0xE0]  }
0xac: {  	v4 =	vld [tilespmem:$0xA0]  }
0xad: {  	v46 =	vld [tilespmem:$0x90];
	[tilespmem:$0x180] =	vst v0  }
0xae: {  	v5 =	vld [tilespmem:$0xB0];
	[tilespmem:$0x1D0] =	vst v1  }
0xaf: {  	v47 =	vld [tilespmem:$0xC0];
	[tilespmem:$0x1F0] =	vst v2  }
0xb0: {  	[tilespmem:$0x1E0] =	vst v3  }
0xb1: {  	[tilespmem:$0x1A0] =	vst v4  }
0xb2: {  	[tilespmem:$0x190] =	vst v46  }
0xb3: {  	[tilespmem:$0x1B0] =	vst v5  }
0xb4: {  	s13 =	sadd.s32 s13, s22;
	[tilespmem:$0x1C0] =	vst v47  }
0xb5: {  	[tilespmem:s28], [sflag:$0x2] =	stream.linear.gather [hbm4b:s13+s3], $0x80, $0x38;
	[tilespmem:$0x1C280] =	vst v63  }
0xb6: {  	_ = 	snop  }
0xb7: {  	[spmem:s2] =	stream.indirect.scatter.add.f32 [tilespmem:s24], [sflag:$0x4], $0x80, s0, s28, $0xb8;
	[tilespmem:$0x1C280] =	vst v63  }
0xb8: {  	_ =	swait.ge [sflag:s1], $0x4000  }
0xb9: {  	[sflag:s1] =	ssyncset.done $0x0  }
0xba: {  	[sflag:s1] =	ssyncadd.s32 $0xFFFFC000  }
0xbb: {  	_ =	swait.ge [sflag:s29], $0x80  }
0xbc: {  	[sflag:s29] =	ssyncset.done $0x0  }
0xbd: {  	[sflag:s29] =	ssyncadd.s32 $0xFFFFFF80  }
0xbe: {  	v48 =	vld [tilespmem:$0x0]  }
0xbf: {  	v49 =	vld [tilespmem:$0x10]  }
0xc0: {  	v50 =	vld [tilespmem:$0x20]  }
0xc1: {  	v51 =	vld [tilespmem:$0x30]  }
0xc2: {  	v52 =	vld [tilespmem:$0x40]  }
0xc3: {  	v53 =	vld [tilespmem:$0x50];
	[tilespmem:$0x100] =	vst v48  }
0xc4: {  	v54 =	vld [tilespmem:$0x60];
	[tilespmem:$0x110] =	vst v49  }
0xc5: {  	v55 =	vld [tilespmem:$0x70];
	[tilespmem:$0x120] =	vst v50  }
0xc6: {  	[tilespmem:$0x130] =	vst v51  }
0xc7: {  	[tilespmem:$0x140] =	vst v52  }
0xc8: {  	[tilespmem:$0x150] =	vst v53  }
0xc9: {  	[tilespmem:$0x160] =	vst v54  }
0xca: {  	[tilespmem:$0x170] =	vst v55  }
0xcb: {  	[spmem:s2] =	stream.indirect.scatter.add.f32 [tilespmem:s24], [sflag:$0x3], $0x80, s30, s28, $0xb8;
	[tilespmem:$0x1C280] =	vst v63  }
0xcc: {  	_ =	swait.ge [sflag:s4], $0x4000  }
0xcd: {  	[sflag:s4] =	ssyncset.done $0x0  }
0xce: {  	[sflag:s4] =	ssyncadd.s32 $0xFFFFC000  }
0xcf: {  	_ =	swait.ge [sflag:s31], $0x80  }
0xd0: {  	[sflag:s31] =	ssyncset.done $0x0  }
0xd1: {  	[sflag:s31] =	ssyncadd.s32 $0xFFFFFF80  }
0xd2: {  	v56 =	vld [tilespmem:$0x80]  }
0xd3: {  	v57 =	vld [tilespmem:$0x90]  }
0xd4: {  	v58 =	vld [tilespmem:$0xA0]  }
0xd5: {  	v59 =	vld [tilespmem:$0xB0]  }
0xd6: {  	v60 =	vld [tilespmem:$0xC0]  }
0xd7: {  	v61 =	vld [tilespmem:$0xD0];
	[tilespmem:$0x180] =	vst v56  }
0xd8: {  	v62 =	vld [tilespmem:$0xE0];
	[tilespmem:$0x190] =	vst v57  }
0xd9: {  	v63 =	vld [tilespmem:$0xF0];
	[tilespmem:$0x1A0] =	vst v58  }
0xda: {  	[tilespmem:$0x1B0] =	vst v59  }
0xdb: {  	[tilespmem:$0x1C0] =	vst v60  }
0xdc: {  	[tilespmem:$0x1D0] =	vst v61  }
0xdd: {  	[tilespmem:$0x1E0] =	vst v62  }
0xde: {  	[tilespmem:$0x1F0] =	vst v63  }
0xdf: {  	[spmem:s2] =	stream.indirect.scatter.add.f32 [tilespmem:s24], [sflag:$0x4], $0x80, s0, s28, $0xb8;
	[tilespmem:$0x1C280] =	vst v63  }
0xe0: {  	_ =	swait.ge [sflag:s1], $0x4000  }
0xe1: {  	[sflag:s1] =	ssyncset.done $0x0  }
0xe2: {  	[sflag:s1] =	ssyncadd.s32 $0xFFFFC000  }
0xe3: {  	_ =	swait.ge [sflag:s4], $0x4000  }
0xe4: {  	[sflag:s4] =	ssyncset.done $0x0  }
0xe5: {  	s14 =	rddreg [dreg:$0x8];
	[sflag:s4] =	ssyncadd.s32 $0xFFFFC000  }
0xe6: {  	[tilespmem:s5], [sflag:$0x5] =	stream.linear.gather [hbm4b:s14+s3], $0x10, $0x38;
	[tilespmem:$0x1C280] =	vst v63  }
0xe7: {  	_ =	swait.ge [sflag:s25], $0x10  }
0xe8: {  	[sflag:s25] =	ssyncset.done $0x0  }
0xe9: {  	s15 =	simm.s32 $0x10;
	[sflag:s25] =	ssyncadd.s32 $0xFFFFFFF0  }
0xea: {  	[spmem:s2] =	stream.indirect.scatter.add.f32 [tilespmem:s24], [sflag:$0x5], $0x80, s5, s15, $0xb8;
	[tilespmem:$0x1C280] =	vst v63  }
0xeb: {  	_ =	swait.ge [sflag:s25], $0x800  }
0xec: {  	[sflag:s25] =	ssyncset.done $0x0  }
0xed: {  	[sflag:s25] =	ssyncadd.s32 $0xFFFFF800  }
0xee: {  	[bflag:$0x0] =	sbarrier.arrive $0xFFFF  }
0xef: {  	[tilespmem:s26], [sflag:$0x5] =	stream.linear.gather [spmem:s6], $0x4000, $0x38;
	[tilespmem:$0x1C280] =	vst v63  }
0xf0: {  	_ =	swait.ge [sflag:s25], $0x4000  }
0xf1: {  	[sflag:s25] =	ssyncset.done $0x0  }
0xf2: {  	s16 =	rddreg [dreg:$0x9];
	[sflag:s25] =	ssyncadd.s32 $0xFFFFC000  }
0xf3: {  	[hbm4b:s16+s3] =	stream.linear.scatter [tilespmem:s26], [sflag:$0x5], $0x4000, $0x38;
	[tilespmem:$0x1C280] =	vst v63  }
0xf4: {  	_ =	swait.ge [sflag:s25], $0x4000  }
0xf5: {  	[sflag:s25] =	ssyncset.done $0x0  }
0xf6: {  	[sflag:s25] =	ssyncadd.s32 $0xFFFFC000  }
0xf7: {  	[tilespmem:s26], [sflag:$0x5] =	stream.linear.gather [spmem:s7], $0x4000, $0x38;
	[tilespmem:$0x1C280] =	vst v63  }
0xf8: {  	_ =	swait.ge [sflag:s25], $0x4000  }
0xf9: {  	[sflag:s25] =	ssyncset.done $0x0  }
0xfa: {  	[sflag:s25] =	ssyncadd.s32 $0xFFFFC000  }
0xfb: {  	[hbm4b:s17+s3] =	stream.linear.scatter [tilespmem:s26], [sflag:$0x5], $0x4000, $0x38;
	[tilespmem:$0x1C280] =	vst v63  }
0xfc: {  	_ =	swait.ge [sflag:s25], $0x4000  }
0xfd: {  	[sflag:s25] =	ssyncset.done $0x0  }
0xfe: {  	[sflag:s25] =	ssyncadd.s32 $0xFFFFC000  }
0xff: {  	[tilespmem:s26], [sflag:$0x5] =	stream.linear.gather [spmem:s8], $0x4000, $0x38;
	[tilespmem:$0x1C280] =	vst v63  }
0x100: {  	_ =	swait.ge [sflag:s25], $0x4000  }
0x101: {  	[sflag:s25] =	ssyncset.done $0x0  }
0x102: {  	[sflag:s25] =	ssyncadd.s32 $0xFFFFC000  }
0x103: {  	[hbm4b:s18+s3] =	stream.linear.scatter [tilespmem:s26], [sflag:$0x5], $0x4000, $0x38;
	[tilespmem:$0x1C280] =	vst v63  }
0x104: {  	_ =	swait.ge [sflag:s25], $0x4000  }
0x105: {  	[sflag:s25] =	ssyncset.done $0x0  }
0x106: {  	[sflag:s25] =	ssyncadd.s32 $0xFFFFC000  }
0x107: {  	[tilespmem:s26], [sflag:$0x5] =	stream.linear.gather [spmem:s9], $0x4000, $0x38;
	[tilespmem:$0x1C280] =	vst v63  }
0x108: {  	_ =	swait.ge [sflag:s25], $0x4000  }
0x109: {  	[sflag:s25] =	ssyncset.done $0x0  }
0x10a: {  	[sflag:s25] =	ssyncadd.s32 $0xFFFFC000  }
0x10b: {  	[hbm4b:s19+s3] =	stream.linear.scatter [tilespmem:s26], [sflag:$0x5], $0x4000, $0x38;
	[tilespmem:$0x1C280] =	vst v63  }
0x10c: {  	_ =	swait.ge [sflag:s25], $0x4000  }
0x10d: {  	[sflag:s25] =	ssyncset.done $0x0  }
0x10e: {  	[sflag:s25] =	ssyncadd.s32 $0xFFFFC000  }
0x10f: {  	[tilespmem:s26], [sflag:$0x5] =	stream.linear.gather [spmem:s11], $0x4000, $0x38;
	[tilespmem:$0x1C280] =	vst v63  }
0x110: {  	s12 =	sadd.s32 $0x1, s12;
	_ =	swait.ge [sflag:s25], $0x4000  }
0x111: {  	p0 =	sne.s32 s12, s21;
	[sflag:s25] =	ssyncset.done $0x0  }
.Ltmp1:
0x112: {  	[sflag:s25] =	ssyncadd.s32 $0xFFFFC000;
	(pc) =	sbr.rel @p0 .LBB2_1-.Ltmp1, $4  }
0x113: {  	[hbm4b:s20+s3] =	stream.linear.scatter [tilespmem:s26], [sflag:$0x5], $0x4000, $0x38;
	[tilespmem:$0x1C280] =	vst v63  }
0x114: {  	_ =	swait.ge [sflag:s25], $0x4000  }
0x115: {  	[sflag:s25] =	ssyncset.done $0x0  }
0x116: {  	[sflag:s25] =	ssyncadd.s32 $0xFFFFC000  }
0x117: {  	_ =	sfence.sel $0x180000  }
0x118: {  	[bflag:$0x0] =	sbarrier.arrive $0xFFFF  }
0x119: {  	_ =	strace $0x90000047  }
0x11a: {  	s0 =	stileid.u32;
	[bflag:$0x2] =	sbarrier.arrive $0xFFFF  }
0x11b: {  	p0 =	sne.s32 s0, $0x0;
	s0 =	rddreg [dreg:$0x2]  }
0x11c: {  	s0 =	sadd.s32 @!p0 $0x100000, s0  }
0x11d: {  	[sflag:s0] =	ssyncadd.tile.s32 @!p0 $0x1;
	_ =	shalt  }
.Lfunc_end2:
_tile_overlayer_lowered:
.L_overlay_start_2:
0x11e: {  	(tag) =	ssettag $0x2  }
0x11f: {  	s0 =	rddreg [dreg:$0x0];
	s2 =	stileid.u32  }
0x120: {  	s1 =	rddreg [dreg:$0x1];
	p0 =	sne.s32 s2, $0x0  }
0x121: {  	s3 =	rddreg [dreg:$0x2];
	[bflag:$0x3] =	sbarrier.arrive $0xFFFF;
	s2 =	simm.s32 @!p0 $0x1C05  }
0x122: {  	[timem:s3], [sflag:s2] =	dma.local @!p0 [hbm:s0], s1  }
0x123: {  	s0 =	simm.s32 @!p0 $0x5  }
0x124: {  	_ =	swait.ge @!p0 [sflag:s0], s1  }
0x125: {  	s1 =	ssub.s32 @!p0 $0x0, s1;
	[sflag:s0] =	ssyncset.done @!p0 $0x0  }
0x126: {  	[sflag:s0] =	ssyncadd.s32 @!p0 s1  }
0x127: {  	[bflag:$0x3] =	sbarrier.arrive $0xFFFF  }
0x128: {  	_ =	shalt  }

</sc_bundles>
